<compile_context>
chip_gen: v7x
topology: tpu7x:2x2x1
jax: 0.10.2.dev20260603
libtpu: 0.0.44.dev20260713+nightly
codegen_flags: <defaults>
</compile_context>

<pallas_src>
import functools

import jax
import jax.numpy as jnp
from jax import lax
from jax.experimental import pallas as pl
from jax.experimental.pallas import tpu as pltpu
from jax.experimental.pallas import tpu_sc as plsc

N = 10000
D = 128
E = 320000
A = 16
NC = 2
NS = 16
NW = NC * NS
EPW = E // NW
C = 80
M = EPW // C
NI = 4
NR = 4
K = (M - NI - 3) // NI
TAIL_LO = NI + NI * K
ND = 6
DHEAD = ND
DK = (M - DHEAD - (ND - 2) - 1) // ND
DTAIL_LO = DHEAD + ND * DK
RPT = 624
RLAST = N - 15 * RPT
DEGN = 10240
DPT = DEGN // NS

_mesh = plsc.VectorSubcoreMesh(
    core_axis_name="c", subcore_axis_name="s", num_cores=NC, num_subcores=NS)



@functools.partial(
    pl.kernel,
    out_type=jax.ShapeDtypeStruct((NC, DEGN), jnp.float32),
    mesh=_mesh,
    scratch_types=[
        [pltpu.VMEM((C,), jnp.int32)] * ND,
        pltpu.VMEM((C,), jnp.float32),
        pltpu.VMEM((DPT,), jnp.float32),
        pltpu.VMEM_SHARED((DEGN,), jnp.float32),
        [pltpu.SemaphoreType.DMA] * ND,
        [pltpu.SemaphoreType.DMA] * ND,
    ],
)
def _sc_degree(dst_hbm, ones_hbm, deg_hbm, dstv, onesv, zv, acc,
               isem, ssem):
    cid = lax.axis_index("c")
    sid = lax.axis_index("s")
    wid = sid * NC + cid
    base = wid * EPW
    pltpu.sync_copy(ones_hbm.at[pl.ds(C, DPT)], zv)
    pltpu.sync_copy(zv, acc.at[pl.ds(sid * DPT, DPT)])
    pltpu.sync_copy(ones_hbm.at[pl.ds(0, C)], onesv)
    plsc.subcore_barrier()

    def start_idx(i, p):
        pltpu.async_copy(dst_hbm.at[pl.ds(base + i * C, C)], dstv[p], isem[p])

    def wait_idx(p):
        pltpu.make_async_copy(dst_hbm.at[pl.ds(0, C)], dstv[p], isem[p]).wait()

    def start_scat(p):
        pltpu.async_copy(onesv, acc.at[dstv[p]], ssem[p], add=True)

    def wait_scat(p):
        pltpu.make_async_copy(onesv, acc.at[dstv[p]], ssem[p]).wait()

    def step(i, p, lag2=True, do_sidx=True):
        if lag2:
            wait_scat((p + ND - 2) % ND)
        wait_idx(p)
        start_scat(p)
        if do_sidx:
            start_idx(i + ND - 2, (p + ND - 2) % ND)

    for p in range(ND - 2):
        start_idx(p, p)
    step(0, 0, lag2=False)
    step(1, 1, lag2=False)
    for i in range(2, DHEAD):
        step(i, i % ND)

    def body(j, carry):
        for b in range(ND):
            step(DHEAD + j * ND + b, b)
        return carry

    lax.fori_loop(0, DK, body, 0)
    for i in range(DTAIL_LO, M):
        step(i, i % ND, do_sidx=(i + ND - 2 < M))
    wait_scat((M - 2) % ND)
    wait_scat((M - 1) % ND)
    plsc.subcore_barrier()
    pltpu.sync_copy(acc.at[pl.ds(sid * DPT, DPT)],
                    deg_hbm.at[cid, pl.ds(sid * DPT, DPT)])


@functools.partial(
    pl.kernel,
    out_type=jax.ShapeDtypeStruct((NC, N, D), jnp.float32),
    mesh=_mesh,
    scratch_types=[
        [pltpu.VMEM((C,), jnp.int32)] * NI,
        [pltpu.VMEM((C,), jnp.int32)] * NI,
        [pltpu.VMEM((C, D), jnp.float32)] * NR,
        pltpu.VMEM_SHARED((N, D), jnp.float32),
        [pltpu.SemaphoreType.DMA] * NI,
        [pltpu.SemaphoreType.DMA] * NR,
        [pltpu.SemaphoreType.DMA] * NI,
    ],
)
def _sc_scatter(g_hbm, zeros_hbm, src_hbm, dst_hbm, out_hbm,
                srcv, dstv, rows, acc, isem, gsem, ssem):
    cid = lax.axis_index("c")
    sid = lax.axis_index("s")
    wid = sid * NC + cid

    def _rowcopy(mk_src, mk_dst):
        @pl.when(sid < NS - 1)
        def _():
            sl = pl.ds(sid * RPT, RPT)
            pltpu.sync_copy(mk_src(sl), mk_dst(sl))

        @pl.when(sid == NS - 1)
        def _():
            sl = pl.ds(15 * RPT, RLAST)
            pltpu.sync_copy(mk_src(sl), mk_dst(sl))

    @pl.when(cid == 0)
    def _():
        _rowcopy(lambda sl: g_hbm.at[sl], lambda sl: acc.at[sl])

    @pl.when(cid != 0)
    def _():
        _rowcopy(lambda sl: zeros_hbm.at[sl], lambda sl: acc.at[sl])

    plsc.subcore_barrier()
    base = wid * EPW

    def start_idx(i, p):
        pltpu.async_copy(src_hbm.at[pl.ds(base + i * C, C)], srcv[p], isem[p])
        pltpu.async_copy(dst_hbm.at[pl.ds(base + i * C, C)], dstv[p], isem[p])

    def wait_idx(p):
        pltpu.make_async_copy(src_hbm.at[pl.ds(0, C)], srcv[p], isem[p]).wait()
        pltpu.make_async_copy(dst_hbm.at[pl.ds(0, C)], dstv[p], isem[p]).wait()

    def start_gather(p4, p2):
        pltpu.async_copy(g_hbm.at[srcv[p4]], rows[p2], gsem[p2])

    def wait_gather(p4, p2):
        pltpu.make_async_copy(g_hbm.at[srcv[p4]], rows[p2], gsem[p2]).wait()

    def start_scat(p4, p2):
        pltpu.async_copy(rows[p2], acc.at[dstv[p4]], ssem[p4], add=True)

    def wait_scat(p4, p2):
        pltpu.make_async_copy(rows[p2], acc.at[dstv[p4]], ssem[p4]).wait()

    def step(i, p, first=False, do_sidx=True, do_sg2=True):
        if do_sg2:
            wait_idx((p + 2) % NI)
        if not first:
            wait_scat((p + NI - 1) % NI, (p + NI - 1) % NR)
        if do_sidx:
            start_idx(i + NI - 1, (p + NI - 1) % NI)
        if do_sg2:
            start_gather((p + 2) % NI, (p + 2) % NR)
        wait_gather(p, p)
        start_scat(p, p)

    for p in range(NI - 1):
        start_idx(p, p)
    wait_idx(0)
    start_gather(0, 0)
    wait_idx(1)
    start_gather(1, 1)
    step(0, 0, first=True)
    for i in range(1, NI):
        step(i, i % NI)

    def body(j, carry):
        for b in range(NI):
            i = NI + j * NI + b
            step(i, b)
        return carry

    lax.fori_loop(0, K, body, 0)
    for i in range(TAIL_LO, M):
        step(i, i % NI,
             do_sidx=(i + NI - 1 < M), do_sg2=(i + 2 < M))
    wait_scat((M - 1) % NI, (M - 1) % NR)
    plsc.subcore_barrier()
    _rowcopy(lambda sl: acc.at[sl], lambda sl: out_hbm.at[cid, sl])



B = 1000
GRID = N // B


def _tc_g1_body(x_ref, w1_ref, d0_ref, d1_ref, g1_ref):
    dis = lax.rsqrt(1.0 + d0_ref[...] + d1_ref[...])
    h = jnp.dot(x_ref[...], w1_ref[...],
                preferred_element_type=jnp.float32,
                precision=lax.Precision.HIGHEST)
    g1_ref[...] = dis * h


def _tc_g2_body(a0_ref, a1_ref, d0_ref, d1_ref, b1_ref, w2_ref, g2_ref):
    dis = lax.rsqrt(1.0 + d0_ref[...] + d1_ref[...])
    s = a0_ref[...].astype(jnp.float32) + a1_ref[...].astype(jnp.float32)
    u = jnp.maximum(dis * s + b1_ref[...], 0.0)
    h = jnp.dot(u, w2_ref[...],
                preferred_element_type=jnp.float32,
                precision=lax.Precision.HIGHEST)
    g2_ref[...] = dis * h


def _tc_head_body(a0_ref, a1_ref, d0_ref, d1_ref, b2_ref, lw_ref, lb_ref,
                  out_ref, sacc):
    i = pl.program_id(0)

    @pl.when(i == 0)
    def _():
        sacc[...] = jnp.zeros_like(sacc)

    dis = lax.rsqrt(1.0 + d0_ref[...] + d1_ref[...])
    s = a0_ref[...].astype(jnp.float32) + a1_ref[...].astype(jnp.float32)
    u = jnp.maximum(dis * s + b2_ref[...], 0.0)
    sacc[...] += jnp.sum(u, axis=0, keepdims=True)

    @pl.when(i == GRID - 1)
    def _():
        pooled = sacc[...] * (1.0 / N)
        out_ref[...] = jnp.dot(pooled, lw_ref[...],
                               preferred_element_type=jnp.float32,
                               precision=lax.Precision.HIGHEST) + lb_ref[...]


_row_spec = pl.BlockSpec((B, D), lambda i: (i, 0))
_col_spec = pl.BlockSpec((B, 1), lambda i: (i, 0))
_full = lambda r, c: pl.BlockSpec((r, c), lambda i: (0, 0))

_g1_call = pl.pallas_call(
    _tc_g1_body,
    grid=(GRID,),
    in_specs=[_row_spec, _full(D, D), _col_spec, _col_spec],
    out_specs=_row_spec,
    out_shape=jax.ShapeDtypeStruct((N, D), jnp.float32),
)

_g2_call = pl.pallas_call(
    _tc_g2_body,
    grid=(GRID,),
    in_specs=[_row_spec, _row_spec, _col_spec, _col_spec,
              _full(1, D), _full(D, D)],
    out_specs=_row_spec,
    out_shape=jax.ShapeDtypeStruct((N, D), jnp.float32),
)

_head_call = pl.pallas_call(
    _tc_head_body,
    grid=(GRID,),
    in_specs=[_row_spec, _row_spec, _col_spec, _col_spec,
              _full(1, D), _full(D, A), _full(1, A)],
    out_specs=pl.BlockSpec((1, A), lambda i: (0, 0)),
    out_shape=jax.ShapeDtypeStruct((1, A), jnp.float32),
    scratch_shapes=[pltpu.VMEM((1, D), jnp.float32)],
)


def kernel(x, edge_index, W1, b1, W2, b2, lin_W, lin_b):
    ei = edge_index.astype(jnp.int32)
    srcs = ei[0]
    dsts = ei[1]
    zeros2d = jnp.zeros((N, D), jnp.float32)
    ones1d = jnp.concatenate(
        [jnp.ones((C,), jnp.float32), jnp.zeros((DPT,), jnp.float32)])

    degs = _sc_degree(dsts, ones1d)
    d0 = degs[0, :N].reshape(N, 1)
    d1 = degs[1, :N].reshape(N, 1)

    g1 = _g1_call(x, W1, d0, d1)
    accs1 = _sc_scatter(g1, zeros2d, srcs, dsts)
    g2 = _g2_call(accs1[0], accs1[1], d0, d1,
                  b1.reshape(1, D), W2)
    accs2 = _sc_scatter(g2, zeros2d, srcs, dsts)
    out = _head_call(accs2[0], accs2[1], d0, d1,
                     b2.reshape(1, D), lin_W, lin_b.reshape(1, A))
    return out

# --- scband reference (transcript-rebuilt; emitter-appended) ---
"""Pipeline reference for scband-dqn-31258771980824 (READ-ONLY COPY).

The authoritative reference and input builder live on the scoring server;
editing this copy changes nothing except your own understanding.
"""

import jax, jax.numpy as jnp
import numpy as np

N_NODES = 10000
D_FEAT = 128
HIDDEN = 128
N_ACTIONS = 16
N_EDGES = 320000


def gcn_conv(x, edge_index, W, b, num_nodes):
    # PyG GCNConv: add self-loops, symmetric normalization, linear then aggregate
    src = edge_index[0]
    dst = edge_index[1]
    loop = jnp.arange(num_nodes, dtype=edge_index.dtype)
    src = jnp.concatenate([src, loop])
    dst = jnp.concatenate([dst, loop])
    deg = jnp.zeros((num_nodes,), dtype=x.dtype).at[dst].add(1.0)
    deg_inv_sqrt = jnp.where(deg > 0, 1.0 / jnp.sqrt(deg), 0.0)
    norm = deg_inv_sqrt[src] * deg_inv_sqrt[dst]
    h = x @ W
    msg = h[src] * norm[:, None]
    out = jax.ops.segment_sum(msg, dst, num_segments=num_nodes)
    return out + b


def setup_inputs(seed: int = 0) -> dict:
    key = jax.random.key(seed)
    k_x, k_e, k_w1, k_w2, k_lw, k_lb = jax.random.split(key, 6)
    x = jax.random.normal(k_x, (N_NODES, D_FEAT), dtype=jnp.float32)
    edge_index = jax.random.randint(k_e, (2, N_EDGES), 0, N_NODES, dtype=jnp.int64)
    W1 = jax.random.normal(k_w1, (D_FEAT, HIDDEN), dtype=jnp.float32) * (1.0 / np.sqrt(D_FEAT))
    b1 = jnp.zeros((HIDDEN,), dtype=jnp.float32)
    W2 = jax.random.normal(k_w2, (HIDDEN, HIDDEN), dtype=jnp.float32) * (1.0 / np.sqrt(HIDDEN))
    b2 = jnp.zeros((HIDDEN,), dtype=jnp.float32)
    lin_W = jax.random.normal(k_lw, (HIDDEN, N_ACTIONS), dtype=jnp.float32) * (1.0 / np.sqrt(HIDDEN))
    lin_b = jax.random.normal(k_lb, (N_ACTIONS,), dtype=jnp.float32) * 0.01
    return {"x": x, "edge_index": edge_index, "W1": W1, "b1": b1, "W2": W2, "b2": b2, "lin_W": lin_W, "lin_b": lin_b}


def reference(x, edge_index, W1, b1, W2, b2, lin_W, lin_b):
    num_nodes = x.shape[0]
    h = jax.nn.relu(gcn_conv(x, edge_index, W1, b1, num_nodes))
    h = jax.nn.relu(gcn_conv(h, edge_index, W2, b2, num_nodes))
    # global_mean_pool with all-zero batch ids == mean over all nodes -> [1, HIDDEN]
    pooled = jnp.mean(h, axis=0, keepdims=True)
    out = pooled @ lin_W + lin_b
    return out

if __name__ == "__main__":
    import jax
    _d = setup_inputs()
    print(jax.jit(kernel)(*tuple(_d.values())))

</pallas_src>

<mosaic_0001>
#map = affine_map<(d0, d1) -> (0)>
#map1 = affine_map<(d0, d1) -> (0, 0)>
module attributes {stable_mosaic.version = 14 : i64} {
  func.func @_sc_degree(%arg0: i32, %arg1: i32, %arg2: memref<320000xi32, #tpu.memory_space<hbm>>, %arg3: memref<720xf32, #tpu.memory_space<hbm>>, %arg4: memref<2x10240xf32, #tpu.memory_space<hbm>>, %arg5: memref<80xi32, #tpu.memory_space<vmem>>, %arg6: memref<80xi32, #tpu.memory_space<vmem>>, %arg7: memref<80xi32, #tpu.memory_space<vmem>>, %arg8: memref<80xi32, #tpu.memory_space<vmem>>, %arg9: memref<80xi32, #tpu.memory_space<vmem>>, %arg10: memref<80xi32, #tpu.memory_space<vmem>>, %arg11: memref<80xf32, #tpu.memory_space<vmem>>, %arg12: memref<640xf32, #tpu.memory_space<vmem>>, %arg13: memref<10240xf32, #tpu.memory_space<vmem_shared>>, %arg14: memref<!tpu.dma_semaphore, #tpu.memory_space<semaphore_mem>>, %arg15: memref<!tpu.dma_semaphore, #tpu.memory_space<semaphore_mem>>, %arg16: memref<!tpu.dma_semaphore, #tpu.memory_space<semaphore_mem>>, %arg17: memref<!tpu.dma_semaphore, #tpu.memory_space<semaphore_mem>>, %arg18: memref<!tpu.dma_semaphore, #tpu.memory_space<semaphore_mem>>, %arg19: memref<!tpu.dma_semaphore, #tpu.memory_space<semaphore_mem>>, %arg20: memref<!tpu.dma_semaphore, #tpu.memory_space<semaphore_mem>>, %arg21: memref<!tpu.dma_semaphore, #tpu.memory_space<semaphore_mem>>, %arg22: memref<!tpu.dma_semaphore, #tpu.memory_space<semaphore_mem>>, %arg23: memref<!tpu.dma_semaphore, #tpu.memory_space<semaphore_mem>>, %arg24: memref<!tpu.dma_semaphore, #tpu.memory_space<semaphore_mem>>, %arg25: memref<!tpu.dma_semaphore, #tpu.memory_space<semaphore_mem>>) attributes {dimension_semantics = [#tpu.dimension_semantics<core_parallel>, #tpu.dimension_semantics<subcore_parallel>], iteration_bounds = array<i64: 2, 16>, scalar_prefetch = 0 : i64, scratch_operands = 21 : i64, tpu.core_type = #tpu.core_type<sc_vector_subcore>, window_params = [{transform_indices = #map}, {transform_indices = #map}, {transform_indices = #map1}]} {
    %mul3A = arith.constant 2 : i32
    %mul3A_0 = arith.muli %arg1, %mul3A : i32
    %add3A = arith.addi %mul3A_0, %arg0 : i32
    %mul3A_1 = arith.constant 10000 : i32
    %mul3A_2 = arith.muli %add3A, %mul3A_1 : i32
    "tpu.region"() ({
      %run_scoped3A = tpu.sem_alloc : memref<!tpu.dma_semaphore, #tpu.memory_space<semaphore_mem>>
      %dma_start3A_145 = arith.constant 80 : i32
      %dma_start3A_146 = tpu.memref_slice %arg3[%dma_start3A_145] : memref<720xf32, #tpu.memory_space<hbm>> -> memref<640xf32, #tpu.memory_space<hbm>>
      %dma_start3A_147 = arith.constant 80 : i32
      %dma_start3A_148 = tpu.memref_slice %arg3[%dma_start3A_147] : memref<720xf32, #tpu.memory_space<hbm>> -> memref<640xf32, #tpu.memory_space<hbm>>
      tpu.enqueue_dma source(%dma_start3A_148 : memref<640xf32, #tpu.memory_space<hbm>>) target(%arg12 : memref<640xf32, #tpu.memory_space<vmem>>) target_semaphore(%run_scoped3A : memref<!tpu.dma_semaphore, #tpu.memory_space<semaphore_mem>>)
      %dma_wait3A_149 = arith.constant 80 : i32
      %dma_wait3A_150 = tpu.memref_slice %arg3[%dma_wait3A_149] : memref<720xf32, #tpu.memory_space<hbm>> -> memref<640xf32, #tpu.memory_space<hbm>>
      %dma_wait3A_151 = arith.constant 80 : i32
      %dma_wait3A_152 = tpu.memref_slice %arg3[%dma_wait3A_151] : memref<720xf32, #tpu.memory_space<hbm>> -> memref<640xf32, #tpu.memory_space<hbm>>
      tpu.wait_dma2 semaphore(%run_scoped3A : memref<!tpu.dma_semaphore, #tpu.memory_space<semaphore_mem>>) src(%dma_wait3A_152 : memref<640xf32, #tpu.memory_space<hbm>>) dst(%arg12 : memref<640xf32, #tpu.memory_space<vmem>>)
      tpu.yield
    }) : () -> ()
    %mul3A_3 = arith.constant 640 : i32
    %mul3A_4 = arith.muli %arg1, %mul3A_3 : i32
    "tpu.region"() ({
      %run_scoped3A = tpu.sem_alloc : memref<!tpu.dma_semaphore, #tpu.memory_space<semaphore_mem>>
      %dma_start3A_145 = tpu.memref_slice %arg13[%mul3A_4] : memref<10240xf32, #tpu.memory_space<vmem_shared>> -> memref<640xf32, #tpu.memory_space<vmem_shared>>
      %dma_start3A_146 = tpu.memref_slice %arg13[%mul3A_4] : memref<10240xf32, #tpu.memory_space<vmem_shared>> -> memref<640xf32, #tpu.memory_space<vmem_shared>>
      tpu.enqueue_dma source(%arg12 : memref<640xf32, #tpu.memory_space<vmem>>) target(%dma_start3A_146 : memref<640xf32, #tpu.memory_space<vmem_shared>>) target_semaphore(%run_scoped3A : memref<!tpu.dma_semaphore, #tpu.memory_space<semaphore_mem>>)
      %dma_wait3A_147 = tpu.memref_slice %arg13[%mul3A_4] : memref<10240xf32, #tpu.memory_space<vmem_shared>> -> memref<640xf32, #tpu.memory_space<vmem_shared>>
      %dma_wait3A_148 = tpu.memref_slice %arg13[%mul3A_4] : memref<10240xf32, #tpu.memory_space<vmem_shared>> -> memref<640xf32, #tpu.memory_space<vmem_shared>>
      tpu.wait_dma2 semaphore(%run_scoped3A : memref<!tpu.dma_semaphore, #tpu.memory_space<semaphore_mem>>) src(%arg12 : memref<640xf32, #tpu.memory_space<vmem>>) dst(%dma_wait3A_148 : memref<640xf32, #tpu.memory_space<vmem_shared>>)
      tpu.yield
    }) : () -> ()
    "tpu.region"() ({
      %run_scoped3A = tpu.sem_alloc : memref<!tpu.dma_semaphore, #tpu.memory_space<semaphore_mem>>
      %dma_start3A_145 = arith.constant 0 : i32
      %dma_start3A_146 = tpu.memref_slice %arg3[%dma_start3A_145] : memref<720xf32, #tpu.memory_space<hbm>> -> memref<80xf32, #tpu.memory_space<hbm>>
      %dma_start3A_147 = arith.constant 0 : i32
      %dma_start3A_148 = tpu.memref_slice %arg3[%dma_start3A_147] : memref<720xf32, #tpu.memory_space<hbm>> -> memref<80xf32, #tpu.memory_space<hbm>>
      tpu.enqueue_dma source(%dma_start3A_148 : memref<80xf32, #tpu.memory_space<hbm>>) target(%arg11 : memref<80xf32, #tpu.memory_space<vmem>>) target_semaphore(%run_scoped3A : memref<!tpu.dma_semaphore, #tpu.memory_space<semaphore_mem>>)
      %dma_wait3A_149 = arith.constant 0 : i32
      %dma_wait3A_150 = tpu.memref_slice %arg3[%dma_wait3A_149] : memref<720xf32, #tpu.memory_space<hbm>> -> memref<80xf32, #tpu.memory_space<hbm>>
      %dma_wait3A_151 = arith.constant 0 : i32
      %dma_wait3A_152 = tpu.memref_slice %arg3[%dma_wait3A_151] : memref<720xf32, #tpu.memory_space<hbm>> -> memref<80xf32, #tpu.memory_space<hbm>>
      tpu.wait_dma2 semaphore(%run_scoped3A : memref<!tpu.dma_semaphore, #tpu.memory_space<semaphore_mem>>) src(%dma_wait3A_152 : memref<80xf32, #tpu.memory_space<hbm>>) dst(%arg11 : memref<80xf32, #tpu.memory_space<vmem>>)
      tpu.yield
    }) : () -> ()
    %barrier3A = arith.constant 0 : index
    tpu.barrier barrier_id(%barrier3A)
    %add3A_5 = arith.constant 0 : i32
    %add3A_6 = arith.addi %mul3A_2, %add3A_5 : i32
    %dma_start3A = tpu.memref_slice %arg2[%add3A_6] : memref<320000xi32, #tpu.memory_space<hbm>> -> memref<80xi32, #tpu.memory_space<hbm>>
    %dma_start3A_7 = tpu.memref_slice %arg2[%add3A_6] : memref<320000xi32, #tpu.memory_space<hbm>> -> memref<80xi32, #tpu.memory_space<hbm>>
    tpu.enqueue_dma source(%dma_start3A_7 : memref<80xi32, #tpu.memory_space<hbm>>) target(%arg5 : memref<80xi32, #tpu.memory_space<vmem>>) target_semaphore(%arg14 : memref<!tpu.dma_semaphore, #tpu.memory_space<semaphore_mem>>)
    %add3A_8 = arith.constant 80 : i32
    %add3A_9 = arith.addi %mul3A_2, %add3A_8 : i32
    %dma_start3A_10 = tpu.memref_slice %arg2[%add3A_9] : memref<320000xi32, #tpu.memory_space<hbm>> -> memref<80xi32, #tpu.memory_space<hbm>>
    %dma_start3A_11 = tpu.memref_slice %arg2[%add3A_9] : memref<320000xi32, #tpu.memory_space<hbm>> -> memref<80xi32, #tpu.memory_space<hbm>>
    tpu.enqueue_dma source(%dma_start3A_11 : memref<80xi32, #tpu.memory_space<hbm>>) target(%arg6 : memref<80xi32, #tpu.memory_space<vmem>>) target_semaphore(%arg15 : memref<!tpu.dma_semaphore, #tpu.memory_space<semaphore_mem>>)
    %add3A_12 = arith.constant 160 : i32
    %add3A_13 = arith.addi %mul3A_2, %add3A_12 : i32
    %dma_start3A_14 = tpu.memref_slice %arg2[%add3A_13] : memref<320000xi32, #tpu.memory_space<hbm>> -> memref<80xi32, #tpu.memory_space<hbm>>
    %dma_start3A_15 = tpu.memref_slice %arg2[%add3A_13] : memref<320000xi32, #tpu.memory_space<hbm>> -> memref<80xi32, #tpu.memory_space<hbm>>
    tpu.enqueue_dma source(%dma_start3A_15 : memref<80xi32, #tpu.memory_space<hbm>>) target(%arg7 : memref<80xi32, #tpu.memory_space<vmem>>) target_semaphore(%arg16 : memref<!tpu.dma_semaphore, #tpu.memory_space<semaphore_mem>>)
    %add3A_16 = arith.constant 240 : i32
    %add3A_17 = arith.addi %mul3A_2, %add3A_16 : i32
    %dma_start3A_18 = tpu.memref_slice %arg2[%add3A_17] : memref<320000xi32, #tpu.memory_space<hbm>> -> memref<80xi32, #tpu.memory_space<hbm>>
    %dma_start3A_19 = tpu.memref_slice %arg2[%add3A_17] : memref<320000xi32, #tpu.memory_space<hbm>> -> memref<80xi32, #tpu.memory_space<hbm>>
    tpu.enqueue_dma source(%dma_start3A_19 : memref<80xi32, #tpu.memory_space<hbm>>) target(%arg8 : memref<80xi32, #tpu.memory_space<vmem>>) target_semaphore(%arg17 : memref<!tpu.dma_semaphore, #tpu.memory_space<semaphore_mem>>)
    %dma_wait3A = arith.constant 0 : i32
    %dma_wait3A_20 = tpu.memref_slice %arg2[%dma_wait3A] : memref<320000xi32, #tpu.memory_space<hbm>> -> memref<80xi32, #tpu.memory_space<hbm>>
    %dma_wait3A_21 = arith.constant 0 : i32
    %dma_wait3A_22 = tpu.memref_slice %arg2[%dma_wait3A_21] : memref<320000xi32, #tpu.memory_space<hbm>> -> memref<80xi32, #tpu.memory_space<hbm>>
    tpu.wait_dma2 semaphore(%arg14 : memref<!tpu.dma_semaphore, #tpu.memory_space<semaphore_mem>>) src(%dma_wait3A_22 : memref<80xi32, #tpu.memory_space<hbm>>) dst(%arg5 : memref<80xi32, #tpu.memory_space<vmem>>)
    %dma_start3A_23 = arith.constant 0 : i32
    %dma_start3A_24 = tpu.memref_slice %arg13[%dma_start3A_23] : memref<10240xf32, #tpu.memory_space<vmem_shared>> -> memref<10240xf32, #tpu.memory_space<vmem_shared>>
    tpu.enqueue_indirect_dma source(%arg11 : memref<80xf32, #tpu.memory_space<vmem>>) target(%dma_start3A_24 : memref<10240xf32, #tpu.memory_space<vmem_shared>>) offsets(%arg5 : memref<80xi32, #tpu.memory_space<vmem>>) semaphore(%arg20 : memref<!tpu.dma_semaphore, #tpu.memory_space<semaphore_mem>>) {add = true}
    %add3A_25 = arith.constant 320 : i32
    %add3A_26 = arith.addi %mul3A_2, %add3A_25 : i32
    %dma_start3A_27 = tpu.memref_slice %arg2[%add3A_26] : memref<320000xi32, #tpu.memory_space<hbm>> -> memref<80xi32, #tpu.memory_space<hbm>>
    %dma_start3A_28 = tpu.memref_slice %arg2[%add3A_26] : memref<320000xi32, #tpu.memory_space<hbm>> -> memref<80xi32, #tpu.memory_space<hbm>>
    tpu.enqueue_dma source(%dma_start3A_28 : memref<80xi32, #tpu.memory_space<hbm>>) target(%arg9 : memref<80xi32, #tpu.memory_space<vmem>>) target_semaphore(%arg18 : memref<!tpu.dma_semaphore, #tpu.memory_space<semaphore_mem>>)
    %dma_wait3A_29 = arith.constant 0 : i32
    %dma_wait3A_30 = tpu.memref_slice %arg2[%dma_wait3A_29] : memref<320000xi32, #tpu.memory_space<hbm>> -> memref<80xi32, #tpu.memory_space<hbm>>
    %dma_wait3A_31 = arith.constant 0 : i32
    %dma_wait3A_32 = tpu.memref_slice %arg2[%dma_wait3A_31] : memref<320000xi32, #tpu.memory_space<hbm>> -> memref<80xi32, #tpu.memory_space<hbm>>
    tpu.wait_dma2 semaphore(%arg15 : memref<!tpu.dma_semaphore, #tpu.memory_space<semaphore_mem>>) src(%dma_wait3A_32 : memref<80xi32, #tpu.memory_space<hbm>>) dst(%arg6 : memref<80xi32, #tpu.memory_space<vmem>>)
    %dma_start3A_33 = arith.constant 0 : i32
    %dma_start3A_34 = tpu.memref_slice %arg13[%dma_start3A_33] : memref<10240xf32, #tpu.memory_space<vmem_shared>> -> memref<10240xf32, #tpu.memory_space<vmem_shared>>
    tpu.enqueue_indirect_dma source(%arg11 : memref<80xf32, #tpu.memory_space<vmem>>) target(%dma_start3A_34 : memref<10240xf32, #tpu.memory_space<vmem_shared>>) offsets(%arg6 : memref<80xi32, #tpu.memory_space<vmem>>) semaphore(%arg21 : memref<!tpu.dma_semaphore, #tpu.memory_space<semaphore_mem>>) {add = true}
    %add3A_35 = arith.constant 400 : i32
    %add3A_36 = arith.addi %mul3A_2, %add3A_35 : i32
    %dma_start3A_37 = tpu.memref_slice %arg2[%add3A_36] : memref<320000xi32, #tpu.memory_space<hbm>> -> memref<80xi32, #tpu.memory_space<hbm>>
    %dma_start3A_38 = tpu.memref_slice %arg2[%add3A_36] : memref<320000xi32, #tpu.memory_space<hbm>> -> memref<80xi32, #tpu.memory_space<hbm>>
    tpu.enqueue_dma source(%dma_start3A_38 : memref<80xi32, #tpu.memory_space<hbm>>) target(%arg10 : memref<80xi32, #tpu.memory_space<vmem>>) target_semaphore(%arg19 : memref<!tpu.dma_semaphore, #tpu.memory_space<semaphore_mem>>)
    %dma_wait3A_39 = arith.constant 0 : i32
    %dma_wait3A_40 = tpu.memref_slice %arg13[%dma_wait3A_39] : memref<10240xf32, #tpu.memory_space<vmem_shared>> -> memref<10240xf32, #tpu.memory_space<vmem_shared>>
    tpu.wait_indirect_dma semaphore(%arg20 : memref<!tpu.dma_semaphore, #tpu.memory_space<semaphore_mem>>) src(%arg11 : memref<80xf32, #tpu.memory_space<vmem>>) dst(%dma_wait3A_40 : memref<10240xf32, #tpu.memory_space<vmem_shared>>)
    %dma_wait3A_41 = arith.constant 0 : i32
    %dma_wait3A_42 = tpu.memref_slice %arg2[%dma_wait3A_41] : memref<320000xi32, #tpu.memory_space<hbm>> -> memref<80xi32, #tpu.memory_space<hbm>>
    %dma_wait3A_43 = arith.constant 0 : i32
    %dma_wait3A_44 = tpu.memref_slice %arg2[%dma_wait3A_43] : memref<320000xi32, #tpu.memory_space<hbm>> -> memref<80xi32, #tpu.memory_space<hbm>>
    tpu.wait_dma2 semaphore(%arg16 : memref<!tpu.dma_semaphore, #tpu.memory_space<semaphore_mem>>) src(%dma_wait3A_44 : memref<80xi32, #tpu.memory_space<hbm>>) dst(%arg7 : memref<80xi32, #tpu.memory_space<vmem>>)
    %dma_start3A_45 = arith.constant 0 : i32
    %dma_start3A_46 = tpu.memref_slice %arg13[%dma_start3A_45] : memref<10240xf32, #tpu.memory_space<vmem_shared>> -> memref<10240xf32, #tpu.memory_space<vmem_shared>>
    tpu.enqueue_indirect_dma source(%arg11 : memref<80xf32, #tpu.memory_space<vmem>>) target(%dma_start3A_46 : memref<10240xf32, #tpu.memory_space<vmem_shared>>) offsets(%arg7 : memref<80xi32, #tpu.memory_space<vmem>>) semaphore(%arg22 : memref<!tpu.dma_semaphore, #tpu.memory_space<semaphore_mem>>) {add = true}
    %add3A_47 = arith.constant 480 : i32
    %add3A_48 = arith.addi %mul3A_2, %add3A_47 : i32
    %dma_start3A_49 = tpu.memref_slice %arg2[%add3A_48] : memref<320000xi32, #tpu.memory_space<hbm>> -> memref<80xi32, #tpu.memory_space<hbm>>
    %dma_start3A_50 = tpu.memref_slice %arg2[%add3A_48] : memref<320000xi32, #tpu.memory_space<hbm>> -> memref<80xi32, #tpu.memory_space<hbm>>
    tpu.enqueue_dma source(%dma_start3A_50 : memref<80xi32, #tpu.memory_space<hbm>>) target(%arg5 : memref<80xi32, #tpu.memory_space<vmem>>) target_semaphore(%arg14 : memref<!tpu.dma_semaphore, #tpu.memory_space<semaphore_mem>>)
    %dma_wait3A_51 = arith.constant 0 : i32
    %dma_wait3A_52 = tpu.memref_slice %arg13[%dma_wait3A_51] : memref<10240xf32, #tpu.memory_space<vmem_shared>> -> memref<10240xf32, #tpu.memory_space<vmem_shared>>
    tpu.wait_indirect_dma semaphore(%arg21 : memref<!tpu.dma_semaphore, #tpu.memory_space<semaphore_mem>>) src(%arg11 : memref<80xf32, #tpu.memory_space<vmem>>) dst(%dma_wait3A_52 : memref<10240xf32, #tpu.memory_space<vmem_shared>>)
    %dma_wait3A_53 = arith.constant 0 : i32
    %dma_wait3A_54 = tpu.memref_slice %arg2[%dma_wait3A_53] : memref<320000xi32, #tpu.memory_space<hbm>> -> memref<80xi32, #tpu.memory_space<hbm>>
    %dma_wait3A_55 = arith.constant 0 : i32
    %dma_wait3A_56 = tpu.memref_slice %arg2[%dma_wait3A_55] : memref<320000xi32, #tpu.memory_space<hbm>> -> memref<80xi32, #tpu.memory_space<hbm>>
    tpu.wait_dma2 semaphore(%arg17 : memref<!tpu.dma_semaphore, #tpu.memory_space<semaphore_mem>>) src(%dma_wait3A_56 : memref<80xi32, #tpu.memory_space<hbm>>) dst(%arg8 : memref<80xi32, #tpu.memory_space<vmem>>)
    %dma_start3A_57 = arith.constant 0 : i32
    %dma_start3A_58 = tpu.memref_slice %arg13[%dma_start3A_57] : memref<10240xf32, #tpu.memory_space<vmem_shared>> -> memref<10240xf32, #tpu.memory_space<vmem_shared>>
    tpu.enqueue_indirect_dma source(%arg11 : memref<80xf32, #tpu.memory_space<vmem>>) target(%dma_start3A_58 : memref<10240xf32, #tpu.memory_space<vmem_shared>>) offsets(%arg8 : memref<80xi32, #tpu.memory_space<vmem>>) semaphore(%arg23 : memref<!tpu.dma_semaphore, #tpu.memory_space<semaphore_mem>>) {add = true}
    %add3A_59 = arith.constant 560 : i32
    %add3A_60 = arith.addi %mul3A_2, %add3A_59 : i32
    %dma_start3A_61 = tpu.memref_slice %arg2[%add3A_60] : memref<320000xi32, #tpu.memory_space<hbm>> -> memref<80xi32, #tpu.memory_space<hbm>>
    %dma_start3A_62 = tpu.memref_slice %arg2[%add3A_60] : memref<320000xi32, #tpu.memory_space<hbm>> -> memref<80xi32, #tpu.memory_space<hbm>>
    tpu.enqueue_dma source(%dma_start3A_62 : memref<80xi32, #tpu.memory_space<hbm>>) target(%arg6 : memref<80xi32, #tpu.memory_space<vmem>>) target_semaphore(%arg15 : memref<!tpu.dma_semaphore, #tpu.memory_space<semaphore_mem>>)
    %dma_wait3A_63 = arith.constant 0 : i32
    %dma_wait3A_64 = tpu.memref_slice %arg13[%dma_wait3A_63] : memref<10240xf32, #tpu.memory_space<vmem_shared>> -> memref<10240xf32, #tpu.memory_space<vmem_shared>>
    tpu.wait_indirect_dma semaphore(%arg22 : memref<!tpu.dma_semaphore, #tpu.memory_space<semaphore_mem>>) src(%arg11 : memref<80xf32, #tpu.memory_space<vmem>>) dst(%dma_wait3A_64 : memref<10240xf32, #tpu.memory_space<vmem_shared>>)
    %dma_wait3A_65 = arith.constant 0 : i32
    %dma_wait3A_66 = tpu.memref_slice %arg2[%dma_wait3A_65] : memref<320000xi32, #tpu.memory_space<hbm>> -> memref<80xi32, #tpu.memory_space<hbm>>
    %dma_wait3A_67 = arith.constant 0 : i32
    %dma_wait3A_68 = tpu.memref_slice %arg2[%dma_wait3A_67] : memref<320000xi32, #tpu.memory_space<hbm>> -> memref<80xi32, #tpu.memory_space<hbm>>
    tpu.wait_dma2 semaphore(%arg18 : memref<!tpu.dma_semaphore, #tpu.memory_space<semaphore_mem>>) src(%dma_wait3A_68 : memref<80xi32, #tpu.memory_space<hbm>>) dst(%arg9 : memref<80xi32, #tpu.memory_space<vmem>>)
    %dma_start3A_69 = arith.constant 0 : i32
    %dma_start3A_70 = tpu.memref_slice %arg13[%dma_start3A_69] : memref<10240xf32, #tpu.memory_space<vmem_shared>> -> memref<10240xf32, #tpu.memory_space<vmem_shared>>
    tpu.enqueue_indirect_dma source(%arg11 : memref<80xf32, #tpu.memory_space<vmem>>) target(%dma_start3A_70 : memref<10240xf32, #tpu.memory_space<vmem_shared>>) offsets(%arg9 : memref<80xi32, #tpu.memory_space<vmem>>) semaphore(%arg24 : memref<!tpu.dma_semaphore, #tpu.memory_space<semaphore_mem>>) {add = true}
    %add3A_71 = arith.constant 640 : i32
    %add3A_72 = arith.addi %mul3A_2, %add3A_71 : i32
    %dma_start3A_73 = tpu.memref_slice %arg2[%add3A_72] : memref<320000xi32, #tpu.memory_space<hbm>> -> memref<80xi32, #tpu.memory_space<hbm>>
    %dma_start3A_74 = tpu.memref_slice %arg2[%add3A_72] : memref<320000xi32, #tpu.memory_space<hbm>> -> memref<80xi32, #tpu.memory_space<hbm>>
    tpu.enqueue_dma source(%dma_start3A_74 : memref<80xi32, #tpu.memory_space<hbm>>) target(%arg7 : memref<80xi32, #tpu.memory_space<vmem>>) target_semaphore(%arg16 : memref<!tpu.dma_semaphore, #tpu.memory_space<semaphore_mem>>)
    %dma_wait3A_75 = arith.constant 0 : i32
    %dma_wait3A_76 = tpu.memref_slice %arg13[%dma_wait3A_75] : memref<10240xf32, #tpu.memory_space<vmem_shared>> -> memref<10240xf32, #tpu.memory_space<vmem_shared>>
    tpu.wait_indirect_dma semaphore(%arg23 : memref<!tpu.dma_semaphore, #tpu.memory_space<semaphore_mem>>) src(%arg11 : memref<80xf32, #tpu.memory_space<vmem>>) dst(%dma_wait3A_76 : memref<10240xf32, #tpu.memory_space<vmem_shared>>)
    %dma_wait3A_77 = arith.constant 0 : i32
    %dma_wait3A_78 = tpu.memref_slice %arg2[%dma_wait3A_77] : memref<320000xi32, #tpu.memory_space<hbm>> -> memref<80xi32, #tpu.memory_space<hbm>>
    %dma_wait3A_79 = arith.constant 0 : i32
    %dma_wait3A_80 = tpu.memref_slice %arg2[%dma_wait3A_79] : memref<320000xi32, #tpu.memory_space<hbm>> -> memref<80xi32, #tpu.memory_space<hbm>>
    tpu.wait_dma2 semaphore(%arg19 : memref<!tpu.dma_semaphore, #tpu.memory_space<semaphore_mem>>) src(%dma_wait3A_80 : memref<80xi32, #tpu.memory_space<hbm>>) dst(%arg10 : memref<80xi32, #tpu.memory_space<vmem>>)
    %dma_start3A_81 = arith.constant 0 : i32
    %dma_start3A_82 = tpu.memref_slice %arg13[%dma_start3A_81] : memref<10240xf32, #tpu.memory_space<vmem_shared>> -> memref<10240xf32, #tpu.memory_space<vmem_shared>>
    tpu.enqueue_indirect_dma source(%arg11 : memref<80xf32, #tpu.memory_space<vmem>>) target(%dma_start3A_82 : memref<10240xf32, #tpu.memory_space<vmem_shared>>) offsets(%arg10 : memref<80xi32, #tpu.memory_space<vmem>>) semaphore(%arg25 : memref<!tpu.dma_semaphore, #tpu.memory_space<semaphore_mem>>) {add = true}
    %add3A_83 = arith.constant 720 : i32
    %add3A_84 = arith.addi %mul3A_2, %add3A_83 : i32
    %dma_start3A_85 = tpu.memref_slice %arg2[%add3A_84] : memref<320000xi32, #tpu.memory_space<hbm>> -> memref<80xi32, #tpu.memory_space<hbm>>
    %dma_start3A_86 = tpu.memref_slice %arg2[%add3A_84] : memref<320000xi32, #tpu.memory_space<hbm>> -> memref<80xi32, #tpu.memory_space<hbm>>
    tpu.enqueue_dma source(%dma_start3A_86 : memref<80xi32, #tpu.memory_space<hbm>>) target(%arg8 : memref<80xi32, #tpu.memory_space<vmem>>) target_semaphore(%arg17 : memref<!tpu.dma_semaphore, #tpu.memory_space<semaphore_mem>>)
    %scan3A = arith.constant 0 : i32
    %scan3A_87 = arith.constant 0 : i32
    %scan3A_88 = arith.constant 19 : i32
    %scan3A_89 = arith.addi %scan3A_87, %scan3A_88 : i32
    %scan3A_90 = arith.constant 1 : i32
    scf.for %scan3A_145 = %scan3A_87 to %scan3A_89 step %scan3A_90  : i32 {
      %mul3A_146 = arith.constant 6 : i32
      %mul3A_147 = arith.muli %scan3A_145, %mul3A_146 : i32
      %add3A_148 = arith.constant 6 : i32
      %add3A_149 = arith.addi %add3A_148, %mul3A_147 : i32
      %add3A_150 = arith.constant 0 : i32
      %add3A_151 = arith.addi %add3A_149, %add3A_150 : i32
      %dma_wait3A_152 = arith.constant 0 : i32
      %dma_wait3A_153 = tpu.memref_slice %arg13[%dma_wait3A_152] : memref<10240xf32, #tpu.memory_space<vmem_shared>> -> memref<10240xf32, #tpu.memory_space<vmem_shared>>
      tpu.wait_indirect_dma semaphore(%arg24 : memref<!tpu.dma_semaphore, #tpu.memory_space<semaphore_mem>>) src(%arg11 : memref<80xf32, #tpu.memory_space<vmem>>) dst(%dma_wait3A_153 : memref<10240xf32, #tpu.memory_space<vmem_shared>>)
      %dma_wait3A_154 = arith.constant 0 : i32
      %dma_wait3A_155 = tpu.memref_slice %arg2[%dma_wait3A_154] : memref<320000xi32, #tpu.memory_space<hbm>> -> memref<80xi32, #tpu.memory_space<hbm>>
      %dma_wait3A_156 = arith.constant 0 : i32
      %dma_wait3A_157 = tpu.memref_slice %arg2[%dma_wait3A_156] : memref<320000xi32, #tpu.memory_space<hbm>> -> memref<80xi32, #tpu.memory_space<hbm>>
      tpu.wait_dma2 semaphore(%arg14 : memref<!tpu.dma_semaphore, #tpu.memory_space<semaphore_mem>>) src(%dma_wait3A_157 : memref<80xi32, #tpu.memory_space<hbm>>) dst(%arg5 : memref<80xi32, #tpu.memory_space<vmem>>)
      %dma_start3A_158 = arith.constant 0 : i32
      %dma_start3A_159 = tpu.memref_slice %arg13[%dma_start3A_158] : memref<10240xf32, #tpu.memory_space<vmem_shared>> -> memref<10240xf32, #tpu.memory_space<vmem_shared>>
      tpu.enqueue_indirect_dma source(%arg11 : memref<80xf32, #tpu.memory_space<vmem>>) target(%dma_start3A_159 : memref<10240xf32, #tpu.memory_space<vmem_shared>>) offsets(%arg5 : memref<80xi32, #tpu.memory_space<vmem>>) semaphore(%arg20 : memref<!tpu.dma_semaphore, #tpu.memory_space<semaphore_mem>>) {add = true}
      %add3A_160 = arith.constant 6 : i32
      %add3A_161 = arith.addi %add3A_151, %add3A_160 : i32
      %sub3A = arith.constant 2 : i32
      %sub3A_162 = arith.subi %add3A_161, %sub3A : i32
      %mul3A_163 = arith.constant 80 : i32
      %mul3A_164 = arith.muli %sub3A_162, %mul3A_163 : i32
      %add3A_165 = arith.addi %mul3A_2, %mul3A_164 : i32
      %dma_start3A_166 = tpu.memref_slice %arg2[%add3A_165] : memref<320000xi32, #tpu.memory_space<hbm>> -> memref<80xi32, #tpu.memory_space<hbm>>
      %dma_start3A_167 = tpu.memref_slice %arg2[%add3A_165] : memref<320000xi32, #tpu.memory_space<hbm>> -> memref<80xi32, #tpu.memory_space<hbm>>
      tpu.enqueue_dma source(%dma_start3A_167 : memref<80xi32, #tpu.memory_space<hbm>>) target(%arg9 : memref<80xi32, #tpu.memory_space<vmem>>) target_semaphore(%arg18 : memref<!tpu.dma_semaphore, #tpu.memory_space<semaphore_mem>>)
      %mul3A_168 = arith.constant 6 : i32
      %mul3A_169 = arith.muli %scan3A_145, %mul3A_168 : i32
      %add3A_170 = arith.constant 6 : i32
      %add3A_171 = arith.addi %add3A_170, %mul3A_169 : i32
      %add3A_172 = arith.constant 1 : i32
      %add3A_173 = arith.addi %add3A_171, %add3A_172 : i32
      %dma_wait3A_174 = arith.constant 0 : i32
      %dma_wait3A_175 = tpu.memref_slice %arg13[%dma_wait3A_174] : memref<10240xf32, #tpu.memory_space<vmem_shared>> -> memref<10240xf32, #tpu.memory_space<vmem_shared>>
      tpu.wait_indirect_dma semaphore(%arg25 : memref<!tpu.dma_semaphore, #tpu.memory_space<semaphore_mem>>) src(%arg11 : memref<80xf32, #tpu.memory_space<vmem>>) dst(%dma_wait3A_175 : memref<10240xf32, #tpu.memory_space<vmem_shared>>)
      %dma_wait3A_176 = arith.constant 0 : i32
      %dma_wait3A_177 = tpu.memref_slice %arg2[%dma_wait3A_176] : memref<320000xi32, #tpu.memory_space<hbm>> -> memref<80xi32, #tpu.memory_space<hbm>>
      %dma_wait3A_178 = arith.constant 0 : i32
      %dma_wait3A_179 = tpu.memref_slice %arg2[%dma_wait3A_178] : memref<320000xi32, #tpu.memory_space<hbm>> -> memref<80xi32, #tpu.memory_space<hbm>>
      tpu.wait_dma2 semaphore(%arg15 : memref<!tpu.dma_semaphore, #tpu.memory_space<semaphore_mem>>) src(%dma_wait3A_179 : memref<80xi32, #tpu.memory_space<hbm>>) dst(%arg6 : memref<80xi32, #tpu.memory_space<vmem>>)
      %dma_start3A_180 = arith.constant 0 : i32
      %dma_start3A_181 = tpu.memref_slice %arg13[%dma_start3A_180] : memref<10240xf32, #tpu.memory_space<vmem_shared>> -> memref<10240xf32, #tpu.memory_space<vmem_shared>>
      tpu.enqueue_indirect_dma source(%arg11 : memref<80xf32, #tpu.memory_space<vmem>>) target(%dma_start3A_181 : memref<10240xf32, #tpu.memory_space<vmem_shared>>) offsets(%arg6 : memref<80xi32, #tpu.memory_space<vmem>>) semaphore(%arg21 : memref<!tpu.dma_semaphore, #tpu.memory_space<semaphore_mem>>) {add = true}
      %add3A_182 = arith.constant 6 : i32
      %add3A_183 = arith.addi %add3A_173, %add3A_182 : i32
      %sub3A_184 = arith.constant 2 : i32
      %sub3A_185 = arith.subi %add3A_183, %sub3A_184 : i32
      %mul3A_186 = arith.constant 80 : i32
      %mul3A_187 = arith.muli %sub3A_185, %mul3A_186 : i32
      %add3A_188 = arith.addi %mul3A_2, %mul3A_187 : i32
      %dma_start3A_189 = tpu.memref_slice %arg2[%add3A_188] : memref<320000xi32, #tpu.memory_space<hbm>> -> memref<80xi32, #tpu.memory_space<hbm>>
      %dma_start3A_190 = tpu.memref_slice %arg2[%add3A_188] : memref<320000xi32, #tpu.memory_space<hbm>> -> memref<80xi32, #tpu.memory_space<hbm>>
      tpu.enqueue_dma source(%dma_start3A_190 : memref<80xi32, #tpu.memory_space<hbm>>) target(%arg10 : memref<80xi32, #tpu.memory_space<vmem>>) target_semaphore(%arg19 : memref<!tpu.dma_semaphore, #tpu.memory_space<semaphore_mem>>)
      %mul3A_191 = arith.constant 6 : i32
      %mul3A_192 = arith.muli %scan3A_145, %mul3A_191 : i32
      %add3A_193 = arith.constant 6 : i32
      %add3A_194 = arith.addi %add3A_193, %mul3A_192 : i32
      %add3A_195 = arith.constant 2 : i32
      %add3A_196 = arith.addi %add3A_194, %add3A_195 : i32
      %dma_wait3A_197 = arith.constant 0 : i32
      %dma_wait3A_198 = tpu.memref_slice %arg13[%dma_wait3A_197] : memref<10240xf32, #tpu.memory_space<vmem_shared>> -> memref<10240xf32, #tpu.memory_space<vmem_shared>>
      tpu.wait_indirect_dma semaphore(%arg20 : memref<!tpu.dma_semaphore, #tpu.memory_space<semaphore_mem>>) src(%arg11 : memref<80xf32, #tpu.memory_space<vmem>>) dst(%dma_wait3A_198 : memref<10240xf32, #tpu.memory_space<vmem_shared>>)
      %dma_wait3A_199 = arith.constant 0 : i32
      %dma_wait3A_200 = tpu.memref_slice %arg2[%dma_wait3A_199] : memref<320000xi32, #tpu.memory_space<hbm>> -> memref<80xi32, #tpu.memory_space<hbm>>
      %dma_wait3A_201 = arith.constant 0 : i32
      %dma_wait3A_202 = tpu.memref_slice %arg2[%dma_wait3A_201] : memref<320000xi32, #tpu.memory_space<hbm>> -> memref<80xi32, #tpu.memory_space<hbm>>
      tpu.wait_dma2 semaphore(%arg16 : memref<!tpu.dma_semaphore, #tpu.memory_space<semaphore_mem>>) src(%dma_wait3A_202 : memref<80xi32, #tpu.memory_space<hbm>>) dst(%arg7 : memref<80xi32, #tpu.memory_space<vmem>>)
      %dma_start3A_203 = arith.constant 0 : i32
      %dma_start3A_204 = tpu.memref_slice %arg13[%dma_start3A_203] : memref<10240xf32, #tpu.memory_space<vmem_shared>> -> memref<10240xf32, #tpu.memory_space<vmem_shared>>
      tpu.enqueue_indirect_dma source(%arg11 : memref<80xf32, #tpu.memory_space<vmem>>) target(%dma_start3A_204 : memref<10240xf32, #tpu.memory_space<vmem_shared>>) offsets(%arg7 : memref<80xi32, #tpu.memory_space<vmem>>) semaphore(%arg22 : memref<!tpu.dma_semaphore, #tpu.memory_space<semaphore_mem>>) {add = true}
      %add3A_205 = arith.constant 6 : i32
      %add3A_206 = arith.addi %add3A_196, %add3A_205 : i32
      %sub3A_207 = arith.constant 2 : i32
      %sub3A_208 = arith.subi %add3A_206, %sub3A_207 : i32
      %mul3A_209 = arith.constant 80 : i32
      %mul3A_210 = arith.muli %sub3A_208, %mul3A_209 : i32
      %add3A_211 = arith.addi %mul3A_2, %mul3A_210 : i32
      %dma_start3A_212 = tpu.memref_slice %arg2[%add3A_211] : memref<320000xi32, #tpu.memory_space<hbm>> -> memref<80xi32, #tpu.memory_space<hbm>>
      %dma_start3A_213 = tpu.memref_slice %arg2[%add3A_211] : memref<320000xi32, #tpu.memory_space<hbm>> -> memref<80xi32, #tpu.memory_space<hbm>>
      tpu.enqueue_dma source(%dma_start3A_213 : memref<80xi32, #tpu.memory_space<hbm>>) target(%arg5 : memref<80xi32, #tpu.memory_space<vmem>>) target_semaphore(%arg14 : memref<!tpu.dma_semaphore, #tpu.memory_space<semaphore_mem>>)
      %mul3A_214 = arith.constant 6 : i32
      %mul3A_215 = arith.muli %scan3A_145, %mul3A_214 : i32
      %add3A_216 = arith.constant 6 : i32
      %add3A_217 = arith.addi %add3A_216, %mul3A_215 : i32
      %add3A_218 = arith.constant 3 : i32
      %add3A_219 = arith.addi %add3A_217, %add3A_218 : i32
      %dma_wait3A_220 = arith.constant 0 : i32
      %dma_wait3A_221 = tpu.memref_slice %arg13[%dma_wait3A_220] : memref<10240xf32, #tpu.memory_space<vmem_shared>> -> memref<10240xf32, #tpu.memory_space<vmem_shared>>
      tpu.wait_indirect_dma semaphore(%arg21 : memref<!tpu.dma_semaphore, #tpu.memory_space<semaphore_mem>>) src(%arg11 : memref<80xf32, #tpu.memory_space<vmem>>) dst(%dma_wait3A_221 : memref<10240xf32, #tpu.memory_space<vmem_shared>>)
      %dma_wait3A_222 = arith.constant 0 : i32
      %dma_wait3A_223 = tpu.memref_slice %arg2[%dma_wait3A_222] : memref<320000xi32, #tpu.memory_space<hbm>> -> memref<80xi32, #tpu.memory_space<hbm>>
      %dma_wait3A_224 = arith.constant 0 : i32
      %dma_wait3A_225 = tpu.memref_slice %arg2[%dma_wait3A_224] : memref<320000xi32, #tpu.memory_space<hbm>> -> memref<80xi32, #tpu.memory_space<hbm>>
      tpu.wait_dma2 semaphore(%arg17 : memref<!tpu.dma_semaphore, #tpu.memory_space<semaphore_mem>>) src(%dma_wait3A_225 : memref<80xi32, #tpu.memory_space<hbm>>) dst(%arg8 : memref<80xi32, #tpu.memory_space<vmem>>)
      %dma_start3A_226 = arith.constant 0 : i32
      %dma_start3A_227 = tpu.memref_slice %arg13[%dma_start3A_226] : memref<10240xf32, #tpu.memory_space<vmem_shared>> -> memref<10240xf32, #tpu.memory_space<vmem_shared>>
      tpu.enqueue_indirect_dma source(%arg11 : memref<80xf32, #tpu.memory_space<vmem>>) target(%dma_start3A_227 : memref<10240xf32, #tpu.memory_space<vmem_shared>>) offsets(%arg8 : memref<80xi32, #tpu.memory_space<vmem>>) semaphore(%arg23 : memref<!tpu.dma_semaphore, #tpu.memory_space<semaphore_mem>>) {add = true}
      %add3A_228 = arith.constant 6 : i32
      %add3A_229 = arith.addi %add3A_219, %add3A_228 : i32
      %sub3A_230 = arith.constant 2 : i32
      %sub3A_231 = arith.subi %add3A_229, %sub3A_230 : i32
      %mul3A_232 = arith.constant 80 : i32
      %mul3A_233 = arith.muli %sub3A_231, %mul3A_232 : i32
      %add3A_234 = arith.addi %mul3A_2, %mul3A_233 : i32
      %dma_start3A_235 = tpu.memref_slice %arg2[%add3A_234] : memref<320000xi32, #tpu.memory_space<hbm>> -> memref<80xi32, #tpu.memory_space<hbm>>
      %dma_start3A_236 = tpu.memref_slice %arg2[%add3A_234] : memref<320000xi32, #tpu.memory_space<hbm>> -> memref<80xi32, #tpu.memory_space<hbm>>
      tpu.enqueue_dma source(%dma_start3A_236 : memref<80xi32, #tpu.memory_space<hbm>>) target(%arg6 : memref<80xi32, #tpu.memory_space<vmem>>) target_semaphore(%arg15 : memref<!tpu.dma_semaphore, #tpu.memory_space<semaphore_mem>>)
      %mul3A_237 = arith.constant 6 : i32
      %mul3A_238 = arith.muli %scan3A_145, %mul3A_237 : i32
      %add3A_239 = arith.constant 6 : i32
      %add3A_240 = arith.addi %add3A_239, %mul3A_238 : i32
      %add3A_241 = arith.constant 4 : i32
      %add3A_242 = arith.addi %add3A_240, %add3A_241 : i32
      %dma_wait3A_243 = arith.constant 0 : i32
      %dma_wait3A_244 = tpu.memref_slice %arg13[%dma_wait3A_243] : memref<10240xf32, #tpu.memory_space<vmem_shared>> -> memref<10240xf32, #tpu.memory_space<vmem_shared>>
      tpu.wait_indirect_dma semaphore(%arg22 : memref<!tpu.dma_semaphore, #tpu.memory_space<semaphore_mem>>) src(%arg11 : memref<80xf32, #tpu.memory_space<vmem>>) dst(%dma_wait3A_244 : memref<10240xf32, #tpu.memory_space<vmem_shared>>)
      %dma_wait3A_245 = arith.constant 0 : i32
      %dma_wait3A_246 = tpu.memref_slice %arg2[%dma_wait3A_245] : memref<320000xi32, #tpu.memory_space<hbm>> -> memref<80xi32, #tpu.memory_space<hbm>>
      %dma_wait3A_247 = arith.constant 0 : i32
      %dma_wait3A_248 = tpu.memref_slice %arg2[%dma_wait3A_247] : memref<320000xi32, #tpu.memory_space<hbm>> -> memref<80xi32, #tpu.memory_space<hbm>>
      tpu.wait_dma2 semaphore(%arg18 : memref<!tpu.dma_semaphore, #tpu.memory_space<semaphore_mem>>) src(%dma_wait3A_248 : memref<80xi32, #tpu.memory_space<hbm>>) dst(%arg9 : memref<80xi32, #tpu.memory_space<vmem>>)
      %dma_start3A_249 = arith.constant 0 : i32
      %dma_start3A_250 = tpu.memref_slice %arg13[%dma_start3A_249] : memref<10240xf32, #tpu.memory_space<vmem_shared>> -> memref<10240xf32, #tpu.memory_space<vmem_shared>>
      tpu.enqueue_indirect_dma source(%arg11 : memref<80xf32, #tpu.memory_space<vmem>>) target(%dma_start3A_250 : memref<10240xf32, #tpu.memory_space<vmem_shared>>) offsets(%arg9 : memref<80xi32, #tpu.memory_space<vmem>>) semaphore(%arg24 : memref<!tpu.dma_semaphore, #tpu.memory_space<semaphore_mem>>) {add = true}
      %add3A_251 = arith.constant 6 : i32
      %add3A_252 = arith.addi %add3A_242, %add3A_251 : i32
      %sub3A_253 = arith.constant 2 : i32
      %sub3A_254 = arith.subi %add3A_252, %sub3A_253 : i32
      %mul3A_255 = arith.constant 80 : i32
      %mul3A_256 = arith.muli %sub3A_254, %mul3A_255 : i32
      %add3A_257 = arith.addi %mul3A_2, %mul3A_256 : i32
      %dma_start3A_258 = tpu.memref_slice %arg2[%add3A_257] : memref<320000xi32, #tpu.memory_space<hbm>> -> memref<80xi32, #tpu.memory_space<hbm>>
      %dma_start3A_259 = tpu.memref_slice %arg2[%add3A_257] : memref<320000xi32, #tpu.memory_space<hbm>> -> memref<80xi32, #tpu.memory_space<hbm>>
      tpu.enqueue_dma source(%dma_start3A_259 : memref<80xi32, #tpu.memory_space<hbm>>) target(%arg7 : memref<80xi32, #tpu.memory_space<vmem>>) target_semaphore(%arg16 : memref<!tpu.dma_semaphore, #tpu.memory_space<semaphore_mem>>)
      %mul3A_260 = arith.constant 6 : i32
      %mul3A_261 = arith.muli %scan3A_145, %mul3A_260 : i32
      %add3A_262 = arith.constant 6 : i32
      %add3A_263 = arith.addi %add3A_262, %mul3A_261 : i32
      %add3A_264 = arith.constant 5 : i32
      %add3A_265 = arith.addi %add3A_263, %add3A_264 : i32
      %dma_wait3A_266 = arith.constant 0 : i32
      %dma_wait3A_267 = tpu.memref_slice %arg13[%dma_wait3A_266] : memref<10240xf32, #tpu.memory_space<vmem_shared>> -> memref<10240xf32, #tpu.memory_space<vmem_shared>>
      tpu.wait_indirect_dma semaphore(%arg23 : memref<!tpu.dma_semaphore, #tpu.memory_space<semaphore_mem>>) src(%arg11 : memref<80xf32, #tpu.memory_space<vmem>>) dst(%dma_wait3A_267 : memref<10240xf32, #tpu.memory_space<vmem_shared>>)
      %dma_wait3A_268 = arith.constant 0 : i32
      %dma_wait3A_269 = tpu.memref_slice %arg2[%dma_wait3A_268] : memref<320000xi32, #tpu.memory_space<hbm>> -> memref<80xi32, #tpu.memory_space<hbm>>
      %dma_wait3A_270 = arith.constant 0 : i32
      %dma_wait3A_271 = tpu.memref_slice %arg2[%dma_wait3A_270] : memref<320000xi32, #tpu.memory_space<hbm>> -> memref<80xi32, #tpu.memory_space<hbm>>
      tpu.wait_dma2 semaphore(%arg19 : memref<!tpu.dma_semaphore, #tpu.memory_space<semaphore_mem>>) src(%dma_wait3A_271 : memref<80xi32, #tpu.memory_space<hbm>>) dst(%arg10 : memref<80xi32, #tpu.memory_space<vmem>>)
      %dma_start3A_272 = arith.constant 0 : i32
      %dma_start3A_273 = tpu.memref_slice %arg13[%dma_start3A_272] : memref<10240xf32, #tpu.memory_space<vmem_shared>> -> memref<10240xf32, #tpu.memory_space<vmem_shared>>
      tpu.enqueue_indirect_dma source(%arg11 : memref<80xf32, #tpu.memory_space<vmem>>) target(%dma_start3A_273 : memref<10240xf32, #tpu.memory_space<vmem_shared>>) offsets(%arg10 : memref<80xi32, #tpu.memory_space<vmem>>) semaphore(%arg25 : memref<!tpu.dma_semaphore, #tpu.memory_space<semaphore_mem>>) {add = true}
      %add3A_274 = arith.constant 6 : i32
      %add3A_275 = arith.addi %add3A_265, %add3A_274 : i32
      %sub3A_276 = arith.constant 2 : i32
      %sub3A_277 = arith.subi %add3A_275, %sub3A_276 : i32
      %mul3A_278 = arith.constant 80 : i32
      %mul3A_279 = arith.muli %sub3A_277, %mul3A_278 : i32
      %add3A_280 = arith.addi %mul3A_2, %mul3A_279 : i32
      %dma_start3A_281 = tpu.memref_slice %arg2[%add3A_280] : memref<320000xi32, #tpu.memory_space<hbm>> -> memref<80xi32, #tpu.memory_space<hbm>>
      %dma_start3A_282 = tpu.memref_slice %arg2[%add3A_280] : memref<320000xi32, #tpu.memory_space<hbm>> -> memref<80xi32, #tpu.memory_space<hbm>>
      tpu.enqueue_dma source(%dma_start3A_282 : memref<80xi32, #tpu.memory_space<hbm>>) target(%arg8 : memref<80xi32, #tpu.memory_space<vmem>>) target_semaphore(%arg17 : memref<!tpu.dma_semaphore, #tpu.memory_space<semaphore_mem>>)
    }
    %scan3A_91 = arith.constant 19 : i32
    %dma_wait3A_92 = arith.constant 0 : i32
    %dma_wait3A_93 = tpu.memref_slice %arg13[%dma_wait3A_92] : memref<10240xf32, #tpu.memory_space<vmem_shared>> -> memref<10240xf32, #tpu.memory_space<vmem_shared>>
    tpu.wait_indirect_dma semaphore(%arg24 : memref<!tpu.dma_semaphore, #tpu.memory_space<semaphore_mem>>) src(%arg11 : memref<80xf32, #tpu.memory_space<vmem>>) dst(%dma_wait3A_93 : memref<10240xf32, #tpu.memory_space<vmem_shared>>)
    %dma_wait3A_94 = arith.constant 0 : i32
    %dma_wait3A_95 = tpu.memref_slice %arg2[%dma_wait3A_94] : memref<320000xi32, #tpu.memory_space<hbm>> -> memref<80xi32, #tpu.memory_space<hbm>>
    %dma_wait3A_96 = arith.constant 0 : i32
    %dma_wait3A_97 = tpu.memref_slice %arg2[%dma_wait3A_96] : memref<320000xi32, #tpu.memory_space<hbm>> -> memref<80xi32, #tpu.memory_space<hbm>>
    tpu.wait_dma2 semaphore(%arg14 : memref<!tpu.dma_semaphore, #tpu.memory_space<semaphore_mem>>) src(%dma_wait3A_97 : memref<80xi32, #tpu.memory_space<hbm>>) dst(%arg5 : memref<80xi32, #tpu.memory_space<vmem>>)
    %dma_start3A_98 = arith.constant 0 : i32
    %dma_start3A_99 = tpu.memref_slice %arg13[%dma_start3A_98] : memref<10240xf32, #tpu.memory_space<vmem_shared>> -> memref<10240xf32, #tpu.memory_space<vmem_shared>>
    tpu.enqueue_indirect_dma source(%arg11 : memref<80xf32, #tpu.memory_space<vmem>>) target(%dma_start3A_99 : memref<10240xf32, #tpu.memory_space<vmem_shared>>) offsets(%arg5 : memref<80xi32, #tpu.memory_space<vmem>>) semaphore(%arg20 : memref<!tpu.dma_semaphore, #tpu.memory_space<semaphore_mem>>) {add = true}
    %add3A_100 = arith.constant 9920 : i32
    %add3A_101 = arith.addi %mul3A_2, %add3A_100 : i32
    %dma_start3A_102 = tpu.memref_slice %arg2[%add3A_101] : memref<320000xi32, #tpu.memory_space<hbm>> -> memref<80xi32, #tpu.memory_space<hbm>>
    %dma_start3A_103 = tpu.memref_slice %arg2[%add3A_101] : memref<320000xi32, #tpu.memory_space<hbm>> -> memref<80xi32, #tpu.memory_space<hbm>>
    tpu.enqueue_dma source(%dma_start3A_103 : memref<80xi32, #tpu.memory_space<hbm>>) target(%arg9 : memref<80xi32, #tpu.memory_space<vmem>>) target_semaphore(%arg18 : memref<!tpu.dma_semaphore, #tpu.memory_space<semaphore_mem>>)
    %dma_wait3A_104 = arith.constant 0 : i32
    %dma_wait3A_105 = tpu.memref_slice %arg13[%dma_wait3A_104] : memref<10240xf32, #tpu.memory_space<vmem_shared>> -> memref<10240xf32, #tpu.memory_space<vmem_shared>>
    tpu.wait_indirect_dma semaphore(%arg25 : memref<!tpu.dma_semaphore, #tpu.memory_space<semaphore_mem>>) src(%arg11 : memref<80xf32, #tpu.memory_space<vmem>>) dst(%dma_wait3A_105 : memref<10240xf32, #tpu.memory_space<vmem_shared>>)
    %dma_wait3A_106 = arith.constant 0 : i32
    %dma_wait3A_107 = tpu.memref_slice %arg2[%dma_wait3A_106] : memref<320000xi32, #tpu.memory_space<hbm>> -> memref<80xi32, #tpu.memory_space<hbm>>
    %dma_wait3A_108 = arith.constant 0 : i32
    %dma_wait3A_109 = tpu.memref_slice %arg2[%dma_wait3A_108] : memref<320000xi32, #tpu.memory_space<hbm>> -> memref<80xi32, #tpu.memory_space<hbm>>
    tpu.wait_dma2 semaphore(%arg15 : memref<!tpu.dma_semaphore, #tpu.memory_space<semaphore_mem>>) src(%dma_wait3A_109 : memref<80xi32, #tpu.memory_space<hbm>>) dst(%arg6 : memref<80xi32, #tpu.memory_space<vmem>>)
    %dma_start3A_110 = arith.constant 0 : i32
    %dma_start3A_111 = tpu.memref_slice %arg13[%dma_start3A_110] : memref<10240xf32, #tpu.memory_space<vmem_shared>> -> memref<10240xf32, #tpu.memory_space<vmem_shared>>
    tpu.enqueue_indirect_dma source(%arg11 : memref<80xf32, #tpu.memory_space<vmem>>) target(%dma_start3A_111 : memref<10240xf32, #tpu.memory_space<vmem_shared>>) offsets(%arg6 : memref<80xi32, #tpu.memory_space<vmem>>) semaphore(%arg21 : memref<!tpu.dma_semaphore, #tpu.memory_space<semaphore_mem>>) {add = true}
    %dma_wait3A_112 = arith.constant 0 : i32
    %dma_wait3A_113 = tpu.memref_slice %arg13[%dma_wait3A_112] : memref<10240xf32, #tpu.memory_space<vmem_shared>> -> memref<10240xf32, #tpu.memory_space<vmem_shared>>
    tpu.wait_indirect_dma semaphore(%arg20 : memref<!tpu.dma_semaphore, #tpu.memory_space<semaphore_mem>>) src(%arg11 : memref<80xf32, #tpu.memory_space<vmem>>) dst(%dma_wait3A_113 : memref<10240xf32, #tpu.memory_space<vmem_shared>>)
    %dma_wait3A_114 = arith.constant 0 : i32
    %dma_wait3A_115 = tpu.memref_slice %arg2[%dma_wait3A_114] : memref<320000xi32, #tpu.memory_space<hbm>> -> memref<80xi32, #tpu.memory_space<hbm>>
    %dma_wait3A_116 = arith.constant 0 : i32
    %dma_wait3A_117 = tpu.memref_slice %arg2[%dma_wait3A_116] : memref<320000xi32, #tpu.memory_space<hbm>> -> memref<80xi32, #tpu.memory_space<hbm>>
    tpu.wait_dma2 semaphore(%arg16 : memref<!tpu.dma_semaphore, #tpu.memory_space<semaphore_mem>>) src(%dma_wait3A_117 : memref<80xi32, #tpu.memory_space<hbm>>) dst(%arg7 : memref<80xi32, #tpu.memory_space<vmem>>)
    %dma_start3A_118 = arith.constant 0 : i32
    %dma_start3A_119 = tpu.memref_slice %arg13[%dma_start3A_118] : memref<10240xf32, #tpu.memory_space<vmem_shared>> -> memref<10240xf32, #tpu.memory_space<vmem_shared>>
    tpu.enqueue_indirect_dma source(%arg11 : memref<80xf32, #tpu.memory_space<vmem>>) target(%dma_start3A_119 : memref<10240xf32, #tpu.memory_space<vmem_shared>>) offsets(%arg7 : memref<80xi32, #tpu.memory_space<vmem>>) semaphore(%arg22 : memref<!tpu.dma_semaphore, #tpu.memory_space<semaphore_mem>>) {add = true}
    %dma_wait3A_120 = arith.constant 0 : i32
    %dma_wait3A_121 = tpu.memref_slice %arg13[%dma_wait3A_120] : memref<10240xf32, #tpu.memory_space<vmem_shared>> -> memref<10240xf32, #tpu.memory_space<vmem_shared>>
    tpu.wait_indirect_dma semaphore(%arg21 : memref<!tpu.dma_semaphore, #tpu.memory_space<semaphore_mem>>) src(%arg11 : memref<80xf32, #tpu.memory_space<vmem>>) dst(%dma_wait3A_121 : memref<10240xf32, #tpu.memory_space<vmem_shared>>)
    %dma_wait3A_122 = arith.constant 0 : i32
    %dma_wait3A_123 = tpu.memref_slice %arg2[%dma_wait3A_122] : memref<320000xi32, #tpu.memory_space<hbm>> -> memref<80xi32, #tpu.memory_space<hbm>>
    %dma_wait3A_124 = arith.constant 0 : i32
    %dma_wait3A_125 = tpu.memref_slice %arg2[%dma_wait3A_124] : memref<320000xi32, #tpu.memory_space<hbm>> -> memref<80xi32, #tpu.memory_space<hbm>>
    tpu.wait_dma2 semaphore(%arg17 : memref<!tpu.dma_semaphore, #tpu.memory_space<semaphore_mem>>) src(%dma_wait3A_125 : memref<80xi32, #tpu.memory_space<hbm>>) dst(%arg8 : memref<80xi32, #tpu.memory_space<vmem>>)
    %dma_start3A_126 = arith.constant 0 : i32
    %dma_start3A_127 = tpu.memref_slice %arg13[%dma_start3A_126] : memref<10240xf32, #tpu.memory_space<vmem_shared>> -> memref<10240xf32, #tpu.memory_space<vmem_shared>>
    tpu.enqueue_indirect_dma source(%arg11 : memref<80xf32, #tpu.memory_space<vmem>>) target(%dma_start3A_127 : memref<10240xf32, #tpu.memory_space<vmem_shared>>) offsets(%arg8 : memref<80xi32, #tpu.memory_space<vmem>>) semaphore(%arg23 : memref<!tpu.dma_semaphore, #tpu.memory_space<semaphore_mem>>) {add = true}
    %dma_wait3A_128 = arith.constant 0 : i32
    %dma_wait3A_129 = tpu.memref_slice %arg13[%dma_wait3A_128] : memref<10240xf32, #tpu.memory_space<vmem_shared>> -> memref<10240xf32, #tpu.memory_space<vmem_shared>>
    tpu.wait_indirect_dma semaphore(%arg22 : memref<!tpu.dma_semaphore, #tpu.memory_space<semaphore_mem>>) src(%arg11 : memref<80xf32, #tpu.memory_space<vmem>>) dst(%dma_wait3A_129 : memref<10240xf32, #tpu.memory_space<vmem_shared>>)
    %dma_wait3A_130 = arith.constant 0 : i32
    %dma_wait3A_131 = tpu.memref_slice %arg2[%dma_wait3A_130] : memref<320000xi32, #tpu.memory_space<hbm>> -> memref<80xi32, #tpu.memory_space<hbm>>
    %dma_wait3A_132 = arith.constant 0 : i32
    %dma_wait3A_133 = tpu.memref_slice %arg2[%dma_wait3A_132] : memref<320000xi32, #tpu.memory_space<hbm>> -> memref<80xi32, #tpu.memory_space<hbm>>
    tpu.wait_dma2 semaphore(%arg18 : memref<!tpu.dma_semaphore, #tpu.memory_space<semaphore_mem>>) src(%dma_wait3A_133 : memref<80xi32, #tpu.memory_space<hbm>>) dst(%arg9 : memref<80xi32, #tpu.memory_space<vmem>>)
    %dma_start3A_134 = arith.constant 0 : i32
    %dma_start3A_135 = tpu.memref_slice %arg13[%dma_start3A_134] : memref<10240xf32, #tpu.memory_space<vmem_shared>> -> memref<10240xf32, #tpu.memory_space<vmem_shared>>
    tpu.enqueue_indirect_dma source(%arg11 : memref<80xf32, #tpu.memory_space<vmem>>) target(%dma_start3A_135 : memref<10240xf32, #tpu.memory_space<vmem_shared>>) offsets(%arg9 : memref<80xi32, #tpu.memory_space<vmem>>) semaphore(%arg24 : memref<!tpu.dma_semaphore, #tpu.memory_space<semaphore_mem>>) {add = true}
    %dma_wait3A_136 = arith.constant 0 : i32
    %dma_wait3A_137 = tpu.memref_slice %arg13[%dma_wait3A_136] : memref<10240xf32, #tpu.memory_space<vmem_shared>> -> memref<10240xf32, #tpu.memory_space<vmem_shared>>
    tpu.wait_indirect_dma semaphore(%arg23 : memref<!tpu.dma_semaphore, #tpu.memory_space<semaphore_mem>>) src(%arg11 : memref<80xf32, #tpu.memory_space<vmem>>) dst(%dma_wait3A_137 : memref<10240xf32, #tpu.memory_space<vmem_shared>>)
    %dma_wait3A_138 = arith.constant 0 : i32
    %dma_wait3A_139 = tpu.memref_slice %arg13[%dma_wait3A_138] : memref<10240xf32, #tpu.memory_space<vmem_shared>> -> memref<10240xf32, #tpu.memory_space<vmem_shared>>
    tpu.wait_indirect_dma semaphore(%arg24 : memref<!tpu.dma_semaphore, #tpu.memory_space<semaphore_mem>>) src(%arg11 : memref<80xf32, #tpu.memory_space<vmem>>) dst(%dma_wait3A_139 : memref<10240xf32, #tpu.memory_space<vmem_shared>>)
    %barrier3A_140 = arith.constant 0 : index
    tpu.barrier barrier_id(%barrier3A_140)
    %mul3A_141 = arith.constant 640 : i32
    %mul3A_142 = arith.muli %arg1, %mul3A_141 : i32
    %mul3A_143 = arith.constant 640 : i32
    %mul3A_144 = arith.muli %arg1, %mul3A_143 : i32
    "tpu.region"() ({
      %run_scoped3A = tpu.sem_alloc : memref<!tpu.dma_semaphore, #tpu.memory_space<semaphore_mem>>
      %dma_start3A_145 = tpu.memref_slice %arg4[%arg0, %mul3A_144] : memref<2x10240xf32, #tpu.memory_space<hbm>> -> memref<1x640xf32, #tpu.memory_space<hbm>>
      %dma_start3A_146 = tpu.memref_squeeze %dma_start3A_145 : memref<1x640xf32, #tpu.memory_space<hbm>> -> memref<640xf32, #tpu.memory_space<hbm>>
      %dma_start3A_147 = tpu.memref_slice %arg13[%mul3A_142] : memref<10240xf32, #tpu.memory_space<vmem_shared>> -> memref<640xf32, #tpu.memory_space<vmem_shared>>
      tpu.enqueue_dma source(%dma_start3A_147 : memref<640xf32, #tpu.memory_space<vmem_shared>>) target(%dma_start3A_146 : memref<640xf32, #tpu.memory_space<hbm>>) target_semaphore(%run_scoped3A : memref<!tpu.dma_semaphore, #tpu.memory_space<semaphore_mem>>)
      %dma_wait3A_148 = tpu.memref_slice %arg4[%arg0, %mul3A_144] : memref<2x10240xf32, #tpu.memory_space<hbm>> -> memref<1x640xf32, #tpu.memory_space<hbm>>
      %dma_wait3A_149 = tpu.memref_squeeze %dma_wait3A_148 : memref<1x640xf32, #tpu.memory_space<hbm>> -> memref<640xf32, #tpu.memory_space<hbm>>
      %dma_wait3A_150 = tpu.memref_slice %arg13[%mul3A_142] : memref<10240xf32, #tpu.memory_space<vmem_shared>> -> memref<640xf32, #tpu.memory_space<vmem_shared>>
      tpu.wait_dma2 semaphore(%run_scoped3A : memref<!tpu.dma_semaphore, #tpu.memory_space<semaphore_mem>>) src(%dma_wait3A_150 : memref<640xf32, #tpu.memory_space<vmem_shared>>) dst(%dma_wait3A_149 : memref<640xf32, #tpu.memory_space<hbm>>)
      tpu.yield
    }) : () -> ()
    return
  }
}

#map = affine_map<(d0, d1) -> (0, 0)>
#map1 = affine_map<(d0, d1) -> (0)>
#map2 = affine_map<(d0, d1) -> (0, 0, 0)>
module attributes {stable_mosaic.version = 14 : i64} {
  func.func @_sc_scatter(%arg0: i32, %arg1: i32, %arg2: memref<10000x128xf32, #tpu.memory_space<hbm>>, %arg3: memref<10000x128xf32, #tpu.memory_space<hbm>>, %arg4: memref<320000xi32, #tpu.memory_space<hbm>>, %arg5: memref<320000xi32, #tpu.memory_space<hbm>>, %arg6: memref<2x10000x128xf32, #tpu.memory_space<hbm>>, %arg7: memref<80xi32, #tpu.memory_space<vmem>>, %arg8: memref<80xi32, #tpu.memory_space<vmem>>, %arg9: memref<80xi32, #tpu.memory_space<vmem>>, %arg10: memref<80xi32, #tpu.memory_space<vmem>>, %arg11: memref<80xi32, #tpu.memory_space<vmem>>, %arg12: memref<80xi32, #tpu.memory_space<vmem>>, %arg13: memref<80xi32, #tpu.memory_space<vmem>>, %arg14: memref<80xi32, #tpu.memory_space<vmem>>, %arg15: memref<80x128xf32, #tpu.memory_space<vmem>>, %arg16: memref<80x128xf32, #tpu.memory_space<vmem>>, %arg17: memref<80x128xf32, #tpu.memory_space<vmem>>, %arg18: memref<80x128xf32, #tpu.memory_space<vmem>>, %arg19: memref<10000x128xf32, #tpu.memory_space<vmem_shared>>, %arg20: memref<!tpu.dma_semaphore, #tpu.memory_space<semaphore_mem>>, %arg21: memref<!tpu.dma_semaphore, #tpu.memory_space<semaphore_mem>>, %arg22: memref<!tpu.dma_semaphore, #tpu.memory_space<semaphore_mem>>, %arg23: memref<!tpu.dma_semaphore, #tpu.memory_space<semaphore_mem>>, %arg24: memref<!tpu.dma_semaphore, #tpu.memory_space<semaphore_mem>>, %arg25: memref<!tpu.dma_semaphore, #tpu.memory_space<semaphore_mem>>, %arg26: memref<!tpu.dma_semaphore, #tpu.memory_space<semaphore_mem>>, %arg27: memref<!tpu.dma_semaphore, #tpu.memory_space<semaphore_mem>>, %arg28: memref<!tpu.dma_semaphore, #tpu.memory_space<semaphore_mem>>, %arg29: memref<!tpu.dma_semaphore, #tpu.memory_space<semaphore_mem>>, %arg30: memref<!tpu.dma_semaphore, #tpu.memory_space<semaphore_mem>>, %arg31: memref<!tpu.dma_semaphore, #tpu.memory_space<semaphore_mem>>) attributes {dimension_semantics = [#tpu.dimension_semantics<core_parallel>, #tpu.dimension_semantics<subcore_parallel>], iteration_bounds = array<i64: 2, 16>, scalar_prefetch = 0 : i64, scratch_operands = 25 : i64, tpu.core_type = #tpu.core_type<sc_vector_subcore>, window_params = [{transform_indices = #map}, {transform_indices = #map}, {transform_indices = #map1}, {transform_indices = #map1}, {transform_indices = #map2}]} {
    %mul3A = arith.constant 2 : i32
    %mul3A_0 = arith.muli %arg1, %mul3A : i32
    %add3A = arith.addi %mul3A_0, %arg0 : i32
    %eq3A = arith.constant 0 : i32
    %eq3A_1 = arith.cmpi eq, %arg0, %eq3A : i32
    %convert_element_type3A = arith.extui %eq3A_1 : i1 to i32
    %cond3A = arith.constant 0 : i32
    %cond3A_2 = arith.cmpi ne, %convert_element_type3A, %cond3A : i32
    scf.if %cond3A_2 {
      %lt3A_274 = arith.constant 15 : i32
      %lt3A_275 = arith.cmpi slt, %arg1, %lt3A_274 : i32
      %convert_element_type3A_276 = arith.extui %lt3A_275 : i1 to i32
      %cond3A_277 = arith.constant 0 : i32
      %cond3A_278 = arith.cmpi ne, %convert_element_type3A_276, %cond3A_277 : i32
      scf.if %cond3A_278 {
        %mul3A_284 = arith.constant 624 : i32
        %mul3A_285 = arith.muli %arg1, %mul3A_284 : i32
        "tpu.region"() ({
          %run_scoped3A = tpu.sem_alloc : memref<!tpu.dma_semaphore, #tpu.memory_space<semaphore_mem>>
          %dma_start3A_286 = arith.constant 0 : i32
          %dma_start3A_287 = tpu.memref_slice %arg19[%mul3A_285, %dma_start3A_286] : memref<10000x128xf32, #tpu.memory_space<vmem_shared>> -> memref<624x128xf32, #tpu.memory_space<vmem_shared>>
          %dma_start3A_288 = arith.constant 0 : i32
          %dma_start3A_289 = tpu.memref_slice %arg2[%mul3A_285, %dma_start3A_288] : memref<10000x128xf32, #tpu.memory_space<hbm>> -> memref<624x128xf32, #tpu.memory_space<hbm>>
          tpu.enqueue_dma source(%dma_start3A_289 : memref<624x128xf32, #tpu.memory_space<hbm>>) target(%dma_start3A_287 : memref<624x128xf32, #tpu.memory_space<vmem_shared>>) target_semaphore(%run_scoped3A : memref<!tpu.dma_semaphore, #tpu.memory_space<semaphore_mem>>)
          %dma_wait3A_290 = arith.constant 0 : i32
          %dma_wait3A_291 = tpu.memref_slice %arg19[%mul3A_285, %dma_wait3A_290] : memref<10000x128xf32, #tpu.memory_space<vmem_shared>> -> memref<624x128xf32, #tpu.memory_space<vmem_shared>>
          %dma_wait3A_292 = arith.constant 0 : i32
          %dma_wait3A_293 = tpu.memref_slice %arg2[%mul3A_285, %dma_wait3A_292] : memref<10000x128xf32, #tpu.memory_space<hbm>> -> memref<624x128xf32, #tpu.memory_space<hbm>>
          tpu.wait_dma2 semaphore(%run_scoped3A : memref<!tpu.dma_semaphore, #tpu.memory_space<semaphore_mem>>) src(%dma_wait3A_293 : memref<624x128xf32, #tpu.memory_space<hbm>>) dst(%dma_wait3A_291 : memref<624x128xf32, #tpu.memory_space<vmem_shared>>)
          tpu.yield
        }) : () -> ()
      } else {
      }
      %eq3A_279 = arith.constant 15 : i32
      %eq3A_280 = arith.cmpi eq, %arg1, %eq3A_279 : i32
      %convert_element_type3A_281 = arith.extui %eq3A_280 : i1 to i32
      %cond3A_282 = arith.constant 0 : i32
      %cond3A_283 = arith.cmpi ne, %convert_element_type3A_281, %cond3A_282 : i32
      scf.if %cond3A_283 {
        "tpu.region"() ({
          %run_scoped3A = tpu.sem_alloc : memref<!tpu.dma_semaphore, #tpu.memory_space<semaphore_mem>>
          %dma_start3A_284 = arith.constant 9360 : i32
          %dma_start3A_285 = arith.constant 0 : i32
          %dma_start3A_286 = tpu.memref_slice %arg19[%dma_start3A_284, %dma_start3A_285] : memref<10000x128xf32, #tpu.memory_space<vmem_shared>> -> memref<640x128xf32, #tpu.memory_space<vmem_shared>>
          %dma_start3A_287 = arith.constant 9360 : i32
          %dma_start3A_288 = arith.constant 0 : i32
          %dma_start3A_289 = tpu.memref_slice %arg2[%dma_start3A_287, %dma_start3A_288] : memref<10000x128xf32, #tpu.memory_space<hbm>> -> memref<640x128xf32, #tpu.memory_space<hbm>>
          tpu.enqueue_dma source(%dma_start3A_289 : memref<640x128xf32, #tpu.memory_space<hbm>>) target(%dma_start3A_286 : memref<640x128xf32, #tpu.memory_space<vmem_shared>>) target_semaphore(%run_scoped3A : memref<!tpu.dma_semaphore, #tpu.memory_space<semaphore_mem>>)
          %dma_wait3A_290 = arith.constant 9360 : i32
          %dma_wait3A_291 = arith.constant 0 : i32
          %dma_wait3A_292 = tpu.memref_slice %arg19[%dma_wait3A_290, %dma_wait3A_291] : memref<10000x128xf32, #tpu.memory_space<vmem_shared>> -> memref<640x128xf32, #tpu.memory_space<vmem_shared>>
          %dma_wait3A_293 = arith.constant 9360 : i32
          %dma_wait3A_294 = arith.constant 0 : i32
          %dma_wait3A_295 = tpu.memref_slice %arg2[%dma_wait3A_293, %dma_wait3A_294] : memref<10000x128xf32, #tpu.memory_space<hbm>> -> memref<640x128xf32, #tpu.memory_space<hbm>>
          tpu.wait_dma2 semaphore(%run_scoped3A : memref<!tpu.dma_semaphore, #tpu.memory_space<semaphore_mem>>) src(%dma_wait3A_295 : memref<640x128xf32, #tpu.memory_space<hbm>>) dst(%dma_wait3A_292 : memref<640x128xf32, #tpu.memory_space<vmem_shared>>)
          tpu.yield
        }) : () -> ()
      } else {
      }
    } else {
    }
    %ne3A = arith.constant 0 : i32
    %ne3A_3 = arith.cmpi ne, %arg0, %ne3A : i32
    %convert_element_type3A_4 = arith.extui %ne3A_3 : i1 to i32
    %cond3A_5 = arith.constant 0 : i32
    %cond3A_6 = arith.cmpi ne, %convert_element_type3A_4, %cond3A_5 : i32
    scf.if %cond3A_6 {
      %lt3A_274 = arith.constant 15 : i32
      %lt3A_275 = arith.cmpi slt, %arg1, %lt3A_274 : i32
      %convert_element_type3A_276 = arith.extui %lt3A_275 : i1 to i32
      %cond3A_277 = arith.constant 0 : i32
      %cond3A_278 = arith.cmpi ne, %convert_element_type3A_276, %cond3A_277 : i32
      scf.if %cond3A_278 {
        %mul3A_284 = arith.constant 624 : i32
        %mul3A_285 = arith.muli %arg1, %mul3A_284 : i32
        "tpu.region"() ({
          %run_scoped3A = tpu.sem_alloc : memref<!tpu.dma_semaphore, #tpu.memory_space<semaphore_mem>>
          %dma_start3A_286 = arith.constant 0 : i32
          %dma_start3A_287 = tpu.memref_slice %arg19[%mul3A_285, %dma_start3A_286] : memref<10000x128xf32, #tpu.memory_space<vmem_shared>> -> memref<624x128xf32, #tpu.memory_space<vmem_shared>>
          %dma_start3A_288 = arith.constant 0 : i32
          %dma_start3A_289 = tpu.memref_slice %arg3[%mul3A_285, %dma_start3A_288] : memref<10000x128xf32, #tpu.memory_space<hbm>> -> memref<624x128xf32, #tpu.memory_space<hbm>>
          tpu.enqueue_dma source(%dma_start3A_289 : memref<624x128xf32, #tpu.memory_space<hbm>>) target(%dma_start3A_287 : memref<624x128xf32, #tpu.memory_space<vmem_shared>>) target_semaphore(%run_scoped3A : memref<!tpu.dma_semaphore, #tpu.memory_space<semaphore_mem>>)
          %dma_wait3A_290 = arith.constant 0 : i32
          %dma_wait3A_291 = tpu.memref_slice %arg19[%mul3A_285, %dma_wait3A_290] : memref<10000x128xf32, #tpu.memory_space<vmem_shared>> -> memref<624x128xf32, #tpu.memory_space<vmem_shared>>
          %dma_wait3A_292 = arith.constant 0 : i32
          %dma_wait3A_293 = tpu.memref_slice %arg3[%mul3A_285, %dma_wait3A_292] : memref<10000x128xf32, #tpu.memory_space<hbm>> -> memref<624x128xf32, #tpu.memory_space<hbm>>
          tpu.wait_dma2 semaphore(%run_scoped3A : memref<!tpu.dma_semaphore, #tpu.memory_space<semaphore_mem>>) src(%dma_wait3A_293 : memref<624x128xf32, #tpu.memory_space<hbm>>) dst(%dma_wait3A_291 : memref<624x128xf32, #tpu.memory_space<vmem_shared>>)
          tpu.yield
        }) : () -> ()
      } else {
      }
      %eq3A_279 = arith.constant 15 : i32
      %eq3A_280 = arith.cmpi eq, %arg1, %eq3A_279 : i32
      %convert_element_type3A_281 = arith.extui %eq3A_280 : i1 to i32
      %cond3A_282 = arith.constant 0 : i32
      %cond3A_283 = arith.cmpi ne, %convert_element_type3A_281, %cond3A_282 : i32
      scf.if %cond3A_283 {
        "tpu.region"() ({
          %run_scoped3A = tpu.sem_alloc : memref<!tpu.dma_semaphore, #tpu.memory_space<semaphore_mem>>
          %dma_start3A_284 = arith.constant 9360 : i32
          %dma_start3A_285 = arith.constant 0 : i32
          %dma_start3A_286 = tpu.memref_slice %arg19[%dma_start3A_284, %dma_start3A_285] : memref<10000x128xf32, #tpu.memory_space<vmem_shared>> -> memref<640x128xf32, #tpu.memory_space<vmem_shared>>
          %dma_start3A_287 = arith.constant 9360 : i32
          %dma_start3A_288 = arith.constant 0 : i32
          %dma_start3A_289 = tpu.memref_slice %arg3[%dma_start3A_287, %dma_start3A_288] : memref<10000x128xf32, #tpu.memory_space<hbm>> -> memref<640x128xf32, #tpu.memory_space<hbm>>
          tpu.enqueue_dma source(%dma_start3A_289 : memref<640x128xf32, #tpu.memory_space<hbm>>) target(%dma_start3A_286 : memref<640x128xf32, #tpu.memory_space<vmem_shared>>) target_semaphore(%run_scoped3A : memref<!tpu.dma_semaphore, #tpu.memory_space<semaphore_mem>>)
          %dma_wait3A_290 = arith.constant 9360 : i32
          %dma_wait3A_291 = arith.constant 0 : i32
          %dma_wait3A_292 = tpu.memref_slice %arg19[%dma_wait3A_290, %dma_wait3A_291] : memref<10000x128xf32, #tpu.memory_space<vmem_shared>> -> memref<640x128xf32, #tpu.memory_space<vmem_shared>>
          %dma_wait3A_293 = arith.constant 9360 : i32
          %dma_wait3A_294 = arith.constant 0 : i32
          %dma_wait3A_295 = tpu.memref_slice %arg3[%dma_wait3A_293, %dma_wait3A_294] : memref<10000x128xf32, #tpu.memory_space<hbm>> -> memref<640x128xf32, #tpu.memory_space<hbm>>
          tpu.wait_dma2 semaphore(%run_scoped3A : memref<!tpu.dma_semaphore, #tpu.memory_space<semaphore_mem>>) src(%dma_wait3A_295 : memref<640x128xf32, #tpu.memory_space<hbm>>) dst(%dma_wait3A_292 : memref<640x128xf32, #tpu.memory_space<vmem_shared>>)
          tpu.yield
        }) : () -> ()
      } else {
      }
    } else {
    }
    %barrier3A = arith.constant 0 : index
    tpu.barrier barrier_id(%barrier3A)
    %mul3A_7 = arith.constant 10000 : i32
    %mul3A_8 = arith.muli %add3A, %mul3A_7 : i32
    %add3A_9 = arith.constant 0 : i32
    %add3A_10 = arith.addi %mul3A_8, %add3A_9 : i32
    %dma_start3A = tpu.memref_slice %arg4[%add3A_10] : memref<320000xi32, #tpu.memory_space<hbm>> -> memref<80xi32, #tpu.memory_space<hbm>>
    %dma_start3A_11 = tpu.memref_slice %arg4[%add3A_10] : memref<320000xi32, #tpu.memory_space<hbm>> -> memref<80xi32, #tpu.memory_space<hbm>>
    tpu.enqueue_dma source(%dma_start3A_11 : memref<80xi32, #tpu.memory_space<hbm>>) target(%arg7 : memref<80xi32, #tpu.memory_space<vmem>>) target_semaphore(%arg20 : memref<!tpu.dma_semaphore, #tpu.memory_space<semaphore_mem>>)
    %add3A_12 = arith.constant 0 : i32
    %add3A_13 = arith.addi %mul3A_8, %add3A_12 : i32
    %dma_start3A_14 = tpu.memref_slice %arg5[%add3A_13] : memref<320000xi32, #tpu.memory_space<hbm>> -> memref<80xi32, #tpu.memory_space<hbm>>
    %dma_start3A_15 = tpu.memref_slice %arg5[%add3A_13] : memref<320000xi32, #tpu.memory_space<hbm>> -> memref<80xi32, #tpu.memory_space<hbm>>
    tpu.enqueue_dma source(%dma_start3A_15 : memref<80xi32, #tpu.memory_space<hbm>>) target(%arg11 : memref<80xi32, #tpu.memory_space<vmem>>) target_semaphore(%arg20 : memref<!tpu.dma_semaphore, #tpu.memory_space<semaphore_mem>>)
    %add3A_16 = arith.constant 80 : i32
    %add3A_17 = arith.addi %mul3A_8, %add3A_16 : i32
    %dma_start3A_18 = tpu.memref_slice %arg4[%add3A_17] : memref<320000xi32, #tpu.memory_space<hbm>> -> memref<80xi32, #tpu.memory_space<hbm>>
    %dma_start3A_19 = tpu.memref_slice %arg4[%add3A_17] : memref<320000xi32, #tpu.memory_space<hbm>> -> memref<80xi32, #tpu.memory_space<hbm>>
    tpu.enqueue_dma source(%dma_start3A_19 : memref<80xi32, #tpu.memory_space<hbm>>) target(%arg8 : memref<80xi32, #tpu.memory_space<vmem>>) target_semaphore(%arg21 : memref<!tpu.dma_semaphore, #tpu.memory_space<semaphore_mem>>)
    %add3A_20 = arith.constant 80 : i32
    %add3A_21 = arith.addi %mul3A_8, %add3A_20 : i32
    %dma_start3A_22 = tpu.memref_slice %arg5[%add3A_21] : memref<320000xi32, #tpu.memory_space<hbm>> -> memref<80xi32, #tpu.memory_space<hbm>>
    %dma_start3A_23 = tpu.memref_slice %arg5[%add3A_21] : memref<320000xi32, #tpu.memory_space<hbm>> -> memref<80xi32, #tpu.memory_space<hbm>>
    tpu.enqueue_dma source(%dma_start3A_23 : memref<80xi32, #tpu.memory_space<hbm>>) target(%arg12 : memref<80xi32, #tpu.memory_space<vmem>>) target_semaphore(%arg21 : memref<!tpu.dma_semaphore, #tpu.memory_space<semaphore_mem>>)
    %add3A_24 = arith.constant 160 : i32
    %add3A_25 = arith.addi %mul3A_8, %add3A_24 : i32
    %dma_start3A_26 = tpu.memref_slice %arg4[%add3A_25] : memref<320000xi32, #tpu.memory_space<hbm>> -> memref<80xi32, #tpu.memory_space<hbm>>
    %dma_start3A_27 = tpu.memref_slice %arg4[%add3A_25] : memref<320000xi32, #tpu.memory_space<hbm>> -> memref<80xi32, #tpu.memory_space<hbm>>
    tpu.enqueue_dma source(%dma_start3A_27 : memref<80xi32, #tpu.memory_space<hbm>>) target(%arg9 : memref<80xi32, #tpu.memory_space<vmem>>) target_semaphore(%arg22 : memref<!tpu.dma_semaphore, #tpu.memory_space<semaphore_mem>>)
    %add3A_28 = arith.constant 160 : i32
    %add3A_29 = arith.addi %mul3A_8, %add3A_28 : i32
    %dma_start3A_30 = tpu.memref_slice %arg5[%add3A_29] : memref<320000xi32, #tpu.memory_space<hbm>> -> memref<80xi32, #tpu.memory_space<hbm>>
    %dma_start3A_31 = tpu.memref_slice %arg5[%add3A_29] : memref<320000xi32, #tpu.memory_space<hbm>> -> memref<80xi32, #tpu.memory_space<hbm>>
    tpu.enqueue_dma source(%dma_start3A_31 : memref<80xi32, #tpu.memory_space<hbm>>) target(%arg13 : memref<80xi32, #tpu.memory_space<vmem>>) target_semaphore(%arg22 : memref<!tpu.dma_semaphore, #tpu.memory_space<semaphore_mem>>)
    %dma_wait3A = arith.constant 0 : i32
    %dma_wait3A_32 = tpu.memref_slice %arg4[%dma_wait3A] : memref<320000xi32, #tpu.memory_space<hbm>> -> memref<80xi32, #tpu.memory_space<hbm>>
    %dma_wait3A_33 = arith.constant 0 : i32
    %dma_wait3A_34 = tpu.memref_slice %arg4[%dma_wait3A_33] : memref<320000xi32, #tpu.memory_space<hbm>> -> memref<80xi32, #tpu.memory_space<hbm>>
    tpu.wait_dma2 semaphore(%arg20 : memref<!tpu.dma_semaphore, #tpu.memory_space<semaphore_mem>>) src(%dma_wait3A_34 : memref<80xi32, #tpu.memory_space<hbm>>) dst(%arg7 : memref<80xi32, #tpu.memory_space<vmem>>)
    %dma_wait3A_35 = arith.constant 0 : i32
    %dma_wait3A_36 = tpu.memref_slice %arg5[%dma_wait3A_35] : memref<320000xi32, #tpu.memory_space<hbm>> -> memref<80xi32, #tpu.memory_space<hbm>>
    %dma_wait3A_37 = arith.constant 0 : i32
    %dma_wait3A_38 = tpu.memref_slice %arg5[%dma_wait3A_37] : memref<320000xi32, #tpu.memory_space<hbm>> -> memref<80xi32, #tpu.memory_space<hbm>>
    tpu.wait_dma2 semaphore(%arg20 : memref<!tpu.dma_semaphore, #tpu.memory_space<semaphore_mem>>) src(%dma_wait3A_38 : memref<80xi32, #tpu.memory_space<hbm>>) dst(%arg11 : memref<80xi32, #tpu.memory_space<vmem>>)
    %dma_start3A_39 = arith.constant 0 : i32
    %dma_start3A_40 = arith.constant 0 : i32
    %dma_start3A_41 = tpu.memref_slice %arg2[%dma_start3A_39, %dma_start3A_40] : memref<10000x128xf32, #tpu.memory_space<hbm>> -> memref<10000x128xf32, #tpu.memory_space<hbm>>
    tpu.enqueue_indirect_dma source(%dma_start3A_41 : memref<10000x128xf32, #tpu.memory_space<hbm>>) target(%arg15 : memref<80x128xf32, #tpu.memory_space<vmem>>) offsets(%arg7 : memref<80xi32, #tpu.memory_space<vmem>>) semaphore(%arg24 : memref<!tpu.dma_semaphore, #tpu.memory_space<semaphore_mem>>)
    %dma_wait3A_42 = arith.constant 0 : i32
    %dma_wait3A_43 = tpu.memref_slice %arg4[%dma_wait3A_42] : memref<320000xi32, #tpu.memory_space<hbm>> -> memref<80xi32, #tpu.memory_space<hbm>>
    %dma_wait3A_44 = arith.constant 0 : i32
    %dma_wait3A_45 = tpu.memref_slice %arg4[%dma_wait3A_44] : memref<320000xi32, #tpu.memory_space<hbm>> -> memref<80xi32, #tpu.memory_space<hbm>>
    tpu.wait_dma2 semaphore(%arg21 : memref<!tpu.dma_semaphore, #tpu.memory_space<semaphore_mem>>) src(%dma_wait3A_45 : memref<80xi32, #tpu.memory_space<hbm>>) dst(%arg8 : memref<80xi32, #tpu.memory_space<vmem>>)
    %dma_wait3A_46 = arith.constant 0 : i32
    %dma_wait3A_47 = tpu.memref_slice %arg5[%dma_wait3A_46] : memref<320000xi32, #tpu.memory_space<hbm>> -> memref<80xi32, #tpu.memory_space<hbm>>
    %dma_wait3A_48 = arith.constant 0 : i32
    %dma_wait3A_49 = tpu.memref_slice %arg5[%dma_wait3A_48] : memref<320000xi32, #tpu.memory_space<hbm>> -> memref<80xi32, #tpu.memory_space<hbm>>
    tpu.wait_dma2 semaphore(%arg21 : memref<!tpu.dma_semaphore, #tpu.memory_space<semaphore_mem>>) src(%dma_wait3A_49 : memref<80xi32, #tpu.memory_space<hbm>>) dst(%arg12 : memref<80xi32, #tpu.memory_space<vmem>>)
    %dma_start3A_50 = arith.constant 0 : i32
    %dma_start3A_51 = arith.constant 0 : i32
    %dma_start3A_52 = tpu.memref_slice %arg2[%dma_start3A_50, %dma_start3A_51] : memref<10000x128xf32, #tpu.memory_space<hbm>> -> memref<10000x128xf32, #tpu.memory_space<hbm>>
    tpu.enqueue_indirect_dma source(%dma_start3A_52 : memref<10000x128xf32, #tpu.memory_space<hbm>>) target(%arg16 : memref<80x128xf32, #tpu.memory_space<vmem>>) offsets(%arg8 : memref<80xi32, #tpu.memory_space<vmem>>) semaphore(%arg25 : memref<!tpu.dma_semaphore, #tpu.memory_space<semaphore_mem>>)
    %dma_wait3A_53 = arith.constant 0 : i32
    %dma_wait3A_54 = tpu.memref_slice %arg4[%dma_wait3A_53] : memref<320000xi32, #tpu.memory_space<hbm>> -> memref<80xi32, #tpu.memory_space<hbm>>
    %dma_wait3A_55 = arith.constant 0 : i32
    %dma_wait3A_56 = tpu.memref_slice %arg4[%dma_wait3A_55] : memref<320000xi32, #tpu.memory_space<hbm>> -> memref<80xi32, #tpu.memory_space<hbm>>
    tpu.wait_dma2 semaphore(%arg22 : memref<!tpu.dma_semaphore, #tpu.memory_space<semaphore_mem>>) src(%dma_wait3A_56 : memref<80xi32, #tpu.memory_space<hbm>>) dst(%arg9 : memref<80xi32, #tpu.memory_space<vmem>>)
    %dma_wait3A_57 = arith.constant 0 : i32
    %dma_wait3A_58 = tpu.memref_slice %arg5[%dma_wait3A_57] : memref<320000xi32, #tpu.memory_space<hbm>> -> memref<80xi32, #tpu.memory_space<hbm>>
    %dma_wait3A_59 = arith.constant 0 : i32
    %dma_wait3A_60 = tpu.memref_slice %arg5[%dma_wait3A_59] : memref<320000xi32, #tpu.memory_space<hbm>> -> memref<80xi32, #tpu.memory_space<hbm>>
    tpu.wait_dma2 semaphore(%arg22 : memref<!tpu.dma_semaphore, #tpu.memory_space<semaphore_mem>>) src(%dma_wait3A_60 : memref<80xi32, #tpu.memory_space<hbm>>) dst(%arg13 : memref<80xi32, #tpu.memory_space<vmem>>)
    %add3A_61 = arith.constant 240 : i32
    %add3A_62 = arith.addi %mul3A_8, %add3A_61 : i32
    %dma_start3A_63 = tpu.memref_slice %arg4[%add3A_62] : memref<320000xi32, #tpu.memory_space<hbm>> -> memref<80xi32, #tpu.memory_space<hbm>>
    %dma_start3A_64 = tpu.memref_slice %arg4[%add3A_62] : memref<320000xi32, #tpu.memory_space<hbm>> -> memref<80xi32, #tpu.memory_space<hbm>>
    tpu.enqueue_dma source(%dma_start3A_64 : memref<80xi32, #tpu.memory_space<hbm>>) target(%arg10 : memref<80xi32, #tpu.memory_space<vmem>>) target_semaphore(%arg23 : memref<!tpu.dma_semaphore, #tpu.memory_space<semaphore_mem>>)
    %add3A_65 = arith.constant 240 : i32
    %add3A_66 = arith.addi %mul3A_8, %add3A_65 : i32
    %dma_start3A_67 = tpu.memref_slice %arg5[%add3A_66] : memref<320000xi32, #tpu.memory_space<hbm>> -> memref<80xi32, #tpu.memory_space<hbm>>
    %dma_start3A_68 = tpu.memref_slice %arg5[%add3A_66] : memref<320000xi32, #tpu.memory_space<hbm>> -> memref<80xi32, #tpu.memory_space<hbm>>
    tpu.enqueue_dma source(%dma_start3A_68 : memref<80xi32, #tpu.memory_space<hbm>>) target(%arg14 : memref<80xi32, #tpu.memory_space<vmem>>) target_semaphore(%arg23 : memref<!tpu.dma_semaphore, #tpu.memory_space<semaphore_mem>>)
    %dma_start3A_69 = arith.constant 0 : i32
    %dma_start3A_70 = arith.constant 0 : i32
    %dma_start3A_71 = tpu.memref_slice %arg2[%dma_start3A_69, %dma_start3A_70] : memref<10000x128xf32, #tpu.memory_space<hbm>> -> memref<10000x128xf32, #tpu.memory_space<hbm>>
    tpu.enqueue_indirect_dma source(%dma_start3A_71 : memref<10000x128xf32, #tpu.memory_space<hbm>>) target(%arg17 : memref<80x128xf32, #tpu.memory_space<vmem>>) offsets(%arg9 : memref<80xi32, #tpu.memory_space<vmem>>) semaphore(%arg26 : memref<!tpu.dma_semaphore, #tpu.memory_space<semaphore_mem>>)
    %dma_wait3A_72 = arith.constant 0 : i32
    %dma_wait3A_73 = arith.constant 0 : i32
    %dma_wait3A_74 = tpu.memref_slice %arg2[%dma_wait3A_72, %dma_wait3A_73] : memref<10000x128xf32, #tpu.memory_space<hbm>> -> memref<10000x128xf32, #tpu.memory_space<hbm>>
    tpu.wait_indirect_dma semaphore(%arg24 : memref<!tpu.dma_semaphore, #tpu.memory_space<semaphore_mem>>) src(%dma_wait3A_74 : memref<10000x128xf32, #tpu.memory_space<hbm>>) dst(%arg15 : memref<80x128xf32, #tpu.memory_space<vmem>>)
    %dma_start3A_75 = arith.constant 0 : i32
    %dma_start3A_76 = arith.constant 0 : i32
    %dma_start3A_77 = tpu.memref_slice %arg19[%dma_start3A_75, %dma_start3A_76] : memref<10000x128xf32, #tpu.memory_space<vmem_shared>> -> memref<10000x128xf32, #tpu.memory_space<vmem_shared>>
    tpu.enqueue_indirect_dma source(%arg15 : memref<80x128xf32, #tpu.memory_space<vmem>>) target(%dma_start3A_77 : memref<10000x128xf32, #tpu.memory_space<vmem_shared>>) offsets(%arg11 : memref<80xi32, #tpu.memory_space<vmem>>) semaphore(%arg28 : memref<!tpu.dma_semaphore, #tpu.memory_space<semaphore_mem>>) {add = true}
    %dma_wait3A_78 = arith.constant 0 : i32
    %dma_wait3A_79 = tpu.memref_slice %arg4[%dma_wait3A_78] : memref<320000xi32, #tpu.memory_space<hbm>> -> memref<80xi32, #tpu.memory_space<hbm>>
    %dma_wait3A_80 = arith.constant 0 : i32
    %dma_wait3A_81 = tpu.memref_slice %arg4[%dma_wait3A_80] : memref<320000xi32, #tpu.memory_space<hbm>> -> memref<80xi32, #tpu.memory_space<hbm>>
    tpu.wait_dma2 semaphore(%arg23 : memref<!tpu.dma_semaphore, #tpu.memory_space<semaphore_mem>>) src(%dma_wait3A_81 : memref<80xi32, #tpu.memory_space<hbm>>) dst(%arg10 : memref<80xi32, #tpu.memory_space<vmem>>)
    %dma_wait3A_82 = arith.constant 0 : i32
    %dma_wait3A_83 = tpu.memref_slice %arg5[%dma_wait3A_82] : memref<320000xi32, #tpu.memory_space<hbm>> -> memref<80xi32, #tpu.memory_space<hbm>>
    %dma_wait3A_84 = arith.constant 0 : i32
    %dma_wait3A_85 = tpu.memref_slice %arg5[%dma_wait3A_84] : memref<320000xi32, #tpu.memory_space<hbm>> -> memref<80xi32, #tpu.memory_space<hbm>>
    tpu.wait_dma2 semaphore(%arg23 : memref<!tpu.dma_semaphore, #tpu.memory_space<semaphore_mem>>) src(%dma_wait3A_85 : memref<80xi32, #tpu.memory_space<hbm>>) dst(%arg14 : memref<80xi32, #tpu.memory_space<vmem>>)
    %dma_wait3A_86 = arith.constant 0 : i32
    %dma_wait3A_87 = arith.constant 0 : i32
    %dma_wait3A_88 = tpu.memref_slice %arg19[%dma_wait3A_86, %dma_wait3A_87] : memref<10000x128xf32, #tpu.memory_space<vmem_shared>> -> memref<10000x128xf32, #tpu.memory_space<vmem_shared>>
    tpu.wait_indirect_dma semaphore(%arg28 : memref<!tpu.dma_semaphore, #tpu.memory_space<semaphore_mem>>) src(%arg15 : memref<80x128xf32, #tpu.memory_space<vmem>>) dst(%dma_wait3A_88 : memref<10000x128xf32, #tpu.memory_space<vmem_shared>>)
    %add3A_89 = arith.constant 320 : i32
    %add3A_90 = arith.addi %mul3A_8, %add3A_89 : i32
    %dma_start3A_91 = tpu.memref_slice %arg4[%add3A_90] : memref<320000xi32, #tpu.memory_space<hbm>> -> memref<80xi32, #tpu.memory_space<hbm>>
    %dma_start3A_92 = tpu.memref_slice %arg4[%add3A_90] : memref<320000xi32, #tpu.memory_space<hbm>> -> memref<80xi32, #tpu.memory_space<hbm>>
    tpu.enqueue_dma source(%dma_start3A_92 : memref<80xi32, #tpu.memory_space<hbm>>) target(%arg7 : memref<80xi32, #tpu.memory_space<vmem>>) target_semaphore(%arg20 : memref<!tpu.dma_semaphore, #tpu.memory_space<semaphore_mem>>)
    %add3A_93 = arith.constant 320 : i32
    %add3A_94 = arith.addi %mul3A_8, %add3A_93 : i32
    %dma_start3A_95 = tpu.memref_slice %arg5[%add3A_94] : memref<320000xi32, #tpu.memory_space<hbm>> -> memref<80xi32, #tpu.memory_space<hbm>>
    %dma_start3A_96 = tpu.memref_slice %arg5[%add3A_94] : memref<320000xi32, #tpu.memory_space<hbm>> -> memref<80xi32, #tpu.memory_space<hbm>>
    tpu.enqueue_dma source(%dma_start3A_96 : memref<80xi32, #tpu.memory_space<hbm>>) target(%arg11 : memref<80xi32, #tpu.memory_space<vmem>>) target_semaphore(%arg20 : memref<!tpu.dma_semaphore, #tpu.memory_space<semaphore_mem>>)
    %dma_start3A_97 = arith.constant 0 : i32
    %dma_start3A_98 = arith.constant 0 : i32
    %dma_start3A_99 = tpu.memref_slice %arg2[%dma_start3A_97, %dma_start3A_98] : memref<10000x128xf32, #tpu.memory_space<hbm>> -> memref<10000x128xf32, #tpu.memory_space<hbm>>
    tpu.enqueue_indirect_dma source(%dma_start3A_99 : memref<10000x128xf32, #tpu.memory_space<hbm>>) target(%arg18 : memref<80x128xf32, #tpu.memory_space<vmem>>) offsets(%arg10 : memref<80xi32, #tpu.memory_space<vmem>>) semaphore(%arg27 : memref<!tpu.dma_semaphore, #tpu.memory_space<semaphore_mem>>)
    %dma_wait3A_100 = arith.constant 0 : i32
    %dma_wait3A_101 = arith.constant 0 : i32
    %dma_wait3A_102 = tpu.memref_slice %arg2[%dma_wait3A_100, %dma_wait3A_101] : memref<10000x128xf32, #tpu.memory_space<hbm>> -> memref<10000x128xf32, #tpu.memory_space<hbm>>
    tpu.wait_indirect_dma semaphore(%arg25 : memref<!tpu.dma_semaphore, #tpu.memory_space<semaphore_mem>>) src(%dma_wait3A_102 : memref<10000x128xf32, #tpu.memory_space<hbm>>) dst(%arg16 : memref<80x128xf32, #tpu.memory_space<vmem>>)
    %dma_start3A_103 = arith.constant 0 : i32
    %dma_start3A_104 = arith.constant 0 : i32
    %dma_start3A_105 = tpu.memref_slice %arg19[%dma_start3A_103, %dma_start3A_104] : memref<10000x128xf32, #tpu.memory_space<vmem_shared>> -> memref<10000x128xf32, #tpu.memory_space<vmem_shared>>
    tpu.enqueue_indirect_dma source(%arg16 : memref<80x128xf32, #tpu.memory_space<vmem>>) target(%dma_start3A_105 : memref<10000x128xf32, #tpu.memory_space<vmem_shared>>) offsets(%arg12 : memref<80xi32, #tpu.memory_space<vmem>>) semaphore(%arg29 : memref<!tpu.dma_semaphore, #tpu.memory_space<semaphore_mem>>) {add = true}
    %dma_wait3A_106 = arith.constant 0 : i32
    %dma_wait3A_107 = tpu.memref_slice %arg4[%dma_wait3A_106] : memref<320000xi32, #tpu.memory_space<hbm>> -> memref<80xi32, #tpu.memory_space<hbm>>
    %dma_wait3A_108 = arith.constant 0 : i32
    %dma_wait3A_109 = tpu.memref_slice %arg4[%dma_wait3A_108] : memref<320000xi32, #tpu.memory_space<hbm>> -> memref<80xi32, #tpu.memory_space<hbm>>
    tpu.wait_dma2 semaphore(%arg20 : memref<!tpu.dma_semaphore, #tpu.memory_space<semaphore_mem>>) src(%dma_wait3A_109 : memref<80xi32, #tpu.memory_space<hbm>>) dst(%arg7 : memref<80xi32, #tpu.memory_space<vmem>>)
    %dma_wait3A_110 = arith.constant 0 : i32
    %dma_wait3A_111 = tpu.memref_slice %arg5[%dma_wait3A_110] : memref<320000xi32, #tpu.memory_space<hbm>> -> memref<80xi32, #tpu.memory_space<hbm>>
    %dma_wait3A_112 = arith.constant 0 : i32
    %dma_wait3A_113 = tpu.memref_slice %arg5[%dma_wait3A_112] : memref<320000xi32, #tpu.memory_space<hbm>> -> memref<80xi32, #tpu.memory_space<hbm>>
    tpu.wait_dma2 semaphore(%arg20 : memref<!tpu.dma_semaphore, #tpu.memory_space<semaphore_mem>>) src(%dma_wait3A_113 : memref<80xi32, #tpu.memory_space<hbm>>) dst(%arg11 : memref<80xi32, #tpu.memory_space<vmem>>)
    %dma_wait3A_114 = arith.constant 0 : i32
    %dma_wait3A_115 = arith.constant 0 : i32
    %dma_wait3A_116 = tpu.memref_slice %arg19[%dma_wait3A_114, %dma_wait3A_115] : memref<10000x128xf32, #tpu.memory_space<vmem_shared>> -> memref<10000x128xf32, #tpu.memory_space<vmem_shared>>
    tpu.wait_indirect_dma semaphore(%arg29 : memref<!tpu.dma_semaphore, #tpu.memory_space<semaphore_mem>>) src(%arg16 : memref<80x128xf32, #tpu.memory_space<vmem>>) dst(%dma_wait3A_116 : memref<10000x128xf32, #tpu.memory_space<vmem_shared>>)
    %add3A_117 = arith.constant 400 : i32
    %add3A_118 = arith.addi %mul3A_8, %add3A_117 : i32
    %dma_start3A_119 = tpu.memref_slice %arg4[%add3A_118] : memref<320000xi32, #tpu.memory_space<hbm>> -> memref<80xi32, #tpu.memory_space<hbm>>
    %dma_start3A_120 = tpu.memref_slice %arg4[%add3A_118] : memref<320000xi32, #tpu.memory_space<hbm>> -> memref<80xi32, #tpu.memory_space<hbm>>
    tpu.enqueue_dma source(%dma_start3A_120 : memref<80xi32, #tpu.memory_space<hbm>>) target(%arg8 : memref<80xi32, #tpu.memory_space<vmem>>) target_semaphore(%arg21 : memref<!tpu.dma_semaphore, #tpu.memory_space<semaphore_mem>>)
    %add3A_121 = arith.constant 400 : i32
    %add3A_122 = arith.addi %mul3A_8, %add3A_121 : i32
    %dma_start3A_123 = tpu.memref_slice %arg5[%add3A_122] : memref<320000xi32, #tpu.memory_space<hbm>> -> memref<80xi32, #tpu.memory_space<hbm>>
    %dma_start3A_124 = tpu.memref_slice %arg5[%add3A_122] : memref<320000xi32, #tpu.memory_space<hbm>> -> memref<80xi32, #tpu.memory_space<hbm>>
    tpu.enqueue_dma source(%dma_start3A_124 : memref<80xi32, #tpu.memory_space<hbm>>) target(%arg12 : memref<80xi32, #tpu.memory_space<vmem>>) target_semaphore(%arg21 : memref<!tpu.dma_semaphore, #tpu.memory_space<semaphore_mem>>)
    %dma_start3A_125 = arith.constant 0 : i32
    %dma_start3A_126 = arith.constant 0 : i32
    %dma_start3A_127 = tpu.memref_slice %arg2[%dma_start3A_125, %dma_start3A_126] : memref<10000x128xf32, #tpu.memory_space<hbm>> -> memref<10000x128xf32, #tpu.memory_space<hbm>>
    tpu.enqueue_indirect_dma source(%dma_start3A_127 : memref<10000x128xf32, #tpu.memory_space<hbm>>) target(%arg15 : memref<80x128xf32, #tpu.memory_space<vmem>>) offsets(%arg7 : memref<80xi32, #tpu.memory_space<vmem>>) semaphore(%arg24 : memref<!tpu.dma_semaphore, #tpu.memory_space<semaphore_mem>>)
    %dma_wait3A_128 = arith.constant 0 : i32
    %dma_wait3A_129 = arith.constant 0 : i32
    %dma_wait3A_130 = tpu.memref_slice %arg2[%dma_wait3A_128, %dma_wait3A_129] : memref<10000x128xf32, #tpu.memory_space<hbm>> -> memref<10000x128xf32, #tpu.memory_space<hbm>>
    tpu.wait_indirect_dma semaphore(%arg26 : memref<!tpu.dma_semaphore, #tpu.memory_space<semaphore_mem>>) src(%dma_wait3A_130 : memref<10000x128xf32, #tpu.memory_space<hbm>>) dst(%arg17 : memref<80x128xf32, #tpu.memory_space<vmem>>)
    %dma_start3A_131 = arith.constant 0 : i32
    %dma_start3A_132 = arith.constant 0 : i32
    %dma_start3A_133 = tpu.memref_slice %arg19[%dma_start3A_131, %dma_start3A_132] : memref<10000x128xf32, #tpu.memory_space<vmem_shared>> -> memref<10000x128xf32, #tpu.memory_space<vmem_shared>>
    tpu.enqueue_indirect_dma source(%arg17 : memref<80x128xf32, #tpu.memory_space<vmem>>) target(%dma_start3A_133 : memref<10000x128xf32, #tpu.memory_space<vmem_shared>>) offsets(%arg13 : memref<80xi32, #tpu.memory_space<vmem>>) semaphore(%arg30 : memref<!tpu.dma_semaphore, #tpu.memory_space<semaphore_mem>>) {add = true}
    %dma_wait3A_134 = arith.constant 0 : i32
    %dma_wait3A_135 = tpu.memref_slice %arg4[%dma_wait3A_134] : memref<320000xi32, #tpu.memory_space<hbm>> -> memref<80xi32, #tpu.memory_space<hbm>>
    %dma_wait3A_136 = arith.constant 0 : i32
    %dma_wait3A_137 = tpu.memref_slice %arg4[%dma_wait3A_136] : memref<320000xi32, #tpu.memory_space<hbm>> -> memref<80xi32, #tpu.memory_space<hbm>>
    tpu.wait_dma2 semaphore(%arg21 : memref<!tpu.dma_semaphore, #tpu.memory_space<semaphore_mem>>) src(%dma_wait3A_137 : memref<80xi32, #tpu.memory_space<hbm>>) dst(%arg8 : memref<80xi32, #tpu.memory_space<vmem>>)
    %dma_wait3A_138 = arith.constant 0 : i32
    %dma_wait3A_139 = tpu.memref_slice %arg5[%dma_wait3A_138] : memref<320000xi32, #tpu.memory_space<hbm>> -> memref<80xi32, #tpu.memory_space<hbm>>
    %dma_wait3A_140 = arith.constant 0 : i32
    %dma_wait3A_141 = tpu.memref_slice %arg5[%dma_wait3A_140] : memref<320000xi32, #tpu.memory_space<hbm>> -> memref<80xi32, #tpu.memory_space<hbm>>
    tpu.wait_dma2 semaphore(%arg21 : memref<!tpu.dma_semaphore, #tpu.memory_space<semaphore_mem>>) src(%dma_wait3A_141 : memref<80xi32, #tpu.memory_space<hbm>>) dst(%arg12 : memref<80xi32, #tpu.memory_space<vmem>>)
    %dma_wait3A_142 = arith.constant 0 : i32
    %dma_wait3A_143 = arith.constant 0 : i32
    %dma_wait3A_144 = tpu.memref_slice %arg19[%dma_wait3A_142, %dma_wait3A_143] : memref<10000x128xf32, #tpu.memory_space<vmem_shared>> -> memref<10000x128xf32, #tpu.memory_space<vmem_shared>>
    tpu.wait_indirect_dma semaphore(%arg30 : memref<!tpu.dma_semaphore, #tpu.memory_space<semaphore_mem>>) src(%arg17 : memref<80x128xf32, #tpu.memory_space<vmem>>) dst(%dma_wait3A_144 : memref<10000x128xf32, #tpu.memory_space<vmem_shared>>)
    %add3A_145 = arith.constant 480 : i32
    %add3A_146 = arith.addi %mul3A_8, %add3A_145 : i32
    %dma_start3A_147 = tpu.memref_slice %arg4[%add3A_146] : memref<320000xi32, #tpu.memory_space<hbm>> -> memref<80xi32, #tpu.memory_space<hbm>>
    %dma_start3A_148 = tpu.memref_slice %arg4[%add3A_146] : memref<320000xi32, #tpu.memory_space<hbm>> -> memref<80xi32, #tpu.memory_space<hbm>>
    tpu.enqueue_dma source(%dma_start3A_148 : memref<80xi32, #tpu.memory_space<hbm>>) target(%arg9 : memref<80xi32, #tpu.memory_space<vmem>>) target_semaphore(%arg22 : memref<!tpu.dma_semaphore, #tpu.memory_space<semaphore_mem>>)
    %add3A_149 = arith.constant 480 : i32
    %add3A_150 = arith.addi %mul3A_8, %add3A_149 : i32
    %dma_start3A_151 = tpu.memref_slice %arg5[%add3A_150] : memref<320000xi32, #tpu.memory_space<hbm>> -> memref<80xi32, #tpu.memory_space<hbm>>
    %dma_start3A_152 = tpu.memref_slice %arg5[%add3A_150] : memref<320000xi32, #tpu.memory_space<hbm>> -> memref<80xi32, #tpu.memory_space<hbm>>
    tpu.enqueue_dma source(%dma_start3A_152 : memref<80xi32, #tpu.memory_space<hbm>>) target(%arg13 : memref<80xi32, #tpu.memory_space<vmem>>) target_semaphore(%arg22 : memref<!tpu.dma_semaphore, #tpu.memory_space<semaphore_mem>>)
    %dma_start3A_153 = arith.constant 0 : i32
    %dma_start3A_154 = arith.constant 0 : i32
    %dma_start3A_155 = tpu.memref_slice %arg2[%dma_start3A_153, %dma_start3A_154] : memref<10000x128xf32, #tpu.memory_space<hbm>> -> memref<10000x128xf32, #tpu.memory_space<hbm>>
    tpu.enqueue_indirect_dma source(%dma_start3A_155 : memref<10000x128xf32, #tpu.memory_space<hbm>>) target(%arg16 : memref<80x128xf32, #tpu.memory_space<vmem>>) offsets(%arg8 : memref<80xi32, #tpu.memory_space<vmem>>) semaphore(%arg25 : memref<!tpu.dma_semaphore, #tpu.memory_space<semaphore_mem>>)
    %dma_wait3A_156 = arith.constant 0 : i32
    %dma_wait3A_157 = arith.constant 0 : i32
    %dma_wait3A_158 = tpu.memref_slice %arg2[%dma_wait3A_156, %dma_wait3A_157] : memref<10000x128xf32, #tpu.memory_space<hbm>> -> memref<10000x128xf32, #tpu.memory_space<hbm>>
    tpu.wait_indirect_dma semaphore(%arg27 : memref<!tpu.dma_semaphore, #tpu.memory_space<semaphore_mem>>) src(%dma_wait3A_158 : memref<10000x128xf32, #tpu.memory_space<hbm>>) dst(%arg18 : memref<80x128xf32, #tpu.memory_space<vmem>>)
    %dma_start3A_159 = arith.constant 0 : i32
    %dma_start3A_160 = arith.constant 0 : i32
    %dma_start3A_161 = tpu.memref_slice %arg19[%dma_start3A_159, %dma_start3A_160] : memref<10000x128xf32, #tpu.memory_space<vmem_shared>> -> memref<10000x128xf32, #tpu.memory_space<vmem_shared>>
    tpu.enqueue_indirect_dma source(%arg18 : memref<80x128xf32, #tpu.memory_space<vmem>>) target(%dma_start3A_161 : memref<10000x128xf32, #tpu.memory_space<vmem_shared>>) offsets(%arg14 : memref<80xi32, #tpu.memory_space<vmem>>) semaphore(%arg31 : memref<!tpu.dma_semaphore, #tpu.memory_space<semaphore_mem>>) {add = true}
    %scan3A = arith.constant 0 : i32
    %scan3A_162 = arith.constant 0 : i32
    %scan3A_163 = arith.constant 29 : i32
    %scan3A_164 = arith.addi %scan3A_162, %scan3A_163 : i32
    %scan3A_165 = arith.constant 1 : i32
    scf.for %scan3A_274 = %scan3A_162 to %scan3A_164 step %scan3A_165  : i32 {
      %mul3A_275 = arith.constant 4 : i32
      %mul3A_276 = arith.muli %scan3A_274, %mul3A_275 : i32
      %add3A_277 = arith.constant 4 : i32
      %add3A_278 = arith.addi %add3A_277, %mul3A_276 : i32
      %add3A_279 = arith.constant 0 : i32
      %add3A_280 = arith.addi %add3A_278, %add3A_279 : i32
      %dma_wait3A_281 = arith.constant 0 : i32
      %dma_wait3A_282 = tpu.memref_slice %arg4[%dma_wait3A_281] : memref<320000xi32, #tpu.memory_space<hbm>> -> memref<80xi32, #tpu.memory_space<hbm>>
      %dma_wait3A_283 = arith.constant 0 : i32
      %dma_wait3A_284 = tpu.memref_slice %arg4[%dma_wait3A_283] : memref<320000xi32, #tpu.memory_space<hbm>> -> memref<80xi32, #tpu.memory_space<hbm>>
      tpu.wait_dma2 semaphore(%arg22 : memref<!tpu.dma_semaphore, #tpu.memory_space<semaphore_mem>>) src(%dma_wait3A_284 : memref<80xi32, #tpu.memory_space<hbm>>) dst(%arg9 : memref<80xi32, #tpu.memory_space<vmem>>)
      %dma_wait3A_285 = arith.constant 0 : i32
      %dma_wait3A_286 = tpu.memref_slice %arg5[%dma_wait3A_285] : memref<320000xi32, #tpu.memory_space<hbm>> -> memref<80xi32, #tpu.memory_space<hbm>>
      %dma_wait3A_287 = arith.constant 0 : i32
      %dma_wait3A_288 = tpu.memref_slice %arg5[%dma_wait3A_287] : memref<320000xi32, #tpu.memory_space<hbm>> -> memref<80xi32, #tpu.memory_space<hbm>>
      tpu.wait_dma2 semaphore(%arg22 : memref<!tpu.dma_semaphore, #tpu.memory_space<semaphore_mem>>) src(%dma_wait3A_288 : memref<80xi32, #tpu.memory_space<hbm>>) dst(%arg13 : memref<80xi32, #tpu.memory_space<vmem>>)
      %dma_wait3A_289 = arith.constant 0 : i32
      %dma_wait3A_290 = arith.constant 0 : i32
      %dma_wait3A_291 = tpu.memref_slice %arg19[%dma_wait3A_289, %dma_wait3A_290] : memref<10000x128xf32, #tpu.memory_space<vmem_shared>> -> memref<10000x128xf32, #tpu.memory_space<vmem_shared>>
      tpu.wait_indirect_dma semaphore(%arg31 : memref<!tpu.dma_semaphore, #tpu.memory_space<semaphore_mem>>) src(%arg18 : memref<80x128xf32, #tpu.memory_space<vmem>>) dst(%dma_wait3A_291 : memref<10000x128xf32, #tpu.memory_space<vmem_shared>>)
      %add3A_292 = arith.constant 4 : i32
      %add3A_293 = arith.addi %add3A_280, %add3A_292 : i32
      %sub3A = arith.constant 1 : i32
      %sub3A_294 = arith.subi %add3A_293, %sub3A : i32
      %mul3A_295 = arith.constant 80 : i32
      %mul3A_296 = arith.muli %sub3A_294, %mul3A_295 : i32
      %add3A_297 = arith.addi %mul3A_8, %mul3A_296 : i32
      %dma_start3A_298 = tpu.memref_slice %arg4[%add3A_297] : memref<320000xi32, #tpu.memory_space<hbm>> -> memref<80xi32, #tpu.memory_space<hbm>>
      %dma_start3A_299 = tpu.memref_slice %arg4[%add3A_297] : memref<320000xi32, #tpu.memory_space<hbm>> -> memref<80xi32, #tpu.memory_space<hbm>>
      tpu.enqueue_dma source(%dma_start3A_299 : memref<80xi32, #tpu.memory_space<hbm>>) target(%arg10 : memref<80xi32, #tpu.memory_space<vmem>>) target_semaphore(%arg23 : memref<!tpu.dma_semaphore, #tpu.memory_space<semaphore_mem>>)
      %mul3A_300 = arith.constant 80 : i32
      %mul3A_301 = arith.muli %sub3A_294, %mul3A_300 : i32
      %add3A_302 = arith.addi %mul3A_8, %mul3A_301 : i32
      %dma_start3A_303 = tpu.memref_slice %arg5[%add3A_302] : memref<320000xi32, #tpu.memory_space<hbm>> -> memref<80xi32, #tpu.memory_space<hbm>>
      %dma_start3A_304 = tpu.memref_slice %arg5[%add3A_302] : memref<320000xi32, #tpu.memory_space<hbm>> -> memref<80xi32, #tpu.memory_space<hbm>>
      tpu.enqueue_dma source(%dma_start3A_304 : memref<80xi32, #tpu.memory_space<hbm>>) target(%arg14 : memref<80xi32, #tpu.memory_space<vmem>>) target_semaphore(%arg23 : memref<!tpu.dma_semaphore, #tpu.memory_space<semaphore_mem>>)
      %dma_start3A_305 = arith.constant 0 : i32
      %dma_start3A_306 = arith.constant 0 : i32
      %dma_start3A_307 = tpu.memref_slice %arg2[%dma_start3A_305, %dma_start3A_306] : memref<10000x128xf32, #tpu.memory_space<hbm>> -> memref<10000x128xf32, #tpu.memory_space<hbm>>
      tpu.enqueue_indirect_dma source(%dma_start3A_307 : memref<10000x128xf32, #tpu.memory_space<hbm>>) target(%arg17 : memref<80x128xf32, #tpu.memory_space<vmem>>) offsets(%arg9 : memref<80xi32, #tpu.memory_space<vmem>>) semaphore(%arg26 : memref<!tpu.dma_semaphore, #tpu.memory_space<semaphore_mem>>)
      %dma_wait3A_308 = arith.constant 0 : i32
      %dma_wait3A_309 = arith.constant 0 : i32
      %dma_wait3A_310 = tpu.memref_slice %arg2[%dma_wait3A_308, %dma_wait3A_309] : memref<10000x128xf32, #tpu.memory_space<hbm>> -> memref<10000x128xf32, #tpu.memory_space<hbm>>
      tpu.wait_indirect_dma semaphore(%arg24 : memref<!tpu.dma_semaphore, #tpu.memory_space<semaphore_mem>>) src(%dma_wait3A_310 : memref<10000x128xf32, #tpu.memory_space<hbm>>) dst(%arg15 : memref<80x128xf32, #tpu.memory_space<vmem>>)
      %dma_start3A_311 = arith.constant 0 : i32
      %dma_start3A_312 = arith.constant 0 : i32
      %dma_start3A_313 = tpu.memref_slice %arg19[%dma_start3A_311, %dma_start3A_312] : memref<10000x128xf32, #tpu.memory_space<vmem_shared>> -> memref<10000x128xf32, #tpu.memory_space<vmem_shared>>
      tpu.enqueue_indirect_dma source(%arg15 : memref<80x128xf32, #tpu.memory_space<vmem>>) target(%dma_start3A_313 : memref<10000x128xf32, #tpu.memory_space<vmem_shared>>) offsets(%arg11 : memref<80xi32, #tpu.memory_space<vmem>>) semaphore(%arg28 : memref<!tpu.dma_semaphore, #tpu.memory_space<semaphore_mem>>) {add = true}
      %mul3A_314 = arith.constant 4 : i32
      %mul3A_315 = arith.muli %scan3A_274, %mul3A_314 : i32
      %add3A_316 = arith.constant 4 : i32
      %add3A_317 = arith.addi %add3A_316, %mul3A_315 : i32
      %add3A_318 = arith.constant 1 : i32
      %add3A_319 = arith.addi %add3A_317, %add3A_318 : i32
      %dma_wait3A_320 = arith.constant 0 : i32
      %dma_wait3A_321 = tpu.memref_slice %arg4[%dma_wait3A_320] : memref<320000xi32, #tpu.memory_space<hbm>> -> memref<80xi32, #tpu.memory_space<hbm>>
      %dma_wait3A_322 = arith.constant 0 : i32
      %dma_wait3A_323 = tpu.memref_slice %arg4[%dma_wait3A_322] : memref<320000xi32, #tpu.memory_space<hbm>> -> memref<80xi32, #tpu.memory_space<hbm>>
      tpu.wait_dma2 semaphore(%arg23 : memref<!tpu.dma_semaphore, #tpu.memory_space<semaphore_mem>>) src(%dma_wait3A_323 : memref<80xi32, #tpu.memory_space<hbm>>) dst(%arg10 : memref<80xi32, #tpu.memory_space<vmem>>)
      %dma_wait3A_324 = arith.constant 0 : i32
      %dma_wait3A_325 = tpu.memref_slice %arg5[%dma_wait3A_324] : memref<320000xi32, #tpu.memory_space<hbm>> -> memref<80xi32, #tpu.memory_space<hbm>>
      %dma_wait3A_326 = arith.constant 0 : i32
      %dma_wait3A_327 = tpu.memref_slice %arg5[%dma_wait3A_326] : memref<320000xi32, #tpu.memory_space<hbm>> -> memref<80xi32, #tpu.memory_space<hbm>>
      tpu.wait_dma2 semaphore(%arg23 : memref<!tpu.dma_semaphore, #tpu.memory_space<semaphore_mem>>) src(%dma_wait3A_327 : memref<80xi32, #tpu.memory_space<hbm>>) dst(%arg14 : memref<80xi32, #tpu.memory_space<vmem>>)
      %dma_wait3A_328 = arith.constant 0 : i32
      %dma_wait3A_329 = arith.constant 0 : i32
      %dma_wait3A_330 = tpu.memref_slice %arg19[%dma_wait3A_328, %dma_wait3A_329] : memref<10000x128xf32, #tpu.memory_space<vmem_shared>> -> memref<10000x128xf32, #tpu.memory_space<vmem_shared>>
      tpu.wait_indirect_dma semaphore(%arg28 : memref<!tpu.dma_semaphore, #tpu.memory_space<semaphore_mem>>) src(%arg15 : memref<80x128xf32, #tpu.memory_space<vmem>>) dst(%dma_wait3A_330 : memref<10000x128xf32, #tpu.memory_space<vmem_shared>>)
      %add3A_331 = arith.constant 4 : i32
      %add3A_332 = arith.addi %add3A_319, %add3A_331 : i32
      %sub3A_333 = arith.constant 1 : i32
      %sub3A_334 = arith.subi %add3A_332, %sub3A_333 : i32
      %mul3A_335 = arith.constant 80 : i32
      %mul3A_336 = arith.muli %sub3A_334, %mul3A_335 : i32
      %add3A_337 = arith.addi %mul3A_8, %mul3A_336 : i32
      %dma_start3A_338 = tpu.memref_slice %arg4[%add3A_337] : memref<320000xi32, #tpu.memory_space<hbm>> -> memref<80xi32, #tpu.memory_space<hbm>>
      %dma_start3A_339 = tpu.memref_slice %arg4[%add3A_337] : memref<320000xi32, #tpu.memory_space<hbm>> -> memref<80xi32, #tpu.memory_space<hbm>>
      tpu.enqueue_dma source(%dma_start3A_339 : memref<80xi32, #tpu.memory_space<hbm>>) target(%arg7 : memref<80xi32, #tpu.memory_space<vmem>>) target_semaphore(%arg20 : memref<!tpu.dma_semaphore, #tpu.memory_space<semaphore_mem>>)
      %mul3A_340 = arith.constant 80 : i32
      %mul3A_341 = arith.muli %sub3A_334, %mul3A_340 : i32
      %add3A_342 = arith.addi %mul3A_8, %mul3A_341 : i32
      %dma_start3A_343 = tpu.memref_slice %arg5[%add3A_342] : memref<320000xi32, #tpu.memory_space<hbm>> -> memref<80xi32, #tpu.memory_space<hbm>>
      %dma_start3A_344 = tpu.memref_slice %arg5[%add3A_342] : memref<320000xi32, #tpu.memory_space<hbm>> -> memref<80xi32, #tpu.memory_space<hbm>>
      tpu.enqueue_dma source(%dma_start3A_344 : memref<80xi32, #tpu.memory_space<hbm>>) target(%arg11 : memref<80xi32, #tpu.memory_space<vmem>>) target_semaphore(%arg20 : memref<!tpu.dma_semaphore, #tpu.memory_space<semaphore_mem>>)
      %dma_start3A_345 = arith.constant 0 : i32
      %dma_start3A_346 = arith.constant 0 : i32
      %dma_start3A_347 = tpu.memref_slice %arg2[%dma_start3A_345, %dma_start3A_346] : memref<10000x128xf32, #tpu.memory_space<hbm>> -> memref<10000x128xf32, #tpu.memory_space<hbm>>
      tpu.enqueue_indirect_dma source(%dma_start3A_347 : memref<10000x128xf32, #tpu.memory_space<hbm>>) target(%arg18 : memref<80x128xf32, #tpu.memory_space<vmem>>) offsets(%arg10 : memref<80xi32, #tpu.memory_space<vmem>>) semaphore(%arg27 : memref<!tpu.dma_semaphore, #tpu.memory_space<semaphore_mem>>)
      %dma_wait3A_348 = arith.constant 0 : i32
      %dma_wait3A_349 = arith.constant 0 : i32
      %dma_wait3A_350 = tpu.memref_slice %arg2[%dma_wait3A_348, %dma_wait3A_349] : memref<10000x128xf32, #tpu.memory_space<hbm>> -> memref<10000x128xf32, #tpu.memory_space<hbm>>
      tpu.wait_indirect_dma semaphore(%arg25 : memref<!tpu.dma_semaphore, #tpu.memory_space<semaphore_mem>>) src(%dma_wait3A_350 : memref<10000x128xf32, #tpu.memory_space<hbm>>) dst(%arg16 : memref<80x128xf32, #tpu.memory_space<vmem>>)
      %dma_start3A_351 = arith.constant 0 : i32
      %dma_start3A_352 = arith.constant 0 : i32
      %dma_start3A_353 = tpu.memref_slice %arg19[%dma_start3A_351, %dma_start3A_352] : memref<10000x128xf32, #tpu.memory_space<vmem_shared>> -> memref<10000x128xf32, #tpu.memory_space<vmem_shared>>
      tpu.enqueue_indirect_dma source(%arg16 : memref<80x128xf32, #tpu.memory_space<vmem>>) target(%dma_start3A_353 : memref<10000x128xf32, #tpu.memory_space<vmem_shared>>) offsets(%arg12 : memref<80xi32, #tpu.memory_space<vmem>>) semaphore(%arg29 : memref<!tpu.dma_semaphore, #tpu.memory_space<semaphore_mem>>) {add = true}
      %mul3A_354 = arith.constant 4 : i32
      %mul3A_355 = arith.muli %scan3A_274, %mul3A_354 : i32
      %add3A_356 = arith.constant 4 : i32
      %add3A_357 = arith.addi %add3A_356, %mul3A_355 : i32
      %add3A_358 = arith.constant 2 : i32
      %add3A_359 = arith.addi %add3A_357, %add3A_358 : i32
      %dma_wait3A_360 = arith.constant 0 : i32
      %dma_wait3A_361 = tpu.memref_slice %arg4[%dma_wait3A_360] : memref<320000xi32, #tpu.memory_space<hbm>> -> memref<80xi32, #tpu.memory_space<hbm>>
      %dma_wait3A_362 = arith.constant 0 : i32
      %dma_wait3A_363 = tpu.memref_slice %arg4[%dma_wait3A_362] : memref<320000xi32, #tpu.memory_space<hbm>> -> memref<80xi32, #tpu.memory_space<hbm>>
      tpu.wait_dma2 semaphore(%arg20 : memref<!tpu.dma_semaphore, #tpu.memory_space<semaphore_mem>>) src(%dma_wait3A_363 : memref<80xi32, #tpu.memory_space<hbm>>) dst(%arg7 : memref<80xi32, #tpu.memory_space<vmem>>)
      %dma_wait3A_364 = arith.constant 0 : i32
      %dma_wait3A_365 = tpu.memref_slice %arg5[%dma_wait3A_364] : memref<320000xi32, #tpu.memory_space<hbm>> -> memref<80xi32, #tpu.memory_space<hbm>>
      %dma_wait3A_366 = arith.constant 0 : i32
      %dma_wait3A_367 = tpu.memref_slice %arg5[%dma_wait3A_366] : memref<320000xi32, #tpu.memory_space<hbm>> -> memref<80xi32, #tpu.memory_space<hbm>>
      tpu.wait_dma2 semaphore(%arg20 : memref<!tpu.dma_semaphore, #tpu.memory_space<semaphore_mem>>) src(%dma_wait3A_367 : memref<80xi32, #tpu.memory_space<hbm>>) dst(%arg11 : memref<80xi32, #tpu.memory_space<vmem>>)
      %dma_wait3A_368 = arith.constant 0 : i32
      %dma_wait3A_369 = arith.constant 0 : i32
      %dma_wait3A_370 = tpu.memref_slice %arg19[%dma_wait3A_368, %dma_wait3A_369] : memref<10000x128xf32, #tpu.memory_space<vmem_shared>> -> memref<10000x128xf32, #tpu.memory_space<vmem_shared>>
      tpu.wait_indirect_dma semaphore(%arg29 : memref<!tpu.dma_semaphore, #tpu.memory_space<semaphore_mem>>) src(%arg16 : memref<80x128xf32, #tpu.memory_space<vmem>>) dst(%dma_wait3A_370 : memref<10000x128xf32, #tpu.memory_space<vmem_shared>>)
      %add3A_371 = arith.constant 4 : i32
      %add3A_372 = arith.addi %add3A_359, %add3A_371 : i32
      %sub3A_373 = arith.constant 1 : i32
      %sub3A_374 = arith.subi %add3A_372, %sub3A_373 : i32
      %mul3A_375 = arith.constant 80 : i32
      %mul3A_376 = arith.muli %sub3A_374, %mul3A_375 : i32
      %add3A_377 = arith.addi %mul3A_8, %mul3A_376 : i32
      %dma_start3A_378 = tpu.memref_slice %arg4[%add3A_377] : memref<320000xi32, #tpu.memory_space<hbm>> -> memref<80xi32, #tpu.memory_space<hbm>>
      %dma_start3A_379 = tpu.memref_slice %arg4[%add3A_377] : memref<320000xi32, #tpu.memory_space<hbm>> -> memref<80xi32, #tpu.memory_space<hbm>>
      tpu.enqueue_dma source(%dma_start3A_379 : memref<80xi32, #tpu.memory_space<hbm>>) target(%arg8 : memref<80xi32, #tpu.memory_space<vmem>>) target_semaphore(%arg21 : memref<!tpu.dma_semaphore, #tpu.memory_space<semaphore_mem>>)
      %mul3A_380 = arith.constant 80 : i32
      %mul3A_381 = arith.muli %sub3A_374, %mul3A_380 : i32
      %add3A_382 = arith.addi %mul3A_8, %mul3A_381 : i32
      %dma_start3A_383 = tpu.memref_slice %arg5[%add3A_382] : memref<320000xi32, #tpu.memory_space<hbm>> -> memref<80xi32, #tpu.memory_space<hbm>>
      %dma_start3A_384 = tpu.memref_slice %arg5[%add3A_382] : memref<320000xi32, #tpu.memory_space<hbm>> -> memref<80xi32, #tpu.memory_space<hbm>>
      tpu.enqueue_dma source(%dma_start3A_384 : memref<80xi32, #tpu.memory_space<hbm>>) target(%arg12 : memref<80xi32, #tpu.memory_space<vmem>>) target_semaphore(%arg21 : memref<!tpu.dma_semaphore, #tpu.memory_space<semaphore_mem>>)
      %dma_start3A_385 = arith.constant 0 : i32
      %dma_start3A_386 = arith.constant 0 : i32
      %dma_start3A_387 = tpu.memref_slice %arg2[%dma_start3A_385, %dma_start3A_386] : memref<10000x128xf32, #tpu.memory_space<hbm>> -> memref<10000x128xf32, #tpu.memory_space<hbm>>
      tpu.enqueue_indirect_dma source(%dma_start3A_387 : memref<10000x128xf32, #tpu.memory_space<hbm>>) target(%arg15 : memref<80x128xf32, #tpu.memory_space<vmem>>) offsets(%arg7 : memref<80xi32, #tpu.memory_space<vmem>>) semaphore(%arg24 : memref<!tpu.dma_semaphore, #tpu.memory_space<semaphore_mem>>)
      %dma_wait3A_388 = arith.constant 0 : i32
      %dma_wait3A_389 = arith.constant 0 : i32
      %dma_wait3A_390 = tpu.memref_slice %arg2[%dma_wait3A_388, %dma_wait3A_389] : memref<10000x128xf32, #tpu.memory_space<hbm>> -> memref<10000x128xf32, #tpu.memory_space<hbm>>
      tpu.wait_indirect_dma semaphore(%arg26 : memref<!tpu.dma_semaphore, #tpu.memory_space<semaphore_mem>>) src(%dma_wait3A_390 : memref<10000x128xf32, #tpu.memory_space<hbm>>) dst(%arg17 : memref<80x128xf32, #tpu.memory_space<vmem>>)
      %dma_start3A_391 = arith.constant 0 : i32
      %dma_start3A_392 = arith.constant 0 : i32
      %dma_start3A_393 = tpu.memref_slice %arg19[%dma_start3A_391, %dma_start3A_392] : memref<10000x128xf32, #tpu.memory_space<vmem_shared>> -> memref<10000x128xf32, #tpu.memory_space<vmem_shared>>
      tpu.enqueue_indirect_dma source(%arg17 : memref<80x128xf32, #tpu.memory_space<vmem>>) target(%dma_start3A_393 : memref<10000x128xf32, #tpu.memory_space<vmem_shared>>) offsets(%arg13 : memref<80xi32, #tpu.memory_space<vmem>>) semaphore(%arg30 : memref<!tpu.dma_semaphore, #tpu.memory_space<semaphore_mem>>) {add = true}
      %mul3A_394 = arith.constant 4 : i32
      %mul3A_395 = arith.muli %scan3A_274, %mul3A_394 : i32
      %add3A_396 = arith.constant 4 : i32
      %add3A_397 = arith.addi %add3A_396, %mul3A_395 : i32
      %add3A_398 = arith.constant 3 : i32
      %add3A_399 = arith.addi %add3A_397, %add3A_398 : i32
      %dma_wait3A_400 = arith.constant 0 : i32
      %dma_wait3A_401 = tpu.memref_slice %arg4[%dma_wait3A_400] : memref<320000xi32, #tpu.memory_space<hbm>> -> memref<80xi32, #tpu.memory_space<hbm>>
      %dma_wait3A_402 = arith.constant 0 : i32
      %dma_wait3A_403 = tpu.memref_slice %arg4[%dma_wait3A_402] : memref<320000xi32, #tpu.memory_space<hbm>> -> memref<80xi32, #tpu.memory_space<hbm>>
      tpu.wait_dma2 semaphore(%arg21 : memref<!tpu.dma_semaphore, #tpu.memory_space<semaphore_mem>>) src(%dma_wait3A_403 : memref<80xi32, #tpu.memory_space<hbm>>) dst(%arg8 : memref<80xi32, #tpu.memory_space<vmem>>)
      %dma_wait3A_404 = arith.constant 0 : i32
      %dma_wait3A_405 = tpu.memref_slice %arg5[%dma_wait3A_404] : memref<320000xi32, #tpu.memory_space<hbm>> -> memref<80xi32, #tpu.memory_space<hbm>>
      %dma_wait3A_406 = arith.constant 0 : i32
      %dma_wait3A_407 = tpu.memref_slice %arg5[%dma_wait3A_406] : memref<320000xi32, #tpu.memory_space<hbm>> -> memref<80xi32, #tpu.memory_space<hbm>>
      tpu.wait_dma2 semaphore(%arg21 : memref<!tpu.dma_semaphore, #tpu.memory_space<semaphore_mem>>) src(%dma_wait3A_407 : memref<80xi32, #tpu.memory_space<hbm>>) dst(%arg12 : memref<80xi32, #tpu.memory_space<vmem>>)
      %dma_wait3A_408 = arith.constant 0 : i32
      %dma_wait3A_409 = arith.constant 0 : i32
      %dma_wait3A_410 = tpu.memref_slice %arg19[%dma_wait3A_408, %dma_wait3A_409] : memref<10000x128xf32, #tpu.memory_space<vmem_shared>> -> memref<10000x128xf32, #tpu.memory_space<vmem_shared>>
      tpu.wait_indirect_dma semaphore(%arg30 : memref<!tpu.dma_semaphore, #tpu.memory_space<semaphore_mem>>) src(%arg17 : memref<80x128xf32, #tpu.memory_space<vmem>>) dst(%dma_wait3A_410 : memref<10000x128xf32, #tpu.memory_space<vmem_shared>>)
      %add3A_411 = arith.constant 4 : i32
      %add3A_412 = arith.addi %add3A_399, %add3A_411 : i32
      %sub3A_413 = arith.constant 1 : i32
      %sub3A_414 = arith.subi %add3A_412, %sub3A_413 : i32
      %mul3A_415 = arith.constant 80 : i32
      %mul3A_416 = arith.muli %sub3A_414, %mul3A_415 : i32
      %add3A_417 = arith.addi %mul3A_8, %mul3A_416 : i32
      %dma_start3A_418 = tpu.memref_slice %arg4[%add3A_417] : memref<320000xi32, #tpu.memory_space<hbm>> -> memref<80xi32, #tpu.memory_space<hbm>>
      %dma_start3A_419 = tpu.memref_slice %arg4[%add3A_417] : memref<320000xi32, #tpu.memory_space<hbm>> -> memref<80xi32, #tpu.memory_space<hbm>>
      tpu.enqueue_dma source(%dma_start3A_419 : memref<80xi32, #tpu.memory_space<hbm>>) target(%arg9 : memref<80xi32, #tpu.memory_space<vmem>>) target_semaphore(%arg22 : memref<!tpu.dma_semaphore, #tpu.memory_space<semaphore_mem>>)
      %mul3A_420 = arith.constant 80 : i32
      %mul3A_421 = arith.muli %sub3A_414, %mul3A_420 : i32
      %add3A_422 = arith.addi %mul3A_8, %mul3A_421 : i32
      %dma_start3A_423 = tpu.memref_slice %arg5[%add3A_422] : memref<320000xi32, #tpu.memory_space<hbm>> -> memref<80xi32, #tpu.memory_space<hbm>>
      %dma_start3A_424 = tpu.memref_slice %arg5[%add3A_422] : memref<320000xi32, #tpu.memory_space<hbm>> -> memref<80xi32, #tpu.memory_space<hbm>>
      tpu.enqueue_dma source(%dma_start3A_424 : memref<80xi32, #tpu.memory_space<hbm>>) target(%arg13 : memref<80xi32, #tpu.memory_space<vmem>>) target_semaphore(%arg22 : memref<!tpu.dma_semaphore, #tpu.memory_space<semaphore_mem>>)
      %dma_start3A_425 = arith.constant 0 : i32
      %dma_start3A_426 = arith.constant 0 : i32
      %dma_start3A_427 = tpu.memref_slice %arg2[%dma_start3A_425, %dma_start3A_426] : memref<10000x128xf32, #tpu.memory_space<hbm>> -> memref<10000x128xf32, #tpu.memory_space<hbm>>
      tpu.enqueue_indirect_dma source(%dma_start3A_427 : memref<10000x128xf32, #tpu.memory_space<hbm>>) target(%arg16 : memref<80x128xf32, #tpu.memory_space<vmem>>) offsets(%arg8 : memref<80xi32, #tpu.memory_space<vmem>>) semaphore(%arg25 : memref<!tpu.dma_semaphore, #tpu.memory_space<semaphore_mem>>)
      %dma_wait3A_428 = arith.constant 0 : i32
      %dma_wait3A_429 = arith.constant 0 : i32
      %dma_wait3A_430 = tpu.memref_slice %arg2[%dma_wait3A_428, %dma_wait3A_429] : memref<10000x128xf32, #tpu.memory_space<hbm>> -> memref<10000x128xf32, #tpu.memory_space<hbm>>
      tpu.wait_indirect_dma semaphore(%arg27 : memref<!tpu.dma_semaphore, #tpu.memory_space<semaphore_mem>>) src(%dma_wait3A_430 : memref<10000x128xf32, #tpu.memory_space<hbm>>) dst(%arg18 : memref<80x128xf32, #tpu.memory_space<vmem>>)
      %dma_start3A_431 = arith.constant 0 : i32
      %dma_start3A_432 = arith.constant 0 : i32
      %dma_start3A_433 = tpu.memref_slice %arg19[%dma_start3A_431, %dma_start3A_432] : memref<10000x128xf32, #tpu.memory_space<vmem_shared>> -> memref<10000x128xf32, #tpu.memory_space<vmem_shared>>
      tpu.enqueue_indirect_dma source(%arg18 : memref<80x128xf32, #tpu.memory_space<vmem>>) target(%dma_start3A_433 : memref<10000x128xf32, #tpu.memory_space<vmem_shared>>) offsets(%arg14 : memref<80xi32, #tpu.memory_space<vmem>>) semaphore(%arg31 : memref<!tpu.dma_semaphore, #tpu.memory_space<semaphore_mem>>) {add = true}
    }
    %scan3A_166 = arith.constant 29 : i32
    %dma_wait3A_167 = arith.constant 0 : i32
    %dma_wait3A_168 = tpu.memref_slice %arg4[%dma_wait3A_167] : memref<320000xi32, #tpu.memory_space<hbm>> -> memref<80xi32, #tpu.memory_space<hbm>>
    %dma_wait3A_169 = arith.constant 0 : i32
    %dma_wait3A_170 = tpu.memref_slice %arg4[%dma_wait3A_169] : memref<320000xi32, #tpu.memory_space<hbm>> -> memref<80xi32, #tpu.memory_space<hbm>>
    tpu.wait_dma2 semaphore(%arg22 : memref<!tpu.dma_semaphore, #tpu.memory_space<semaphore_mem>>) src(%dma_wait3A_170 : memref<80xi32, #tpu.memory_space<hbm>>) dst(%arg9 : memref<80xi32, #tpu.memory_space<vmem>>)
    %dma_wait3A_171 = arith.constant 0 : i32
    %dma_wait3A_172 = tpu.memref_slice %arg5[%dma_wait3A_171] : memref<320000xi32, #tpu.memory_space<hbm>> -> memref<80xi32, #tpu.memory_space<hbm>>
    %dma_wait3A_173 = arith.constant 0 : i32
    %dma_wait3A_174 = tpu.memref_slice %arg5[%dma_wait3A_173] : memref<320000xi32, #tpu.memory_space<hbm>> -> memref<80xi32, #tpu.memory_space<hbm>>
    tpu.wait_dma2 semaphore(%arg22 : memref<!tpu.dma_semaphore, #tpu.memory_space<semaphore_mem>>) src(%dma_wait3A_174 : memref<80xi32, #tpu.memory_space<hbm>>) dst(%arg13 : memref<80xi32, #tpu.memory_space<vmem>>)
    %dma_wait3A_175 = arith.constant 0 : i32
    %dma_wait3A_176 = arith.constant 0 : i32
    %dma_wait3A_177 = tpu.memref_slice %arg19[%dma_wait3A_175, %dma_wait3A_176] : memref<10000x128xf32, #tpu.memory_space<vmem_shared>> -> memref<10000x128xf32, #tpu.memory_space<vmem_shared>>
    tpu.wait_indirect_dma semaphore(%arg31 : memref<!tpu.dma_semaphore, #tpu.memory_space<semaphore_mem>>) src(%arg18 : memref<80x128xf32, #tpu.memory_space<vmem>>) dst(%dma_wait3A_177 : memref<10000x128xf32, #tpu.memory_space<vmem_shared>>)
    %add3A_178 = arith.constant 9840 : i32
    %add3A_179 = arith.addi %mul3A_8, %add3A_178 : i32
    %dma_start3A_180 = tpu.memref_slice %arg4[%add3A_179] : memref<320000xi32, #tpu.memory_space<hbm>> -> memref<80xi32, #tpu.memory_space<hbm>>
    %dma_start3A_181 = tpu.memref_slice %arg4[%add3A_179] : memref<320000xi32, #tpu.memory_space<hbm>> -> memref<80xi32, #tpu.memory_space<hbm>>
    tpu.enqueue_dma source(%dma_start3A_181 : memref<80xi32, #tpu.memory_space<hbm>>) target(%arg10 : memref<80xi32, #tpu.memory_space<vmem>>) target_semaphore(%arg23 : memref<!tpu.dma_semaphore, #tpu.memory_space<semaphore_mem>>)
    %add3A_182 = arith.constant 9840 : i32
    %add3A_183 = arith.addi %mul3A_8, %add3A_182 : i32
    %dma_start3A_184 = tpu.memref_slice %arg5[%add3A_183] : memref<320000xi32, #tpu.memory_space<hbm>> -> memref<80xi32, #tpu.memory_space<hbm>>
    %dma_start3A_185 = tpu.memref_slice %arg5[%add3A_183] : memref<320000xi32, #tpu.memory_space<hbm>> -> memref<80xi32, #tpu.memory_space<hbm>>
    tpu.enqueue_dma source(%dma_start3A_185 : memref<80xi32, #tpu.memory_space<hbm>>) target(%arg14 : memref<80xi32, #tpu.memory_space<vmem>>) target_semaphore(%arg23 : memref<!tpu.dma_semaphore, #tpu.memory_space<semaphore_mem>>)
    %dma_start3A_186 = arith.constant 0 : i32
    %dma_start3A_187 = arith.constant 0 : i32
    %dma_start3A_188 = tpu.memref_slice %arg2[%dma_start3A_186, %dma_start3A_187] : memref<10000x128xf32, #tpu.memory_space<hbm>> -> memref<10000x128xf32, #tpu.memory_space<hbm>>
    tpu.enqueue_indirect_dma source(%dma_start3A_188 : memref<10000x128xf32, #tpu.memory_space<hbm>>) target(%arg17 : memref<80x128xf32, #tpu.memory_space<vmem>>) offsets(%arg9 : memref<80xi32, #tpu.memory_space<vmem>>) semaphore(%arg26 : memref<!tpu.dma_semaphore, #tpu.memory_space<semaphore_mem>>)
    %dma_wait3A_189 = arith.constant 0 : i32
    %dma_wait3A_190 = arith.constant 0 : i32
    %dma_wait3A_191 = tpu.memref_slice %arg2[%dma_wait3A_189, %dma_wait3A_190] : memref<10000x128xf32, #tpu.memory_space<hbm>> -> memref<10000x128xf32, #tpu.memory_space<hbm>>
    tpu.wait_indirect_dma semaphore(%arg24 : memref<!tpu.dma_semaphore, #tpu.memory_space<semaphore_mem>>) src(%dma_wait3A_191 : memref<10000x128xf32, #tpu.memory_space<hbm>>) dst(%arg15 : memref<80x128xf32, #tpu.memory_space<vmem>>)
    %dma_start3A_192 = arith.constant 0 : i32
    %dma_start3A_193 = arith.constant 0 : i32
    %dma_start3A_194 = tpu.memref_slice %arg19[%dma_start3A_192, %dma_start3A_193] : memref<10000x128xf32, #tpu.memory_space<vmem_shared>> -> memref<10000x128xf32, #tpu.memory_space<vmem_shared>>
    tpu.enqueue_indirect_dma source(%arg15 : memref<80x128xf32, #tpu.memory_space<vmem>>) target(%dma_start3A_194 : memref<10000x128xf32, #tpu.memory_space<vmem_shared>>) offsets(%arg11 : memref<80xi32, #tpu.memory_space<vmem>>) semaphore(%arg28 : memref<!tpu.dma_semaphore, #tpu.memory_space<semaphore_mem>>) {add = true}
    %dma_wait3A_195 = arith.constant 0 : i32
    %dma_wait3A_196 = tpu.memref_slice %arg4[%dma_wait3A_195] : memref<320000xi32, #tpu.memory_space<hbm>> -> memref<80xi32, #tpu.memory_space<hbm>>
    %dma_wait3A_197 = arith.constant 0 : i32
    %dma_wait3A_198 = tpu.memref_slice %arg4[%dma_wait3A_197] : memref<320000xi32, #tpu.memory_space<hbm>> -> memref<80xi32, #tpu.memory_space<hbm>>
    tpu.wait_dma2 semaphore(%arg23 : memref<!tpu.dma_semaphore, #tpu.memory_space<semaphore_mem>>) src(%dma_wait3A_198 : memref<80xi32, #tpu.memory_space<hbm>>) dst(%arg10 : memref<80xi32, #tpu.memory_space<vmem>>)
    %dma_wait3A_199 = arith.constant 0 : i32
    %dma_wait3A_200 = tpu.memref_slice %arg5[%dma_wait3A_199] : memref<320000xi32, #tpu.memory_space<hbm>> -> memref<80xi32, #tpu.memory_space<hbm>>
    %dma_wait3A_201 = arith.constant 0 : i32
    %dma_wait3A_202 = tpu.memref_slice %arg5[%dma_wait3A_201] : memref<320000xi32, #tpu.memory_space<hbm>> -> memref<80xi32, #tpu.memory_space<hbm>>
    tpu.wait_dma2 semaphore(%arg23 : memref<!tpu.dma_semaphore, #tpu.memory_space<semaphore_mem>>) src(%dma_wait3A_202 : memref<80xi32, #tpu.memory_space<hbm>>) dst(%arg14 : memref<80xi32, #tpu.memory_space<vmem>>)
    %dma_wait3A_203 = arith.constant 0 : i32
    %dma_wait3A_204 = arith.constant 0 : i32
    %dma_wait3A_205 = tpu.memref_slice %arg19[%dma_wait3A_203, %dma_wait3A_204] : memref<10000x128xf32, #tpu.memory_space<vmem_shared>> -> memref<10000x128xf32, #tpu.memory_space<vmem_shared>>
    tpu.wait_indirect_dma semaphore(%arg28 : memref<!tpu.dma_semaphore, #tpu.memory_space<semaphore_mem>>) src(%arg15 : memref<80x128xf32, #tpu.memory_space<vmem>>) dst(%dma_wait3A_205 : memref<10000x128xf32, #tpu.memory_space<vmem_shared>>)
    %add3A_206 = arith.constant 9920 : i32
    %add3A_207 = arith.addi %mul3A_8, %add3A_206 : i32
    %dma_start3A_208 = tpu.memref_slice %arg4[%add3A_207] : memref<320000xi32, #tpu.memory_space<hbm>> -> memref<80xi32, #tpu.memory_space<hbm>>
    %dma_start3A_209 = tpu.memref_slice %arg4[%add3A_207] : memref<320000xi32, #tpu.memory_space<hbm>> -> memref<80xi32, #tpu.memory_space<hbm>>
    tpu.enqueue_dma source(%dma_start3A_209 : memref<80xi32, #tpu.memory_space<hbm>>) target(%arg7 : memref<80xi32, #tpu.memory_space<vmem>>) target_semaphore(%arg20 : memref<!tpu.dma_semaphore, #tpu.memory_space<semaphore_mem>>)
    %add3A_210 = arith.constant 9920 : i32
    %add3A_211 = arith.addi %mul3A_8, %add3A_210 : i32
    %dma_start3A_212 = tpu.memref_slice %arg5[%add3A_211] : memref<320000xi32, #tpu.memory_space<hbm>> -> memref<80xi32, #tpu.memory_space<hbm>>
    %dma_start3A_213 = tpu.memref_slice %arg5[%add3A_211] : memref<320000xi32, #tpu.memory_space<hbm>> -> memref<80xi32, #tpu.memory_space<hbm>>
    tpu.enqueue_dma source(%dma_start3A_213 : memref<80xi32, #tpu.memory_space<hbm>>) target(%arg11 : memref<80xi32, #tpu.memory_space<vmem>>) target_semaphore(%arg20 : memref<!tpu.dma_semaphore, #tpu.memory_space<semaphore_mem>>)
    %dma_start3A_214 = arith.constant 0 : i32
    %dma_start3A_215 = arith.constant 0 : i32
    %dma_start3A_216 = tpu.memref_slice %arg2[%dma_start3A_214, %dma_start3A_215] : memref<10000x128xf32, #tpu.memory_space<hbm>> -> memref<10000x128xf32, #tpu.memory_space<hbm>>
    tpu.enqueue_indirect_dma source(%dma_start3A_216 : memref<10000x128xf32, #tpu.memory_space<hbm>>) target(%arg18 : memref<80x128xf32, #tpu.memory_space<vmem>>) offsets(%arg10 : memref<80xi32, #tpu.memory_space<vmem>>) semaphore(%arg27 : memref<!tpu.dma_semaphore, #tpu.memory_space<semaphore_mem>>)
    %dma_wait3A_217 = arith.constant 0 : i32
    %dma_wait3A_218 = arith.constant 0 : i32
    %dma_wait3A_219 = tpu.memref_slice %arg2[%dma_wait3A_217, %dma_wait3A_218] : memref<10000x128xf32, #tpu.memory_space<hbm>> -> memref<10000x128xf32, #tpu.memory_space<hbm>>
    tpu.wait_indirect_dma semaphore(%arg25 : memref<!tpu.dma_semaphore, #tpu.memory_space<semaphore_mem>>) src(%dma_wait3A_219 : memref<10000x128xf32, #tpu.memory_space<hbm>>) dst(%arg16 : memref<80x128xf32, #tpu.memory_space<vmem>>)
    %dma_start3A_220 = arith.constant 0 : i32
    %dma_start3A_221 = arith.constant 0 : i32
    %dma_start3A_222 = tpu.memref_slice %arg19[%dma_start3A_220, %dma_start3A_221] : memref<10000x128xf32, #tpu.memory_space<vmem_shared>> -> memref<10000x128xf32, #tpu.memory_space<vmem_shared>>
    tpu.enqueue_indirect_dma source(%arg16 : memref<80x128xf32, #tpu.memory_space<vmem>>) target(%dma_start3A_222 : memref<10000x128xf32, #tpu.memory_space<vmem_shared>>) offsets(%arg12 : memref<80xi32, #tpu.memory_space<vmem>>) semaphore(%arg29 : memref<!tpu.dma_semaphore, #tpu.memory_space<semaphore_mem>>) {add = true}
    %dma_wait3A_223 = arith.constant 0 : i32
    %dma_wait3A_224 = tpu.memref_slice %arg4[%dma_wait3A_223] : memref<320000xi32, #tpu.memory_space<hbm>> -> memref<80xi32, #tpu.memory_space<hbm>>
    %dma_wait3A_225 = arith.constant 0 : i32
    %dma_wait3A_226 = tpu.memref_slice %arg4[%dma_wait3A_225] : memref<320000xi32, #tpu.memory_space<hbm>> -> memref<80xi32, #tpu.memory_space<hbm>>
    tpu.wait_dma2 semaphore(%arg20 : memref<!tpu.dma_semaphore, #tpu.memory_space<semaphore_mem>>) src(%dma_wait3A_226 : memref<80xi32, #tpu.memory_space<hbm>>) dst(%arg7 : memref<80xi32, #tpu.memory_space<vmem>>)
    %dma_wait3A_227 = arith.constant 0 : i32
    %dma_wait3A_228 = tpu.memref_slice %arg5[%dma_wait3A_227] : memref<320000xi32, #tpu.memory_space<hbm>> -> memref<80xi32, #tpu.memory_space<hbm>>
    %dma_wait3A_229 = arith.constant 0 : i32
    %dma_wait3A_230 = tpu.memref_slice %arg5[%dma_wait3A_229] : memref<320000xi32, #tpu.memory_space<hbm>> -> memref<80xi32, #tpu.memory_space<hbm>>
    tpu.wait_dma2 semaphore(%arg20 : memref<!tpu.dma_semaphore, #tpu.memory_space<semaphore_mem>>) src(%dma_wait3A_230 : memref<80xi32, #tpu.memory_space<hbm>>) dst(%arg11 : memref<80xi32, #tpu.memory_space<vmem>>)
    %dma_wait3A_231 = arith.constant 0 : i32
    %dma_wait3A_232 = arith.constant 0 : i32
    %dma_wait3A_233 = tpu.memref_slice %arg19[%dma_wait3A_231, %dma_wait3A_232] : memref<10000x128xf32, #tpu.memory_space<vmem_shared>> -> memref<10000x128xf32, #tpu.memory_space<vmem_shared>>
    tpu.wait_indirect_dma semaphore(%arg29 : memref<!tpu.dma_semaphore, #tpu.memory_space<semaphore_mem>>) src(%arg16 : memref<80x128xf32, #tpu.memory_space<vmem>>) dst(%dma_wait3A_233 : memref<10000x128xf32, #tpu.memory_space<vmem_shared>>)
    %dma_start3A_234 = arith.constant 0 : i32
    %dma_start3A_235 = arith.constant 0 : i32
    %dma_start3A_236 = tpu.memref_slice %arg2[%dma_start3A_234, %dma_start3A_235] : memref<10000x128xf32, #tpu.memory_space<hbm>> -> memref<10000x128xf32, #tpu.memory_space<hbm>>
    tpu.enqueue_indirect_dma source(%dma_start3A_236 : memref<10000x128xf32, #tpu.memory_space<hbm>>) target(%arg15 : memref<80x128xf32, #tpu.memory_space<vmem>>) offsets(%arg7 : memref<80xi32, #tpu.memory_space<vmem>>) semaphore(%arg24 : memref<!tpu.dma_semaphore, #tpu.memory_space<semaphore_mem>>)
    %dma_wait3A_237 = arith.constant 0 : i32
    %dma_wait3A_238 = arith.constant 0 : i32
    %dma_wait3A_239 = tpu.memref_slice %arg2[%dma_wait3A_237, %dma_wait3A_238] : memref<10000x128xf32, #tpu.memory_space<hbm>> -> memref<10000x128xf32, #tpu.memory_space<hbm>>
    tpu.wait_indirect_dma semaphore(%arg26 : memref<!tpu.dma_semaphore, #tpu.memory_space<semaphore_mem>>) src(%dma_wait3A_239 : memref<10000x128xf32, #tpu.memory_space<hbm>>) dst(%arg17 : memref<80x128xf32, #tpu.memory_space<vmem>>)
    %dma_start3A_240 = arith.constant 0 : i32
    %dma_start3A_241 = arith.constant 0 : i32
    %dma_start3A_242 = tpu.memref_slice %arg19[%dma_start3A_240, %dma_start3A_241] : memref<10000x128xf32, #tpu.memory_space<vmem_shared>> -> memref<10000x128xf32, #tpu.memory_space<vmem_shared>>
    tpu.enqueue_indirect_dma source(%arg17 : memref<80x128xf32, #tpu.memory_space<vmem>>) target(%dma_start3A_242 : memref<10000x128xf32, #tpu.memory_space<vmem_shared>>) offsets(%arg13 : memref<80xi32, #tpu.memory_space<vmem>>) semaphore(%arg30 : memref<!tpu.dma_semaphore, #tpu.memory_space<semaphore_mem>>) {add = true}
    %dma_wait3A_243 = arith.constant 0 : i32
    %dma_wait3A_244 = arith.constant 0 : i32
    %dma_wait3A_245 = tpu.memref_slice %arg19[%dma_wait3A_243, %dma_wait3A_244] : memref<10000x128xf32, #tpu.memory_space<vmem_shared>> -> memref<10000x128xf32, #tpu.memory_space<vmem_shared>>
    tpu.wait_indirect_dma semaphore(%arg30 : memref<!tpu.dma_semaphore, #tpu.memory_space<semaphore_mem>>) src(%arg17 : memref<80x128xf32, #tpu.memory_space<vmem>>) dst(%dma_wait3A_245 : memref<10000x128xf32, #tpu.memory_space<vmem_shared>>)
    %dma_wait3A_246 = arith.constant 0 : i32
    %dma_wait3A_247 = arith.constant 0 : i32
    %dma_wait3A_248 = tpu.memref_slice %arg2[%dma_wait3A_246, %dma_wait3A_247] : memref<10000x128xf32, #tpu.memory_space<hbm>> -> memref<10000x128xf32, #tpu.memory_space<hbm>>
    tpu.wait_indirect_dma semaphore(%arg27 : memref<!tpu.dma_semaphore, #tpu.memory_space<semaphore_mem>>) src(%dma_wait3A_248 : memref<10000x128xf32, #tpu.memory_space<hbm>>) dst(%arg18 : memref<80x128xf32, #tpu.memory_space<vmem>>)
    %dma_start3A_249 = arith.constant 0 : i32
    %dma_start3A_250 = arith.constant 0 : i32
    %dma_start3A_251 = tpu.memref_slice %arg19[%dma_start3A_249, %dma_start3A_250] : memref<10000x128xf32, #tpu.memory_space<vmem_shared>> -> memref<10000x128xf32, #tpu.memory_space<vmem_shared>>
    tpu.enqueue_indirect_dma source(%arg18 : memref<80x128xf32, #tpu.memory_space<vmem>>) target(%dma_start3A_251 : memref<10000x128xf32, #tpu.memory_space<vmem_shared>>) offsets(%arg14 : memref<80xi32, #tpu.memory_space<vmem>>) semaphore(%arg31 : memref<!tpu.dma_semaphore, #tpu.memory_space<semaphore_mem>>) {add = true}
    %dma_wait3A_252 = arith.constant 0 : i32
    %dma_wait3A_253 = arith.constant 0 : i32
    %dma_wait3A_254 = tpu.memref_slice %arg19[%dma_wait3A_252, %dma_wait3A_253] : memref<10000x128xf32, #tpu.memory_space<vmem_shared>> -> memref<10000x128xf32, #tpu.memory_space<vmem_shared>>
    tpu.wait_indirect_dma semaphore(%arg31 : memref<!tpu.dma_semaphore, #tpu.memory_space<semaphore_mem>>) src(%arg18 : memref<80x128xf32, #tpu.memory_space<vmem>>) dst(%dma_wait3A_254 : memref<10000x128xf32, #tpu.memory_space<vmem_shared>>)
    %dma_wait3A_255 = arith.constant 0 : i32
    %dma_wait3A_256 = arith.constant 0 : i32
    %dma_wait3A_257 = tpu.memref_slice %arg2[%dma_wait3A_255, %dma_wait3A_256] : memref<10000x128xf32, #tpu.memory_space<hbm>> -> memref<10000x128xf32, #tpu.memory_space<hbm>>
    tpu.wait_indirect_dma semaphore(%arg24 : memref<!tpu.dma_semaphore, #tpu.memory_space<semaphore_mem>>) src(%dma_wait3A_257 : memref<10000x128xf32, #tpu.memory_space<hbm>>) dst(%arg15 : memref<80x128xf32, #tpu.memory_space<vmem>>)
    %dma_start3A_258 = arith.constant 0 : i32
    %dma_start3A_259 = arith.constant 0 : i32
    %dma_start3A_260 = tpu.memref_slice %arg19[%dma_start3A_258, %dma_start3A_259] : memref<10000x128xf32, #tpu.memory_space<vmem_shared>> -> memref<10000x128xf32, #tpu.memory_space<vmem_shared>>
    tpu.enqueue_indirect_dma source(%arg15 : memref<80x128xf32, #tpu.memory_space<vmem>>) target(%dma_start3A_260 : memref<10000x128xf32, #tpu.memory_space<vmem_shared>>) offsets(%arg11 : memref<80xi32, #tpu.memory_space<vmem>>) semaphore(%arg28 : memref<!tpu.dma_semaphore, #tpu.memory_space<semaphore_mem>>) {add = true}
    %dma_wait3A_261 = arith.constant 0 : i32
    %dma_wait3A_262 = arith.constant 0 : i32
    %dma_wait3A_263 = tpu.memref_slice %arg19[%dma_wait3A_261, %dma_wait3A_262] : memref<10000x128xf32, #tpu.memory_space<vmem_shared>> -> memref<10000x128xf32, #tpu.memory_space<vmem_shared>>
    tpu.wait_indirect_dma semaphore(%arg28 : memref<!tpu.dma_semaphore, #tpu.memory_space<semaphore_mem>>) src(%arg15 : memref<80x128xf32, #tpu.memory_space<vmem>>) dst(%dma_wait3A_263 : memref<10000x128xf32, #tpu.memory_space<vmem_shared>>)
    %barrier3A_264 = arith.constant 0 : index
    tpu.barrier barrier_id(%barrier3A_264)
    %lt3A = arith.constant 15 : i32
    %lt3A_265 = arith.cmpi slt, %arg1, %lt3A : i32
    %convert_element_type3A_266 = arith.extui %lt3A_265 : i1 to i32
    %cond3A_267 = arith.constant 0 : i32
    %cond3A_268 = arith.cmpi ne, %convert_element_type3A_266, %cond3A_267 : i32
    scf.if %cond3A_268 {
      %mul3A_274 = arith.constant 624 : i32
      %mul3A_275 = arith.muli %arg1, %mul3A_274 : i32
      "tpu.region"() ({
        %run_scoped3A = tpu.sem_alloc : memref<!tpu.dma_semaphore, #tpu.memory_space<semaphore_mem>>
        %dma_start3A_276 = arith.constant 0 : i32
        %dma_start3A_277 = tpu.memref_slice %arg6[%arg0, %mul3A_275, %dma_start3A_276] : memref<2x10000x128xf32, #tpu.memory_space<hbm>> -> memref<1x624x128xf32, #tpu.memory_space<hbm>>
        %dma_start3A_278 = tpu.memref_squeeze %dma_start3A_277 : memref<1x624x128xf32, #tpu.memory_space<hbm>> -> memref<624x128xf32, #tpu.memory_space<hbm>>
        %dma_start3A_279 = arith.constant 0 : i32
        %dma_start3A_280 = tpu.memref_slice %arg19[%mul3A_275, %dma_start3A_279] : memref<10000x128xf32, #tpu.memory_space<vmem_shared>> -> memref<624x128xf32, #tpu.memory_space<vmem_shared>>
        tpu.enqueue_dma source(%dma_start3A_280 : memref<624x128xf32, #tpu.memory_space<vmem_shared>>) target(%dma_start3A_278 : memref<624x128xf32, #tpu.memory_space<hbm>>) target_semaphore(%run_scoped3A : memref<!tpu.dma_semaphore, #tpu.memory_space<semaphore_mem>>)
        %dma_wait3A_281 = arith.constant 0 : i32
        %dma_wait3A_282 = tpu.memref_slice %arg6[%arg0, %mul3A_275, %dma_wait3A_281] : memref<2x10000x128xf32, #tpu.memory_space<hbm>> -> memref<1x624x128xf32, #tpu.memory_space<hbm>>
        %dma_wait3A_283 = tpu.memref_squeeze %dma_wait3A_282 : memref<1x624x128xf32, #tpu.memory_space<hbm>> -> memref<624x128xf32, #tpu.memory_space<hbm>>
        %dma_wait3A_284 = arith.constant 0 : i32
        %dma_wait3A_285 = tpu.memref_slice %arg19[%mul3A_275, %dma_wait3A_284] : memref<10000x128xf32, #tpu.memory_space<vmem_shared>> -> memref<624x128xf32, #tpu.memory_space<vmem_shared>>
        tpu.wait_dma2 semaphore(%run_scoped3A : memref<!tpu.dma_semaphore, #tpu.memory_space<semaphore_mem>>) src(%dma_wait3A_285 : memref<624x128xf32, #tpu.memory_space<vmem_shared>>) dst(%dma_wait3A_283 : memref<624x128xf32, #tpu.memory_space<hbm>>)
        tpu.yield
      }) : () -> ()
    } else {
    }
    %eq3A_269 = arith.constant 15 : i32
    %eq3A_270 = arith.cmpi eq, %arg1, %eq3A_269 : i32
    %convert_element_type3A_271 = arith.extui %eq3A_270 : i1 to i32
    %cond3A_272 = arith.constant 0 : i32
    %cond3A_273 = arith.cmpi ne, %convert_element_type3A_271, %cond3A_272 : i32
    scf.if %cond3A_273 {
      "tpu.region"() ({
        %run_scoped3A = tpu.sem_alloc : memref<!tpu.dma_semaphore, #tpu.memory_space<semaphore_mem>>
        %dma_start3A_274 = arith.constant 9360 : i32
        %dma_start3A_275 = arith.constant 0 : i32
        %dma_start3A_276 = tpu.memref_slice %arg6[%arg0, %dma_start3A_274, %dma_start3A_275] : memref<2x10000x128xf32, #tpu.memory_space<hbm>> -> memref<1x640x128xf32, #tpu.memory_space<hbm>>
        %dma_start3A_277 = tpu.memref_squeeze %dma_start3A_276 : memref<1x640x128xf32, #tpu.memory_space<hbm>> -> memref<640x128xf32, #tpu.memory_space<hbm>>
        %dma_start3A_278 = arith.constant 9360 : i32
        %dma_start3A_279 = arith.constant 0 : i32
        %dma_start3A_280 = tpu.memref_slice %arg19[%dma_start3A_278, %dma_start3A_279] : memref<10000x128xf32, #tpu.memory_space<vmem_shared>> -> memref<640x128xf32, #tpu.memory_space<vmem_shared>>
        tpu.enqueue_dma source(%dma_start3A_280 : memref<640x128xf32, #tpu.memory_space<vmem_shared>>) target(%dma_start3A_277 : memref<640x128xf32, #tpu.memory_space<hbm>>) target_semaphore(%run_scoped3A : memref<!tpu.dma_semaphore, #tpu.memory_space<semaphore_mem>>)
        %dma_wait3A_281 = arith.constant 9360 : i32
        %dma_wait3A_282 = arith.constant 0 : i32
        %dma_wait3A_283 = tpu.memref_slice %arg6[%arg0, %dma_wait3A_281, %dma_wait3A_282] : memref<2x10000x128xf32, #tpu.memory_space<hbm>> -> memref<1x640x128xf32, #tpu.memory_space<hbm>>
        %dma_wait3A_284 = tpu.memref_squeeze %dma_wait3A_283 : memref<1x640x128xf32, #tpu.memory_space<hbm>> -> memref<640x128xf32, #tpu.memory_space<hbm>>
        %dma_wait3A_285 = arith.constant 9360 : i32
        %dma_wait3A_286 = arith.constant 0 : i32
        %dma_wait3A_287 = tpu.memref_slice %arg19[%dma_wait3A_285, %dma_wait3A_286] : memref<10000x128xf32, #tpu.memory_space<vmem_shared>> -> memref<640x128xf32, #tpu.memory_space<vmem_shared>>
        tpu.wait_dma2 semaphore(%run_scoped3A : memref<!tpu.dma_semaphore, #tpu.memory_space<semaphore_mem>>) src(%dma_wait3A_287 : memref<640x128xf32, #tpu.memory_space<vmem_shared>>) dst(%dma_wait3A_284 : memref<640x128xf32, #tpu.memory_space<hbm>>)
        tpu.yield
      }) : () -> ()
    } else {
    }
    return
  }
}

#map = affine_map<(d0, d1) -> (0, 0)>
#map1 = affine_map<(d0, d1) -> (0)>
#map2 = affine_map<(d0, d1) -> (0, 0, 0)>
module attributes {stable_mosaic.version = 14 : i64} {
  func.func @_sc_scatter(%arg0: i32, %arg1: i32, %arg2: memref<10000x128xf32, #tpu.memory_space<hbm>>, %arg3: memref<10000x128xf32, #tpu.memory_space<hbm>>, %arg4: memref<320000xi32, #tpu.memory_space<hbm>>, %arg5: memref<320000xi32, #tpu.memory_space<hbm>>, %arg6: memref<2x10000x128xf32, #tpu.memory_space<hbm>>, %arg7: memref<80xi32, #tpu.memory_space<vmem>>, %arg8: memref<80xi32, #tpu.memory_space<vmem>>, %arg9: memref<80xi32, #tpu.memory_space<vmem>>, %arg10: memref<80xi32, #tpu.memory_space<vmem>>, %arg11: memref<80xi32, #tpu.memory_space<vmem>>, %arg12: memref<80xi32, #tpu.memory_space<vmem>>, %arg13: memref<80xi32, #tpu.memory_space<vmem>>, %arg14: memref<80xi32, #tpu.memory_space<vmem>>, %arg15: memref<80x128xf32, #tpu.memory_space<vmem>>, %arg16: memref<80x128xf32, #tpu.memory_space<vmem>>, %arg17: memref<80x128xf32, #tpu.memory_space<vmem>>, %arg18: memref<80x128xf32, #tpu.memory_space<vmem>>, %arg19: memref<10000x128xf32, #tpu.memory_space<vmem_shared>>, %arg20: memref<!tpu.dma_semaphore, #tpu.memory_space<semaphore_mem>>, %arg21: memref<!tpu.dma_semaphore, #tpu.memory_space<semaphore_mem>>, %arg22: memref<!tpu.dma_semaphore, #tpu.memory_space<semaphore_mem>>, %arg23: memref<!tpu.dma_semaphore, #tpu.memory_space<semaphore_mem>>, %arg24: memref<!tpu.dma_semaphore, #tpu.memory_space<semaphore_mem>>, %arg25: memref<!tpu.dma_semaphore, #tpu.memory_space<semaphore_mem>>, %arg26: memref<!tpu.dma_semaphore, #tpu.memory_space<semaphore_mem>>, %arg27: memref<!tpu.dma_semaphore, #tpu.memory_space<semaphore_mem>>, %arg28: memref<!tpu.dma_semaphore, #tpu.memory_space<semaphore_mem>>, %arg29: memref<!tpu.dma_semaphore, #tpu.memory_space<semaphore_mem>>, %arg30: memref<!tpu.dma_semaphore, #tpu.memory_space<semaphore_mem>>, %arg31: memref<!tpu.dma_semaphore, #tpu.memory_space<semaphore_mem>>) attributes {dimension_semantics = [#tpu.dimension_semantics<core_parallel>, #tpu.dimension_semantics<subcore_parallel>], iteration_bounds = array<i64: 2, 16>, scalar_prefetch = 0 : i64, scratch_operands = 25 : i64, tpu.core_type = #tpu.core_type<sc_vector_subcore>, window_params = [{transform_indices = #map}, {transform_indices = #map}, {transform_indices = #map1}, {transform_indices = #map1}, {transform_indices = #map2}]} {
    %mul3A = arith.constant 2 : i32
    %mul3A_0 = arith.muli %arg1, %mul3A : i32
    %add3A = arith.addi %mul3A_0, %arg0 : i32
    %eq3A = arith.constant 0 : i32
    %eq3A_1 = arith.cmpi eq, %arg0, %eq3A : i32
    %convert_element_type3A = arith.extui %eq3A_1 : i1 to i32
    %cond3A = arith.constant 0 : i32
    %cond3A_2 = arith.cmpi ne, %convert_element_type3A, %cond3A : i32
    scf.if %cond3A_2 {
      %lt3A_274 = arith.constant 15 : i32
      %lt3A_275 = arith.cmpi slt, %arg1, %lt3A_274 : i32
      %convert_element_type3A_276 = arith.extui %lt3A_275 : i1 to i32
      %cond3A_277 = arith.constant 0 : i32
      %cond3A_278 = arith.cmpi ne, %convert_element_type3A_276, %cond3A_277 : i32
      scf.if %cond3A_278 {
        %mul3A_284 = arith.constant 624 : i32
        %mul3A_285 = arith.muli %arg1, %mul3A_284 : i32
        "tpu.region"() ({
          %run_scoped3A = tpu.sem_alloc : memref<!tpu.dma_semaphore, #tpu.memory_space<semaphore_mem>>
          %dma_start3A_286 = arith.constant 0 : i32
          %dma_start3A_287 = tpu.memref_slice %arg19[%mul3A_285, %dma_start3A_286] : memref<10000x128xf32, #tpu.memory_space<vmem_shared>> -> memref<624x128xf32, #tpu.memory_space<vmem_shared>>
          %dma_start3A_288 = arith.constant 0 : i32
          %dma_start3A_289 = tpu.memref_slice %arg2[%mul3A_285, %dma_start3A_288] : memref<10000x128xf32, #tpu.memory_space<hbm>> -> memref<624x128xf32, #tpu.memory_space<hbm>>
          tpu.enqueue_dma source(%dma_start3A_289 : memref<624x128xf32, #tpu.memory_space<hbm>>) target(%dma_start3A_287 : memref<624x128xf32, #tpu.memory_space<vmem_shared>>) target_semaphore(%run_scoped3A : memref<!tpu.dma_semaphore, #tpu.memory_space<semaphore_mem>>)
          %dma_wait3A_290 = arith.constant 0 : i32
          %dma_wait3A_291 = tpu.memref_slice %arg19[%mul3A_285, %dma_wait3A_290] : memref<10000x128xf32, #tpu.memory_space<vmem_shared>> -> memref<624x128xf32, #tpu.memory_space<vmem_shared>>
          %dma_wait3A_292 = arith.constant 0 : i32
          %dma_wait3A_293 = tpu.memref_slice %arg2[%mul3A_285, %dma_wait3A_292] : memref<10000x128xf32, #tpu.memory_space<hbm>> -> memref<624x128xf32, #tpu.memory_space<hbm>>
          tpu.wait_dma2 semaphore(%run_scoped3A : memref<!tpu.dma_semaphore, #tpu.memory_space<semaphore_mem>>) src(%dma_wait3A_293 : memref<624x128xf32, #tpu.memory_space<hbm>>) dst(%dma_wait3A_291 : memref<624x128xf32, #tpu.memory_space<vmem_shared>>)
          tpu.yield
        }) : () -> ()
      } else {
      }
      %eq3A_279 = arith.constant 15 : i32
      %eq3A_280 = arith.cmpi eq, %arg1, %eq3A_279 : i32
      %convert_element_type3A_281 = arith.extui %eq3A_280 : i1 to i32
      %cond3A_282 = arith.constant 0 : i32
      %cond3A_283 = arith.cmpi ne, %convert_element_type3A_281, %cond3A_282 : i32
      scf.if %cond3A_283 {
        "tpu.region"() ({
          %run_scoped3A = tpu.sem_alloc : memref<!tpu.dma_semaphore, #tpu.memory_space<semaphore_mem>>
          %dma_start3A_284 = arith.constant 9360 : i32
          %dma_start3A_285 = arith.constant 0 : i32
          %dma_start3A_286 = tpu.memref_slice %arg19[%dma_start3A_284, %dma_start3A_285] : memref<10000x128xf32, #tpu.memory_space<vmem_shared>> -> memref<640x128xf32, #tpu.memory_space<vmem_shared>>
          %dma_start3A_287 = arith.constant 9360 : i32
          %dma_start3A_288 = arith.constant 0 : i32
          %dma_start3A_289 = tpu.memref_slice %arg2[%dma_start3A_287, %dma_start3A_288] : memref<10000x128xf32, #tpu.memory_space<hbm>> -> memref<640x128xf32, #tpu.memory_space<hbm>>
          tpu.enqueue_dma source(%dma_start3A_289 : memref<640x128xf32, #tpu.memory_space<hbm>>) target(%dma_start3A_286 : memref<640x128xf32, #tpu.memory_space<vmem_shared>>) target_semaphore(%run_scoped3A : memref<!tpu.dma_semaphore, #tpu.memory_space<semaphore_mem>>)
          %dma_wait3A_290 = arith.constant 9360 : i32
          %dma_wait3A_291 = arith.constant 0 : i32
          %dma_wait3A_292 = tpu.memref_slice %arg19[%dma_wait3A_290, %dma_wait3A_291] : memref<10000x128xf32, #tpu.memory_space<vmem_shared>> -> memref<640x128xf32, #tpu.memory_space<vmem_shared>>
          %dma_wait3A_293 = arith.constant 9360 : i32
          %dma_wait3A_294 = arith.constant 0 : i32
          %dma_wait3A_295 = tpu.memref_slice %arg2[%dma_wait3A_293, %dma_wait3A_294] : memref<10000x128xf32, #tpu.memory_space<hbm>> -> memref<640x128xf32, #tpu.memory_space<hbm>>
          tpu.wait_dma2 semaphore(%run_scoped3A : memref<!tpu.dma_semaphore, #tpu.memory_space<semaphore_mem>>) src(%dma_wait3A_295 : memref<640x128xf32, #tpu.memory_space<hbm>>) dst(%dma_wait3A_292 : memref<640x128xf32, #tpu.memory_space<vmem_shared>>)
          tpu.yield
        }) : () -> ()
      } else {
      }
    } else {
    }
    %ne3A = arith.constant 0 : i32
    %ne3A_3 = arith.cmpi ne, %arg0, %ne3A : i32
    %convert_element_type3A_4 = arith.extui %ne3A_3 : i1 to i32
    %cond3A_5 = arith.constant 0 : i32
    %cond3A_6 = arith.cmpi ne, %convert_element_type3A_4, %cond3A_5 : i32
    scf.if %cond3A_6 {
      %lt3A_274 = arith.constant 15 : i32
      %lt3A_275 = arith.cmpi slt, %arg1, %lt3A_274 : i32
      %convert_element_type3A_276 = arith.extui %lt3A_275 : i1 to i32
      %cond3A_277 = arith.constant 0 : i32
      %cond3A_278 = arith.cmpi ne, %convert_element_type3A_276, %cond3A_277 : i32
      scf.if %cond3A_278 {
        %mul3A_284 = arith.constant 624 : i32
        %mul3A_285 = arith.muli %arg1, %mul3A_284 : i32
        "tpu.region"() ({
          %run_scoped3A = tpu.sem_alloc : memref<!tpu.dma_semaphore, #tpu.memory_space<semaphore_mem>>
          %dma_start3A_286 = arith.constant 0 : i32
          %dma_start3A_287 = tpu.memref_slice %arg19[%mul3A_285, %dma_start3A_286] : memref<10000x128xf32, #tpu.memory_space<vmem_shared>> -> memref<624x128xf32, #tpu.memory_space<vmem_shared>>
          %dma_start3A_288 = arith.constant 0 : i32
          %dma_start3A_289 = tpu.memref_slice %arg3[%mul3A_285, %dma_start3A_288] : memref<10000x128xf32, #tpu.memory_space<hbm>> -> memref<624x128xf32, #tpu.memory_space<hbm>>
          tpu.enqueue_dma source(%dma_start3A_289 : memref<624x128xf32, #tpu.memory_space<hbm>>) target(%dma_start3A_287 : memref<624x128xf32, #tpu.memory_space<vmem_shared>>) target_semaphore(%run_scoped3A : memref<!tpu.dma_semaphore, #tpu.memory_space<semaphore_mem>>)
          %dma_wait3A_290 = arith.constant 0 : i32
          %dma_wait3A_291 = tpu.memref_slice %arg19[%mul3A_285, %dma_wait3A_290] : memref<10000x128xf32, #tpu.memory_space<vmem_shared>> -> memref<624x128xf32, #tpu.memory_space<vmem_shared>>
          %dma_wait3A_292 = arith.constant 0 : i32
          %dma_wait3A_293 = tpu.memref_slice %arg3[%mul3A_285, %dma_wait3A_292] : memref<10000x128xf32, #tpu.memory_space<hbm>> -> memref<624x128xf32, #tpu.memory_space<hbm>>
          tpu.wait_dma2 semaphore(%run_scoped3A : memref<!tpu.dma_semaphore, #tpu.memory_space<semaphore_mem>>) src(%dma_wait3A_293 : memref<624x128xf32, #tpu.memory_space<hbm>>) dst(%dma_wait3A_291 : memref<624x128xf32, #tpu.memory_space<vmem_shared>>)
          tpu.yield
        }) : () -> ()
      } else {
      }
      %eq3A_279 = arith.constant 15 : i32
      %eq3A_280 = arith.cmpi eq, %arg1, %eq3A_279 : i32
      %convert_element_type3A_281 = arith.extui %eq3A_280 : i1 to i32
      %cond3A_282 = arith.constant 0 : i32
      %cond3A_283 = arith.cmpi ne, %convert_element_type3A_281, %cond3A_282 : i32
      scf.if %cond3A_283 {
        "tpu.region"() ({
          %run_scoped3A = tpu.sem_alloc : memref<!tpu.dma_semaphore, #tpu.memory_space<semaphore_mem>>
          %dma_start3A_284 = arith.constant 9360 : i32
          %dma_start3A_285 = arith.constant 0 : i32
          %dma_start3A_286 = tpu.memref_slice %arg19[%dma_start3A_284, %dma_start3A_285] : memref<10000x128xf32, #tpu.memory_space<vmem_shared>> -> memref<640x128xf32, #tpu.memory_space<vmem_shared>>
          %dma_start3A_287 = arith.constant 9360 : i32
          %dma_start3A_288 = arith.constant 0 : i32
          %dma_start3A_289 = tpu.memref_slice %arg3[%dma_start3A_287, %dma_start3A_288] : memref<10000x128xf32, #tpu.memory_space<hbm>> -> memref<640x128xf32, #tpu.memory_space<hbm>>
          tpu.enqueue_dma source(%dma_start3A_289 : memref<640x128xf32, #tpu.memory_space<hbm>>) target(%dma_start3A_286 : memref<640x128xf32, #tpu.memory_space<vmem_shared>>) target_semaphore(%run_scoped3A : memref<!tpu.dma_semaphore, #tpu.memory_space<semaphore_mem>>)
          %dma_wait3A_290 = arith.constant 9360 : i32
          %dma_wait3A_291 = arith.constant 0 : i32
          %dma_wait3A_292 = tpu.memref_slice %arg19[%dma_wait3A_290, %dma_wait3A_291] : memref<10000x128xf32, #tpu.memory_space<vmem_shared>> -> memref<640x128xf32, #tpu.memory_space<vmem_shared>>
          %dma_wait3A_293 = arith.constant 9360 : i32
          %dma_wait3A_294 = arith.constant 0 : i32
          %dma_wait3A_295 = tpu.memref_slice %arg3[%dma_wait3A_293, %dma_wait3A_294] : memref<10000x128xf32, #tpu.memory_space<hbm>> -> memref<640x128xf32, #tpu.memory_space<hbm>>
          tpu.wait_dma2 semaphore(%run_scoped3A : memref<!tpu.dma_semaphore, #tpu.memory_space<semaphore_mem>>) src(%dma_wait3A_295 : memref<640x128xf32, #tpu.memory_space<hbm>>) dst(%dma_wait3A_292 : memref<640x128xf32, #tpu.memory_space<vmem_shared>>)
          tpu.yield
        }) : () -> ()
      } else {
      }
    } else {
    }
    %barrier3A = arith.constant 0 : index
    tpu.barrier barrier_id(%barrier3A)
    %mul3A_7 = arith.constant 10000 : i32
    %mul3A_8 = arith.muli %add3A, %mul3A_7 : i32
    %add3A_9 = arith.constant 0 : i32
    %add3A_10 = arith.addi %mul3A_8, %add3A_9 : i32
    %dma_start3A = tpu.memref_slice %arg4[%add3A_10] : memref<320000xi32, #tpu.memory_space<hbm>> -> memref<80xi32, #tpu.memory_space<hbm>>
    %dma_start3A_11 = tpu.memref_slice %arg4[%add3A_10] : memref<320000xi32, #tpu.memory_space<hbm>> -> memref<80xi32, #tpu.memory_space<hbm>>
    tpu.enqueue_dma source(%dma_start3A_11 : memref<80xi32, #tpu.memory_space<hbm>>) target(%arg7 : memref<80xi32, #tpu.memory_space<vmem>>) target_semaphore(%arg20 : memref<!tpu.dma_semaphore, #tpu.memory_space<semaphore_mem>>)
    %add3A_12 = arith.constant 0 : i32
    %add3A_13 = arith.addi %mul3A_8, %add3A_12 : i32
    %dma_start3A_14 = tpu.memref_slice %arg5[%add3A_13] : memref<320000xi32, #tpu.memory_space<hbm>> -> memref<80xi32, #tpu.memory_space<hbm>>
    %dma_start3A_15 = tpu.memref_slice %arg5[%add3A_13] : memref<320000xi32, #tpu.memory_space<hbm>> -> memref<80xi32, #tpu.memory_space<hbm>>
    tpu.enqueue_dma source(%dma_start3A_15 : memref<80xi32, #tpu.memory_space<hbm>>) target(%arg11 : memref<80xi32, #tpu.memory_space<vmem>>) target_semaphore(%arg20 : memref<!tpu.dma_semaphore, #tpu.memory_space<semaphore_mem>>)
    %add3A_16 = arith.constant 80 : i32
    %add3A_17 = arith.addi %mul3A_8, %add3A_16 : i32
    %dma_start3A_18 = tpu.memref_slice %arg4[%add3A_17] : memref<320000xi32, #tpu.memory_space<hbm>> -> memref<80xi32, #tpu.memory_space<hbm>>
    %dma_start3A_19 = tpu.memref_slice %arg4[%add3A_17] : memref<320000xi32, #tpu.memory_space<hbm>> -> memref<80xi32, #tpu.memory_space<hbm>>
    tpu.enqueue_dma source(%dma_start3A_19 : memref<80xi32, #tpu.memory_space<hbm>>) target(%arg8 : memref<80xi32, #tpu.memory_space<vmem>>) target_semaphore(%arg21 : memref<!tpu.dma_semaphore, #tpu.memory_space<semaphore_mem>>)
    %add3A_20 = arith.constant 80 : i32
    %add3A_21 = arith.addi %mul3A_8, %add3A_20 : i32
    %dma_start3A_22 = tpu.memref_slice %arg5[%add3A_21] : memref<320000xi32, #tpu.memory_space<hbm>> -> memref<80xi32, #tpu.memory_space<hbm>>
    %dma_start3A_23 = tpu.memref_slice %arg5[%add3A_21] : memref<320000xi32, #tpu.memory_space<hbm>> -> memref<80xi32, #tpu.memory_space<hbm>>
    tpu.enqueue_dma source(%dma_start3A_23 : memref<80xi32, #tpu.memory_space<hbm>>) target(%arg12 : memref<80xi32, #tpu.memory_space<vmem>>) target_semaphore(%arg21 : memref<!tpu.dma_semaphore, #tpu.memory_space<semaphore_mem>>)
    %add3A_24 = arith.constant 160 : i32
    %add3A_25 = arith.addi %mul3A_8, %add3A_24 : i32
    %dma_start3A_26 = tpu.memref_slice %arg4[%add3A_25] : memref<320000xi32, #tpu.memory_space<hbm>> -> memref<80xi32, #tpu.memory_space<hbm>>
    %dma_start3A_27 = tpu.memref_slice %arg4[%add3A_25] : memref<320000xi32, #tpu.memory_space<hbm>> -> memref<80xi32, #tpu.memory_space<hbm>>
    tpu.enqueue_dma source(%dma_start3A_27 : memref<80xi32, #tpu.memory_space<hbm>>) target(%arg9 : memref<80xi32, #tpu.memory_space<vmem>>) target_semaphore(%arg22 : memref<!tpu.dma_semaphore, #tpu.memory_space<semaphore_mem>>)
    %add3A_28 = arith.constant 160 : i32
    %add3A_29 = arith.addi %mul3A_8, %add3A_28 : i32
    %dma_start3A_30 = tpu.memref_slice %arg5[%add3A_29] : memref<320000xi32, #tpu.memory_space<hbm>> -> memref<80xi32, #tpu.memory_space<hbm>>
    %dma_start3A_31 = tpu.memref_slice %arg5[%add3A_29] : memref<320000xi32, #tpu.memory_space<hbm>> -> memref<80xi32, #tpu.memory_space<hbm>>
    tpu.enqueue_dma source(%dma_start3A_31 : memref<80xi32, #tpu.memory_space<hbm>>) target(%arg13 : memref<80xi32, #tpu.memory_space<vmem>>) target_semaphore(%arg22 : memref<!tpu.dma_semaphore, #tpu.memory_space<semaphore_mem>>)
    %dma_wait3A = arith.constant 0 : i32
    %dma_wait3A_32 = tpu.memref_slice %arg4[%dma_wait3A] : memref<320000xi32, #tpu.memory_space<hbm>> -> memref<80xi32, #tpu.memory_space<hbm>>
    %dma_wait3A_33 = arith.constant 0 : i32
    %dma_wait3A_34 = tpu.memref_slice %arg4[%dma_wait3A_33] : memref<320000xi32, #tpu.memory_space<hbm>> -> memref<80xi32, #tpu.memory_space<hbm>>
    tpu.wait_dma2 semaphore(%arg20 : memref<!tpu.dma_semaphore, #tpu.memory_space<semaphore_mem>>) src(%dma_wait3A_34 : memref<80xi32, #tpu.memory_space<hbm>>) dst(%arg7 : memref<80xi32, #tpu.memory_space<vmem>>)
    %dma_wait3A_35 = arith.constant 0 : i32
    %dma_wait3A_36 = tpu.memref_slice %arg5[%dma_wait3A_35] : memref<320000xi32, #tpu.memory_space<hbm>> -> memref<80xi32, #tpu.memory_space<hbm>>
    %dma_wait3A_37 = arith.constant 0 : i32
    %dma_wait3A_38 = tpu.memref_slice %arg5[%dma_wait3A_37] : memref<320000xi32, #tpu.memory_space<hbm>> -> memref<80xi32, #tpu.memory_space<hbm>>
    tpu.wait_dma2 semaphore(%arg20 : memref<!tpu.dma_semaphore, #tpu.memory_space<semaphore_mem>>) src(%dma_wait3A_38 : memref<80xi32, #tpu.memory_space<hbm>>) dst(%arg11 : memref<80xi32, #tpu.memory_space<vmem>>)
    %dma_start3A_39 = arith.constant 0 : i32
    %dma_start3A_40 = arith.constant 0 : i32
    %dma_start3A_41 = tpu.memref_slice %arg2[%dma_start3A_39, %dma_start3A_40] : memref<10000x128xf32, #tpu.memory_space<hbm>> -> memref<10000x128xf32, #tpu.memory_space<hbm>>
    tpu.enqueue_indirect_dma source(%dma_start3A_41 : memref<10000x128xf32, #tpu.memory_space<hbm>>) target(%arg15 : memref<80x128xf32, #tpu.memory_space<vmem>>) offsets(%arg7 : memref<80xi32, #tpu.memory_space<vmem>>) semaphore(%arg24 : memref<!tpu.dma_semaphore, #tpu.memory_space<semaphore_mem>>)
    %dma_wait3A_42 = arith.constant 0 : i32
    %dma_wait3A_43 = tpu.memref_slice %arg4[%dma_wait3A_42] : memref<320000xi32, #tpu.memory_space<hbm>> -> memref<80xi32, #tpu.memory_space<hbm>>
    %dma_wait3A_44 = arith.constant 0 : i32
    %dma_wait3A_45 = tpu.memref_slice %arg4[%dma_wait3A_44] : memref<320000xi32, #tpu.memory_space<hbm>> -> memref<80xi32, #tpu.memory_space<hbm>>
    tpu.wait_dma2 semaphore(%arg21 : memref<!tpu.dma_semaphore, #tpu.memory_space<semaphore_mem>>) src(%dma_wait3A_45 : memref<80xi32, #tpu.memory_space<hbm>>) dst(%arg8 : memref<80xi32, #tpu.memory_space<vmem>>)
    %dma_wait3A_46 = arith.constant 0 : i32
    %dma_wait3A_47 = tpu.memref_slice %arg5[%dma_wait3A_46] : memref<320000xi32, #tpu.memory_space<hbm>> -> memref<80xi32, #tpu.memory_space<hbm>>
    %dma_wait3A_48 = arith.constant 0 : i32
    %dma_wait3A_49 = tpu.memref_slice %arg5[%dma_wait3A_48] : memref<320000xi32, #tpu.memory_space<hbm>> -> memref<80xi32, #tpu.memory_space<hbm>>
    tpu.wait_dma2 semaphore(%arg21 : memref<!tpu.dma_semaphore, #tpu.memory_space<semaphore_mem>>) src(%dma_wait3A_49 : memref<80xi32, #tpu.memory_space<hbm>>) dst(%arg12 : memref<80xi32, #tpu.memory_space<vmem>>)
    %dma_start3A_50 = arith.constant 0 : i32
    %dma_start3A_51 = arith.constant 0 : i32
    %dma_start3A_52 = tpu.memref_slice %arg2[%dma_start3A_50, %dma_start3A_51] : memref<10000x128xf32, #tpu.memory_space<hbm>> -> memref<10000x128xf32, #tpu.memory_space<hbm>>
    tpu.enqueue_indirect_dma source(%dma_start3A_52 : memref<10000x128xf32, #tpu.memory_space<hbm>>) target(%arg16 : memref<80x128xf32, #tpu.memory_space<vmem>>) offsets(%arg8 : memref<80xi32, #tpu.memory_space<vmem>>) semaphore(%arg25 : memref<!tpu.dma_semaphore, #tpu.memory_space<semaphore_mem>>)
    %dma_wait3A_53 = arith.constant 0 : i32
    %dma_wait3A_54 = tpu.memref_slice %arg4[%dma_wait3A_53] : memref<320000xi32, #tpu.memory_space<hbm>> -> memref<80xi32, #tpu.memory_space<hbm>>
    %dma_wait3A_55 = arith.constant 0 : i32
    %dma_wait3A_56 = tpu.memref_slice %arg4[%dma_wait3A_55] : memref<320000xi32, #tpu.memory_space<hbm>> -> memref<80xi32, #tpu.memory_space<hbm>>
    tpu.wait_dma2 semaphore(%arg22 : memref<!tpu.dma_semaphore, #tpu.memory_space<semaphore_mem>>) src(%dma_wait3A_56 : memref<80xi32, #tpu.memory_space<hbm>>) dst(%arg9 : memref<80xi32, #tpu.memory_space<vmem>>)
    %dma_wait3A_57 = arith.constant 0 : i32
    %dma_wait3A_58 = tpu.memref_slice %arg5[%dma_wait3A_57] : memref<320000xi32, #tpu.memory_space<hbm>> -> memref<80xi32, #tpu.memory_space<hbm>>
    %dma_wait3A_59 = arith.constant 0 : i32
    %dma_wait3A_60 = tpu.memref_slice %arg5[%dma_wait3A_59] : memref<320000xi32, #tpu.memory_space<hbm>> -> memref<80xi32, #tpu.memory_space<hbm>>
    tpu.wait_dma2 semaphore(%arg22 : memref<!tpu.dma_semaphore, #tpu.memory_space<semaphore_mem>>) src(%dma_wait3A_60 : memref<80xi32, #tpu.memory_space<hbm>>) dst(%arg13 : memref<80xi32, #tpu.memory_space<vmem>>)
    %add3A_61 = arith.constant 240 : i32
    %add3A_62 = arith.addi %mul3A_8, %add3A_61 : i32
    %dma_start3A_63 = tpu.memref_slice %arg4[%add3A_62] : memref<320000xi32, #tpu.memory_space<hbm>> -> memref<80xi32, #tpu.memory_space<hbm>>
    %dma_start3A_64 = tpu.memref_slice %arg4[%add3A_62] : memref<320000xi32, #tpu.memory_space<hbm>> -> memref<80xi32, #tpu.memory_space<hbm>>
    tpu.enqueue_dma source(%dma_start3A_64 : memref<80xi32, #tpu.memory_space<hbm>>) target(%arg10 : memref<80xi32, #tpu.memory_space<vmem>>) target_semaphore(%arg23 : memref<!tpu.dma_semaphore, #tpu.memory_space<semaphore_mem>>)
    %add3A_65 = arith.constant 240 : i32
    %add3A_66 = arith.addi %mul3A_8, %add3A_65 : i32
    %dma_start3A_67 = tpu.memref_slice %arg5[%add3A_66] : memref<320000xi32, #tpu.memory_space<hbm>> -> memref<80xi32, #tpu.memory_space<hbm>>
    %dma_start3A_68 = tpu.memref_slice %arg5[%add3A_66] : memref<320000xi32, #tpu.memory_space<hbm>> -> memref<80xi32, #tpu.memory_space<hbm>>
    tpu.enqueue_dma source(%dma_start3A_68 : memref<80xi32, #tpu.memory_space<hbm>>) target(%arg14 : memref<80xi32, #tpu.memory_space<vmem>>) target_semaphore(%arg23 : memref<!tpu.dma_semaphore, #tpu.memory_space<semaphore_mem>>)
    %dma_start3A_69 = arith.constant 0 : i32
    %dma_start3A_70 = arith.constant 0 : i32
    %dma_start3A_71 = tpu.memref_slice %arg2[%dma_start3A_69, %dma_start3A_70] : memref<10000x128xf32, #tpu.memory_space<hbm>> -> memref<10000x128xf32, #tpu.memory_space<hbm>>
    tpu.enqueue_indirect_dma source(%dma_start3A_71 : memref<10000x128xf32, #tpu.memory_space<hbm>>) target(%arg17 : memref<80x128xf32, #tpu.memory_space<vmem>>) offsets(%arg9 : memref<80xi32, #tpu.memory_space<vmem>>) semaphore(%arg26 : memref<!tpu.dma_semaphore, #tpu.memory_space<semaphore_mem>>)
    %dma_wait3A_72 = arith.constant 0 : i32
    %dma_wait3A_73 = arith.constant 0 : i32
    %dma_wait3A_74 = tpu.memref_slice %arg2[%dma_wait3A_72, %dma_wait3A_73] : memref<10000x128xf32, #tpu.memory_space<hbm>> -> memref<10000x128xf32, #tpu.memory_space<hbm>>
    tpu.wait_indirect_dma semaphore(%arg24 : memref<!tpu.dma_semaphore, #tpu.memory_space<semaphore_mem>>) src(%dma_wait3A_74 : memref<10000x128xf32, #tpu.memory_space<hbm>>) dst(%arg15 : memref<80x128xf32, #tpu.memory_space<vmem>>)
    %dma_start3A_75 = arith.constant 0 : i32
    %dma_start3A_76 = arith.constant 0 : i32
    %dma_start3A_77 = tpu.memref_slice %arg19[%dma_start3A_75, %dma_start3A_76] : memref<10000x128xf32, #tpu.memory_space<vmem_shared>> -> memref<10000x128xf32, #tpu.memory_space<vmem_shared>>
    tpu.enqueue_indirect_dma source(%arg15 : memref<80x128xf32, #tpu.memory_space<vmem>>) target(%dma_start3A_77 : memref<10000x128xf32, #tpu.memory_space<vmem_shared>>) offsets(%arg11 : memref<80xi32, #tpu.memory_space<vmem>>) semaphore(%arg28 : memref<!tpu.dma_semaphore, #tpu.memory_space<semaphore_mem>>) {add = true}
    %dma_wait3A_78 = arith.constant 0 : i32
    %dma_wait3A_79 = tpu.memref_slice %arg4[%dma_wait3A_78] : memref<320000xi32, #tpu.memory_space<hbm>> -> memref<80xi32, #tpu.memory_space<hbm>>
    %dma_wait3A_80 = arith.constant 0 : i32
    %dma_wait3A_81 = tpu.memref_slice %arg4[%dma_wait3A_80] : memref<320000xi32, #tpu.memory_space<hbm>> -> memref<80xi32, #tpu.memory_space<hbm>>
    tpu.wait_dma2 semaphore(%arg23 : memref<!tpu.dma_semaphore, #tpu.memory_space<semaphore_mem>>) src(%dma_wait3A_81 : memref<80xi32, #tpu.memory_space<hbm>>) dst(%arg10 : memref<80xi32, #tpu.memory_space<vmem>>)
    %dma_wait3A_82 = arith.constant 0 : i32
    %dma_wait3A_83 = tpu.memref_slice %arg5[%dma_wait3A_82] : memref<320000xi32, #tpu.memory_space<hbm>> -> memref<80xi32, #tpu.memory_space<hbm>>
    %dma_wait3A_84 = arith.constant 0 : i32
    %dma_wait3A_85 = tpu.memref_slice %arg5[%dma_wait3A_84] : memref<320000xi32, #tpu.memory_space<hbm>> -> memref<80xi32, #tpu.memory_space<hbm>>
    tpu.wait_dma2 semaphore(%arg23 : memref<!tpu.dma_semaphore, #tpu.memory_space<semaphore_mem>>) src(%dma_wait3A_85 : memref<80xi32, #tpu.memory_space<hbm>>) dst(%arg14 : memref<80xi32, #tpu.memory_space<vmem>>)
    %dma_wait3A_86 = arith.constant 0 : i32
    %dma_wait3A_87 = arith.constant 0 : i32
    %dma_wait3A_88 = tpu.memref_slice %arg19[%dma_wait3A_86, %dma_wait3A_87] : memref<10000x128xf32, #tpu.memory_space<vmem_shared>> -> memref<10000x128xf32, #tpu.memory_space<vmem_shared>>
    tpu.wait_indirect_dma semaphore(%arg28 : memref<!tpu.dma_semaphore, #tpu.memory_space<semaphore_mem>>) src(%arg15 : memref<80x128xf32, #tpu.memory_space<vmem>>) dst(%dma_wait3A_88 : memref<10000x128xf32, #tpu.memory_space<vmem_shared>>)
    %add3A_89 = arith.constant 320 : i32
    %add3A_90 = arith.addi %mul3A_8, %add3A_89 : i32
    %dma_start3A_91 = tpu.memref_slice %arg4[%add3A_90] : memref<320000xi32, #tpu.memory_space<hbm>> -> memref<80xi32, #tpu.memory_space<hbm>>
    %dma_start3A_92 = tpu.memref_slice %arg4[%add3A_90] : memref<320000xi32, #tpu.memory_space<hbm>> -> memref<80xi32, #tpu.memory_space<hbm>>
    tpu.enqueue_dma source(%dma_start3A_92 : memref<80xi32, #tpu.memory_space<hbm>>) target(%arg7 : memref<80xi32, #tpu.memory_space<vmem>>) target_semaphore(%arg20 : memref<!tpu.dma_semaphore, #tpu.memory_space<semaphore_mem>>)
    %add3A_93 = arith.constant 320 : i32
    %add3A_94 = arith.addi %mul3A_8, %add3A_93 : i32
    %dma_start3A_95 = tpu.memref_slice %arg5[%add3A_94] : memref<320000xi32, #tpu.memory_space<hbm>> -> memref<80xi32, #tpu.memory_space<hbm>>
    %dma_start3A_96 = tpu.memref_slice %arg5[%add3A_94] : memref<320000xi32, #tpu.memory_space<hbm>> -> memref<80xi32, #tpu.memory_space<hbm>>
    tpu.enqueue_dma source(%dma_start3A_96 : memref<80xi32, #tpu.memory_space<hbm>>) target(%arg11 : memref<80xi32, #tpu.memory_space<vmem>>) target_semaphore(%arg20 : memref<!tpu.dma_semaphore, #tpu.memory_space<semaphore_mem>>)
    %dma_start3A_97 = arith.constant 0 : i32
    %dma_start3A_98 = arith.constant 0 : i32
    %dma_start3A_99 = tpu.memref_slice %arg2[%dma_start3A_97, %dma_start3A_98] : memref<10000x128xf32, #tpu.memory_space<hbm>> -> memref<10000x128xf32, #tpu.memory_space<hbm>>
    tpu.enqueue_indirect_dma source(%dma_start3A_99 : memref<10000x128xf32, #tpu.memory_space<hbm>>) target(%arg18 : memref<80x128xf32, #tpu.memory_space<vmem>>) offsets(%arg10 : memref<80xi32, #tpu.memory_space<vmem>>) semaphore(%arg27 : memref<!tpu.dma_semaphore, #tpu.memory_space<semaphore_mem>>)
    %dma_wait3A_100 = arith.constant 0 : i32
    %dma_wait3A_101 = arith.constant 0 : i32
    %dma_wait3A_102 = tpu.memref_slice %arg2[%dma_wait3A_100, %dma_wait3A_101] : memref<10000x128xf32, #tpu.memory_space<hbm>> -> memref<10000x128xf32, #tpu.memory_space<hbm>>
    tpu.wait_indirect_dma semaphore(%arg25 : memref<!tpu.dma_semaphore, #tpu.memory_space<semaphore_mem>>) src(%dma_wait3A_102 : memref<10000x128xf32, #tpu.memory_space<hbm>>) dst(%arg16 : memref<80x128xf32, #tpu.memory_space<vmem>>)
    %dma_start3A_103 = arith.constant 0 : i32
    %dma_start3A_104 = arith.constant 0 : i32
    %dma_start3A_105 = tpu.memref_slice %arg19[%dma_start3A_103, %dma_start3A_104] : memref<10000x128xf32, #tpu.memory_space<vmem_shared>> -> memref<10000x128xf32, #tpu.memory_space<vmem_shared>>
    tpu.enqueue_indirect_dma source(%arg16 : memref<80x128xf32, #tpu.memory_space<vmem>>) target(%dma_start3A_105 : memref<10000x128xf32, #tpu.memory_space<vmem_shared>>) offsets(%arg12 : memref<80xi32, #tpu.memory_space<vmem>>) semaphore(%arg29 : memref<!tpu.dma_semaphore, #tpu.memory_space<semaphore_mem>>) {add = true}
    %dma_wait3A_106 = arith.constant 0 : i32
    %dma_wait3A_107 = tpu.memref_slice %arg4[%dma_wait3A_106] : memref<320000xi32, #tpu.memory_space<hbm>> -> memref<80xi32, #tpu.memory_space<hbm>>
    %dma_wait3A_108 = arith.constant 0 : i32
    %dma_wait3A_109 = tpu.memref_slice %arg4[%dma_wait3A_108] : memref<320000xi32, #tpu.memory_space<hbm>> -> memref<80xi32, #tpu.memory_space<hbm>>
    tpu.wait_dma2 semaphore(%arg20 : memref<!tpu.dma_semaphore, #tpu.memory_space<semaphore_mem>>) src(%dma_wait3A_109 : memref<80xi32, #tpu.memory_space<hbm>>) dst(%arg7 : memref<80xi32, #tpu.memory_space<vmem>>)
    %dma_wait3A_110 = arith.constant 0 : i32
    %dma_wait3A_111 = tpu.memref_slice %arg5[%dma_wait3A_110] : memref<320000xi32, #tpu.memory_space<hbm>> -> memref<80xi32, #tpu.memory_space<hbm>>
    %dma_wait3A_112 = arith.constant 0 : i32
    %dma_wait3A_113 = tpu.memref_slice %arg5[%dma_wait3A_112] : memref<320000xi32, #tpu.memory_space<hbm>> -> memref<80xi32, #tpu.memory_space<hbm>>
    tpu.wait_dma2 semaphore(%arg20 : memref<!tpu.dma_semaphore, #tpu.memory_space<semaphore_mem>>) src(%dma_wait3A_113 : memref<80xi32, #tpu.memory_space<hbm>>) dst(%arg11 : memref<80xi32, #tpu.memory_space<vmem>>)
    %dma_wait3A_114 = arith.constant 0 : i32
    %dma_wait3A_115 = arith.constant 0 : i32
    %dma_wait3A_116 = tpu.memref_slice %arg19[%dma_wait3A_114, %dma_wait3A_115] : memref<10000x128xf32, #tpu.memory_space<vmem_shared>> -> memref<10000x128xf32, #tpu.memory_space<vmem_shared>>
    tpu.wait_indirect_dma semaphore(%arg29 : memref<!tpu.dma_semaphore, #tpu.memory_space<semaphore_mem>>) src(%arg16 : memref<80x128xf32, #tpu.memory_space<vmem>>) dst(%dma_wait3A_116 : memref<10000x128xf32, #tpu.memory_space<vmem_shared>>)
    %add3A_117 = arith.constant 400 : i32
    %add3A_118 = arith.addi %mul3A_8, %add3A_117 : i32
    %dma_start3A_119 = tpu.memref_slice %arg4[%add3A_118] : memref<320000xi32, #tpu.memory_space<hbm>> -> memref<80xi32, #tpu.memory_space<hbm>>
    %dma_start3A_120 = tpu.memref_slice %arg4[%add3A_118] : memref<320000xi32, #tpu.memory_space<hbm>> -> memref<80xi32, #tpu.memory_space<hbm>>
    tpu.enqueue_dma source(%dma_start3A_120 : memref<80xi32, #tpu.memory_space<hbm>>) target(%arg8 : memref<80xi32, #tpu.memory_space<vmem>>) target_semaphore(%arg21 : memref<!tpu.dma_semaphore, #tpu.memory_space<semaphore_mem>>)
    %add3A_121 = arith.constant 400 : i32
    %add3A_122 = arith.addi %mul3A_8, %add3A_121 : i32
    %dma_start3A_123 = tpu.memref_slice %arg5[%add3A_122] : memref<320000xi32, #tpu.memory_space<hbm>> -> memref<80xi32, #tpu.memory_space<hbm>>
    %dma_start3A_124 = tpu.memref_slice %arg5[%add3A_122] : memref<320000xi32, #tpu.memory_space<hbm>> -> memref<80xi32, #tpu.memory_space<hbm>>
    tpu.enqueue_dma source(%dma_start3A_124 : memref<80xi32, #tpu.memory_space<hbm>>) target(%arg12 : memref<80xi32, #tpu.memory_space<vmem>>) target_semaphore(%arg21 : memref<!tpu.dma_semaphore, #tpu.memory_space<semaphore_mem>>)
    %dma_start3A_125 = arith.constant 0 : i32
    %dma_start3A_126 = arith.constant 0 : i32
    %dma_start3A_127 = tpu.memref_slice %arg2[%dma_start3A_125, %dma_start3A_126] : memref<10000x128xf32, #tpu.memory_space<hbm>> -> memref<10000x128xf32, #tpu.memory_space<hbm>>
    tpu.enqueue_indirect_dma source(%dma_start3A_127 : memref<10000x128xf32, #tpu.memory_space<hbm>>) target(%arg15 : memref<80x128xf32, #tpu.memory_space<vmem>>) offsets(%arg7 : memref<80xi32, #tpu.memory_space<vmem>>) semaphore(%arg24 : memref<!tpu.dma_semaphore, #tpu.memory_space<semaphore_mem>>)
    %dma_wait3A_128 = arith.constant 0 : i32
    %dma_wait3A_129 = arith.constant 0 : i32
    %dma_wait3A_130 = tpu.memref_slice %arg2[%dma_wait3A_128, %dma_wait3A_129] : memref<10000x128xf32, #tpu.memory_space<hbm>> -> memref<10000x128xf32, #tpu.memory_space<hbm>>
    tpu.wait_indirect_dma semaphore(%arg26 : memref<!tpu.dma_semaphore, #tpu.memory_space<semaphore_mem>>) src(%dma_wait3A_130 : memref<10000x128xf32, #tpu.memory_space<hbm>>) dst(%arg17 : memref<80x128xf32, #tpu.memory_space<vmem>>)
    %dma_start3A_131 = arith.constant 0 : i32
    %dma_start3A_132 = arith.constant 0 : i32
    %dma_start3A_133 = tpu.memref_slice %arg19[%dma_start3A_131, %dma_start3A_132] : memref<10000x128xf32, #tpu.memory_space<vmem_shared>> -> memref<10000x128xf32, #tpu.memory_space<vmem_shared>>
    tpu.enqueue_indirect_dma source(%arg17 : memref<80x128xf32, #tpu.memory_space<vmem>>) target(%dma_start3A_133 : memref<10000x128xf32, #tpu.memory_space<vmem_shared>>) offsets(%arg13 : memref<80xi32, #tpu.memory_space<vmem>>) semaphore(%arg30 : memref<!tpu.dma_semaphore, #tpu.memory_space<semaphore_mem>>) {add = true}
    %dma_wait3A_134 = arith.constant 0 : i32
    %dma_wait3A_135 = tpu.memref_slice %arg4[%dma_wait3A_134] : memref<320000xi32, #tpu.memory_space<hbm>> -> memref<80xi32, #tpu.memory_space<hbm>>
    %dma_wait3A_136 = arith.constant 0 : i32
    %dma_wait3A_137 = tpu.memref_slice %arg4[%dma_wait3A_136] : memref<320000xi32, #tpu.memory_space<hbm>> -> memref<80xi32, #tpu.memory_space<hbm>>
    tpu.wait_dma2 semaphore(%arg21 : memref<!tpu.dma_semaphore, #tpu.memory_space<semaphore_mem>>) src(%dma_wait3A_137 : memref<80xi32, #tpu.memory_space<hbm>>) dst(%arg8 : memref<80xi32, #tpu.memory_space<vmem>>)
    %dma_wait3A_138 = arith.constant 0 : i32
    %dma_wait3A_139 = tpu.memref_slice %arg5[%dma_wait3A_138] : memref<320000xi32, #tpu.memory_space<hbm>> -> memref<80xi32, #tpu.memory_space<hbm>>
    %dma_wait3A_140 = arith.constant 0 : i32
    %dma_wait3A_141 = tpu.memref_slice %arg5[%dma_wait3A_140] : memref<320000xi32, #tpu.memory_space<hbm>> -> memref<80xi32, #tpu.memory_space<hbm>>
    tpu.wait_dma2 semaphore(%arg21 : memref<!tpu.dma_semaphore, #tpu.memory_space<semaphore_mem>>) src(%dma_wait3A_141 : memref<80xi32, #tpu.memory_space<hbm>>) dst(%arg12 : memref<80xi32, #tpu.memory_space<vmem>>)
    %dma_wait3A_142 = arith.constant 0 : i32
    %dma_wait3A_143 = arith.constant 0 : i32
    %dma_wait3A_144 = tpu.memref_slice %arg19[%dma_wait3A_142, %dma_wait3A_143] : memref<10000x128xf32, #tpu.memory_space<vmem_shared>> -> memref<10000x128xf32, #tpu.memory_space<vmem_shared>>
    tpu.wait_indirect_dma semaphore(%arg30 : memref<!tpu.dma_semaphore, #tpu.memory_space<semaphore_mem>>) src(%arg17 : memref<80x128xf32, #tpu.memory_space<vmem>>) dst(%dma_wait3A_144 : memref<10000x128xf32, #tpu.memory_space<vmem_shared>>)
    %add3A_145 = arith.constant 480 : i32
    %add3A_146 = arith.addi %mul3A_8, %add3A_145 : i32
    %dma_start3A_147 = tpu.memref_slice %arg4[%add3A_146] : memref<320000xi32, #tpu.memory_space<hbm>> -> memref<80xi32, #tpu.memory_space<hbm>>
    %dma_start3A_148 = tpu.memref_slice %arg4[%add3A_146] : memref<320000xi32, #tpu.memory_space<hbm>> -> memref<80xi32, #tpu.memory_space<hbm>>
    tpu.enqueue_dma source(%dma_start3A_148 : memref<80xi32, #tpu.memory_space<hbm>>) target(%arg9 : memref<80xi32, #tpu.memory_space<vmem>>) target_semaphore(%arg22 : memref<!tpu.dma_semaphore, #tpu.memory_space<semaphore_mem>>)
    %add3A_149 = arith.constant 480 : i32
    %add3A_150 = arith.addi %mul3A_8, %add3A_149 : i32
    %dma_start3A_151 = tpu.memref_slice %arg5[%add3A_150] : memref<320000xi32, #tpu.memory_space<hbm>> -> memref<80xi32, #tpu.memory_space<hbm>>
    %dma_start3A_152 = tpu.memref_slice %arg5[%add3A_150] : memref<320000xi32, #tpu.memory_space<hbm>> -> memref<80xi32, #tpu.memory_space<hbm>>
    tpu.enqueue_dma source(%dma_start3A_152 : memref<80xi32, #tpu.memory_space<hbm>>) target(%arg13 : memref<80xi32, #tpu.memory_space<vmem>>) target_semaphore(%arg22 : memref<!tpu.dma_semaphore, #tpu.memory_space<semaphore_mem>>)
    %dma_start3A_153 = arith.constant 0 : i32
    %dma_start3A_154 = arith.constant 0 : i32
    %dma_start3A_155 = tpu.memref_slice %arg2[%dma_start3A_153, %dma_start3A_154] : memref<10000x128xf32, #tpu.memory_space<hbm>> -> memref<10000x128xf32, #tpu.memory_space<hbm>>
    tpu.enqueue_indirect_dma source(%dma_start3A_155 : memref<10000x128xf32, #tpu.memory_space<hbm>>) target(%arg16 : memref<80x128xf32, #tpu.memory_space<vmem>>) offsets(%arg8 : memref<80xi32, #tpu.memory_space<vmem>>) semaphore(%arg25 : memref<!tpu.dma_semaphore, #tpu.memory_space<semaphore_mem>>)
    %dma_wait3A_156 = arith.constant 0 : i32
    %dma_wait3A_157 = arith.constant 0 : i32
    %dma_wait3A_158 = tpu.memref_slice %arg2[%dma_wait3A_156, %dma_wait3A_157] : memref<10000x128xf32, #tpu.memory_space<hbm>> -> memref<10000x128xf32, #tpu.memory_space<hbm>>
    tpu.wait_indirect_dma semaphore(%arg27 : memref<!tpu.dma_semaphore, #tpu.memory_space<semaphore_mem>>) src(%dma_wait3A_158 : memref<10000x128xf32, #tpu.memory_space<hbm>>) dst(%arg18 : memref<80x128xf32, #tpu.memory_space<vmem>>)
    %dma_start3A_159 = arith.constant 0 : i32
    %dma_start3A_160 = arith.constant 0 : i32
    %dma_start3A_161 = tpu.memref_slice %arg19[%dma_start3A_159, %dma_start3A_160] : memref<10000x128xf32, #tpu.memory_space<vmem_shared>> -> memref<10000x128xf32, #tpu.memory_space<vmem_shared>>
    tpu.enqueue_indirect_dma source(%arg18 : memref<80x128xf32, #tpu.memory_space<vmem>>) target(%dma_start3A_161 : memref<10000x128xf32, #tpu.memory_space<vmem_shared>>) offsets(%arg14 : memref<80xi32, #tpu.memory_space<vmem>>) semaphore(%arg31 : memref<!tpu.dma_semaphore, #tpu.memory_space<semaphore_mem>>) {add = true}
    %scan3A = arith.constant 0 : i32
    %scan3A_162 = arith.constant 0 : i32
    %scan3A_163 = arith.constant 29 : i32
    %scan3A_164 = arith.addi %scan3A_162, %scan3A_163 : i32
    %scan3A_165 = arith.constant 1 : i32
    scf.for %scan3A_274 = %scan3A_162 to %scan3A_164 step %scan3A_165  : i32 {
      %mul3A_275 = arith.constant 4 : i32
      %mul3A_276 = arith.muli %scan3A_274, %mul3A_275 : i32
      %add3A_277 = arith.constant 4 : i32
      %add3A_278 = arith.addi %add3A_277, %mul3A_276 : i32
      %add3A_279 = arith.constant 0 : i32
      %add3A_280 = arith.addi %add3A_278, %add3A_279 : i32
      %dma_wait3A_281 = arith.constant 0 : i32
      %dma_wait3A_282 = tpu.memref_slice %arg4[%dma_wait3A_281] : memref<320000xi32, #tpu.memory_space<hbm>> -> memref<80xi32, #tpu.memory_space<hbm>>
      %dma_wait3A_283 = arith.constant 0 : i32
      %dma_wait3A_284 = tpu.memref_slice %arg4[%dma_wait3A_283] : memref<320000xi32, #tpu.memory_space<hbm>> -> memref<80xi32, #tpu.memory_space<hbm>>
      tpu.wait_dma2 semaphore(%arg22 : memref<!tpu.dma_semaphore, #tpu.memory_space<semaphore_mem>>) src(%dma_wait3A_284 : memref<80xi32, #tpu.memory_space<hbm>>) dst(%arg9 : memref<80xi32, #tpu.memory_space<vmem>>)
      %dma_wait3A_285 = arith.constant 0 : i32
      %dma_wait3A_286 = tpu.memref_slice %arg5[%dma_wait3A_285] : memref<320000xi32, #tpu.memory_space<hbm>> -> memref<80xi32, #tpu.memory_space<hbm>>
      %dma_wait3A_287 = arith.constant 0 : i32
      %dma_wait3A_288 = tpu.memref_slice %arg5[%dma_wait3A_287] : memref<320000xi32, #tpu.memory_space<hbm>> -> memref<80xi32, #tpu.memory_space<hbm>>
      tpu.wait_dma2 semaphore(%arg22 : memref<!tpu.dma_semaphore, #tpu.memory_space<semaphore_mem>>) src(%dma_wait3A_288 : memref<80xi32, #tpu.memory_space<hbm>>) dst(%arg13 : memref<80xi32, #tpu.memory_space<vmem>>)
      %dma_wait3A_289 = arith.constant 0 : i32
      %dma_wait3A_290 = arith.constant 0 : i32
      %dma_wait3A_291 = tpu.memref_slice %arg19[%dma_wait3A_289, %dma_wait3A_290] : memref<10000x128xf32, #tpu.memory_space<vmem_shared>> -> memref<10000x128xf32, #tpu.memory_space<vmem_shared>>
      tpu.wait_indirect_dma semaphore(%arg31 : memref<!tpu.dma_semaphore, #tpu.memory_space<semaphore_mem>>) src(%arg18 : memref<80x128xf32, #tpu.memory_space<vmem>>) dst(%dma_wait3A_291 : memref<10000x128xf32, #tpu.memory_space<vmem_shared>>)
      %add3A_292 = arith.constant 4 : i32
      %add3A_293 = arith.addi %add3A_280, %add3A_292 : i32
      %sub3A = arith.constant 1 : i32
      %sub3A_294 = arith.subi %add3A_293, %sub3A : i32
      %mul3A_295 = arith.constant 80 : i32
      %mul3A_296 = arith.muli %sub3A_294, %mul3A_295 : i32
      %add3A_297 = arith.addi %mul3A_8, %mul3A_296 : i32
      %dma_start3A_298 = tpu.memref_slice %arg4[%add3A_297] : memref<320000xi32, #tpu.memory_space<hbm>> -> memref<80xi32, #tpu.memory_space<hbm>>
      %dma_start3A_299 = tpu.memref_slice %arg4[%add3A_297] : memref<320000xi32, #tpu.memory_space<hbm>> -> memref<80xi32, #tpu.memory_space<hbm>>
      tpu.enqueue_dma source(%dma_start3A_299 : memref<80xi32, #tpu.memory_space<hbm>>) target(%arg10 : memref<80xi32, #tpu.memory_space<vmem>>) target_semaphore(%arg23 : memref<!tpu.dma_semaphore, #tpu.memory_space<semaphore_mem>>)
      %mul3A_300 = arith.constant 80 : i32
      %mul3A_301 = arith.muli %sub3A_294, %mul3A_300 : i32
      %add3A_302 = arith.addi %mul3A_8, %mul3A_301 : i32
      %dma_start3A_303 = tpu.memref_slice %arg5[%add3A_302] : memref<320000xi32, #tpu.memory_space<hbm>> -> memref<80xi32, #tpu.memory_space<hbm>>
      %dma_start3A_304 = tpu.memref_slice %arg5[%add3A_302] : memref<320000xi32, #tpu.memory_space<hbm>> -> memref<80xi32, #tpu.memory_space<hbm>>
      tpu.enqueue_dma source(%dma_start3A_304 : memref<80xi32, #tpu.memory_space<hbm>>) target(%arg14 : memref<80xi32, #tpu.memory_space<vmem>>) target_semaphore(%arg23 : memref<!tpu.dma_semaphore, #tpu.memory_space<semaphore_mem>>)
      %dma_start3A_305 = arith.constant 0 : i32
      %dma_start3A_306 = arith.constant 0 : i32
      %dma_start3A_307 = tpu.memref_slice %arg2[%dma_start3A_305, %dma_start3A_306] : memref<10000x128xf32, #tpu.memory_space<hbm>> -> memref<10000x128xf32, #tpu.memory_space<hbm>>
      tpu.enqueue_indirect_dma source(%dma_start3A_307 : memref<10000x128xf32, #tpu.memory_space<hbm>>) target(%arg17 : memref<80x128xf32, #tpu.memory_space<vmem>>) offsets(%arg9 : memref<80xi32, #tpu.memory_space<vmem>>) semaphore(%arg26 : memref<!tpu.dma_semaphore, #tpu.memory_space<semaphore_mem>>)
      %dma_wait3A_308 = arith.constant 0 : i32
      %dma_wait3A_309 = arith.constant 0 : i32
      %dma_wait3A_310 = tpu.memref_slice %arg2[%dma_wait3A_308, %dma_wait3A_309] : memref<10000x128xf32, #tpu.memory_space<hbm>> -> memref<10000x128xf32, #tpu.memory_space<hbm>>
      tpu.wait_indirect_dma semaphore(%arg24 : memref<!tpu.dma_semaphore, #tpu.memory_space<semaphore_mem>>) src(%dma_wait3A_310 : memref<10000x128xf32, #tpu.memory_space<hbm>>) dst(%arg15 : memref<80x128xf32, #tpu.memory_space<vmem>>)
      %dma_start3A_311 = arith.constant 0 : i32
      %dma_start3A_312 = arith.constant 0 : i32
      %dma_start3A_313 = tpu.memref_slice %arg19[%dma_start3A_311, %dma_start3A_312] : memref<10000x128xf32, #tpu.memory_space<vmem_shared>> -> memref<10000x128xf32, #tpu.memory_space<vmem_shared>>
      tpu.enqueue_indirect_dma source(%arg15 : memref<80x128xf32, #tpu.memory_space<vmem>>) target(%dma_start3A_313 : memref<10000x128xf32, #tpu.memory_space<vmem_shared>>) offsets(%arg11 : memref<80xi32, #tpu.memory_space<vmem>>) semaphore(%arg28 : memref<!tpu.dma_semaphore, #tpu.memory_space<semaphore_mem>>) {add = true}
      %mul3A_314 = arith.constant 4 : i32
      %mul3A_315 = arith.muli %scan3A_274, %mul3A_314 : i32
      %add3A_316 = arith.constant 4 : i32
      %add3A_317 = arith.addi %add3A_316, %mul3A_315 : i32
      %add3A_318 = arith.constant 1 : i32
      %add3A_319 = arith.addi %add3A_317, %add3A_318 : i32
      %dma_wait3A_320 = arith.constant 0 : i32
      %dma_wait3A_321 = tpu.memref_slice %arg4[%dma_wait3A_320] : memref<320000xi32, #tpu.memory_space<hbm>> -> memref<80xi32, #tpu.memory_space<hbm>>
      %dma_wait3A_322 = arith.constant 0 : i32
      %dma_wait3A_323 = tpu.memref_slice %arg4[%dma_wait3A_322] : memref<320000xi32, #tpu.memory_space<hbm>> -> memref<80xi32, #tpu.memory_space<hbm>>
      tpu.wait_dma2 semaphore(%arg23 : memref<!tpu.dma_semaphore, #tpu.memory_space<semaphore_mem>>) src(%dma_wait3A_323 : memref<80xi32, #tpu.memory_space<hbm>>) dst(%arg10 : memref<80xi32, #tpu.memory_space<vmem>>)
      %dma_wait3A_324 = arith.constant 0 : i32
      %dma_wait3A_325 = tpu.memref_slice %arg5[%dma_wait3A_324] : memref<320000xi32, #tpu.memory_space<hbm>> -> memref<80xi32, #tpu.memory_space<hbm>>
      %dma_wait3A_326 = arith.constant 0 : i32
      %dma_wait3A_327 = tpu.memref_slice %arg5[%dma_wait3A_326] : memref<320000xi32, #tpu.memory_space<hbm>> -> memref<80xi32, #tpu.memory_space<hbm>>
      tpu.wait_dma2 semaphore(%arg23 : memref<!tpu.dma_semaphore, #tpu.memory_space<semaphore_mem>>) src(%dma_wait3A_327 : memref<80xi32, #tpu.memory_space<hbm>>) dst(%arg14 : memref<80xi32, #tpu.memory_space<vmem>>)
      %dma_wait3A_328 = arith.constant 0 : i32
      %dma_wait3A_329 = arith.constant 0 : i32
      %dma_wait3A_330 = tpu.memref_slice %arg19[%dma_wait3A_328, %dma_wait3A_329] : memref<10000x128xf32, #tpu.memory_space<vmem_shared>> -> memref<10000x128xf32, #tpu.memory_space<vmem_shared>>
      tpu.wait_indirect_dma semaphore(%arg28 : memref<!tpu.dma_semaphore, #tpu.memory_space<semaphore_mem>>) src(%arg15 : memref<80x128xf32, #tpu.memory_space<vmem>>) dst(%dma_wait3A_330 : memref<10000x128xf32, #tpu.memory_space<vmem_shared>>)
      %add3A_331 = arith.constant 4 : i32
      %add3A_332 = arith.addi %add3A_319, %add3A_331 : i32
      %sub3A_333 = arith.constant 1 : i32
      %sub3A_334 = arith.subi %add3A_332, %sub3A_333 : i32
      %mul3A_335 = arith.constant 80 : i32
      %mul3A_336 = arith.muli %sub3A_334, %mul3A_335 : i32
      %add3A_337 = arith.addi %mul3A_8, %mul3A_336 : i32
      %dma_start3A_338 = tpu.memref_slice %arg4[%add3A_337] : memref<320000xi32, #tpu.memory_space<hbm>> -> memref<80xi32, #tpu.memory_space<hbm>>
      %dma_start3A_339 = tpu.memref_slice %arg4[%add3A_337] : memref<320000xi32, #tpu.memory_space<hbm>> -> memref<80xi32, #tpu.memory_space<hbm>>
      tpu.enqueue_dma source(%dma_start3A_339 : memref<80xi32, #tpu.memory_space<hbm>>) target(%arg7 : memref<80xi32, #tpu.memory_space<vmem>>) target_semaphore(%arg20 : memref<!tpu.dma_semaphore, #tpu.memory_space<semaphore_mem>>)
      %mul3A_340 = arith.constant 80 : i32
      %mul3A_341 = arith.muli %sub3A_334, %mul3A_340 : i32
      %add3A_342 = arith.addi %mul3A_8, %mul3A_341 : i32
      %dma_start3A_343 = tpu.memref_slice %arg5[%add3A_342] : memref<320000xi32, #tpu.memory_space<hbm>> -> memref<80xi32, #tpu.memory_space<hbm>>
      %dma_start3A_344 = tpu.memref_slice %arg5[%add3A_342] : memref<320000xi32, #tpu.memory_space<hbm>> -> memref<80xi32, #tpu.memory_space<hbm>>
      tpu.enqueue_dma source(%dma_start3A_344 : memref<80xi32, #tpu.memory_space<hbm>>) target(%arg11 : memref<80xi32, #tpu.memory_space<vmem>>) target_semaphore(%arg20 : memref<!tpu.dma_semaphore, #tpu.memory_space<semaphore_mem>>)
      %dma_start3A_345 = arith.constant 0 : i32
      %dma_start3A_346 = arith.constant 0 : i32
      %dma_start3A_347 = tpu.memref_slice %arg2[%dma_start3A_345, %dma_start3A_346] : memref<10000x128xf32, #tpu.memory_space<hbm>> -> memref<10000x128xf32, #tpu.memory_space<hbm>>
      tpu.enqueue_indirect_dma source(%dma_start3A_347 : memref<10000x128xf32, #tpu.memory_space<hbm>>) target(%arg18 : memref<80x128xf32, #tpu.memory_space<vmem>>) offsets(%arg10 : memref<80xi32, #tpu.memory_space<vmem>>) semaphore(%arg27 : memref<!tpu.dma_semaphore, #tpu.memory_space<semaphore_mem>>)
      %dma_wait3A_348 = arith.constant 0 : i32
      %dma_wait3A_349 = arith.constant 0 : i32
      %dma_wait3A_350 = tpu.memref_slice %arg2[%dma_wait3A_348, %dma_wait3A_349] : memref<10000x128xf32, #tpu.memory_space<hbm>> -> memref<10000x128xf32, #tpu.memory_space<hbm>>
      tpu.wait_indirect_dma semaphore(%arg25 : memref<!tpu.dma_semaphore, #tpu.memory_space<semaphore_mem>>) src(%dma_wait3A_350 : memref<10000x128xf32, #tpu.memory_space<hbm>>) dst(%arg16 : memref<80x128xf32, #tpu.memory_space<vmem>>)
      %dma_start3A_351 = arith.constant 0 : i32
      %dma_start3A_352 = arith.constant 0 : i32
      %dma_start3A_353 = tpu.memref_slice %arg19[%dma_start3A_351, %dma_start3A_352] : memref<10000x128xf32, #tpu.memory_space<vmem_shared>> -> memref<10000x128xf32, #tpu.memory_space<vmem_shared>>
      tpu.enqueue_indirect_dma source(%arg16 : memref<80x128xf32, #tpu.memory_space<vmem>>) target(%dma_start3A_353 : memref<10000x128xf32, #tpu.memory_space<vmem_shared>>) offsets(%arg12 : memref<80xi32, #tpu.memory_space<vmem>>) semaphore(%arg29 : memref<!tpu.dma_semaphore, #tpu.memory_space<semaphore_mem>>) {add = true}
      %mul3A_354 = arith.constant 4 : i32
      %mul3A_355 = arith.muli %scan3A_274, %mul3A_354 : i32
      %add3A_356 = arith.constant 4 : i32
      %add3A_357 = arith.addi %add3A_356, %mul3A_355 : i32
      %add3A_358 = arith.constant 2 : i32
      %add3A_359 = arith.addi %add3A_357, %add3A_358 : i32
      %dma_wait3A_360 = arith.constant 0 : i32
      %dma_wait3A_361 = tpu.memref_slice %arg4[%dma_wait3A_360] : memref<320000xi32, #tpu.memory_space<hbm>> -> memref<80xi32, #tpu.memory_space<hbm>>
      %dma_wait3A_362 = arith.constant 0 : i32
      %dma_wait3A_363 = tpu.memref_slice %arg4[%dma_wait3A_362] : memref<320000xi32, #tpu.memory_space<hbm>> -> memref<80xi32, #tpu.memory_space<hbm>>
      tpu.wait_dma2 semaphore(%arg20 : memref<!tpu.dma_semaphore, #tpu.memory_space<semaphore_mem>>) src(%dma_wait3A_363 : memref<80xi32, #tpu.memory_space<hbm>>) dst(%arg7 : memref<80xi32, #tpu.memory_space<vmem>>)
      %dma_wait3A_364 = arith.constant 0 : i32
      %dma_wait3A_365 = tpu.memref_slice %arg5[%dma_wait3A_364] : memref<320000xi32, #tpu.memory_space<hbm>> -> memref<80xi32, #tpu.memory_space<hbm>>
      %dma_wait3A_366 = arith.constant 0 : i32
      %dma_wait3A_367 = tpu.memref_slice %arg5[%dma_wait3A_366] : memref<320000xi32, #tpu.memory_space<hbm>> -> memref<80xi32, #tpu.memory_space<hbm>>
      tpu.wait_dma2 semaphore(%arg20 : memref<!tpu.dma_semaphore, #tpu.memory_space<semaphore_mem>>) src(%dma_wait3A_367 : memref<80xi32, #tpu.memory_space<hbm>>) dst(%arg11 : memref<80xi32, #tpu.memory_space<vmem>>)
      %dma_wait3A_368 = arith.constant 0 : i32
      %dma_wait3A_369 = arith.constant 0 : i32
      %dma_wait3A_370 = tpu.memref_slice %arg19[%dma_wait3A_368, %dma_wait3A_369] : memref<10000x128xf32, #tpu.memory_space<vmem_shared>> -> memref<10000x128xf32, #tpu.memory_space<vmem_shared>>
      tpu.wait_indirect_dma semaphore(%arg29 : memref<!tpu.dma_semaphore, #tpu.memory_space<semaphore_mem>>) src(%arg16 : memref<80x128xf32, #tpu.memory_space<vmem>>) dst(%dma_wait3A_370 : memref<10000x128xf32, #tpu.memory_space<vmem_shared>>)
      %add3A_371 = arith.constant 4 : i32
      %add3A_372 = arith.addi %add3A_359, %add3A_371 : i32
      %sub3A_373 = arith.constant 1 : i32
      %sub3A_374 = arith.subi %add3A_372, %sub3A_373 : i32
      %mul3A_375 = arith.constant 80 : i32
      %mul3A_376 = arith.muli %sub3A_374, %mul3A_375 : i32
      %add3A_377 = arith.addi %mul3A_8, %mul3A_376 : i32
      %dma_start3A_378 = tpu.memref_slice %arg4[%add3A_377] : memref<320000xi32, #tpu.memory_space<hbm>> -> memref<80xi32, #tpu.memory_space<hbm>>
      %dma_start3A_379 = tpu.memref_slice %arg4[%add3A_377] : memref<320000xi32, #tpu.memory_space<hbm>> -> memref<80xi32, #tpu.memory_space<hbm>>
      tpu.enqueue_dma source(%dma_start3A_379 : memref<80xi32, #tpu.memory_space<hbm>>) target(%arg8 : memref<80xi32, #tpu.memory_space<vmem>>) target_semaphore(%arg21 : memref<!tpu.dma_semaphore, #tpu.memory_space<semaphore_mem>>)
      %mul3A_380 = arith.constant 80 : i32
      %mul3A_381 = arith.muli %sub3A_374, %mul3A_380 : i32
      %add3A_382 = arith.addi %mul3A_8, %mul3A_381 : i32
      %dma_start3A_383 = tpu.memref_slice %arg5[%add3A_382] : memref<320000xi32, #tpu.memory_space<hbm>> -> memref<80xi32, #tpu.memory_space<hbm>>
      %dma_start3A_384 = tpu.memref_slice %arg5[%add3A_382] : memref<320000xi32, #tpu.memory_space<hbm>> -> memref<80xi32, #tpu.memory_space<hbm>>
      tpu.enqueue_dma source(%dma_start3A_384 : memref<80xi32, #tpu.memory_space<hbm>>) target(%arg12 : memref<80xi32, #tpu.memory_space<vmem>>) target_semaphore(%arg21 : memref<!tpu.dma_semaphore, #tpu.memory_space<semaphore_mem>>)
      %dma_start3A_385 = arith.constant 0 : i32
      %dma_start3A_386 = arith.constant 0 : i32
      %dma_start3A_387 = tpu.memref_slice %arg2[%dma_start3A_385, %dma_start3A_386] : memref<10000x128xf32, #tpu.memory_space<hbm>> -> memref<10000x128xf32, #tpu.memory_space<hbm>>
      tpu.enqueue_indirect_dma source(%dma_start3A_387 : memref<10000x128xf32, #tpu.memory_space<hbm>>) target(%arg15 : memref<80x128xf32, #tpu.memory_space<vmem>>) offsets(%arg7 : memref<80xi32, #tpu.memory_space<vmem>>) semaphore(%arg24 : memref<!tpu.dma_semaphore, #tpu.memory_space<semaphore_mem>>)
      %dma_wait3A_388 = arith.constant 0 : i32
      %dma_wait3A_389 = arith.constant 0 : i32
      %dma_wait3A_390 = tpu.memref_slice %arg2[%dma_wait3A_388, %dma_wait3A_389] : memref<10000x128xf32, #tpu.memory_space<hbm>> -> memref<10000x128xf32, #tpu.memory_space<hbm>>
      tpu.wait_indirect_dma semaphore(%arg26 : memref<!tpu.dma_semaphore, #tpu.memory_space<semaphore_mem>>) src(%dma_wait3A_390 : memref<10000x128xf32, #tpu.memory_space<hbm>>) dst(%arg17 : memref<80x128xf32, #tpu.memory_space<vmem>>)
      %dma_start3A_391 = arith.constant 0 : i32
      %dma_start3A_392 = arith.constant 0 : i32
      %dma_start3A_393 = tpu.memref_slice %arg19[%dma_start3A_391, %dma_start3A_392] : memref<10000x128xf32, #tpu.memory_space<vmem_shared>> -> memref<10000x128xf32, #tpu.memory_space<vmem_shared>>
      tpu.enqueue_indirect_dma source(%arg17 : memref<80x128xf32, #tpu.memory_space<vmem>>) target(%dma_start3A_393 : memref<10000x128xf32, #tpu.memory_space<vmem_shared>>) offsets(%arg13 : memref<80xi32, #tpu.memory_space<vmem>>) semaphore(%arg30 : memref<!tpu.dma_semaphore, #tpu.memory_space<semaphore_mem>>) {add = true}
      %mul3A_394 = arith.constant 4 : i32
      %mul3A_395 = arith.muli %scan3A_274, %mul3A_394 : i32
      %add3A_396 = arith.constant 4 : i32
      %add3A_397 = arith.addi %add3A_396, %mul3A_395 : i32
      %add3A_398 = arith.constant 3 : i32
      %add3A_399 = arith.addi %add3A_397, %add3A_398 : i32
      %dma_wait3A_400 = arith.constant 0 : i32
      %dma_wait3A_401 = tpu.memref_slice %arg4[%dma_wait3A_400] : memref<320000xi32, #tpu.memory_space<hbm>> -> memref<80xi32, #tpu.memory_space<hbm>>
      %dma_wait3A_402 = arith.constant 0 : i32
      %dma_wait3A_403 = tpu.memref_slice %arg4[%dma_wait3A_402] : memref<320000xi32, #tpu.memory_space<hbm>> -> memref<80xi32, #tpu.memory_space<hbm>>
      tpu.wait_dma2 semaphore(%arg21 : memref<!tpu.dma_semaphore, #tpu.memory_space<semaphore_mem>>) src(%dma_wait3A_403 : memref<80xi32, #tpu.memory_space<hbm>>) dst(%arg8 : memref<80xi32, #tpu.memory_space<vmem>>)
      %dma_wait3A_404 = arith.constant 0 : i32
      %dma_wait3A_405 = tpu.memref_slice %arg5[%dma_wait3A_404] : memref<320000xi32, #tpu.memory_space<hbm>> -> memref<80xi32, #tpu.memory_space<hbm>>
      %dma_wait3A_406 = arith.constant 0 : i32
      %dma_wait3A_407 = tpu.memref_slice %arg5[%dma_wait3A_406] : memref<320000xi32, #tpu.memory_space<hbm>> -> memref<80xi32, #tpu.memory_space<hbm>>
      tpu.wait_dma2 semaphore(%arg21 : memref<!tpu.dma_semaphore, #tpu.memory_space<semaphore_mem>>) src(%dma_wait3A_407 : memref<80xi32, #tpu.memory_space<hbm>>) dst(%arg12 : memref<80xi32, #tpu.memory_space<vmem>>)
      %dma_wait3A_408 = arith.constant 0 : i32
      %dma_wait3A_409 = arith.constant 0 : i32
      %dma_wait3A_410 = tpu.memref_slice %arg19[%dma_wait3A_408, %dma_wait3A_409] : memref<10000x128xf32, #tpu.memory_space<vmem_shared>> -> memref<10000x128xf32, #tpu.memory_space<vmem_shared>>
      tpu.wait_indirect_dma semaphore(%arg30 : memref<!tpu.dma_semaphore, #tpu.memory_space<semaphore_mem>>) src(%arg17 : memref<80x128xf32, #tpu.memory_space<vmem>>) dst(%dma_wait3A_410 : memref<10000x128xf32, #tpu.memory_space<vmem_shared>>)
      %add3A_411 = arith.constant 4 : i32
      %add3A_412 = arith.addi %add3A_399, %add3A_411 : i32
      %sub3A_413 = arith.constant 1 : i32
      %sub3A_414 = arith.subi %add3A_412, %sub3A_413 : i32
      %mul3A_415 = arith.constant 80 : i32
      %mul3A_416 = arith.muli %sub3A_414, %mul3A_415 : i32
      %add3A_417 = arith.addi %mul3A_8, %mul3A_416 : i32
      %dma_start3A_418 = tpu.memref_slice %arg4[%add3A_417] : memref<320000xi32, #tpu.memory_space<hbm>> -> memref<80xi32, #tpu.memory_space<hbm>>
      %dma_start3A_419 = tpu.memref_slice %arg4[%add3A_417] : memref<320000xi32, #tpu.memory_space<hbm>> -> memref<80xi32, #tpu.memory_space<hbm>>
      tpu.enqueue_dma source(%dma_start3A_419 : memref<80xi32, #tpu.memory_space<hbm>>) target(%arg9 : memref<80xi32, #tpu.memory_space<vmem>>) target_semaphore(%arg22 : memref<!tpu.dma_semaphore, #tpu.memory_space<semaphore_mem>>)
      %mul3A_420 = arith.constant 80 : i32
      %mul3A_421 = arith.muli %sub3A_414, %mul3A_420 : i32
      %add3A_422 = arith.addi %mul3A_8, %mul3A_421 : i32
      %dma_start3A_423 = tpu.memref_slice %arg5[%add3A_422] : memref<320000xi32, #tpu.memory_space<hbm>> -> memref<80xi32, #tpu.memory_space<hbm>>
      %dma_start3A_424 = tpu.memref_slice %arg5[%add3A_422] : memref<320000xi32, #tpu.memory_space<hbm>> -> memref<80xi32, #tpu.memory_space<hbm>>
      tpu.enqueue_dma source(%dma_start3A_424 : memref<80xi32, #tpu.memory_space<hbm>>) target(%arg13 : memref<80xi32, #tpu.memory_space<vmem>>) target_semaphore(%arg22 : memref<!tpu.dma_semaphore, #tpu.memory_space<semaphore_mem>>)
      %dma_start3A_425 = arith.constant 0 : i32
      %dma_start3A_426 = arith.constant 0 : i32
      %dma_start3A_427 = tpu.memref_slice %arg2[%dma_start3A_425, %dma_start3A_426] : memref<10000x128xf32, #tpu.memory_space<hbm>> -> memref<10000x128xf32, #tpu.memory_space<hbm>>
      tpu.enqueue_indirect_dma source(%dma_start3A_427 : memref<10000x128xf32, #tpu.memory_space<hbm>>) target(%arg16 : memref<80x128xf32, #tpu.memory_space<vmem>>) offsets(%arg8 : memref<80xi32, #tpu.memory_space<vmem>>) semaphore(%arg25 : memref<!tpu.dma_semaphore, #tpu.memory_space<semaphore_mem>>)
      %dma_wait3A_428 = arith.constant 0 : i32
      %dma_wait3A_429 = arith.constant 0 : i32
      %dma_wait3A_430 = tpu.memref_slice %arg2[%dma_wait3A_428, %dma_wait3A_429] : memref<10000x128xf32, #tpu.memory_space<hbm>> -> memref<10000x128xf32, #tpu.memory_space<hbm>>
      tpu.wait_indirect_dma semaphore(%arg27 : memref<!tpu.dma_semaphore, #tpu.memory_space<semaphore_mem>>) src(%dma_wait3A_430 : memref<10000x128xf32, #tpu.memory_space<hbm>>) dst(%arg18 : memref<80x128xf32, #tpu.memory_space<vmem>>)
      %dma_start3A_431 = arith.constant 0 : i32
      %dma_start3A_432 = arith.constant 0 : i32
      %dma_start3A_433 = tpu.memref_slice %arg19[%dma_start3A_431, %dma_start3A_432] : memref<10000x128xf32, #tpu.memory_space<vmem_shared>> -> memref<10000x128xf32, #tpu.memory_space<vmem_shared>>
      tpu.enqueue_indirect_dma source(%arg18 : memref<80x128xf32, #tpu.memory_space<vmem>>) target(%dma_start3A_433 : memref<10000x128xf32, #tpu.memory_space<vmem_shared>>) offsets(%arg14 : memref<80xi32, #tpu.memory_space<vmem>>) semaphore(%arg31 : memref<!tpu.dma_semaphore, #tpu.memory_space<semaphore_mem>>) {add = true}
    }
    %scan3A_166 = arith.constant 29 : i32
    %dma_wait3A_167 = arith.constant 0 : i32
    %dma_wait3A_168 = tpu.memref_slice %arg4[%dma_wait3A_167] : memref<320000xi32, #tpu.memory_space<hbm>> -> memref<80xi32, #tpu.memory_space<hbm>>
    %dma_wait3A_169 = arith.constant 0 : i32
    %dma_wait3A_170 = tpu.memref_slice %arg4[%dma_wait3A_169] : memref<320000xi32, #tpu.memory_space<hbm>> -> memref<80xi32, #tpu.memory_space<hbm>>
    tpu.wait_dma2 semaphore(%arg22 : memref<!tpu.dma_semaphore, #tpu.memory_space<semaphore_mem>>) src(%dma_wait3A_170 : memref<80xi32, #tpu.memory_space<hbm>>) dst(%arg9 : memref<80xi32, #tpu.memory_space<vmem>>)
    %dma_wait3A_171 = arith.constant 0 : i32
    %dma_wait3A_172 = tpu.memref_slice %arg5[%dma_wait3A_171] : memref<320000xi32, #tpu.memory_space<hbm>> -> memref<80xi32, #tpu.memory_space<hbm>>
    %dma_wait3A_173 = arith.constant 0 : i32
    %dma_wait3A_174 = tpu.memref_slice %arg5[%dma_wait3A_173] : memref<320000xi32, #tpu.memory_space<hbm>> -> memref<80xi32, #tpu.memory_space<hbm>>
    tpu.wait_dma2 semaphore(%arg22 : memref<!tpu.dma_semaphore, #tpu.memory_space<semaphore_mem>>) src(%dma_wait3A_174 : memref<80xi32, #tpu.memory_space<hbm>>) dst(%arg13 : memref<80xi32, #tpu.memory_space<vmem>>)
    %dma_wait3A_175 = arith.constant 0 : i32
    %dma_wait3A_176 = arith.constant 0 : i32
    %dma_wait3A_177 = tpu.memref_slice %arg19[%dma_wait3A_175, %dma_wait3A_176] : memref<10000x128xf32, #tpu.memory_space<vmem_shared>> -> memref<10000x128xf32, #tpu.memory_space<vmem_shared>>
    tpu.wait_indirect_dma semaphore(%arg31 : memref<!tpu.dma_semaphore, #tpu.memory_space<semaphore_mem>>) src(%arg18 : memref<80x128xf32, #tpu.memory_space<vmem>>) dst(%dma_wait3A_177 : memref<10000x128xf32, #tpu.memory_space<vmem_shared>>)
    %add3A_178 = arith.constant 9840 : i32
    %add3A_179 = arith.addi %mul3A_8, %add3A_178 : i32
    %dma_start3A_180 = tpu.memref_slice %arg4[%add3A_179] : memref<320000xi32, #tpu.memory_space<hbm>> -> memref<80xi32, #tpu.memory_space<hbm>>
    %dma_start3A_181 = tpu.memref_slice %arg4[%add3A_179] : memref<320000xi32, #tpu.memory_space<hbm>> -> memref<80xi32, #tpu.memory_space<hbm>>
    tpu.enqueue_dma source(%dma_start3A_181 : memref<80xi32, #tpu.memory_space<hbm>>) target(%arg10 : memref<80xi32, #tpu.memory_space<vmem>>) target_semaphore(%arg23 : memref<!tpu.dma_semaphore, #tpu.memory_space<semaphore_mem>>)
    %add3A_182 = arith.constant 9840 : i32
    %add3A_183 = arith.addi %mul3A_8, %add3A_182 : i32
    %dma_start3A_184 = tpu.memref_slice %arg5[%add3A_183] : memref<320000xi32, #tpu.memory_space<hbm>> -> memref<80xi32, #tpu.memory_space<hbm>>
    %dma_start3A_185 = tpu.memref_slice %arg5[%add3A_183] : memref<320000xi32, #tpu.memory_space<hbm>> -> memref<80xi32, #tpu.memory_space<hbm>>
    tpu.enqueue_dma source(%dma_start3A_185 : memref<80xi32, #tpu.memory_space<hbm>>) target(%arg14 : memref<80xi32, #tpu.memory_space<vmem>>) target_semaphore(%arg23 : memref<!tpu.dma_semaphore, #tpu.memory_space<semaphore_mem>>)
    %dma_start3A_186 = arith.constant 0 : i32
    %dma_start3A_187 = arith.constant 0 : i32
    %dma_start3A_188 = tpu.memref_slice %arg2[%dma_start3A_186, %dma_start3A_187] : memref<10000x128xf32, #tpu.memory_space<hbm>> -> memref<10000x128xf32, #tpu.memory_space<hbm>>
    tpu.enqueue_indirect_dma source(%dma_start3A_188 : memref<10000x128xf32, #tpu.memory_space<hbm>>) target(%arg17 : memref<80x128xf32, #tpu.memory_space<vmem>>) offsets(%arg9 : memref<80xi32, #tpu.memory_space<vmem>>) semaphore(%arg26 : memref<!tpu.dma_semaphore, #tpu.memory_space<semaphore_mem>>)
    %dma_wait3A_189 = arith.constant 0 : i32
    %dma_wait3A_190 = arith.constant 0 : i32
    %dma_wait3A_191 = tpu.memref_slice %arg2[%dma_wait3A_189, %dma_wait3A_190] : memref<10000x128xf32, #tpu.memory_space<hbm>> -> memref<10000x128xf32, #tpu.memory_space<hbm>>
    tpu.wait_indirect_dma semaphore(%arg24 : memref<!tpu.dma_semaphore, #tpu.memory_space<semaphore_mem>>) src(%dma_wait3A_191 : memref<10000x128xf32, #tpu.memory_space<hbm>>) dst(%arg15 : memref<80x128xf32, #tpu.memory_space<vmem>>)
    %dma_start3A_192 = arith.constant 0 : i32
    %dma_start3A_193 = arith.constant 0 : i32
    %dma_start3A_194 = tpu.memref_slice %arg19[%dma_start3A_192, %dma_start3A_193] : memref<10000x128xf32, #tpu.memory_space<vmem_shared>> -> memref<10000x128xf32, #tpu.memory_space<vmem_shared>>
    tpu.enqueue_indirect_dma source(%arg15 : memref<80x128xf32, #tpu.memory_space<vmem>>) target(%dma_start3A_194 : memref<10000x128xf32, #tpu.memory_space<vmem_shared>>) offsets(%arg11 : memref<80xi32, #tpu.memory_space<vmem>>) semaphore(%arg28 : memref<!tpu.dma_semaphore, #tpu.memory_space<semaphore_mem>>) {add = true}
    %dma_wait3A_195 = arith.constant 0 : i32
    %dma_wait3A_196 = tpu.memref_slice %arg4[%dma_wait3A_195] : memref<320000xi32, #tpu.memory_space<hbm>> -> memref<80xi32, #tpu.memory_space<hbm>>
    %dma_wait3A_197 = arith.constant 0 : i32
    %dma_wait3A_198 = tpu.memref_slice %arg4[%dma_wait3A_197] : memref<320000xi32, #tpu.memory_space<hbm>> -> memref<80xi32, #tpu.memory_space<hbm>>
    tpu.wait_dma2 semaphore(%arg23 : memref<!tpu.dma_semaphore, #tpu.memory_space<semaphore_mem>>) src(%dma_wait3A_198 : memref<80xi32, #tpu.memory_space<hbm>>) dst(%arg10 : memref<80xi32, #tpu.memory_space<vmem>>)
    %dma_wait3A_199 = arith.constant 0 : i32
    %dma_wait3A_200 = tpu.memref_slice %arg5[%dma_wait3A_199] : memref<320000xi32, #tpu.memory_space<hbm>> -> memref<80xi32, #tpu.memory_space<hbm>>
    %dma_wait3A_201 = arith.constant 0 : i32
    %dma_wait3A_202 = tpu.memref_slice %arg5[%dma_wait3A_201] : memref<320000xi32, #tpu.memory_space<hbm>> -> memref<80xi32, #tpu.memory_space<hbm>>
    tpu.wait_dma2 semaphore(%arg23 : memref<!tpu.dma_semaphore, #tpu.memory_space<semaphore_mem>>) src(%dma_wait3A_202 : memref<80xi32, #tpu.memory_space<hbm>>) dst(%arg14 : memref<80xi32, #tpu.memory_space<vmem>>)
    %dma_wait3A_203 = arith.constant 0 : i32
    %dma_wait3A_204 = arith.constant 0 : i32
    %dma_wait3A_205 = tpu.memref_slice %arg19[%dma_wait3A_203, %dma_wait3A_204] : memref<10000x128xf32, #tpu.memory_space<vmem_shared>> -> memref<10000x128xf32, #tpu.memory_space<vmem_shared>>
    tpu.wait_indirect_dma semaphore(%arg28 : memref<!tpu.dma_semaphore, #tpu.memory_space<semaphore_mem>>) src(%arg15 : memref<80x128xf32, #tpu.memory_space<vmem>>) dst(%dma_wait3A_205 : memref<10000x128xf32, #tpu.memory_space<vmem_shared>>)
    %add3A_206 = arith.constant 9920 : i32
    %add3A_207 = arith.addi %mul3A_8, %add3A_206 : i32
    %dma_start3A_208 = tpu.memref_slice %arg4[%add3A_207] : memref<320000xi32, #tpu.memory_space<hbm>> -> memref<80xi32, #tpu.memory_space<hbm>>
    %dma_start3A_209 = tpu.memref_slice %arg4[%add3A_207] : memref<320000xi32, #tpu.memory_space<hbm>> -> memref<80xi32, #tpu.memory_space<hbm>>
    tpu.enqueue_dma source(%dma_start3A_209 : memref<80xi32, #tpu.memory_space<hbm>>) target(%arg7 : memref<80xi32, #tpu.memory_space<vmem>>) target_semaphore(%arg20 : memref<!tpu.dma_semaphore, #tpu.memory_space<semaphore_mem>>)
    %add3A_210 = arith.constant 9920 : i32
    %add3A_211 = arith.addi %mul3A_8, %add3A_210 : i32
    %dma_start3A_212 = tpu.memref_slice %arg5[%add3A_211] : memref<320000xi32, #tpu.memory_space<hbm>> -> memref<80xi32, #tpu.memory_space<hbm>>
    %dma_start3A_213 = tpu.memref_slice %arg5[%add3A_211] : memref<320000xi32, #tpu.memory_space<hbm>> -> memref<80xi32, #tpu.memory_space<hbm>>
    tpu.enqueue_dma source(%dma_start3A_213 : memref<80xi32, #tpu.memory_space<hbm>>) target(%arg11 : memref<80xi32, #tpu.memory_space<vmem>>) target_semaphore(%arg20 : memref<!tpu.dma_semaphore, #tpu.memory_space<semaphore_mem>>)
    %dma_start3A_214 = arith.constant 0 : i32
    %dma_start3A_215 = arith.constant 0 : i32
    %dma_start3A_216 = tpu.memref_slice %arg2[%dma_start3A_214, %dma_start3A_215] : memref<10000x128xf32, #tpu.memory_space<hbm>> -> memref<10000x128xf32, #tpu.memory_space<hbm>>
    tpu.enqueue_indirect_dma source(%dma_start3A_216 : memref<10000x128xf32, #tpu.memory_space<hbm>>) target(%arg18 : memref<80x128xf32, #tpu.memory_space<vmem>>) offsets(%arg10 : memref<80xi32, #tpu.memory_space<vmem>>) semaphore(%arg27 : memref<!tpu.dma_semaphore, #tpu.memory_space<semaphore_mem>>)
    %dma_wait3A_217 = arith.constant 0 : i32
    %dma_wait3A_218 = arith.constant 0 : i32
    %dma_wait3A_219 = tpu.memref_slice %arg2[%dma_wait3A_217, %dma_wait3A_218] : memref<10000x128xf32, #tpu.memory_space<hbm>> -> memref<10000x128xf32, #tpu.memory_space<hbm>>
    tpu.wait_indirect_dma semaphore(%arg25 : memref<!tpu.dma_semaphore, #tpu.memory_space<semaphore_mem>>) src(%dma_wait3A_219 : memref<10000x128xf32, #tpu.memory_space<hbm>>) dst(%arg16 : memref<80x128xf32, #tpu.memory_space<vmem>>)
    %dma_start3A_220 = arith.constant 0 : i32
    %dma_start3A_221 = arith.constant 0 : i32
    %dma_start3A_222 = tpu.memref_slice %arg19[%dma_start3A_220, %dma_start3A_221] : memref<10000x128xf32, #tpu.memory_space<vmem_shared>> -> memref<10000x128xf32, #tpu.memory_space<vmem_shared>>
    tpu.enqueue_indirect_dma source(%arg16 : memref<80x128xf32, #tpu.memory_space<vmem>>) target(%dma_start3A_222 : memref<10000x128xf32, #tpu.memory_space<vmem_shared>>) offsets(%arg12 : memref<80xi32, #tpu.memory_space<vmem>>) semaphore(%arg29 : memref<!tpu.dma_semaphore, #tpu.memory_space<semaphore_mem>>) {add = true}
    %dma_wait3A_223 = arith.constant 0 : i32
    %dma_wait3A_224 = tpu.memref_slice %arg4[%dma_wait3A_223] : memref<320000xi32, #tpu.memory_space<hbm>> -> memref<80xi32, #tpu.memory_space<hbm>>
    %dma_wait3A_225 = arith.constant 0 : i32
    %dma_wait3A_226 = tpu.memref_slice %arg4[%dma_wait3A_225] : memref<320000xi32, #tpu.memory_space<hbm>> -> memref<80xi32, #tpu.memory_space<hbm>>
    tpu.wait_dma2 semaphore(%arg20 : memref<!tpu.dma_semaphore, #tpu.memory_space<semaphore_mem>>) src(%dma_wait3A_226 : memref<80xi32, #tpu.memory_space<hbm>>) dst(%arg7 : memref<80xi32, #tpu.memory_space<vmem>>)
    %dma_wait3A_227 = arith.constant 0 : i32
    %dma_wait3A_228 = tpu.memref_slice %arg5[%dma_wait3A_227] : memref<320000xi32, #tpu.memory_space<hbm>> -> memref<80xi32, #tpu.memory_space<hbm>>
    %dma_wait3A_229 = arith.constant 0 : i32
    %dma_wait3A_230 = tpu.memref_slice %arg5[%dma_wait3A_229] : memref<320000xi32, #tpu.memory_space<hbm>> -> memref<80xi32, #tpu.memory_space<hbm>>
    tpu.wait_dma2 semaphore(%arg20 : memref<!tpu.dma_semaphore, #tpu.memory_space<semaphore_mem>>) src(%dma_wait3A_230 : memref<80xi32, #tpu.memory_space<hbm>>) dst(%arg11 : memref<80xi32, #tpu.memory_space<vmem>>)
    %dma_wait3A_231 = arith.constant 0 : i32
    %dma_wait3A_232 = arith.constant 0 : i32
    %dma_wait3A_233 = tpu.memref_slice %arg19[%dma_wait3A_231, %dma_wait3A_232] : memref<10000x128xf32, #tpu.memory_space<vmem_shared>> -> memref<10000x128xf32, #tpu.memory_space<vmem_shared>>
    tpu.wait_indirect_dma semaphore(%arg29 : memref<!tpu.dma_semaphore, #tpu.memory_space<semaphore_mem>>) src(%arg16 : memref<80x128xf32, #tpu.memory_space<vmem>>) dst(%dma_wait3A_233 : memref<10000x128xf32, #tpu.memory_space<vmem_shared>>)
    %dma_start3A_234 = arith.constant 0 : i32
    %dma_start3A_235 = arith.constant 0 : i32
    %dma_start3A_236 = tpu.memref_slice %arg2[%dma_start3A_234, %dma_start3A_235] : memref<10000x128xf32, #tpu.memory_space<hbm>> -> memref<10000x128xf32, #tpu.memory_space<hbm>>
    tpu.enqueue_indirect_dma source(%dma_start3A_236 : memref<10000x128xf32, #tpu.memory_space<hbm>>) target(%arg15 : memref<80x128xf32, #tpu.memory_space<vmem>>) offsets(%arg7 : memref<80xi32, #tpu.memory_space<vmem>>) semaphore(%arg24 : memref<!tpu.dma_semaphore, #tpu.memory_space<semaphore_mem>>)
    %dma_wait3A_237 = arith.constant 0 : i32
    %dma_wait3A_238 = arith.constant 0 : i32
    %dma_wait3A_239 = tpu.memref_slice %arg2[%dma_wait3A_237, %dma_wait3A_238] : memref<10000x128xf32, #tpu.memory_space<hbm>> -> memref<10000x128xf32, #tpu.memory_space<hbm>>
    tpu.wait_indirect_dma semaphore(%arg26 : memref<!tpu.dma_semaphore, #tpu.memory_space<semaphore_mem>>) src(%dma_wait3A_239 : memref<10000x128xf32, #tpu.memory_space<hbm>>) dst(%arg17 : memref<80x128xf32, #tpu.memory_space<vmem>>)
    %dma_start3A_240 = arith.constant 0 : i32
    %dma_start3A_241 = arith.constant 0 : i32
    %dma_start3A_242 = tpu.memref_slice %arg19[%dma_start3A_240, %dma_start3A_241] : memref<10000x128xf32, #tpu.memory_space<vmem_shared>> -> memref<10000x128xf32, #tpu.memory_space<vmem_shared>>
    tpu.enqueue_indirect_dma source(%arg17 : memref<80x128xf32, #tpu.memory_space<vmem>>) target(%dma_start3A_242 : memref<10000x128xf32, #tpu.memory_space<vmem_shared>>) offsets(%arg13 : memref<80xi32, #tpu.memory_space<vmem>>) semaphore(%arg30 : memref<!tpu.dma_semaphore, #tpu.memory_space<semaphore_mem>>) {add = true}
    %dma_wait3A_243 = arith.constant 0 : i32
    %dma_wait3A_244 = arith.constant 0 : i32
    %dma_wait3A_245 = tpu.memref_slice %arg19[%dma_wait3A_243, %dma_wait3A_244] : memref<10000x128xf32, #tpu.memory_space<vmem_shared>> -> memref<10000x128xf32, #tpu.memory_space<vmem_shared>>
    tpu.wait_indirect_dma semaphore(%arg30 : memref<!tpu.dma_semaphore, #tpu.memory_space<semaphore_mem>>) src(%arg17 : memref<80x128xf32, #tpu.memory_space<vmem>>) dst(%dma_wait3A_245 : memref<10000x128xf32, #tpu.memory_space<vmem_shared>>)
    %dma_wait3A_246 = arith.constant 0 : i32
    %dma_wait3A_247 = arith.constant 0 : i32
    %dma_wait3A_248 = tpu.memref_slice %arg2[%dma_wait3A_246, %dma_wait3A_247] : memref<10000x128xf32, #tpu.memory_space<hbm>> -> memref<10000x128xf32, #tpu.memory_space<hbm>>
    tpu.wait_indirect_dma semaphore(%arg27 : memref<!tpu.dma_semaphore, #tpu.memory_space<semaphore_mem>>) src(%dma_wait3A_248 : memref<10000x128xf32, #tpu.memory_space<hbm>>) dst(%arg18 : memref<80x128xf32, #tpu.memory_space<vmem>>)
    %dma_start3A_249 = arith.constant 0 : i32
    %dma_start3A_250 = arith.constant 0 : i32
    %dma_start3A_251 = tpu.memref_slice %arg19[%dma_start3A_249, %dma_start3A_250] : memref<10000x128xf32, #tpu.memory_space<vmem_shared>> -> memref<10000x128xf32, #tpu.memory_space<vmem_shared>>
    tpu.enqueue_indirect_dma source(%arg18 : memref<80x128xf32, #tpu.memory_space<vmem>>) target(%dma_start3A_251 : memref<10000x128xf32, #tpu.memory_space<vmem_shared>>) offsets(%arg14 : memref<80xi32, #tpu.memory_space<vmem>>) semaphore(%arg31 : memref<!tpu.dma_semaphore, #tpu.memory_space<semaphore_mem>>) {add = true}
    %dma_wait3A_252 = arith.constant 0 : i32
    %dma_wait3A_253 = arith.constant 0 : i32
    %dma_wait3A_254 = tpu.memref_slice %arg19[%dma_wait3A_252, %dma_wait3A_253] : memref<10000x128xf32, #tpu.memory_space<vmem_shared>> -> memref<10000x128xf32, #tpu.memory_space<vmem_shared>>
    tpu.wait_indirect_dma semaphore(%arg31 : memref<!tpu.dma_semaphore, #tpu.memory_space<semaphore_mem>>) src(%arg18 : memref<80x128xf32, #tpu.memory_space<vmem>>) dst(%dma_wait3A_254 : memref<10000x128xf32, #tpu.memory_space<vmem_shared>>)
    %dma_wait3A_255 = arith.constant 0 : i32
    %dma_wait3A_256 = arith.constant 0 : i32
    %dma_wait3A_257 = tpu.memref_slice %arg2[%dma_wait3A_255, %dma_wait3A_256] : memref<10000x128xf32, #tpu.memory_space<hbm>> -> memref<10000x128xf32, #tpu.memory_space<hbm>>
    tpu.wait_indirect_dma semaphore(%arg24 : memref<!tpu.dma_semaphore, #tpu.memory_space<semaphore_mem>>) src(%dma_wait3A_257 : memref<10000x128xf32, #tpu.memory_space<hbm>>) dst(%arg15 : memref<80x128xf32, #tpu.memory_space<vmem>>)
    %dma_start3A_258 = arith.constant 0 : i32
    %dma_start3A_259 = arith.constant 0 : i32
    %dma_start3A_260 = tpu.memref_slice %arg19[%dma_start3A_258, %dma_start3A_259] : memref<10000x128xf32, #tpu.memory_space<vmem_shared>> -> memref<10000x128xf32, #tpu.memory_space<vmem_shared>>
    tpu.enqueue_indirect_dma source(%arg15 : memref<80x128xf32, #tpu.memory_space<vmem>>) target(%dma_start3A_260 : memref<10000x128xf32, #tpu.memory_space<vmem_shared>>) offsets(%arg11 : memref<80xi32, #tpu.memory_space<vmem>>) semaphore(%arg28 : memref<!tpu.dma_semaphore, #tpu.memory_space<semaphore_mem>>) {add = true}
    %dma_wait3A_261 = arith.constant 0 : i32
    %dma_wait3A_262 = arith.constant 0 : i32
    %dma_wait3A_263 = tpu.memref_slice %arg19[%dma_wait3A_261, %dma_wait3A_262] : memref<10000x128xf32, #tpu.memory_space<vmem_shared>> -> memref<10000x128xf32, #tpu.memory_space<vmem_shared>>
    tpu.wait_indirect_dma semaphore(%arg28 : memref<!tpu.dma_semaphore, #tpu.memory_space<semaphore_mem>>) src(%arg15 : memref<80x128xf32, #tpu.memory_space<vmem>>) dst(%dma_wait3A_263 : memref<10000x128xf32, #tpu.memory_space<vmem_shared>>)
    %barrier3A_264 = arith.constant 0 : index
    tpu.barrier barrier_id(%barrier3A_264)
    %lt3A = arith.constant 15 : i32
    %lt3A_265 = arith.cmpi slt, %arg1, %lt3A : i32
    %convert_element_type3A_266 = arith.extui %lt3A_265 : i1 to i32
    %cond3A_267 = arith.constant 0 : i32
    %cond3A_268 = arith.cmpi ne, %convert_element_type3A_266, %cond3A_267 : i32
    scf.if %cond3A_268 {
      %mul3A_274 = arith.constant 624 : i32
      %mul3A_275 = arith.muli %arg1, %mul3A_274 : i32
      "tpu.region"() ({
        %run_scoped3A = tpu.sem_alloc : memref<!tpu.dma_semaphore, #tpu.memory_space<semaphore_mem>>
        %dma_start3A_276 = arith.constant 0 : i32
        %dma_start3A_277 = tpu.memref_slice %arg6[%arg0, %mul3A_275, %dma_start3A_276] : memref<2x10000x128xf32, #tpu.memory_space<hbm>> -> memref<1x624x128xf32, #tpu.memory_space<hbm>>
        %dma_start3A_278 = tpu.memref_squeeze %dma_start3A_277 : memref<1x624x128xf32, #tpu.memory_space<hbm>> -> memref<624x128xf32, #tpu.memory_space<hbm>>
        %dma_start3A_279 = arith.constant 0 : i32
        %dma_start3A_280 = tpu.memref_slice %arg19[%mul3A_275, %dma_start3A_279] : memref<10000x128xf32, #tpu.memory_space<vmem_shared>> -> memref<624x128xf32, #tpu.memory_space<vmem_shared>>
        tpu.enqueue_dma source(%dma_start3A_280 : memref<624x128xf32, #tpu.memory_space<vmem_shared>>) target(%dma_start3A_278 : memref<624x128xf32, #tpu.memory_space<hbm>>) target_semaphore(%run_scoped3A : memref<!tpu.dma_semaphore, #tpu.memory_space<semaphore_mem>>)
        %dma_wait3A_281 = arith.constant 0 : i32
        %dma_wait3A_282 = tpu.memref_slice %arg6[%arg0, %mul3A_275, %dma_wait3A_281] : memref<2x10000x128xf32, #tpu.memory_space<hbm>> -> memref<1x624x128xf32, #tpu.memory_space<hbm>>
        %dma_wait3A_283 = tpu.memref_squeeze %dma_wait3A_282 : memref<1x624x128xf32, #tpu.memory_space<hbm>> -> memref<624x128xf32, #tpu.memory_space<hbm>>
        %dma_wait3A_284 = arith.constant 0 : i32
        %dma_wait3A_285 = tpu.memref_slice %arg19[%mul3A_275, %dma_wait3A_284] : memref<10000x128xf32, #tpu.memory_space<vmem_shared>> -> memref<624x128xf32, #tpu.memory_space<vmem_shared>>
        tpu.wait_dma2 semaphore(%run_scoped3A : memref<!tpu.dma_semaphore, #tpu.memory_space<semaphore_mem>>) src(%dma_wait3A_285 : memref<624x128xf32, #tpu.memory_space<vmem_shared>>) dst(%dma_wait3A_283 : memref<624x128xf32, #tpu.memory_space<hbm>>)
        tpu.yield
      }) : () -> ()
    } else {
    }
    %eq3A_269 = arith.constant 15 : i32
    %eq3A_270 = arith.cmpi eq, %arg1, %eq3A_269 : i32
    %convert_element_type3A_271 = arith.extui %eq3A_270 : i1 to i32
    %cond3A_272 = arith.constant 0 : i32
    %cond3A_273 = arith.cmpi ne, %convert_element_type3A_271, %cond3A_272 : i32
    scf.if %cond3A_273 {
      "tpu.region"() ({
        %run_scoped3A = tpu.sem_alloc : memref<!tpu.dma_semaphore, #tpu.memory_space<semaphore_mem>>
        %dma_start3A_274 = arith.constant 9360 : i32
        %dma_start3A_275 = arith.constant 0 : i32
        %dma_start3A_276 = tpu.memref_slice %arg6[%arg0, %dma_start3A_274, %dma_start3A_275] : memref<2x10000x128xf32, #tpu.memory_space<hbm>> -> memref<1x640x128xf32, #tpu.memory_space<hbm>>
        %dma_start3A_277 = tpu.memref_squeeze %dma_start3A_276 : memref<1x640x128xf32, #tpu.memory_space<hbm>> -> memref<640x128xf32, #tpu.memory_space<hbm>>
        %dma_start3A_278 = arith.constant 9360 : i32
        %dma_start3A_279 = arith.constant 0 : i32
        %dma_start3A_280 = tpu.memref_slice %arg19[%dma_start3A_278, %dma_start3A_279] : memref<10000x128xf32, #tpu.memory_space<vmem_shared>> -> memref<640x128xf32, #tpu.memory_space<vmem_shared>>
        tpu.enqueue_dma source(%dma_start3A_280 : memref<640x128xf32, #tpu.memory_space<vmem_shared>>) target(%dma_start3A_277 : memref<640x128xf32, #tpu.memory_space<hbm>>) target_semaphore(%run_scoped3A : memref<!tpu.dma_semaphore, #tpu.memory_space<semaphore_mem>>)
        %dma_wait3A_281 = arith.constant 9360 : i32
        %dma_wait3A_282 = arith.constant 0 : i32
        %dma_wait3A_283 = tpu.memref_slice %arg6[%arg0, %dma_wait3A_281, %dma_wait3A_282] : memref<2x10000x128xf32, #tpu.memory_space<hbm>> -> memref<1x640x128xf32, #tpu.memory_space<hbm>>
        %dma_wait3A_284 = tpu.memref_squeeze %dma_wait3A_283 : memref<1x640x128xf32, #tpu.memory_space<hbm>> -> memref<640x128xf32, #tpu.memory_space<hbm>>
        %dma_wait3A_285 = arith.constant 9360 : i32
        %dma_wait3A_286 = arith.constant 0 : i32
        %dma_wait3A_287 = tpu.memref_slice %arg19[%dma_wait3A_285, %dma_wait3A_286] : memref<10000x128xf32, #tpu.memory_space<vmem_shared>> -> memref<640x128xf32, #tpu.memory_space<vmem_shared>>
        tpu.wait_dma2 semaphore(%run_scoped3A : memref<!tpu.dma_semaphore, #tpu.memory_space<semaphore_mem>>) src(%dma_wait3A_287 : memref<640x128xf32, #tpu.memory_space<vmem_shared>>) dst(%dma_wait3A_284 : memref<640x128xf32, #tpu.memory_space<hbm>>)
        tpu.yield
      }) : () -> ()
    } else {
    }
    return
  }
}

module attributes {stable_mosaic.version = 14 : i64} {
  func.func @_tc_g1_body(%arg0: i32, %arg1: memref<1000x128xf32, #tpu.memory_space<vmem>>, %arg2: memref<128x128xf32, #tpu.memory_space<vmem>>, %arg3: memref<1000x1xf32, #tpu.memory_space<vmem>>, %arg4: memref<1000x1xf32, #tpu.memory_space<vmem>>, %arg5: memref<1000x128xf32, #tpu.memory_space<vmem>>) attributes {dimension_semantics = [#tpu.dimension_semantics<arbitrary>], iteration_bounds = array<i64: 10>, scalar_prefetch = 0 : i64, scratch_operands = 0 : i64, tpu.core_type = #tpu.core_type<tc>, window_params = [{transform_indices = @transform_0, window_bounds = array<i64: 1000, 128>}, {pipeline_mode = #tpu.pipeline_mode<synchronous>, transform_indices = @transform_1, window_bounds = array<i64: 128, 128>}, {transform_indices = @transform_2, window_bounds = array<i64: 1000, 1>}, {transform_indices = @transform_3, window_bounds = array<i64: 1000, 1>}, {transform_indices = @transform_4, window_bounds = array<i64: 1000, 128>}]} {
    %get3A = arith.constant 0 : index
    %get3A_0 = arith.constant 0 : index
    %get3A_1 = vector.load %arg3[%get3A, %get3A_0] : memref<1000x1xf32, #tpu.memory_space<vmem>>, vector<1000x1xf32>
    %add3A = arith.constant 1.000000e+00 : f32
    %add3A_2 = vector.broadcast %add3A : f32 to vector<1000x1xf32>
    %add3A_3 = arith.addf %add3A_2, %get3A_1 : vector<1000x1xf32>
    %get3A_4 = arith.constant 0 : index
    %get3A_5 = arith.constant 0 : index
    %get3A_6 = vector.load %arg4[%get3A_4, %get3A_5] : memref<1000x1xf32, #tpu.memory_space<vmem>>, vector<1000x1xf32>
    %add3A_7 = arith.addf %add3A_3, %get3A_6 : vector<1000x1xf32>
    %rsqrt3A = math.rsqrt %add3A_7 : vector<1000x1xf32>
    %get3A_8 = arith.constant 0 : index
    %get3A_9 = arith.constant 0 : index
    %get3A_10 = vector.load %arg1[%get3A_8, %get3A_9] : memref<1000x128xf32, #tpu.memory_space<vmem>>, vector<1000x128xf32>
    %get3A_11 = arith.constant 0 : index
    %get3A_12 = arith.constant 0 : index
    %get3A_13 = vector.load %arg2[%get3A_11, %get3A_12] : memref<128x128xf32, #tpu.memory_space<vmem>>, vector<128x128xf32>
    %dot_general3A = arith.constant dense<0.000000e+00> : vector<1000x128xf32>
    %dot_general3A_14 = tpu.matmul %get3A_10, %get3A_13, %dot_general3A {dimension_numbers = #tpu.dot_dimension_numbers<[1], [0], [0], [1], [0, 0, 1, 1], [], []>, precision = #tpu.contract_precision<fp32>, transpose_lhs_hint = false} : vector<1000x128xf32>, vector<128x128xf32>, vector<1000x128xf32> -> vector<1000x128xf32>
    %mul3A = vector.broadcast %rsqrt3A : vector<1000x1xf32> to vector<1000x128xf32>
    %mul3A_15 = arith.mulf %mul3A, %dot_general3A_14 : vector<1000x128xf32>
    %swap3A = arith.constant 0 : index
    %swap3A_16 = arith.constant 0 : index
    %swap3A_17 = vector.load %arg5[%swap3A, %swap3A_16] : memref<1000x128xf32, #tpu.memory_space<vmem>>, vector<1000x128xf32>
    tpu.vector_store %arg5[%swap3A, %swap3A_16], %mul3A_15 {strides = array<i32>} : memref<1000x128xf32, #tpu.memory_space<vmem>>, vector<1000x128xf32>,
    return
  }
  func.func @transform_0(%arg0: i32) -> (i32, i32) {
    %c0_i32 = arith.constant 0 : i32
    %c0_i32_0 = arith.constant 0 : i32
    return %arg0, %c0_i32 : i32, i32
  }
  func.func @transform_1(%arg0: i32) -> (i32, i32) {
    %c0_i32 = arith.constant 0 : i32
    %c0_i32_0 = arith.constant 0 : i32
    %c0_i32_1 = arith.constant 0 : i32
    return %c0_i32, %c0_i32_0 : i32, i32
  }
  func.func @transform_2(%arg0: i32) -> (i32, i32) {
    %c0_i32 = arith.constant 0 : i32
    %c0_i32_0 = arith.constant 0 : i32
    return %arg0, %c0_i32 : i32, i32
  }
  func.func @transform_3(%arg0: i32) -> (i32, i32) {
    %c0_i32 = arith.constant 0 : i32
    %c0_i32_0 = arith.constant 0 : i32
    return %arg0, %c0_i32 : i32, i32
  }
  func.func @transform_4(%arg0: i32) -> (i32, i32) {
    %c0_i32 = arith.constant 0 : i32
    %c0_i32_0 = arith.constant 0 : i32
    return %arg0, %c0_i32 : i32, i32
  }
}

module attributes {stable_mosaic.version = 14 : i64} {
  func.func @_tc_g2_body(%arg0: i32, %arg1: memref<1000x128xf32, #tpu.memory_space<vmem>>, %arg2: memref<1000x128xf32, #tpu.memory_space<vmem>>, %arg3: memref<1000x1xf32, #tpu.memory_space<vmem>>, %arg4: memref<1000x1xf32, #tpu.memory_space<vmem>>, %arg5: memref<1x128xf32, #tpu.memory_space<vmem>>, %arg6: memref<128x128xf32, #tpu.memory_space<vmem>>, %arg7: memref<1000x128xf32, #tpu.memory_space<vmem>>) attributes {dimension_semantics = [#tpu.dimension_semantics<arbitrary>], iteration_bounds = array<i64: 10>, scalar_prefetch = 0 : i64, scratch_operands = 0 : i64, tpu.core_type = #tpu.core_type<tc>, window_params = [{transform_indices = @transform_0, window_bounds = array<i64: 1000, 128>}, {transform_indices = @transform_1, window_bounds = array<i64: 1000, 128>}, {transform_indices = @transform_2, window_bounds = array<i64: 1000, 1>}, {transform_indices = @transform_3, window_bounds = array<i64: 1000, 1>}, {pipeline_mode = #tpu.pipeline_mode<synchronous>, transform_indices = @transform_4, window_bounds = array<i64: 1, 128>}, {pipeline_mode = #tpu.pipeline_mode<synchronous>, transform_indices = @transform_5, window_bounds = array<i64: 128, 128>}, {transform_indices = @transform_6, window_bounds = array<i64: 1000, 128>}]} {
    %get3A = arith.constant 0 : index
    %get3A_0 = arith.constant 0 : index
    %get3A_1 = vector.load %arg3[%get3A, %get3A_0] : memref<1000x1xf32, #tpu.memory_space<vmem>>, vector<1000x1xf32>
    %add3A = arith.constant 1.000000e+00 : f32
    %add3A_2 = vector.broadcast %add3A : f32 to vector<1000x1xf32>
    %add3A_3 = arith.addf %add3A_2, %get3A_1 : vector<1000x1xf32>
    %get3A_4 = arith.constant 0 : index
    %get3A_5 = arith.constant 0 : index
    %get3A_6 = vector.load %arg4[%get3A_4, %get3A_5] : memref<1000x1xf32, #tpu.memory_space<vmem>>, vector<1000x1xf32>
    %add3A_7 = arith.addf %add3A_3, %get3A_6 : vector<1000x1xf32>
    %rsqrt3A = math.rsqrt %add3A_7 : vector<1000x1xf32>
    %get3A_8 = arith.constant 0 : index
    %get3A_9 = arith.constant 0 : index
    %get3A_10 = vector.load %arg1[%get3A_8, %get3A_9] : memref<1000x128xf32, #tpu.memory_space<vmem>>, vector<1000x128xf32>
    %get3A_11 = arith.constant 0 : index
    %get3A_12 = arith.constant 0 : index
    %get3A_13 = vector.load %arg2[%get3A_11, %get3A_12] : memref<1000x128xf32, #tpu.memory_space<vmem>>, vector<1000x128xf32>
    %add3A_14 = arith.addf %get3A_10, %get3A_13 : vector<1000x128xf32>
    %mul3A = vector.broadcast %rsqrt3A : vector<1000x1xf32> to vector<1000x128xf32>
    %mul3A_15 = arith.mulf %mul3A, %add3A_14 : vector<1000x128xf32>
    %get3A_16 = arith.constant 0 : index
    %get3A_17 = arith.constant 0 : index
    %get3A_18 = vector.load %arg5[%get3A_16, %get3A_17] : memref<1x128xf32, #tpu.memory_space<vmem>>, vector<1x128xf32>
    %add3A_19 = vector.broadcast %get3A_18 : vector<1x128xf32> to vector<1000x128xf32>
    %add3A_20 = arith.addf %mul3A_15, %add3A_19 : vector<1000x128xf32>
    %max3A = arith.constant 0.000000e+00 : f32
    %max3A_21 = vector.broadcast %max3A : f32 to vector<1000x128xf32>
    %max3A_22 = arith.maximumf %add3A_20, %max3A_21 : vector<1000x128xf32>
    %get3A_23 = arith.constant 0 : index
    %get3A_24 = arith.constant 0 : index
    %get3A_25 = vector.load %arg6[%get3A_23, %get3A_24] : memref<128x128xf32, #tpu.memory_space<vmem>>, vector<128x128xf32>
    %dot_general3A = arith.constant dense<0.000000e+00> : vector<1000x128xf32>
    %dot_general3A_26 = tpu.matmul %max3A_22, %get3A_25, %dot_general3A {dimension_numbers = #tpu.dot_dimension_numbers<[1], [0], [0], [1], [0, 0, 1, 1], [], []>, precision = #tpu.contract_precision<fp32>, transpose_lhs_hint = false} : vector<1000x128xf32>, vector<128x128xf32>, vector<1000x128xf32> -> vector<1000x128xf32>
    %mul3A_27 = vector.broadcast %rsqrt3A : vector<1000x1xf32> to vector<1000x128xf32>
    %mul3A_28 = arith.mulf %mul3A_27, %dot_general3A_26 : vector<1000x128xf32>
    %swap3A = arith.constant 0 : index
    %swap3A_29 = arith.constant 0 : index
    %swap3A_30 = vector.load %arg7[%swap3A, %swap3A_29] : memref<1000x128xf32, #tpu.memory_space<vmem>>, vector<1000x128xf32>
    tpu.vector_store %arg7[%swap3A, %swap3A_29], %mul3A_28 {strides = array<i32>} : memref<1000x128xf32, #tpu.memory_space<vmem>>, vector<1000x128xf32>,
    return
  }
  func.func @transform_0(%arg0: i32) -> (i32, i32) {
    %c0_i32 = arith.constant 0 : i32
    %c0_i32_0 = arith.constant 0 : i32
    return %arg0, %c0_i32 : i32, i32
  }
  func.func @transform_1(%arg0: i32) -> (i32, i32) {
    %c0_i32 = arith.constant 0 : i32
    %c0_i32_0 = arith.constant 0 : i32
    return %arg0, %c0_i32 : i32, i32
  }
  func.func @transform_2(%arg0: i32) -> (i32, i32) {
    %c0_i32 = arith.constant 0 : i32
    %c0_i32_0 = arith.constant 0 : i32
    return %arg0, %c0_i32 : i32, i32
  }
  func.func @transform_3(%arg0: i32) -> (i32, i32) {
    %c0_i32 = arith.constant 0 : i32
    %c0_i32_0 = arith.constant 0 : i32
    return %arg0, %c0_i32 : i32, i32
  }
  func.func @transform_4(%arg0: i32) -> (i32, i32) {
    %c0_i32 = arith.constant 0 : i32
    %c0_i32_0 = arith.constant 0 : i32
    %c0_i32_1 = arith.constant 0 : i32
    return %c0_i32, %c0_i32_0 : i32, i32
  }
  func.func @transform_5(%arg0: i32) -> (i32, i32) {
    %c0_i32 = arith.constant 0 : i32
    %c0_i32_0 = arith.constant 0 : i32
    %c0_i32_1 = arith.constant 0 : i32
    return %c0_i32, %c0_i32_0 : i32, i32
  }
  func.func @transform_6(%arg0: i32) -> (i32, i32) {
    %c0_i32 = arith.constant 0 : i32
    %c0_i32_0 = arith.constant 0 : i32
    return %arg0, %c0_i32 : i32, i32
  }
}

module attributes {stable_mosaic.version = 14 : i64} {
  func.func @_tc_head_body(%arg0: i32, %arg1: memref<1000x128xf32, #tpu.memory_space<vmem>>, %arg2: memref<1000x128xf32, #tpu.memory_space<vmem>>, %arg3: memref<1000x1xf32, #tpu.memory_space<vmem>>, %arg4: memref<1000x1xf32, #tpu.memory_space<vmem>>, %arg5: memref<1x128xf32, #tpu.memory_space<vmem>>, %arg6: memref<128x16xf32, #tpu.memory_space<vmem>>, %arg7: memref<1x16xf32, #tpu.memory_space<vmem>>, %arg8: memref<1x16xf32, #tpu.memory_space<vmem>>, %arg9: memref<1x128xf32, #tpu.memory_space<vmem>>) attributes {dimension_semantics = [#tpu.dimension_semantics<arbitrary>], iteration_bounds = array<i64: 10>, scalar_prefetch = 0 : i64, scratch_operands = 1 : i64, tpu.core_type = #tpu.core_type<tc>, window_params = [{transform_indices = @transform_0, window_bounds = array<i64: 1000, 128>}, {transform_indices = @transform_1, window_bounds = array<i64: 1000, 128>}, {transform_indices = @transform_2, window_bounds = array<i64: 1000, 1>}, {transform_indices = @transform_3, window_bounds = array<i64: 1000, 1>}, {pipeline_mode = #tpu.pipeline_mode<synchronous>, transform_indices = @transform_4, window_bounds = array<i64: 1, 128>}, {pipeline_mode = #tpu.pipeline_mode<synchronous>, transform_indices = @transform_5, window_bounds = array<i64: 128, 16>}, {pipeline_mode = #tpu.pipeline_mode<synchronous>, transform_indices = @transform_6, window_bounds = array<i64: 1, 16>}, {pipeline_mode = #tpu.pipeline_mode<synchronous>, transform_indices = @transform_7, window_bounds = array<i64: 1, 16>}]} {
    %eq3A = arith.constant 0 : i32
    %eq3A_0 = arith.cmpi eq, %arg0, %eq3A : i32
    %convert_element_type3A = arith.extui %eq3A_0 : i1 to i32
    %cond3A = arith.constant 0 : i32
    %cond3A_1 = arith.cmpi ne, %convert_element_type3A, %cond3A : i32
    scf.if %cond3A_1 {
      %broadcast_in_dim3A_37 = arith.constant 0.000000e+00 : f32
      %broadcast_in_dim3A_38 = vector.broadcast %broadcast_in_dim3A_37 : f32 to vector<1x128xf32>
      %swap3A_39 = arith.constant 0 : index
      %swap3A_40 = arith.constant 0 : index
      %swap3A_41 = vector.load %arg9[%swap3A_39, %swap3A_40] : memref<1x128xf32, #tpu.memory_space<vmem>>, vector<1x128xf32>
      tpu.vector_store %arg9[%swap3A_39, %swap3A_40], %broadcast_in_dim3A_38 {strides = array<i32>} : memref<1x128xf32, #tpu.memory_space<vmem>>, vector<1x128xf32>,
    } else {
    }
    %get3A = arith.constant 0 : index
    %get3A_2 = arith.constant 0 : index
    %get3A_3 = vector.load %arg3[%get3A, %get3A_2] : memref<1000x1xf32, #tpu.memory_space<vmem>>, vector<1000x1xf32>
    %add3A = arith.constant 1.000000e+00 : f32
    %add3A_4 = vector.broadcast %add3A : f32 to vector<1000x1xf32>
    %add3A_5 = arith.addf %add3A_4, %get3A_3 : vector<1000x1xf32>
    %get3A_6 = arith.constant 0 : index
    %get3A_7 = arith.constant 0 : index
    %get3A_8 = vector.load %arg4[%get3A_6, %get3A_7] : memref<1000x1xf32, #tpu.memory_space<vmem>>, vector<1000x1xf32>
    %add3A_9 = arith.addf %add3A_5, %get3A_8 : vector<1000x1xf32>
    %rsqrt3A = math.rsqrt %add3A_9 : vector<1000x1xf32>
    %get3A_10 = arith.constant 0 : index
    %get3A_11 = arith.constant 0 : index
    %get3A_12 = vector.load %arg1[%get3A_10, %get3A_11] : memref<1000x128xf32, #tpu.memory_space<vmem>>, vector<1000x128xf32>
    %get3A_13 = arith.constant 0 : index
    %get3A_14 = arith.constant 0 : index
    %get3A_15 = vector.load %arg2[%get3A_13, %get3A_14] : memref<1000x128xf32, #tpu.memory_space<vmem>>, vector<1000x128xf32>
    %add3A_16 = arith.addf %get3A_12, %get3A_15 : vector<1000x128xf32>
    %mul3A = vector.broadcast %rsqrt3A : vector<1000x1xf32> to vector<1000x128xf32>
    %mul3A_17 = arith.mulf %mul3A, %add3A_16 : vector<1000x128xf32>
    %get3A_18 = arith.constant 0 : index
    %get3A_19 = arith.constant 0 : index
    %get3A_20 = vector.load %arg5[%get3A_18, %get3A_19] : memref<1x128xf32, #tpu.memory_space<vmem>>, vector<1x128xf32>
    %add3A_21 = vector.broadcast %get3A_20 : vector<1x128xf32> to vector<1000x128xf32>
    %add3A_22 = arith.addf %mul3A_17, %add3A_21 : vector<1000x128xf32>
    %max3A = arith.constant 0.000000e+00 : f32
    %max3A_23 = vector.broadcast %max3A : f32 to vector<1000x128xf32>
    %max3A_24 = arith.maximumf %add3A_22, %max3A_23 : vector<1000x128xf32>
    %get3A_25 = arith.constant 0 : index
    %get3A_26 = arith.constant 0 : index
    %get3A_27 = vector.load %arg9[%get3A_25, %get3A_26] : memref<1x128xf32, #tpu.memory_space<vmem>>, vector<1x128xf32>
    %reduce_sum3A = arith.constant dense<0.000000e+00> : vector<128xf32>
    %reduce_sum3A_28 = vector.multi_reduction <add>, %max3A_24, %reduce_sum3A [0] : vector<1000x128xf32> to vector<128xf32>
    %broadcast_in_dim3A = vector.shape_cast %reduce_sum3A_28 : vector<128xf32> to vector<1x128xf32>
    %add3A_29 = arith.addf %get3A_27, %broadcast_in_dim3A : vector<1x128xf32>
    %swap3A = arith.constant 0 : index
    %swap3A_30 = arith.constant 0 : index
    %swap3A_31 = vector.load %arg9[%swap3A, %swap3A_30] : memref<1x128xf32, #tpu.memory_space<vmem>>, vector<1x128xf32>
    tpu.vector_store %arg9[%swap3A, %swap3A_30], %add3A_29 {strides = array<i32>} : memref<1x128xf32, #tpu.memory_space<vmem>>, vector<1x128xf32>,
    %eq3A_32 = arith.constant 9 : i32
    %eq3A_33 = arith.cmpi eq, %arg0, %eq3A_32 : i32
    %convert_element_type3A_34 = arith.extui %eq3A_33 : i1 to i32
    %cond3A_35 = arith.constant 0 : i32
    %cond3A_36 = arith.cmpi ne, %convert_element_type3A_34, %cond3A_35 : i32
    scf.if %cond3A_36 {
      %get3A_37 = arith.constant 0 : index
      %get3A_38 = arith.constant 0 : index
      %get3A_39 = vector.load %arg9[%get3A_37, %get3A_38] : memref<1x128xf32, #tpu.memory_space<vmem>>, vector<1x128xf32>
      %mul3A_40 = arith.constant 9.99999974E-5 : f32
      %mul3A_41 = vector.broadcast %mul3A_40 : f32 to vector<1x128xf32>
      %mul3A_42 = arith.mulf %get3A_39, %mul3A_41 : vector<1x128xf32>
      %get3A_43 = arith.constant 0 : index
      %get3A_44 = arith.constant 0 : index
      %get3A_45 = vector.load %arg6[%get3A_43, %get3A_44] : memref<128x16xf32, #tpu.memory_space<vmem>>, vector<128x16xf32>
      %dot_general3A = arith.constant dense<0.000000e+00> : vector<1x16xf32>
      %dot_general3A_46 = tpu.matmul %mul3A_42, %get3A_45, %dot_general3A {dimension_numbers = #tpu.dot_dimension_numbers<[1], [0], [0], [1], [0, 0, 1, 1], [], []>, precision = #tpu.contract_precision<fp32>, transpose_lhs_hint = false} : vector<1x128xf32>, vector<128x16xf32>, vector<1x16xf32> -> vector<1x16xf32>
      %get3A_47 = arith.constant 0 : index
      %get3A_48 = arith.constant 0 : index
      %get3A_49 = vector.load %arg7[%get3A_47, %get3A_48] : memref<1x16xf32, #tpu.memory_space<vmem>>, vector<1x16xf32>
      %add3A_50 = arith.addf %dot_general3A_46, %get3A_49 : vector<1x16xf32>
      %swap3A_51 = arith.constant 0 : index
      %swap3A_52 = arith.constant 0 : index
      %swap3A_53 = vector.load %arg8[%swap3A_51, %swap3A_52] : memref<1x16xf32, #tpu.memory_space<vmem>>, vector<1x16xf32>
      tpu.vector_store %arg8[%swap3A_51, %swap3A_52], %add3A_50 {strides = array<i32>} : memref<1x16xf32, #tpu.memory_space<vmem>>, vector<1x16xf32>,
    } else {
    }
    return
  }
  func.func @transform_0(%arg0: i32) -> (i32, i32) {
    %c0_i32 = arith.constant 0 : i32
    %c0_i32_0 = arith.constant 0 : i32
    return %arg0, %c0_i32 : i32, i32
  }
  func.func @transform_1(%arg0: i32) -> (i32, i32) {
    %c0_i32 = arith.constant 0 : i32
    %c0_i32_0 = arith.constant 0 : i32
    return %arg0, %c0_i32 : i32, i32
  }
  func.func @transform_2(%arg0: i32) -> (i32, i32) {
    %c0_i32 = arith.constant 0 : i32
    %c0_i32_0 = arith.constant 0 : i32
    return %arg0, %c0_i32 : i32, i32
  }
  func.func @transform_3(%arg0: i32) -> (i32, i32) {
    %c0_i32 = arith.constant 0 : i32
    %c0_i32_0 = arith.constant 0 : i32
    return %arg0, %c0_i32 : i32, i32
  }
  func.func @transform_4(%arg0: i32) -> (i32, i32) {
    %c0_i32 = arith.constant 0 : i32
    %c0_i32_0 = arith.constant 0 : i32
    %c0_i32_1 = arith.constant 0 : i32
    return %c0_i32, %c0_i32_0 : i32, i32
  }
  func.func @transform_5(%arg0: i32) -> (i32, i32) {
    %c0_i32 = arith.constant 0 : i32
    %c0_i32_0 = arith.constant 0 : i32
    %c0_i32_1 = arith.constant 0 : i32
    return %c0_i32, %c0_i32_0 : i32, i32
  }
  func.func @transform_6(%arg0: i32) -> (i32, i32) {
    %c0_i32 = arith.constant 0 : i32
    %c0_i32_0 = arith.constant 0 : i32
    %c0_i32_1 = arith.constant 0 : i32
    return %c0_i32, %c0_i32_0 : i32, i32
  }
  func.func @transform_7(%arg0: i32) -> (i32, i32) {
    %c0_i32 = arith.constant 0 : i32
    %c0_i32_0 = arith.constant 0 : i32
    %c0_i32_1 = arith.constant 0 : i32
    return %c0_i32, %c0_i32_0 : i32, i32
  }
}

</mosaic_0001>

<sc_bundles>
// kernel: kernel.11.cloned.1.call-start
scs
__scs_entry_jumppad:
0x0: {  	(pc) =	sbr.rel $0x88, $3  }
0x1: {  	(tag) =	ssettag $0x0;
	lr =	simm.s32 $0x1  }
0x2: {  	[smem:$0x3F99] =	sst lr;
	_ =	strace $0xD0000000  }
0x3: {  	_ = 	snop  }
0x4: {  	_ = 	snop  }
0x5: {  	_ = 	snop  }
0x6: {  	_ = 	snop  }
0x7: {  	_ = 	snop  }
__scs_overlays_trampoline_lowered:
0x8: {  	[smem:$0x3FA8] =	sst s0  }
0x9: {  	[smem:$0x3FA9] =	sst s1  }
0xa: {  	[smem:$0x3FAA] =	sst s2  }
0xb: {  	[smem:$0x3FAB] =	sst s3  }
0xc: {  	[smem:$0x3FAC] =	sst s4  }
0xd: {  	[smem:$0x3FAD] =	sst s5  }
0xe: {  	[smem:$0x3FAE] =	sst s6  }
0xf: {  	[smem:$0x3FAF] =	sst s7  }
0x10: {  	[smem:$0x3FB0] =	sst s8  }
0x11: {  	[smem:$0x3FB1] =	sst s9;
	s0 =	simm.s32 @!p0 $0x0  }
0x12: {  	s1 =	sld [smem:$0x3F97];
	s0 =	simm.s32 @p0 $0x1  }
0x13: {  	[smem:$0x3FB2] =	sst s0;
	s0 =	simm.s32 @!p1 $0x0  }
0x14: {  	s2 =	sld [smem:$0x3F96];
	s0 =	simm.s32 @p1 $0x1  }
0x15: {  	[smem:$0x3FB3] =	sst s0;
	s0 =	simm.s32 @!p2 $0x0  }
0x16: {  	s3 =	sld [smem:$0x3FDB];
	s0 =	simm.s32 @p2 $0x1  }
0x17: {  	s4 =	simm.s32 $0x1BF5;
	[smem:$0x3FB5] =	sst s0  }
0x18: {  	s0 =	sld [smem:$0x3F98];
	_ =	swait.ge [sflag:s4], $0x0  }
0x19: {  	s7 =	sld [smem:$0x3F99]  }
0x1a: {  	s8 =	sadd.s32 $0xFFFFE003, lr  }
0x1b: {  	s9 =	sadd.s32 $0xFFFFFEF7, lr;
	s5 =	simm.s32 $0xFFFFFFFF;
	p2 =	slt.u32 s8, $0xFFFFF086  }
0x1c: {  	p1 =	slt.u32 s9, $0xF7A;
	s5 =	simm.s32 @!p2 $0x0  }
0x1d: {  	s5 =	simm.s32 @p1 $0x1;
	p0 =	seq.s32 s7, s2  }
0x1e: {  	s7 =	smul.u32 @!p0 $0xF7A, s2;
	p2 =	seq.s32 @!p0 s5, $0x0  }
0x1f: {  	s9 =	smul.u32 $0xF7A, s1;
	s8 =	simm.s32 @!p0 $0x1BF5;
	p2 =	por !p2, p0  }
0x20: {  	[sflag:s8] =	ssyncset.s32 @!p0 $0xFFFFF086;
	s6 =	sadd.s32 @!p0 s3, s7;
	s7 =	simm.s32 @!p0 $0x108  }
0x21: {  	s3 =	sadd.s32 s3, s9;
	s6 =	sadd.s32 @!p0 $0x88, s6;
	s7 =	simm.s32 @p2 $0x1082  }
0x22: {  	[simem:s7], [sflag:s8] =	dma.local @!p0 [hbm:s6], $0xF7A  }
0x23: {  	s9 =	sor.u32 $0xD0000000, s2;
	s6 =	simm.s32 $0x108;
	_ =	swait.ge @!p0 [sflag:s8], $0x0  }
0x24: {  	s3 =	sadd.s32 $0x88, s3;
	s6 =	simm.s32 @!p1 $0x1082;
	[sflag:s4] =	ssyncset.s32 $0xFFFFF086  }
0x25: {  	[simem:s6], [sflag:s4] =	dma.local [hbm:s3], $0xF7A  }
0x26: {  	[smem:$0x3F99] =	sst s1;
	(tag) =	ssettag s2;
	_ =	strace s9  }
0x27: {  	s1 =	sld [smem:$0x3FA9]  }
0x28: {  	s2 =	sld [smem:$0x3FAA]  }
0x29: {  	s4 =	sld [smem:$0x3FAC]  }
0x2a: {  	p0 =	seq.s32 s5, $0x0;
	s5 =	sld [smem:$0x3FAD]  }
0x2b: {  	s6 =	sld [smem:$0x3FAE]  }
0x2c: {  	s7 =	sld [smem:$0x3FAF]  }
0x2d: {  	s3 =	simm.s32 $0x108;
	s8 =	sld [smem:$0x3FB0]  }
0x2e: {  	s3 =	simm.s32 @!p0 $0x1082;
	s9 =	sld [smem:$0x3FB1]  }
0x2f: {  	lr =	sadd.s32 s0, s3;
	s0 =	sld [smem:$0x3FA8]  }
0x30: {  	s3 =	sld [smem:$0x3FAB]  }
0x31: {  	[smem:$0x3FB4] =	sst s10  }
0x32: {  	s10 =	sld [smem:$0x3FB2];
	_ =	sdelay $0x3  }
0x33: {  	p0 =	seq.s32 s10, $0x1;
	s10 =	sld [smem:$0x3FB4];
	_ =	sdelay $0x3  }
0x34: {  	[smem:$0x3FB4] =	sst s10  }
0x35: {  	s10 =	sld [smem:$0x3FB3];
	_ =	sdelay $0x3  }
0x36: {  	p1 =	seq.s32 s10, $0x1;
	s10 =	sld [smem:$0x3FB4];
	_ =	sdelay $0x3  }
0x37: {  	[smem:$0x3FB4] =	sst s10  }
0x38: {  	s10 =	sld [smem:$0x3FB5]  }
0x39: {  	_ = 	snop;
	(pc) =	sbr.ind lr, $3  }
0x3a: {  	_ = 	snop  }
0x3b: {  	_ = 	snop  }
0x3c: {  	p2 =	seq.s32 s10, $0x1;
	s10 =	sld [smem:$0x3FB4]  }
0x3d: {  	_ =	shalt  }
0x3e: {  	_ =	shalt  }
0x3f: {  	_ =	shalt  }
0x40: {  	_ =	shalt  }
0x41: {  	_ =	shalt  }
0x42: {  	_ =	shalt  }
0x43: {  	_ =	shalt  }
0x44: {  	_ =	shalt  }
0x45: {  	_ =	shalt  }
0x46: {  	_ =	shalt  }
0x47: {  	_ =	shalt  }
0x48: {  	_ =	shalt  }
0x49: {  	_ =	shalt  }
0x4a: {  	_ =	shalt  }
0x4b: {  	_ =	shalt  }
0x4c: {  	_ =	shalt  }
0x4d: {  	_ =	shalt  }
0x4e: {  	_ =	shalt  }
0x4f: {  	_ =	shalt  }
0x50: {  	_ =	shalt  }
0x51: {  	_ =	shalt  }
0x52: {  	_ =	shalt  }
0x53: {  	_ =	shalt  }
0x54: {  	_ =	shalt  }
0x55: {  	_ =	shalt  }
0x56: {  	_ =	shalt  }
0x57: {  	_ =	shalt  }
0x58: {  	_ =	shalt  }
0x59: {  	_ =	shalt  }
0x5a: {  	_ =	shalt  }
0x5b: {  	_ =	shalt  }
0x5c: {  	_ =	shalt  }
0x5d: {  	_ =	shalt  }
0x5e: {  	_ =	shalt  }
0x5f: {  	_ =	shalt  }
0x60: {  	_ =	shalt  }
0x61: {  	_ =	shalt  }
0x62: {  	_ =	shalt  }
0x63: {  	_ =	shalt  }
0x64: {  	_ =	shalt  }
0x65: {  	_ =	shalt  }
0x66: {  	_ =	shalt  }
0x67: {  	_ =	shalt  }
0x68: {  	_ =	shalt  }
0x69: {  	_ =	shalt  }
0x6a: {  	_ =	shalt  }
0x6b: {  	_ =	shalt  }
0x6c: {  	_ =	shalt  }
0x6d: {  	_ =	shalt  }
0x6e: {  	_ =	shalt  }
0x6f: {  	_ =	shalt  }
0x70: {  	_ =	shalt  }
0x71: {  	_ =	shalt  }
0x72: {  	_ =	shalt  }
0x73: {  	_ =	shalt  }
0x74: {  	_ =	shalt  }
0x75: {  	_ =	shalt  }
0x76: {  	_ =	shalt  }
0x77: {  	_ =	shalt  }
0x78: {  	_ =	shalt  }
0x79: {  	_ =	shalt  }
0x7a: {  	_ =	shalt  }
0x7b: {  	_ =	shalt  }
0x7c: {  	_ =	shalt  }
0x7d: {  	_ =	shalt  }
0x7e: {  	_ =	shalt  }
0x7f: {  	_ =	shalt  }
0x80: {  	_ =	shalt  }
0x81: {  	_ =	shalt  }
0x82: {  	_ =	shalt  }
0x83: {  	_ =	shalt  }
0x84: {  	_ =	shalt  }
0x85: {  	_ =	shalt  }
0x86: {  	_ =	shalt  }
0x87: {  	_ =	shalt  }
.Lfunc_end0:
.L_simem_size_0:
called_computation.1_lowered:
.L_overlay_start_0:
0x88: {  	s2 =	sld [smem:$0x3FD9]  }
0x89: {  	s3 =	sld [smem:$0x3FFE];
	_ =	sdelay $0x1  }
0x8a: {  	s1 =	srdreg.scid  }
0x8b: {  	s0 =	sand.u32 $0x1, s1  }
0x8c: {  	s16 =	sshll.u32 s0, $0xA;
	s2 =	sadd.s32 s3, s2  }
0x8d: {  	s2 =	sadd.s32 s2, s16  }
0x8e: {  	[smem:$0x3FC0] =	sst s2  }
0x8f: {  	_ = 	snop  }
0x90: {  	(tm) =	ssettm $0x1  }
0x91: {  	s17 =	sld [smem:$0x3FFB];
	_ =	sdelay $0x3  }
0x92: {  	_ =	strace s17  }
0x93: {  	s2 =	sld [smem:$0x3FFC];
	_ =	sdelay $0x3  }
0x94: {  	_ =	strace s2  }
0x95: {  	s2 =	sld [smem:$0x3FFD];
	_ =	sdelay $0x3  }
0x96: {  	_ =	strace s2  }
0x97: {  	_ =	strace $0x8FFFFFFF  }
0x98: {  	s18 =	sld [smem:$0x3FDB];
	_ =	sdelay $0x1  }
0x99: {  	s19 =	simm.s32 $_scs_section_size  }
0x9a: {  	s4 =	simm.s32 $_size__tile_overlayer_lowered;
	s5 =	simm.s32 $_tile_overlayer_lowered  }
0x9b: {  	s22 =	simm.s32 $0x1BFF;
	s21 =	sshll.u32 s5, $0x1;
	s2 =	sadd.s32 s19, s18  }
0x9c: {  	s6 =	simm.s32 $0x0;
	s20 =	sshll.u32 s4, $0x1;
	s4 =	sadd.s32 s21, s2  }
0x9d: {  	[timem:s6], [sflag:s22] =	dma.local [hbm:s4], s20  }
0x9e: {  	_ =	swait.ge [sflag:s22], s20  }
0x9f: {  	s3 =	ssub.s32 $0x0, s20;
	[sflag:s22] =	ssyncset.done $0x0  }
0xa0: {  	[sflag:s22] =	ssyncadd.s32 s3;
	_ =	sdelay $0x1  }
0xa1: {  	s23 =	simm.s32 $0x1B8B  }
0xa2: {  	_ =	swait.ge [sflag:s23], $0x1  }
0xa3: {  	[sflag:s23] =	ssyncset.done $0x0  }
0xa4: {  	s25 =	simm.s32 $0x1B8E;
	s24 =	sld [smem:$0x3FFE];
	[sflag:s23] =	ssyncadd.s32 $0xFFFFFFFF  }
0xa5: {  	s26 =	simm.s32 $execute0_lowered;
	[smem:$0x3FD2] =	sst s25  }
0xa6: {  	s4 =	sshll.u32 s26, $0x1;
	_ =	strace $0x80000049;
	[dreg:$0x1] =	wrdreg $0xFFFFFFFF  }
0xa7: {  	s28 =	simm.s32 $_size_execute0_lowered;
	s2 =	sadd.s32 s2, s4;
	[dreg:$0x0] =	wrdreg $0x0  }
0xa8: {  	s4 =	sshll.u32 s28, $0x1;
	[dreg:$0x2] =	wrdreg s2  }
0xa9: {  	[dreg:$0x3] =	wrdreg s4  }
0xaa: {  	[dreg:$0x4] =	wrdreg $0xC0  }
0xab: {  	_ =	task [dreg:s6], $0x5FFFF  }
0xac: {  	[dreg:$0x1] =	wrdreg $0xFFFFFFFF  }
0xad: {  	[dreg:$0x0] =	wrdreg $0x60  }
0xae: {  	[dreg:$0x2] =	wrdreg s24  }
0xaf: {  	[dreg:$0x3] =	wrdreg $0xA4000  }
0xb0: {  	[dreg:$0x4] =	wrdreg $0x9  }
0xb1: {  	_ =	task.clear_ibuf [dreg:s6], $0x5FFFF;
	_ =	strace $0x90000049  }
0xb2: {  	s29 =	simm.s32 $0x9;
	_ =	strace $0x8000004B  }
0xb3: {  	_ =	swait.ge [sflag:s29], $0x1  }
0xb4: {  	[sflag:s29] =	ssyncadd.s32 $0xFFFFFFFF  }
0xb5: {  	_ =	strace $0x9000004B  }
0xb6: {  	_ =	sfence  }
0xb7: {  	s30 =	sld [smem:$0x0];
	_ =	sdelay $0x2  }
0xb8: {  	s31 =	sshll.u32 s1, $0xD;
	s1 =	sshrl.u32 s1, $0x2  }
0xb9: {  	s3 =	sand.u32 $0x4000, s31;
	s1 =	sadd.s32 s1, s30  }
0xba: {  	s0 =	sor.u32 s3, s0;
	s1 =	sshll.u32 s1, $0x11  }
0xbb: {  	s0 =	sor.u32 s1, s0  }
0xbc: {  	s0 =	sadd.s32 $0x8F2B, s0  }
0xbd: {  	[sflag:s0] =	ssyncadd.remote.s32 $0x1  }
0xbe: {  	_ =	sfence.sel $0xFFFF  }
0xbf: {  	[dreg:$0x0] =	wrdreg $0xFFFFFFFF;
	(pc) =	sbr.abs _section_cstart, $3  }
0xc0: {  	[dreg:$0x1] =	wrdreg $0xFFFFFFFF  }
0xc1: {  	_ =	task.clear_ibuf [dreg:s6], $0x2FFFF;
	_ =	strace $0x9FFFFFFF  }
0xc2: {  	(tm) =	ssettm $0x7FFFFFFF  }
0xc3: {  	_ =	shalt  }
tec
execute0_lowered:
.L_overlay_start_1:
0x0: {  	(tag) =	ssettag $0x1  }
0x1: {  	s0 =	rddreg [dreg:$0x0];
	s15 =	stileid.u32  }
0x2: {  	s1 =	srdreg.scid;
	s2 =	rddreg [dreg:$0x1]  }
0x3: {  	s3 =	simm.s32 $0x0;
	s28 =	simm.s32 $0xB;
	s29 =	simm.s32 $0x8  }
0x4: {  	s30 =	simm.s32 $0xC;
	s1 =	sand.u32 $0x1, s1;
	s4 =	sshll.u32 s15, $0x1  }
0x5: {  	[smem:$0x7FF] =	sst s3;
	s5 =	sadd.s32 $0x2E00, s0;
	s17 =	smul.u32 $0x4E20, s15  }
0x6: {  	s7 =	sadd.s32 $0xCC00, s0;
	s10 =	sadd.s32 $0x8C000, s0;
	s26 =	smul.u32 $0x13800, s15  }
0x7: {  	s4 =	sor.u32 s1, s4;
	_ =	strace $0x8000004A;
	s11 =	smul.u32 $0x2710, s1  }
0x8: {  	s6 =	ssub.s32 $0x2, s1;
	s25 =	smul.u32 $0x138800, s1;
	p3 =	sne.s32 s1, $0x0  }
0x9: {  	s4 =	smul.u32 $0x2710, s4;
	s8 =	sshrl.u32 s6, $0x1;
	p1 =	seq.s32 @p3 s15, $0xF  }
0xa: {  	p4 =	seq.s32 @!p3 s15, $0xF;
	p0 =	por !p1, !p3;
	p1 =	por p1, !p3  }
0xb: {  	p2 =	por !p4, p3;
	p3 =	por p4, p3;
	p4 =	seq.s32 s15, $0xF  }
0xc: {  	s9 =	sshrl.u32 s4, $0x3;
	s4 =	ssub.s32 s6, s8;
	s8 =	sadd.s32 s11, s17  }
0xd: {  	s11 =	sshrl.u32 s25, $0x3;
	s13 =	sadd.s32 $0xA, s9;
	s14 =	sadd.s32 s5, s9  }
0xe: {  	s18 =	sadd.s32 $0x14, s9;
	[dreg:$0xb] =	wrdreg s14;
	s16 =	sadd.s32 s5, s13  }
0xf: {  	s19 =	sadd.s32 $0x1E, s9;
	s6 =	sadd.s32 s7, s13;
	[dreg:$0xc] =	wrdreg s16  }
0x10: {  	s21 =	sadd.s32 $0x28, s9;
	s12 =	sadd.s32 s5, s18;
	[dreg:$0xd] =	wrdreg s6  }
0x11: {  	s23 =	sadd.s32 $0x320, s8;
	s20 =	sadd.s32 s5, s19;
	[dreg:$0xe] =	wrdreg s12  }
0x12: {  	s22 =	sadd.s32 s5, s21;
	s24 =	sadd.s32 s7, s21;
	[dreg:$0x10] =	wrdreg s20  }
0x13: {  	s14 =	sadd.s32 $0x2D0, s8;
	s6 =	sadd.s32 s7, s18;
	[dreg:$0x12] =	wrdreg s22  }
0x14: {  	[dreg:$0x13] =	wrdreg s24;
	s31 =	sshrl.u32 s14, $0x3;
	s16 =	sadd.s32 $0x280, s8  }
0x15: {  	s22 =	sadd.s32 s26, s25;
	[dreg:$0xf] =	wrdreg s6;
	s6 =	sadd.s32 s7, s19  }
0x16: {  	s8 =	sadd.s32 $0x230, s8;
	s14 =	sadd.s32 s31, s7;
	[dreg:$0x11] =	wrdreg s6  }
0x17: {  	s26 =	sadd.s32 $0x3C, s9;
	s17 =	sadd.s32 s31, s5;
	[dreg:$0x5] =	wrdreg s14  }
0x18: {  	s18 =	sshrl.u32 s16, $0x3;
	s31 =	sadd.s32 s5, s26;
	[dreg:$0x6] =	wrdreg s17  }
0x19: {  	s19 =	sadd.s32 $0x32, s9;
	s12 =	sadd.s32 s7, s26;
	[dreg:$0x17] =	wrdreg s31  }
0x1a: {  	s8 =	sshrl.u32 s8, $0x3;
	s20 =	sadd.s32 s18, s7;
	[dreg:$0x18] =	wrdreg s12  }
0x1b: {  	s6 =	sshrl.u32 s23, $0x3;
	s21 =	sadd.s32 s5, s19;
	[dreg:$0x7] =	wrdreg s20  }
0x1c: {  	s23 =	sadd.s32 s7, s19;
	s24 =	sadd.s32 s18, s5;
	[dreg:$0x14] =	wrdreg s21  }
0x1d: {  	s25 =	sadd.s32 s8, s7;
	s14 =	sadd.s32 s7, s9;
	[dreg:$0x15] =	wrdreg s23  }
0x1e: {  	s18 =	smul.u32 $0x4E000, s15;
	s31 =	smax.u32 s4, $0x1;
	[dreg:$0x8] =	wrdreg s24  }
0x1f: {  	s4 =	simm.s32 $0x200;
	s12 =	simm.s32 $0x2;
	[dreg:$0x9] =	wrdreg s25  }
0x20: {  	s13 =	sadd.s32 s6, s7;
	s6 =	sadd.s32 s6, s5;
	[dreg:$0x19] =	wrdreg s14  }
0x21: {  	s20 =	smul.u32 $0x2700, s15;
	s24 =	sadd.s32 $0x3DC00, s0;
	[smem:$0x7FC] =	sst s31  }
0x22: {  	s25 =	sadd.s32 $0x89700, s0;
	s14 =	simm.s32 $0x3;
	[dreg:$0x3] =	wrdreg s13  }
0x23: {  	s15 =	simm.s32 $0x180;
	[dreg:$0x4] =	wrdreg s6;
	s6 =	sshrl.u32 s22, $0x3  }
0x24: {  	s13 =	sadd.s32 $0x4CE, s9;
	s9 =	sadd.s32 $0x4D8, s9;
	s21 =	sshrl.u32 s18, $0x2  }
0x25: {  	[smem:$0x7F9] =	sst s25;
	s18 =	simm.s32 $0x5;
	s25 =	simm.s32 $0xA  }
0x26: {  	s6 =	sadd.s32 s10, s6;
	s10 =	sadd.s32 s10, s11;
	s16 =	sadd.s32 s5, s13  }
0x27: {  	s17 =	sadd.s32 s7, s9;
	s19 =	sadd.s32 s5, s9;
	[dreg:$0x16] =	wrdreg s6  }
0x28: {  	s5 =	sadd.s32 s8, s5;
	s1 =	sadd.s32 s21, s2;
	[dreg:$0x1a] =	wrdreg s16  }
0x29: {  	s22 =	sadd.s32 s20, s0;
	s23 =	sadd.s32 s24, s20;
	[dreg:$0x1c] =	wrdreg s17  }
0x2a: {  	s0 =	sadd.s32 $0x62500, s0;
	s8 =	simm.s32 $0x300;
	[dreg:$0x1d] =	wrdreg s19  }
0x2b: {  	s9 =	simm.s32 $0x1;
	s11 =	simm.s32 $0x400;
	[dreg:$0xa] =	wrdreg s5  }
0x2c: {  	s20 =	simm.s32 $0x9;
	s21 =	simm.s32 $0x7C00;
	[dreg:$0x1e] =	wrdreg s1  }
0x2d: {  	s6 =	sadd.s32 s7, s13;
	s1 =	sadd.s32 $0x64E00, s22;
	[smem:$0x7F8] =	sst s23  }
0x2e: {  	[smem:$0x7FA] =	sst s0;
	s26 =	sadd.s32 $0x24900, s10;
	s0 =	sadd.s32 $0x124800, s2  }
0x2f: {  	s5 =	simm.s32 $0x80;
	s7 =	simm.s32 $0x100;
	s10 =	simm.s32 $0x50  }
0x30: {  	s13 =	simm.s32 $0x2C00;
	s16 =	simm.s32 $0x380;
	[dreg:$0x1b] =	wrdreg s6  }
0x31: {  	s17 =	simm.s32 $0x5400;
	s19 =	simm.s32 $0x4;
	[dreg:$0x1f] =	wrdreg s1  }
0x32: {  	s22 =	simm.s32 $0x6;
	s23 =	simm.s32 $0x0;
	[smem:$0x7FB] =	sst s26  }
0x33: {  	s6 =	simm.s32 $0x280;
	s26 =	simm.s32 $0x7;
	[smem:$0x7FD] =	sst s0  }
.LBB2_1:
0x34: {  	s1 =	sld [smem:$0x7F9];
	_ =	sdelay $0x1  }
0x35: {  	[smem:$0x7F6] =	sst s23;
	s31 =	sshrl.u32 @!p0 s0, $0x3;
	s23 =	simm.s32 @!p0 $0x1FCD  }
0x36: {  	[spmem:s31], [sflag:s23] =	dma.local @!p0 [hbm:s1], $0x2800  }
0x37: {  	s1 =	simm.s32 @!p0 $0xD  }
0x38: {  	s23 =	stileid.u32;
	_ =	swait.ge @!p0 [sflag:s1], $0x2800  }
0x39: {  	s23 =	sshll.u32 @!p1 s23, $0x6;
	[sflag:s1] =	ssyncset.done @!p0 $0x0  }
0x3a: {  	[sflag:s1] =	ssyncadd.s32 @!p0 $0xFFFFD800;
	s1 =	sor.u32 @!p1 $0x1C0D, s23  }
0x3b: {  	[smem:$0x7F7] =	sst s1  }
0x3c: {  	s0 =	sld [smem:$0x7F7]  }
0x3d: {  	s31 =	rddreg [dreg:$0x1e]  }
0x3e: {  	s23 =	sshrl.u32 @!p1 s31, $0x3;
	s1 =	rddreg [dreg:$0x1f]  }
0x3f: {  	[spmem:s23], [sflag:s0] =	dma.local @!p1 [hbm:s1], $0x2700  }
0x40: {  	s1 =	simm.s32 @!p1 $0xD  }
0x41: {  	_ =	swait.ge @!p1 [sflag:s1], $0x2700  }
0x42: {  	[sflag:s1] =	ssyncset.done @!p1 $0x0;
	s0 =	sld [smem:$0x7FD]  }
0x43: {  	[sflag:s1] =	ssyncadd.s32 @!p1 $0xFFFFD900;
	s1 =	sld [smem:$0x7FA];
	_ =	sdelay $0x1  }
0x44: {  	s23 =	simm.s32 @!p2 $0x1FCD;
	s0 =	sshrl.u32 @!p2 s0, $0x3  }
0x45: {  	[spmem:s0], [sflag:s23] =	dma.local @!p2 [hbm:s1], $0x2800  }
0x46: {  	s0 =	simm.s32 @!p2 $0xD  }
0x47: {  	s1 =	stileid.u32;
	_ =	swait.ge @!p2 [sflag:s0], $0x2800  }
0x48: {  	s23 =	sshll.u32 @!p3 s1, $0x6;
	s1 =	sld [smem:$0x7F8]  }
0x49: {  	[sflag:s0] =	ssyncset.done @!p2 $0x0  }
0x4a: {  	[sflag:s0] =	ssyncadd.s32 @!p2 $0xFFFFD800;
	s0 =	sor.u32 @!p3 $0x1C0D, s23;
	s23 =	sshrl.u32 @!p3 s31, $0x3  }
0x4b: {  	[spmem:s23], [sflag:s0] =	dma.local @!p3 [hbm:s1], $0x2700  }
0x4c: {  	s0 =	simm.s32 @!p3 $0xD  }
0x4d: {  	_ =	swait.ge @!p3 [sflag:s0], $0x2700  }
0x4e: {  	[sflag:s0] =	ssyncset.done @!p3 $0x0  }
0x4f: {  	[sflag:s0] =	ssyncadd.s32 @!p3 $0xFFFFD900  }
0x50: {  	[bflag:$0x0] =	sbarrier.arrive $0xFFFF  }
0x51: {  	s1 =	rddreg [dreg:$0xb]  }
0x52: {  	[tilespmem:s3], [sflag:$0x1] =	stream.linear.gather [hbm4b:s1+s3], $0x50, $0x38;
	[tilespmem:$0x1DC80] =	vst v63  }
0x53: {  	s23 =	rddreg [dreg:$0x19]  }
0x54: {  	[tilespmem:s4], [sflag:$0x1] =	stream.linear.gather [hbm4b:s23+s3], $0x50, $0x38;
	[tilespmem:$0x1DC80] =	vst v63  }
0x55: {  	s31 =	rddreg [dreg:$0xc]  }
0x56: {  	[tilespmem:s5], [sflag:$0x2] =	stream.linear.gather [hbm4b:s31+s3], $0x50, $0x38;
	[tilespmem:$0x1DC80] =	vst v63  }
0x57: {  	s1 =	rddreg [dreg:$0xd]  }
0x58: {  	[tilespmem:s6], [sflag:$0x2] =	stream.linear.gather [hbm4b:s1+s3], $0x50, $0x38;
	[tilespmem:$0x1DC80] =	vst v63  }
0x59: {  	s23 =	rddreg [dreg:$0xe]  }
0x5a: {  	[tilespmem:s7], [sflag:$0x3] =	stream.linear.gather [hbm4b:s23+s3], $0x50, $0x38;
	[tilespmem:$0x1DC80] =	vst v63  }
0x5b: {  	s31 =	rddreg [dreg:$0xf]  }
0x5c: {  	[tilespmem:s8], [sflag:$0x3] =	stream.linear.gather [hbm4b:s31+s3], $0x50, $0x38;
	[tilespmem:$0x1DC80] =	vst v63  }
0x5d: {  	_ =	swait.ge [sflag:s9], $0x50  }
0x5e: {  	[sflag:s9] =	ssyncset.done $0x0  }
0x5f: {  	[sflag:s9] =	ssyncadd.s32 $0xFFFFFFB0  }
0x60: {  	_ =	swait.ge [sflag:s9], $0x50  }
0x61: {  	[sflag:s9] =	ssyncset.done $0x0  }
0x62: {  	[sflag:s9] =	ssyncadd.s32 $0xFFFFFFB0  }
0x63: {  	[tilespmem:s11], [sflag:$0x5] =	stream.indirect.gather [hbm4b:s24+s10], $0x80, s3, s10, $0xb8;
	[tilespmem:$0x1DC80] =	vst v63  }
0x64: {  	_ =	swait.ge [sflag:s12], $0x50  }
0x65: {  	[sflag:s12] =	ssyncset.done $0x0  }
0x66: {  	[sflag:s12] =	ssyncadd.s32 $0xFFFFFFB0  }
0x67: {  	_ =	swait.ge [sflag:s12], $0x50  }
0x68: {  	[sflag:s12] =	ssyncset.done $0x0  }
0x69: {  	[sflag:s12] =	ssyncadd.s32 $0xFFFFFFB0  }
0x6a: {  	[tilespmem:s13], [sflag:$0x6] =	stream.indirect.gather [hbm4b:s24+s10], $0x80, s5, s10, $0xb8;
	[tilespmem:$0x1DC80] =	vst v63  }
0x6b: {  	_ =	swait.ge [sflag:s14], $0x50  }
0x6c: {  	[sflag:s14] =	ssyncset.done $0x0  }
0x6d: {  	[sflag:s14] =	ssyncadd.s32 $0xFFFFFFB0  }
0x6e: {  	_ =	swait.ge [sflag:s14], $0x50  }
0x6f: {  	[sflag:s14] =	ssyncset.done $0x0  }
0x70: {  	s1 =	rddreg [dreg:$0x10];
	[sflag:s14] =	ssyncadd.s32 $0xFFFFFFB0  }
0x71: {  	[tilespmem:s15], [sflag:$0x4] =	stream.linear.gather [hbm4b:s1+s3], $0x50, $0x38;
	[tilespmem:$0x1DC80] =	vst v63  }
0x72: {  	s23 =	rddreg [dreg:$0x11]  }
0x73: {  	[tilespmem:s16], [sflag:$0x4] =	stream.linear.gather [hbm4b:s23+s3], $0x50, $0x38;
	[tilespmem:$0x1DC80] =	vst v63  }
0x74: {  	_ = 	snop  }
0x75: {  	[tilespmem:s17], [sflag:$0x7] =	stream.indirect.gather [hbm4b:s24+s10], $0x80, s7, s10, $0xb8;
	[tilespmem:$0x1DC80] =	vst v63  }
0x76: {  	_ =	swait.ge [sflag:s18], $0x2800  }
0x77: {  	[sflag:s18] =	ssyncset.done $0x0  }
0x78: {  	[sflag:s18] =	ssyncadd.s32 $0xFFFFD800  }
0x79: {  	[spmem:s2] =	stream.indirect.scatter.add.f32 [tilespmem:s11], [sflag:$0x9], $0x80, s4, s10, $0xb8;
	[tilespmem:$0x1DC80] =	vst v63  }
0x7a: {  	_ =	swait.ge [sflag:s19], $0x50  }
0x7b: {  	[sflag:s19] =	ssyncset.done $0x0  }
0x7c: {  	[sflag:s19] =	ssyncadd.s32 $0xFFFFFFB0  }
0x7d: {  	_ =	swait.ge [sflag:s19], $0x50  }
0x7e: {  	[sflag:s19] =	ssyncset.done $0x0  }
0x7f: {  	[sflag:s19] =	ssyncadd.s32 $0xFFFFFFB0  }
0x80: {  	_ =	swait.ge [sflag:s20], $0x2800  }
0x81: {  	[sflag:s20] =	ssyncset.done $0x0  }
0x82: {  	s31 =	rddreg [dreg:$0x12];
	[sflag:s20] =	ssyncadd.s32 $0xFFFFD800  }
0x83: {  	[tilespmem:s3], [sflag:$0x1] =	stream.linear.gather [hbm4b:s31+s3], $0x50, $0x38;
	[tilespmem:$0x1DC80] =	vst v63  }
0x84: {  	s1 =	rddreg [dreg:$0x13]  }
0x85: {  	[tilespmem:s4], [sflag:$0x1] =	stream.linear.gather [hbm4b:s1+s3], $0x50, $0x38;
	[tilespmem:$0x1DC80] =	vst v63  }
0x86: {  	_ = 	snop  }
0x87: {  	[tilespmem:s21], [sflag:$0x8] =	stream.indirect.gather [hbm4b:s24+s10], $0x80, s15, s10, $0xb8;
	[tilespmem:$0x1DC80] =	vst v63  }
0x88: {  	_ =	swait.ge [sflag:s22], $0x2800  }
0x89: {  	[sflag:s22] =	ssyncset.done $0x0  }
0x8a: {  	[sflag:s22] =	ssyncadd.s32 $0xFFFFD800  }
0x8b: {  	[spmem:s2] =	stream.indirect.scatter.add.f32 [tilespmem:s13], [sflag:$0xA], $0x80, s6, s10, $0xb8;
	[tilespmem:$0x1DC80] =	vst v63  }
0x8c: {  	_ =	swait.ge [sflag:s9], $0x50  }
0x8d: {  	[sflag:s9] =	ssyncset.done $0x0  }
0x8e: {  	[sflag:s9] =	ssyncadd.s32 $0xFFFFFFB0  }
0x8f: {  	_ =	swait.ge [sflag:s9], $0x50  }
0x90: {  	[sflag:s9] =	ssyncset.done $0x0  }
0x91: {  	[sflag:s9] =	ssyncadd.s32 $0xFFFFFFB0  }
0x92: {  	_ =	swait.ge [sflag:s25], $0x2800  }
0x93: {  	[sflag:s25] =	ssyncset.done $0x0  }
0x94: {  	s23 =	rddreg [dreg:$0x14];
	[sflag:s25] =	ssyncadd.s32 $0xFFFFD800  }
0x95: {  	[tilespmem:s5], [sflag:$0x2] =	stream.linear.gather [hbm4b:s23+s3], $0x50, $0x38;
	[tilespmem:$0x1DC80] =	vst v63  }
0x96: {  	s31 =	rddreg [dreg:$0x15]  }
0x97: {  	[tilespmem:s6], [sflag:$0x2] =	stream.linear.gather [hbm4b:s31+s3], $0x50, $0x38;
	[tilespmem:$0x1DC80] =	vst v63  }
0x98: {  	_ = 	snop  }
0x99: {  	[tilespmem:s11], [sflag:$0x5] =	stream.indirect.gather [hbm4b:s24+s10], $0x80, s3, s10, $0xb8;
	[tilespmem:$0x1DC80] =	vst v63  }
0x9a: {  	_ =	swait.ge [sflag:s26], $0x2800  }
0x9b: {  	[sflag:s26] =	ssyncset.done $0x0  }
0x9c: {  	[sflag:s26] =	ssyncadd.s32 $0xFFFFD800  }
0x9d: {  	[spmem:s2] =	stream.indirect.scatter.add.f32 [tilespmem:s17], [sflag:$0xB], $0x80, s8, s10, $0xb8;
	[tilespmem:$0x1DC80] =	vst v63  }
0x9e: {  	_ =	swait.ge [sflag:s12], $0x50  }
0x9f: {  	[sflag:s12] =	ssyncset.done $0x0  }
0xa0: {  	[sflag:s12] =	ssyncadd.s32 $0xFFFFFFB0  }
0xa1: {  	_ =	swait.ge [sflag:s12], $0x50  }
0xa2: {  	[sflag:s12] =	ssyncset.done $0x0  }
0xa3: {  	[sflag:s12] =	ssyncadd.s32 $0xFFFFFFB0  }
0xa4: {  	_ =	swait.ge [sflag:s28], $0x2800  }
0xa5: {  	[sflag:s28] =	ssyncset.done $0x0  }
0xa6: {  	s1 =	rddreg [dreg:$0x17];
	[sflag:s28] =	ssyncadd.s32 $0xFFFFD800  }
0xa7: {  	[tilespmem:s7], [sflag:$0x3] =	stream.linear.gather [hbm4b:s1+s3], $0x50, $0x38;
	[tilespmem:$0x1DC80] =	vst v63  }
0xa8: {  	s23 =	rddreg [dreg:$0x18]  }
0xa9: {  	[tilespmem:s8], [sflag:$0x3] =	stream.linear.gather [hbm4b:s23+s3], $0x50, $0x38;
	[tilespmem:$0x1DC80] =	vst v63  }
0xaa: {  	_ = 	snop  }
0xab: {  	[tilespmem:s13], [sflag:$0x6] =	stream.indirect.gather [hbm4b:s24+s10], $0x80, s5, s10, $0xb8;
	[tilespmem:$0x1DC80] =	vst v63  }
0xac: {  	_ =	swait.ge [sflag:s29], $0x2800  }
0xad: {  	[sflag:s29] =	ssyncset.done $0x0  }
0xae: {  	[sflag:s29] =	ssyncadd.s32 $0xFFFFD800  }
0xaf: {  	[spmem:s2] =	stream.indirect.scatter.add.f32 [tilespmem:s21], [sflag:$0xC], $0x80, s16, s10, $0xb8;
	[tilespmem:$0x1DC80] =	vst v63  }
0xb0: {  	_ =	swait.ge [sflag:s14], $0x50  }
0xb1: {  	[sflag:s14] =	ssyncset.done $0x0  }
0xb2: {  	[sflag:s14] =	ssyncadd.s32 $0xFFFFFFB0  }
0xb3: {  	_ =	swait.ge [sflag:s14], $0x50  }
0xb4: {  	[sflag:s14] =	ssyncset.done $0x0  }
0xb5: {  	[sflag:s14] =	ssyncadd.s32 $0xFFFFFFB0  }
0xb6: {  	_ =	swait.ge [sflag:s30], $0x2800  }
0xb7: {  	s31 =	rddreg [dreg:$0xa];
	[sflag:s30] =	ssyncset.done $0x0  }
0xb8: {  	s1 =	rddreg [dreg:$0x9];
	[sflag:s30] =	ssyncadd.s32 $0xFFFFD800;
	s0 =	sadd.s32 $0x0, s31  }
0xb9: {  	[tilespmem:s15], [sflag:$0x4] =	stream.linear.gather [hbm4b:s0+s3], $0x50, $0x38;
	[tilespmem:$0x1DC80] =	vst v63  }
0xba: {  	s23 =	sadd.s32 $0x0, s1  }
0xbb: {  	[tilespmem:s16], [sflag:$0x4] =	stream.linear.gather [hbm4b:s23+s3], $0x50, $0x38;
	[tilespmem:$0x1DC80] =	vst v63  }
0xbc: {  	_ = 	snop  }
0xbd: {  	[tilespmem:s17], [sflag:$0x7] =	stream.indirect.gather [hbm4b:s24+s10], $0x80, s7, s10, $0xb8;
	[tilespmem:$0x1DC80] =	vst v63  }
0xbe: {  	_ =	swait.ge [sflag:s18], $0x2800  }
0xbf: {  	[sflag:s18] =	ssyncset.done $0x0  }
0xc0: {  	[sflag:s18] =	ssyncadd.s32 $0xFFFFD800  }
0xc1: {  	[spmem:s2] =	stream.indirect.scatter.add.f32 [tilespmem:s11], [sflag:$0x9], $0x80, s4, s10, $0xb8;
	[tilespmem:$0x1DC80] =	vst v63  }
0xc2: {  	_ =	swait.ge [sflag:s19], $0x50  }
0xc3: {  	[sflag:s19] =	ssyncset.done $0x0  }
0xc4: {  	[sflag:s19] =	ssyncadd.s32 $0xFFFFFFB0  }
0xc5: {  	_ =	swait.ge [sflag:s19], $0x50  }
0xc6: {  	[sflag:s19] =	ssyncset.done $0x0  }
0xc7: {  	[sflag:s19] =	ssyncadd.s32 $0xFFFFFFB0  }
0xc8: {  	_ =	swait.ge [sflag:s20], $0x2800  }
0xc9: {  	s31 =	rddreg [dreg:$0x8];
	[sflag:s20] =	ssyncset.done $0x0  }
0xca: {  	s1 =	rddreg [dreg:$0x7];
	[sflag:s20] =	ssyncadd.s32 $0xFFFFD800;
	s0 =	sadd.s32 $0x0, s31  }
0xcb: {  	[tilespmem:s3], [sflag:$0x1] =	stream.linear.gather [hbm4b:s0+s3], $0x50, $0x38;
	[tilespmem:$0x1DC80] =	vst v63  }
0xcc: {  	s23 =	sadd.s32 $0x0, s1  }
0xcd: {  	[tilespmem:s4], [sflag:$0x1] =	stream.linear.gather [hbm4b:s23+s3], $0x50, $0x38;
	[tilespmem:$0x1DC80] =	vst v63  }
0xce: {  	_ = 	snop  }
0xcf: {  	[tilespmem:s21], [sflag:$0x8] =	stream.indirect.gather [hbm4b:s24+s10], $0x80, s15, s10, $0xb8;
	[tilespmem:$0x1DC80] =	vst v63  }
0xd0: {  	_ =	swait.ge [sflag:s22], $0x2800  }
0xd1: {  	[sflag:s22] =	ssyncset.done $0x0  }
0xd2: {  	[sflag:s22] =	ssyncadd.s32 $0xFFFFD800  }
0xd3: {  	[spmem:s2] =	stream.indirect.scatter.add.f32 [tilespmem:s13], [sflag:$0xA], $0x80, s6, s10, $0xb8;
	[tilespmem:$0x1DC80] =	vst v63  }
0xd4: {  	_ =	swait.ge [sflag:s9], $0x50  }
0xd5: {  	[sflag:s9] =	ssyncset.done $0x0  }
0xd6: {  	[sflag:s9] =	ssyncadd.s32 $0xFFFFFFB0  }
0xd7: {  	_ =	swait.ge [sflag:s9], $0x50  }
0xd8: {  	[sflag:s9] =	ssyncset.done $0x0  }
0xd9: {  	[sflag:s9] =	ssyncadd.s32 $0xFFFFFFB0  }
0xda: {  	_ =	swait.ge [sflag:s25], $0x2800  }
0xdb: {  	s31 =	rddreg [dreg:$0x6];
	[sflag:s25] =	ssyncset.done $0x0  }
0xdc: {  	s1 =	rddreg [dreg:$0x5];
	[sflag:s25] =	ssyncadd.s32 $0xFFFFD800;
	s0 =	sadd.s32 $0x0, s31  }
0xdd: {  	[tilespmem:s5], [sflag:$0x2] =	stream.linear.gather [hbm4b:s0+s3], $0x50, $0x38;
	[tilespmem:$0x1DC80] =	vst v63  }
0xde: {  	s23 =	sadd.s32 $0x0, s1  }
0xdf: {  	[tilespmem:s6], [sflag:$0x2] =	stream.linear.gather [hbm4b:s23+s3], $0x50, $0x38;
	[tilespmem:$0x1DC80] =	vst v63  }
0xe0: {  	_ = 	snop  }
0xe1: {  	[tilespmem:s11], [sflag:$0x5] =	stream.indirect.gather [hbm4b:s24+s10], $0x80, s3, s10, $0xb8;
	[tilespmem:$0x1DC80] =	vst v63  }
0xe2: {  	_ =	swait.ge [sflag:s26], $0x2800  }
0xe3: {  	[sflag:s26] =	ssyncset.done $0x0  }
0xe4: {  	[sflag:s26] =	ssyncadd.s32 $0xFFFFD800  }
0xe5: {  	[spmem:s2] =	stream.indirect.scatter.add.f32 [tilespmem:s17], [sflag:$0xB], $0x80, s8, s10, $0xb8;
	[tilespmem:$0x1DC80] =	vst v63  }
0xe6: {  	_ =	swait.ge [sflag:s12], $0x50  }
0xe7: {  	[sflag:s12] =	ssyncset.done $0x0  }
0xe8: {  	[sflag:s12] =	ssyncadd.s32 $0xFFFFFFB0  }
0xe9: {  	_ =	swait.ge [sflag:s12], $0x50  }
0xea: {  	[sflag:s12] =	ssyncset.done $0x0  }
0xeb: {  	[sflag:s12] =	ssyncadd.s32 $0xFFFFFFB0  }
0xec: {  	_ =	swait.ge [sflag:s28], $0x2800  }
0xed: {  	s31 =	rddreg [dreg:$0x4];
	[sflag:s28] =	ssyncset.done $0x0  }
0xee: {  	s1 =	rddreg [dreg:$0x3];
	[sflag:s28] =	ssyncadd.s32 $0xFFFFD800;
	s0 =	sadd.s32 $0x0, s31  }
0xef: {  	[tilespmem:s7], [sflag:$0x3] =	stream.linear.gather [hbm4b:s0+s3], $0x50, $0x38;
	[tilespmem:$0x1DC80] =	vst v63  }
0xf0: {  	s31 =	sadd.s32 $0x0, s1  }
0xf1: {  	[tilespmem:s8], [sflag:$0x3] =	stream.linear.gather [hbm4b:s31+s3], $0x50, $0x38;
	[tilespmem:$0x1DC80] =	vst v63  }
0xf2: {  	_ = 	snop  }
0xf3: {  	[tilespmem:s13], [sflag:$0x6] =	stream.indirect.gather [hbm4b:s24+s10], $0x80, s5, s10, $0xb8;
	[tilespmem:$0x1DC80] =	vst v63  }
0xf4: {  	_ =	swait.ge [sflag:s29], $0x2800  }
0xf5: {  	[sflag:s29] =	ssyncset.done $0x0  }
0xf6: {  	s0 =	simm.s32 $0x28;
	[sflag:s29] =	ssyncadd.s32 $0xFFFFD800  }
.LBB2_2:
0xf7: {  	[spmem:s2] =	stream.indirect.scatter.add.f32 [tilespmem:s21], [sflag:$0xC], $0x80, s16, s10, $0xb8;
	[tilespmem:$0x1DC80] =	vst v63  }
0xf8: {  	_ =	swait.ge [sflag:s14], $0x50  }
0xf9: {  	[sflag:s14] =	ssyncset.done $0x0  }
0xfa: {  	[sflag:s14] =	ssyncadd.s32 $0xFFFFFFB0  }
0xfb: {  	_ =	swait.ge [sflag:s14], $0x50  }
0xfc: {  	[sflag:s14] =	ssyncset.done $0x0  }
0xfd: {  	[sflag:s14] =	ssyncadd.s32 $0xFFFFFFB0  }
0xfe: {  	_ =	swait.ge [sflag:s30], $0x2800  }
0xff: {  	s23 =	smov.u32 s0;
	s1 =	rddreg [dreg:$0xa];
	[sflag:s30] =	ssyncset.done $0x0  }
0x100: {  	s31 =	rddreg [dreg:$0x9];
	[sflag:s30] =	ssyncadd.s32 $0xFFFFD800;
	s1 =	sadd.s32 s23, s1  }
0x101: {  	[tilespmem:s15], [sflag:$0x4] =	stream.linear.gather [hbm4b:s1+s3], $0x50, $0x38;
	[tilespmem:$0x1DC80] =	vst v63  }
0x102: {  	s31 =	sadd.s32 s23, s31  }
0x103: {  	[tilespmem:s16], [sflag:$0x4] =	stream.linear.gather [hbm4b:s31+s3], $0x50, $0x38;
	[tilespmem:$0x1DC80] =	vst v63  }
0x104: {  	_ = 	snop  }
0x105: {  	[tilespmem:s17], [sflag:$0x7] =	stream.indirect.gather [hbm4b:s24+s10], $0x80, s7, s10, $0xb8;
	[tilespmem:$0x1DC80] =	vst v63  }
0x106: {  	_ =	swait.ge [sflag:s18], $0x2800  }
0x107: {  	[sflag:s18] =	ssyncset.done $0x0  }
0x108: {  	[sflag:s18] =	ssyncadd.s32 $0xFFFFD800  }
0x109: {  	[spmem:s2] =	stream.indirect.scatter.add.f32 [tilespmem:s11], [sflag:$0x9], $0x80, s4, s10, $0xb8;
	[tilespmem:$0x1DC80] =	vst v63  }
0x10a: {  	_ =	swait.ge [sflag:s19], $0x50  }
0x10b: {  	[sflag:s19] =	ssyncset.done $0x0  }
0x10c: {  	[sflag:s19] =	ssyncadd.s32 $0xFFFFFFB0  }
0x10d: {  	_ =	swait.ge [sflag:s19], $0x50  }
0x10e: {  	[sflag:s19] =	ssyncset.done $0x0  }
0x10f: {  	[sflag:s19] =	ssyncadd.s32 $0xFFFFFFB0  }
0x110: {  	_ =	swait.ge [sflag:s20], $0x2800  }
0x111: {  	s1 =	rddreg [dreg:$0x8];
	[sflag:s20] =	ssyncset.done $0x0  }
0x112: {  	s31 =	rddreg [dreg:$0x7];
	[sflag:s20] =	ssyncadd.s32 $0xFFFFD800;
	s1 =	sadd.s32 s23, s1  }
0x113: {  	[tilespmem:s3], [sflag:$0x1] =	stream.linear.gather [hbm4b:s1+s3], $0x50, $0x38;
	[tilespmem:$0x1DC80] =	vst v63  }
0x114: {  	s31 =	sadd.s32 s23, s31  }
0x115: {  	[tilespmem:s4], [sflag:$0x1] =	stream.linear.gather [hbm4b:s31+s3], $0x50, $0x38;
	[tilespmem:$0x1DC80] =	vst v63  }
0x116: {  	_ = 	snop  }
0x117: {  	[tilespmem:s21], [sflag:$0x8] =	stream.indirect.gather [hbm4b:s24+s10], $0x80, s15, s10, $0xb8;
	[tilespmem:$0x1DC80] =	vst v63  }
0x118: {  	_ =	swait.ge [sflag:s22], $0x2800  }
0x119: {  	[sflag:s22] =	ssyncset.done $0x0  }
0x11a: {  	[sflag:s22] =	ssyncadd.s32 $0xFFFFD800  }
0x11b: {  	[spmem:s2] =	stream.indirect.scatter.add.f32 [tilespmem:s13], [sflag:$0xA], $0x80, s6, s10, $0xb8;
	[tilespmem:$0x1DC80] =	vst v63  }
0x11c: {  	_ =	swait.ge [sflag:s9], $0x50  }
0x11d: {  	[sflag:s9] =	ssyncset.done $0x0  }
0x11e: {  	[sflag:s9] =	ssyncadd.s32 $0xFFFFFFB0  }
0x11f: {  	_ =	swait.ge [sflag:s9], $0x50  }
0x120: {  	[sflag:s9] =	ssyncset.done $0x0  }
0x121: {  	[sflag:s9] =	ssyncadd.s32 $0xFFFFFFB0  }
0x122: {  	_ =	swait.ge [sflag:s25], $0x2800  }
0x123: {  	s1 =	rddreg [dreg:$0x6];
	[sflag:s25] =	ssyncset.done $0x0  }
0x124: {  	s31 =	rddreg [dreg:$0x5];
	[sflag:s25] =	ssyncadd.s32 $0xFFFFD800;
	s1 =	sadd.s32 s23, s1  }
0x125: {  	[tilespmem:s5], [sflag:$0x2] =	stream.linear.gather [hbm4b:s1+s3], $0x50, $0x38;
	[tilespmem:$0x1DC80] =	vst v63  }
0x126: {  	s31 =	sadd.s32 s23, s31  }
0x127: {  	[tilespmem:s6], [sflag:$0x2] =	stream.linear.gather [hbm4b:s31+s3], $0x50, $0x38;
	[tilespmem:$0x1DC80] =	vst v63  }
0x128: {  	_ = 	snop  }
0x129: {  	[tilespmem:s11], [sflag:$0x5] =	stream.indirect.gather [hbm4b:s24+s10], $0x80, s3, s10, $0xb8;
	[tilespmem:$0x1DC80] =	vst v63  }
0x12a: {  	_ =	swait.ge [sflag:s26], $0x2800  }
0x12b: {  	[sflag:s26] =	ssyncset.done $0x0  }
0x12c: {  	[sflag:s26] =	ssyncadd.s32 $0xFFFFD800  }
0x12d: {  	[spmem:s2] =	stream.indirect.scatter.add.f32 [tilespmem:s17], [sflag:$0xB], $0x80, s8, s10, $0xb8;
	[tilespmem:$0x1DC80] =	vst v63  }
0x12e: {  	_ =	swait.ge [sflag:s12], $0x50  }
0x12f: {  	[sflag:s12] =	ssyncset.done $0x0  }
0x130: {  	[sflag:s12] =	ssyncadd.s32 $0xFFFFFFB0  }
0x131: {  	_ =	swait.ge [sflag:s12], $0x50  }
0x132: {  	[sflag:s12] =	ssyncset.done $0x0  }
0x133: {  	[sflag:s12] =	ssyncadd.s32 $0xFFFFFFB0  }
0x134: {  	_ =	swait.ge [sflag:s28], $0x2800  }
0x135: {  	s1 =	rddreg [dreg:$0x4];
	[sflag:s28] =	ssyncset.done $0x0  }
0x136: {  	s31 =	rddreg [dreg:$0x3];
	[sflag:s28] =	ssyncadd.s32 $0xFFFFD800;
	s1 =	sadd.s32 s23, s1  }
0x137: {  	[tilespmem:s7], [sflag:$0x3] =	stream.linear.gather [hbm4b:s1+s3], $0x50, $0x38;
	[tilespmem:$0x1DC80] =	vst v63  }
0x138: {  	p5 =	sne.s32 s0, $0x460;
	s31 =	sadd.s32 s23, s31  }
0x139: {  	[tilespmem:s8], [sflag:$0x3] =	stream.linear.gather [hbm4b:s31+s3], $0x50, $0x38;
	[tilespmem:$0x1DC80] =	vst v63  }
.Ltmp0:
0x13a: {  	_ = 	snop;
	(pc) =	sbr.rel @p5 .LBB2_2-.Ltmp0, $4  }
0x13b: {  	[tilespmem:s13], [sflag:$0x6] =	stream.indirect.gather [hbm4b:s24+s10], $0x80, s5, s10, $0xb8;
	[tilespmem:$0x1DC80] =	vst v63  }
0x13c: {  	_ =	swait.ge [sflag:s29], $0x2800  }
0x13d: {  	[sflag:s29] =	ssyncset.done $0x0  }
0x13e: {  	s0 =	sadd.s32 $0x28, s0;
	[sflag:s29] =	ssyncadd.s32 $0xFFFFD800  }
0x13f: {  	[spmem:s2] =	stream.indirect.scatter.add.f32 [tilespmem:s21], [sflag:$0xC], $0x80, s16, s10, $0xb8;
	[tilespmem:$0x1DC80] =	vst v63  }
0x140: {  	_ =	swait.ge [sflag:s14], $0x50  }
0x141: {  	[sflag:s14] =	ssyncset.done $0x0  }
0x142: {  	[sflag:s14] =	ssyncadd.s32 $0xFFFFFFB0  }
0x143: {  	_ =	swait.ge [sflag:s14], $0x50  }
0x144: {  	[sflag:s14] =	ssyncset.done $0x0  }
0x145: {  	[sflag:s14] =	ssyncadd.s32 $0xFFFFFFB0  }
0x146: {  	_ =	swait.ge [sflag:s30], $0x2800  }
0x147: {  	[sflag:s30] =	ssyncset.done $0x0  }
0x148: {  	s0 =	rddreg [dreg:$0x1a];
	[sflag:s30] =	ssyncadd.s32 $0xFFFFD800  }
0x149: {  	[tilespmem:s15], [sflag:$0x4] =	stream.linear.gather [hbm4b:s0+s3], $0x50, $0x38;
	[tilespmem:$0x1DC80] =	vst v63  }
0x14a: {  	s1 =	rddreg [dreg:$0x1b]  }
0x14b: {  	[tilespmem:s16], [sflag:$0x4] =	stream.linear.gather [hbm4b:s1+s3], $0x50, $0x38;
	[tilespmem:$0x1DC80] =	vst v63  }
0x14c: {  	_ = 	snop  }
0x14d: {  	[tilespmem:s17], [sflag:$0x7] =	stream.indirect.gather [hbm4b:s24+s10], $0x80, s7, s10, $0xb8;
	[tilespmem:$0x1DC80] =	vst v63  }
0x14e: {  	_ =	swait.ge [sflag:s18], $0x2800  }
0x14f: {  	[sflag:s18] =	ssyncset.done $0x0  }
0x150: {  	[sflag:s18] =	ssyncadd.s32 $0xFFFFD800  }
0x151: {  	[spmem:s2] =	stream.indirect.scatter.add.f32 [tilespmem:s11], [sflag:$0x9], $0x80, s4, s10, $0xb8;
	[tilespmem:$0x1DC80] =	vst v63  }
0x152: {  	_ =	swait.ge [sflag:s19], $0x50  }
0x153: {  	[sflag:s19] =	ssyncset.done $0x0  }
0x154: {  	[sflag:s19] =	ssyncadd.s32 $0xFFFFFFB0  }
0x155: {  	_ =	swait.ge [sflag:s19], $0x50  }
0x156: {  	[sflag:s19] =	ssyncset.done $0x0  }
0x157: {  	[sflag:s19] =	ssyncadd.s32 $0xFFFFFFB0  }
0x158: {  	_ =	swait.ge [sflag:s20], $0x2800  }
0x159: {  	[sflag:s20] =	ssyncset.done $0x0  }
0x15a: {  	s23 =	rddreg [dreg:$0x1d];
	[sflag:s20] =	ssyncadd.s32 $0xFFFFD800  }
0x15b: {  	[tilespmem:s3], [sflag:$0x1] =	stream.linear.gather [hbm4b:s23+s3], $0x50, $0x38;
	[tilespmem:$0x1DC80] =	vst v63  }
0x15c: {  	s31 =	rddreg [dreg:$0x1c]  }
0x15d: {  	[tilespmem:s4], [sflag:$0x1] =	stream.linear.gather [hbm4b:s31+s3], $0x50, $0x38;
	[tilespmem:$0x1DC80] =	vst v63  }
0x15e: {  	_ = 	snop  }
0x15f: {  	[tilespmem:s21], [sflag:$0x8] =	stream.indirect.gather [hbm4b:s24+s10], $0x80, s15, s10, $0xb8;
	[tilespmem:$0x1DC80] =	vst v63  }
0x160: {  	_ =	swait.ge [sflag:s22], $0x2800  }
0x161: {  	[sflag:s22] =	ssyncset.done $0x0  }
0x162: {  	[sflag:s22] =	ssyncadd.s32 $0xFFFFD800  }
0x163: {  	[spmem:s2] =	stream.indirect.scatter.add.f32 [tilespmem:s13], [sflag:$0xA], $0x80, s6, s10, $0xb8;
	[tilespmem:$0x1DC80] =	vst v63  }
0x164: {  	_ =	swait.ge [sflag:s9], $0x50  }
0x165: {  	[sflag:s9] =	ssyncset.done $0x0  }
0x166: {  	[sflag:s9] =	ssyncadd.s32 $0xFFFFFFB0  }
0x167: {  	_ =	swait.ge [sflag:s9], $0x50  }
0x168: {  	[sflag:s9] =	ssyncset.done $0x0  }
0x169: {  	[sflag:s9] =	ssyncadd.s32 $0xFFFFFFB0  }
0x16a: {  	_ =	swait.ge [sflag:s25], $0x2800  }
0x16b: {  	[sflag:s25] =	ssyncset.done $0x0  }
0x16c: {  	[sflag:s25] =	ssyncadd.s32 $0xFFFFD800  }
0x16d: {  	[tilespmem:s11], [sflag:$0x5] =	stream.indirect.gather [hbm4b:s24+s10], $0x80, s3, s10, $0xb8;
	[tilespmem:$0x1DC80] =	vst v63  }
0x16e: {  	_ =	swait.ge [sflag:s26], $0x2800  }
0x16f: {  	[sflag:s26] =	ssyncset.done $0x0  }
0x170: {  	[sflag:s26] =	ssyncadd.s32 $0xFFFFD800  }
0x171: {  	[spmem:s2] =	stream.indirect.scatter.add.f32 [tilespmem:s17], [sflag:$0xB], $0x80, s8, s10, $0xb8;
	[tilespmem:$0x1DC80] =	vst v63  }
0x172: {  	_ =	swait.ge [sflag:s28], $0x2800  }
0x173: {  	[sflag:s28] =	ssyncset.done $0x0  }
0x174: {  	[sflag:s28] =	ssyncadd.s32 $0xFFFFD800  }
0x175: {  	_ =	swait.ge [sflag:s29], $0x2800  }
0x176: {  	[sflag:s29] =	ssyncset.done $0x0  }
0x177: {  	[sflag:s29] =	ssyncadd.s32 $0xFFFFD800  }
0x178: {  	[spmem:s2] =	stream.indirect.scatter.add.f32 [tilespmem:s21], [sflag:$0xC], $0x80, s16, s10, $0xb8;
	[tilespmem:$0x1DC80] =	vst v63  }
0x179: {  	_ =	swait.ge [sflag:s30], $0x2800  }
0x17a: {  	[sflag:s30] =	ssyncset.done $0x0  }
0x17b: {  	[sflag:s30] =	ssyncadd.s32 $0xFFFFD800  }
0x17c: {  	_ =	swait.ge [sflag:s18], $0x2800  }
0x17d: {  	[sflag:s18] =	ssyncset.done $0x0  }
0x17e: {  	[sflag:s18] =	ssyncadd.s32 $0xFFFFD800  }
0x17f: {  	[spmem:s2] =	stream.indirect.scatter.add.f32 [tilespmem:s11], [sflag:$0x9], $0x80, s4, s10, $0xb8;
	[tilespmem:$0x1DC80] =	vst v63  }
0x180: {  	_ =	swait.ge [sflag:s20], $0x2800  }
0x181: {  	[sflag:s20] =	ssyncset.done $0x0  }
0x182: {  	[sflag:s20] =	ssyncadd.s32 $0xFFFFD800  }
0x183: {  	[bflag:$0x0] =	sbarrier.arrive $0xFFFF  }
0x184: {  	s31 =	sld [smem:$0x7FD]  }
0x185: {  	s23 =	sld [smem:$0x7FB];
	_ =	sdelay $0x1  }
0x186: {  	s1 =	simm.s32 @p4 $0x1FCD;
	s0 =	sshrl.u32 @p4 s31, $0x3  }
0x187: {  	[hbm:s23], [sflag:s1] =	dma.local @p4 [spmem:s0], $0x2800  }
0x188: {  	s0 =	simm.s32 @p4 $0xD  }
0x189: {  	s1 =	stileid.u32;
	_ =	swait.ge @p4 [sflag:s0], $0x2800  }
0x18a: {  	s1 =	sshll.u32 @!p4 s1, $0x6;
	[sflag:s0] =	ssyncset.done @p4 $0x0  }
0x18b: {  	[sflag:s0] =	ssyncadd.s32 @p4 $0xFFFFD800;
	s0 =	sor.u32 @!p4 $0x1C0D, s1;
	s1 =	rddreg [dreg:$0x1e]  }
0x18c: {  	s23 =	rddreg [dreg:$0x16];
	s1 =	sshrl.u32 @!p4 s1, $0x3  }
0x18d: {  	[hbm:s23], [sflag:s0] =	dma.local @!p4 [spmem:s1], $0x2700  }
0x18e: {  	s0 =	simm.s32 @!p4 $0xD  }
0x18f: {  	_ =	swait.ge @!p4 [sflag:s0], $0x2700  }
0x190: {  	s1 =	sld [smem:$0x7F6];
	_ =	sdelay $0x2  }
0x191: {  	s23 =	sadd.s32 $0x1, s1;
	s1 =	sld [smem:$0x7FC];
	_ =	sdelay $0x2  }
0x192: {  	p5 =	sne.s32 s23, s1  }
.Ltmp1:
0x193: {  	_ = 	snop;
	(pc) =	sbr.rel @p5 .LBB2_1-.Ltmp1, $3  }
0x194: {  	_ =	sdelay $0x1  }
0x195: {  	[sflag:s0] =	ssyncset.done @!p4 $0x0  }
0x196: {  	[sflag:s0] =	ssyncadd.s32 @!p4 $0xFFFFD900;
	s0 =	smov.u32 s31  }
0x197: {  	_ =	sfence.sel $0x180000  }
0x198: {  	[bflag:$0x0] =	sbarrier.arrive $0xFFFF  }
0x199: {  	_ =	strace $0x9000004A  }
0x19a: {  	s0 =	stileid.u32;
	[bflag:$0x2] =	sbarrier.arrive $0xFFFF  }
0x19b: {  	p0 =	sne.s32 s0, $0x0;
	s0 =	rddreg [dreg:$0x2]  }
0x19c: {  	s0 =	sadd.s32 @!p0 $0x100000, s0  }
0x19d: {  	[sflag:s0] =	ssyncadd.tile.s32 @!p0 $0x1;
	_ =	shalt  }
.Lfunc_end2:
_tile_overlayer_lowered:
.L_overlay_start_2:
0x19e: {  	(tag) =	ssettag $0x2  }
0x19f: {  	s0 =	rddreg [dreg:$0x0];
	s2 =	stileid.u32  }
0x1a0: {  	s1 =	rddreg [dreg:$0x1];
	p0 =	sne.s32 s2, $0x0  }
0x1a1: {  	s3 =	rddreg [dreg:$0x2];
	[bflag:$0x3] =	sbarrier.arrive $0xFFFF;
	s2 =	simm.s32 @!p0 $0x1C0D  }
0x1a2: {  	[timem:s3], [sflag:s2] =	dma.local @!p0 [hbm:s0], s1  }
0x1a3: {  	s0 =	simm.s32 @!p0 $0xD  }
0x1a4: {  	_ =	swait.ge @!p0 [sflag:s0], s1  }
0x1a5: {  	s1 =	ssub.s32 @!p0 $0x0, s1;
	[sflag:s0] =	ssyncset.done @!p0 $0x0  }
0x1a6: {  	[sflag:s0] =	ssyncadd.s32 @!p0 s1  }
0x1a7: {  	[bflag:$0x3] =	sbarrier.arrive $0xFFFF  }
0x1a8: {  	_ =	shalt  }

// kernel: kernel.14.cloned.1.call-start
scs
__scs_entry_jumppad:
0x0: {  	(pc) =	sbr.rel $0x88, $3  }
0x1: {  	(tag) =	ssettag $0x0;
	lr =	simm.s32 $0x1  }
0x2: {  	[smem:$0x3F99] =	sst lr;
	_ =	strace $0xD0000000  }
0x3: {  	_ = 	snop  }
0x4: {  	_ = 	snop  }
0x5: {  	_ = 	snop  }
0x6: {  	_ = 	snop  }
0x7: {  	_ = 	snop  }
__scs_overlays_trampoline_lowered:
0x8: {  	[smem:$0x3FA8] =	sst s0  }
0x9: {  	[smem:$0x3FA9] =	sst s1  }
0xa: {  	[smem:$0x3FAA] =	sst s2  }
0xb: {  	[smem:$0x3FAB] =	sst s3  }
0xc: {  	[smem:$0x3FAC] =	sst s4  }
0xd: {  	[smem:$0x3FAD] =	sst s5  }
0xe: {  	[smem:$0x3FAE] =	sst s6  }
0xf: {  	[smem:$0x3FAF] =	sst s7  }
0x10: {  	[smem:$0x3FB0] =	sst s8  }
0x11: {  	[smem:$0x3FB1] =	sst s9;
	s0 =	simm.s32 @!p0 $0x0  }
0x12: {  	s1 =	sld [smem:$0x3F97];
	s0 =	simm.s32 @p0 $0x1  }
0x13: {  	[smem:$0x3FB2] =	sst s0;
	s0 =	simm.s32 @!p1 $0x0  }
0x14: {  	s2 =	sld [smem:$0x3F96];
	s0 =	simm.s32 @p1 $0x1  }
0x15: {  	[smem:$0x3FB3] =	sst s0;
	s0 =	simm.s32 @!p2 $0x0  }
0x16: {  	s3 =	sld [smem:$0x3FDB];
	s0 =	simm.s32 @p2 $0x1  }
0x17: {  	s4 =	simm.s32 $0x1BF5;
	[smem:$0x3FB5] =	sst s0  }
0x18: {  	s0 =	sld [smem:$0x3F98];
	_ =	swait.ge [sflag:s4], $0x0  }
0x19: {  	s7 =	sld [smem:$0x3F99]  }
0x1a: {  	s8 =	sadd.s32 $0xFFFFE003, lr  }
0x1b: {  	s9 =	sadd.s32 $0xFFFFFEF7, lr;
	s5 =	simm.s32 $0xFFFFFFFF;
	p2 =	slt.u32 s8, $0xFFFFF086  }
0x1c: {  	p1 =	slt.u32 s9, $0xF7A;
	s5 =	simm.s32 @!p2 $0x0  }
0x1d: {  	s5 =	simm.s32 @p1 $0x1;
	p0 =	seq.s32 s7, s2  }
0x1e: {  	s7 =	smul.u32 @!p0 $0xF7A, s2;
	p2 =	seq.s32 @!p0 s5, $0x0  }
0x1f: {  	s9 =	smul.u32 $0xF7A, s1;
	s8 =	simm.s32 @!p0 $0x1BF5;
	p2 =	por !p2, p0  }
0x20: {  	[sflag:s8] =	ssyncset.s32 @!p0 $0xFFFFF086;
	s6 =	sadd.s32 @!p0 s3, s7;
	s7 =	simm.s32 @!p0 $0x108  }
0x21: {  	s3 =	sadd.s32 s3, s9;
	s6 =	sadd.s32 @!p0 $0x88, s6;
	s7 =	simm.s32 @p2 $0x1082  }
0x22: {  	[simem:s7], [sflag:s8] =	dma.local @!p0 [hbm:s6], $0xF7A  }
0x23: {  	s9 =	sor.u32 $0xD0000000, s2;
	s6 =	simm.s32 $0x108;
	_ =	swait.ge @!p0 [sflag:s8], $0x0  }
0x24: {  	s3 =	sadd.s32 $0x88, s3;
	s6 =	simm.s32 @!p1 $0x1082;
	[sflag:s4] =	ssyncset.s32 $0xFFFFF086  }
0x25: {  	[simem:s6], [sflag:s4] =	dma.local [hbm:s3], $0xF7A  }
0x26: {  	[smem:$0x3F99] =	sst s1;
	(tag) =	ssettag s2;
	_ =	strace s9  }
0x27: {  	s1 =	sld [smem:$0x3FA9]  }
0x28: {  	s2 =	sld [smem:$0x3FAA]  }
0x29: {  	s4 =	sld [smem:$0x3FAC]  }
0x2a: {  	p0 =	seq.s32 s5, $0x0;
	s5 =	sld [smem:$0x3FAD]  }
0x2b: {  	s6 =	sld [smem:$0x3FAE]  }
0x2c: {  	s7 =	sld [smem:$0x3FAF]  }
0x2d: {  	s3 =	simm.s32 $0x108;
	s8 =	sld [smem:$0x3FB0]  }
0x2e: {  	s3 =	simm.s32 @!p0 $0x1082;
	s9 =	sld [smem:$0x3FB1]  }
0x2f: {  	lr =	sadd.s32 s0, s3;
	s0 =	sld [smem:$0x3FA8]  }
0x30: {  	s3 =	sld [smem:$0x3FAB]  }
0x31: {  	[smem:$0x3FB4] =	sst s10  }
0x32: {  	s10 =	sld [smem:$0x3FB2];
	_ =	sdelay $0x3  }
0x33: {  	p0 =	seq.s32 s10, $0x1;
	s10 =	sld [smem:$0x3FB4];
	_ =	sdelay $0x3  }
0x34: {  	[smem:$0x3FB4] =	sst s10  }
0x35: {  	s10 =	sld [smem:$0x3FB3];
	_ =	sdelay $0x3  }
0x36: {  	p1 =	seq.s32 s10, $0x1;
	s10 =	sld [smem:$0x3FB4];
	_ =	sdelay $0x3  }
0x37: {  	[smem:$0x3FB4] =	sst s10  }
0x38: {  	s10 =	sld [smem:$0x3FB5]  }
0x39: {  	_ = 	snop;
	(pc) =	sbr.ind lr, $3  }
0x3a: {  	_ = 	snop  }
0x3b: {  	_ = 	snop  }
0x3c: {  	p2 =	seq.s32 s10, $0x1;
	s10 =	sld [smem:$0x3FB4]  }
0x3d: {  	_ =	shalt  }
0x3e: {  	_ =	shalt  }
0x3f: {  	_ =	shalt  }
0x40: {  	_ =	shalt  }
0x41: {  	_ =	shalt  }
0x42: {  	_ =	shalt  }
0x43: {  	_ =	shalt  }
0x44: {  	_ =	shalt  }
0x45: {  	_ =	shalt  }
0x46: {  	_ =	shalt  }
0x47: {  	_ =	shalt  }
0x48: {  	_ =	shalt  }
0x49: {  	_ =	shalt  }
0x4a: {  	_ =	shalt  }
0x4b: {  	_ =	shalt  }
0x4c: {  	_ =	shalt  }
0x4d: {  	_ =	shalt  }
0x4e: {  	_ =	shalt  }
0x4f: {  	_ =	shalt  }
0x50: {  	_ =	shalt  }
0x51: {  	_ =	shalt  }
0x52: {  	_ =	shalt  }
0x53: {  	_ =	shalt  }
0x54: {  	_ =	shalt  }
0x55: {  	_ =	shalt  }
0x56: {  	_ =	shalt  }
0x57: {  	_ =	shalt  }
0x58: {  	_ =	shalt  }
0x59: {  	_ =	shalt  }
0x5a: {  	_ =	shalt  }
0x5b: {  	_ =	shalt  }
0x5c: {  	_ =	shalt  }
0x5d: {  	_ =	shalt  }
0x5e: {  	_ =	shalt  }
0x5f: {  	_ =	shalt  }
0x60: {  	_ =	shalt  }
0x61: {  	_ =	shalt  }
0x62: {  	_ =	shalt  }
0x63: {  	_ =	shalt  }
0x64: {  	_ =	shalt  }
0x65: {  	_ =	shalt  }
0x66: {  	_ =	shalt  }
0x67: {  	_ =	shalt  }
0x68: {  	_ =	shalt  }
0x69: {  	_ =	shalt  }
0x6a: {  	_ =	shalt  }
0x6b: {  	_ =	shalt  }
0x6c: {  	_ =	shalt  }
0x6d: {  	_ =	shalt  }
0x6e: {  	_ =	shalt  }
0x6f: {  	_ =	shalt  }
0x70: {  	_ =	shalt  }
0x71: {  	_ =	shalt  }
0x72: {  	_ =	shalt  }
0x73: {  	_ =	shalt  }
0x74: {  	_ =	shalt  }
0x75: {  	_ =	shalt  }
0x76: {  	_ =	shalt  }
0x77: {  	_ =	shalt  }
0x78: {  	_ =	shalt  }
0x79: {  	_ =	shalt  }
0x7a: {  	_ =	shalt  }
0x7b: {  	_ =	shalt  }
0x7c: {  	_ =	shalt  }
0x7d: {  	_ =	shalt  }
0x7e: {  	_ =	shalt  }
0x7f: {  	_ =	shalt  }
0x80: {  	_ =	shalt  }
0x81: {  	_ =	shalt  }
0x82: {  	_ =	shalt  }
0x83: {  	_ =	shalt  }
0x84: {  	_ =	shalt  }
0x85: {  	_ =	shalt  }
0x86: {  	_ =	shalt  }
0x87: {  	_ =	shalt  }
.Lfunc_end0:
.L_simem_size_0:
called_computation.2_lowered:
.L_overlay_start_0:
0x88: {  	s2 =	sld [smem:$0x3FD9]  }
0x89: {  	s3 =	sld [smem:$0x3FFE];
	_ =	sdelay $0x1  }
0x8a: {  	s1 =	srdreg.scid  }
0x8b: {  	s0 =	sand.u32 $0x1, s1  }
0x8c: {  	s16 =	sshll.u32 s0, $0xA;
	s2 =	sadd.s32 s3, s2  }
0x8d: {  	s2 =	sadd.s32 s2, s16  }
0x8e: {  	[smem:$0x3FC0] =	sst s2  }
0x8f: {  	_ = 	snop  }
0x90: {  	(tm) =	ssettm $0x1  }
0x91: {  	s17 =	sld [smem:$0x3FFB];
	_ =	sdelay $0x3  }
0x92: {  	_ =	strace s17  }
0x93: {  	s2 =	sld [smem:$0x3FFC];
	_ =	sdelay $0x3  }
0x94: {  	_ =	strace s2  }
0x95: {  	s2 =	sld [smem:$0x3FFD];
	_ =	sdelay $0x3  }
0x96: {  	_ =	strace s2  }
0x97: {  	_ =	strace $0x8FFFFFFF  }
0x98: {  	s18 =	sld [smem:$0x3FDB];
	_ =	sdelay $0x1  }
0x99: {  	s19 =	simm.s32 $_scs_section_size  }
0x9a: {  	s4 =	simm.s32 $_size__tile_overlayer_lowered;
	s5 =	simm.s32 $_tile_overlayer_lowered  }
0x9b: {  	s22 =	simm.s32 $0x1BFF;
	s21 =	sshll.u32 s5, $0x1;
	s2 =	sadd.s32 s19, s18  }
0x9c: {  	s6 =	simm.s32 $0x0;
	s20 =	sshll.u32 s4, $0x1;
	s4 =	sadd.s32 s21, s2  }
0x9d: {  	[timem:s6], [sflag:s22] =	dma.local [hbm:s4], s20  }
0x9e: {  	_ =	swait.ge [sflag:s22], s20  }
0x9f: {  	s3 =	ssub.s32 $0x0, s20;
	[sflag:s22] =	ssyncset.done $0x0  }
0xa0: {  	[sflag:s22] =	ssyncadd.s32 s3;
	_ =	sdelay $0x1  }
0xa1: {  	s23 =	simm.s32 $0x1B8B  }
0xa2: {  	_ =	swait.ge [sflag:s23], $0x1  }
0xa3: {  	[sflag:s23] =	ssyncset.done $0x0  }
0xa4: {  	s25 =	simm.s32 $0x1B8E;
	s24 =	sld [smem:$0x3FFE];
	[sflag:s23] =	ssyncadd.s32 $0xFFFFFFFF  }
0xa5: {  	s26 =	simm.s32 $execute0_lowered;
	[smem:$0x3FD2] =	sst s25  }
0xa6: {  	s4 =	sshll.u32 s26, $0x1;
	_ =	strace $0x8000004C;
	[dreg:$0x1] =	wrdreg $0xFFFFFFFF  }
0xa7: {  	s28 =	simm.s32 $_size_execute0_lowered;
	s2 =	sadd.s32 s2, s4;
	[dreg:$0x0] =	wrdreg $0x0  }
0xa8: {  	s4 =	sshll.u32 s28, $0x1;
	[dreg:$0x2] =	wrdreg s2  }
0xa9: {  	[dreg:$0x3] =	wrdreg s4  }
0xaa: {  	[dreg:$0x4] =	wrdreg $0xC0  }
0xab: {  	_ =	task [dreg:s6], $0x5FFFF  }
0xac: {  	[dreg:$0x1] =	wrdreg $0xFFFFFFFF  }
0xad: {  	[dreg:$0x0] =	wrdreg $0x60  }
0xae: {  	[dreg:$0x2] =	wrdreg s24  }
0xaf: {  	[dreg:$0x3] =	wrdreg $0xA4000  }
0xb0: {  	[dreg:$0x4] =	wrdreg $0x9  }
0xb1: {  	_ =	task.clear_ibuf [dreg:s6], $0x5FFFF;
	_ =	strace $0x9000004C  }
0xb2: {  	s29 =	simm.s32 $0x9;
	_ =	strace $0x8000004E  }
0xb3: {  	_ =	swait.ge [sflag:s29], $0x1  }
0xb4: {  	[sflag:s29] =	ssyncadd.s32 $0xFFFFFFFF  }
0xb5: {  	_ =	strace $0x9000004E  }
0xb6: {  	_ =	sfence  }
0xb7: {  	s30 =	sld [smem:$0x0];
	_ =	sdelay $0x2  }
0xb8: {  	s31 =	sshll.u32 s1, $0xD;
	s1 =	sshrl.u32 s1, $0x2  }
0xb9: {  	s3 =	sand.u32 $0x4000, s31;
	s1 =	sadd.s32 s1, s30  }
0xba: {  	s0 =	sor.u32 s3, s0;
	s1 =	sshll.u32 s1, $0x11  }
0xbb: {  	s0 =	sor.u32 s1, s0  }
0xbc: {  	s0 =	sadd.s32 $0x8F2B, s0  }
0xbd: {  	[sflag:s0] =	ssyncadd.remote.s32 $0x1  }
0xbe: {  	_ =	sfence.sel $0xFFFF  }
0xbf: {  	[dreg:$0x0] =	wrdreg $0xFFFFFFFF;
	(pc) =	sbr.abs _section_cstart, $3  }
0xc0: {  	[dreg:$0x1] =	wrdreg $0xFFFFFFFF  }
0xc1: {  	_ =	task.clear_ibuf [dreg:s6], $0x2FFFF;
	_ =	strace $0x9FFFFFFF  }
0xc2: {  	(tm) =	ssettm $0x7FFFFFFF  }
0xc3: {  	_ =	shalt  }
tec
execute0_lowered:
.L_overlay_start_1:
0x0: {  	(tag) =	ssettag $0x1  }
0x1: {  	s0 =	rddreg [dreg:$0x0];
	s15 =	stileid.u32  }
0x2: {  	s1 =	srdreg.scid;
	s2 =	rddreg [dreg:$0x1]  }
0x3: {  	s3 =	simm.s32 $0x0;
	s28 =	simm.s32 $0xB;
	s29 =	simm.s32 $0x8  }
0x4: {  	s30 =	simm.s32 $0xC;
	s1 =	sand.u32 $0x1, s1;
	s4 =	sshll.u32 s15, $0x1  }
0x5: {  	[smem:$0x7FF] =	sst s3;
	s5 =	sadd.s32 $0x2E00, s0;
	s17 =	smul.u32 $0x4E20, s15  }
0x6: {  	s7 =	sadd.s32 $0xCC00, s0;
	s10 =	sadd.s32 $0x8C000, s0;
	s26 =	smul.u32 $0x13800, s15  }
0x7: {  	s4 =	sor.u32 s1, s4;
	_ =	strace $0x8000004D;
	s11 =	smul.u32 $0x2710, s1  }
0x8: {  	s6 =	ssub.s32 $0x2, s1;
	s25 =	smul.u32 $0x138800, s1;
	p3 =	sne.s32 s1, $0x0  }
0x9: {  	s4 =	smul.u32 $0x2710, s4;
	s8 =	sshrl.u32 s6, $0x1;
	p1 =	seq.s32 @p3 s15, $0xF  }
0xa: {  	p4 =	seq.s32 @!p3 s15, $0xF;
	p0 =	por !p1, !p3;
	p1 =	por p1, !p3  }
0xb: {  	p2 =	por !p4, p3;
	p3 =	por p4, p3;
	p4 =	seq.s32 s15, $0xF  }
0xc: {  	s9 =	sshrl.u32 s4, $0x3;
	s4 =	ssub.s32 s6, s8;
	s8 =	sadd.s32 s11, s17  }
0xd: {  	s11 =	sshrl.u32 s25, $0x3;
	s13 =	sadd.s32 $0xA, s9;
	s14 =	sadd.s32 s5, s9  }
0xe: {  	s18 =	sadd.s32 $0x14, s9;
	[dreg:$0xb] =	wrdreg s14;
	s16 =	sadd.s32 s5, s13  }
0xf: {  	s19 =	sadd.s32 $0x1E, s9;
	s6 =	sadd.s32 s7, s13;
	[dreg:$0xc] =	wrdreg s16  }
0x10: {  	s21 =	sadd.s32 $0x28, s9;
	s12 =	sadd.s32 s5, s18;
	[dreg:$0xd] =	wrdreg s6  }
0x11: {  	s23 =	sadd.s32 $0x320, s8;
	s20 =	sadd.s32 s5, s19;
	[dreg:$0xe] =	wrdreg s12  }
0x12: {  	s22 =	sadd.s32 s5, s21;
	s24 =	sadd.s32 s7, s21;
	[dreg:$0x10] =	wrdreg s20  }
0x13: {  	s14 =	sadd.s32 $0x2D0, s8;
	s6 =	sadd.s32 s7, s18;
	[dreg:$0x12] =	wrdreg s22  }
0x14: {  	[dreg:$0x13] =	wrdreg s24;
	s31 =	sshrl.u32 s14, $0x3;
	s16 =	sadd.s32 $0x280, s8  }
0x15: {  	s22 =	sadd.s32 s26, s25;
	[dreg:$0xf] =	wrdreg s6;
	s6 =	sadd.s32 s7, s19  }
0x16: {  	s8 =	sadd.s32 $0x230, s8;
	s14 =	sadd.s32 s31, s7;
	[dreg:$0x11] =	wrdreg s6  }
0x17: {  	s26 =	sadd.s32 $0x3C, s9;
	s17 =	sadd.s32 s31, s5;
	[dreg:$0x5] =	wrdreg s14  }
0x18: {  	s18 =	sshrl.u32 s16, $0x3;
	s31 =	sadd.s32 s5, s26;
	[dreg:$0x6] =	wrdreg s17  }
0x19: {  	s19 =	sadd.s32 $0x32, s9;
	s12 =	sadd.s32 s7, s26;
	[dreg:$0x17] =	wrdreg s31  }
0x1a: {  	s8 =	sshrl.u32 s8, $0x3;
	s20 =	sadd.s32 s18, s7;
	[dreg:$0x18] =	wrdreg s12  }
0x1b: {  	s6 =	sshrl.u32 s23, $0x3;
	s21 =	sadd.s32 s5, s19;
	[dreg:$0x7] =	wrdreg s20  }
0x1c: {  	s23 =	sadd.s32 s7, s19;
	s24 =	sadd.s32 s18, s5;
	[dreg:$0x14] =	wrdreg s21  }
0x1d: {  	s25 =	sadd.s32 s8, s7;
	s14 =	sadd.s32 s7, s9;
	[dreg:$0x15] =	wrdreg s23  }
0x1e: {  	s18 =	smul.u32 $0x4E000, s15;
	s31 =	smax.u32 s4, $0x1;
	[dreg:$0x8] =	wrdreg s24  }
0x1f: {  	s4 =	simm.s32 $0x200;
	s12 =	simm.s32 $0x2;
	[dreg:$0x9] =	wrdreg s25  }
0x20: {  	s13 =	sadd.s32 s6, s7;
	s6 =	sadd.s32 s6, s5;
	[dreg:$0x19] =	wrdreg s14  }
0x21: {  	s20 =	smul.u32 $0x2700, s15;
	s24 =	sadd.s32 $0x3DC00, s0;
	[smem:$0x7FC] =	sst s31  }
0x22: {  	s25 =	sadd.s32 $0x89700, s0;
	s14 =	simm.s32 $0x3;
	[dreg:$0x3] =	wrdreg s13  }
0x23: {  	s15 =	simm.s32 $0x180;
	[dreg:$0x4] =	wrdreg s6;
	s6 =	sshrl.u32 s22, $0x3  }
0x24: {  	s13 =	sadd.s32 $0x4CE, s9;
	s9 =	sadd.s32 $0x4D8, s9;
	s21 =	sshrl.u32 s18, $0x2  }
0x25: {  	[smem:$0x7F9] =	sst s25;
	s18 =	simm.s32 $0x5;
	s25 =	simm.s32 $0xA  }
0x26: {  	s6 =	sadd.s32 s10, s6;
	s10 =	sadd.s32 s10, s11;
	s16 =	sadd.s32 s5, s13  }
0x27: {  	s17 =	sadd.s32 s7, s9;
	s19 =	sadd.s32 s5, s9;
	[dreg:$0x16] =	wrdreg s6  }
0x28: {  	s5 =	sadd.s32 s8, s5;
	s1 =	sadd.s32 s21, s2;
	[dreg:$0x1a] =	wrdreg s16  }
0x29: {  	s22 =	sadd.s32 s20, s0;
	s23 =	sadd.s32 s24, s20;
	[dreg:$0x1c] =	wrdreg s17  }
0x2a: {  	s0 =	sadd.s32 $0x62500, s0;
	s8 =	simm.s32 $0x300;
	[dreg:$0x1d] =	wrdreg s19  }
0x2b: {  	s9 =	simm.s32 $0x1;
	s11 =	simm.s32 $0x400;
	[dreg:$0xa] =	wrdreg s5  }
0x2c: {  	s20 =	simm.s32 $0x9;
	s21 =	simm.s32 $0x7C00;
	[dreg:$0x1e] =	wrdreg s1  }
0x2d: {  	s6 =	sadd.s32 s7, s13;
	s1 =	sadd.s32 $0x64E00, s22;
	[smem:$0x7F8] =	sst s23  }
0x2e: {  	[smem:$0x7FA] =	sst s0;
	s26 =	sadd.s32 $0x24900, s10;
	s0 =	sadd.s32 $0x124800, s2  }
0x2f: {  	s5 =	simm.s32 $0x80;
	s7 =	simm.s32 $0x100;
	s10 =	simm.s32 $0x50  }
0x30: {  	s13 =	simm.s32 $0x2C00;
	s16 =	simm.s32 $0x380;
	[dreg:$0x1b] =	wrdreg s6  }
0x31: {  	s17 =	simm.s32 $0x5400;
	s19 =	simm.s32 $0x4;
	[dreg:$0x1f] =	wrdreg s1  }
0x32: {  	s22 =	simm.s32 $0x6;
	s23 =	simm.s32 $0x0;
	[smem:$0x7FB] =	sst s26  }
0x33: {  	s6 =	simm.s32 $0x280;
	s26 =	simm.s32 $0x7;
	[smem:$0x7FD] =	sst s0  }
.LBB2_1:
0x34: {  	s1 =	sld [smem:$0x7F9];
	_ =	sdelay $0x1  }
0x35: {  	[smem:$0x7F6] =	sst s23;
	s31 =	sshrl.u32 @!p0 s0, $0x3;
	s23 =	simm.s32 @!p0 $0x1FCD  }
0x36: {  	[spmem:s31], [sflag:s23] =	dma.local @!p0 [hbm:s1], $0x2800  }
0x37: {  	s1 =	simm.s32 @!p0 $0xD  }
0x38: {  	s23 =	stileid.u32;
	_ =	swait.ge @!p0 [sflag:s1], $0x2800  }
0x39: {  	s23 =	sshll.u32 @!p1 s23, $0x6;
	[sflag:s1] =	ssyncset.done @!p0 $0x0  }
0x3a: {  	[sflag:s1] =	ssyncadd.s32 @!p0 $0xFFFFD800;
	s1 =	sor.u32 @!p1 $0x1C0D, s23  }
0x3b: {  	[smem:$0x7F7] =	sst s1  }
0x3c: {  	s0 =	sld [smem:$0x7F7]  }
0x3d: {  	s31 =	rddreg [dreg:$0x1e]  }
0x3e: {  	s23 =	sshrl.u32 @!p1 s31, $0x3;
	s1 =	rddreg [dreg:$0x1f]  }
0x3f: {  	[spmem:s23], [sflag:s0] =	dma.local @!p1 [hbm:s1], $0x2700  }
0x40: {  	s1 =	simm.s32 @!p1 $0xD  }
0x41: {  	_ =	swait.ge @!p1 [sflag:s1], $0x2700  }
0x42: {  	[sflag:s1] =	ssyncset.done @!p1 $0x0;
	s0 =	sld [smem:$0x7FD]  }
0x43: {  	[sflag:s1] =	ssyncadd.s32 @!p1 $0xFFFFD900;
	s1 =	sld [smem:$0x7FA];
	_ =	sdelay $0x1  }
0x44: {  	s23 =	simm.s32 @!p2 $0x1FCD;
	s0 =	sshrl.u32 @!p2 s0, $0x3  }
0x45: {  	[spmem:s0], [sflag:s23] =	dma.local @!p2 [hbm:s1], $0x2800  }
0x46: {  	s0 =	simm.s32 @!p2 $0xD  }
0x47: {  	s1 =	stileid.u32;
	_ =	swait.ge @!p2 [sflag:s0], $0x2800  }
0x48: {  	s23 =	sshll.u32 @!p3 s1, $0x6;
	s1 =	sld [smem:$0x7F8]  }
0x49: {  	[sflag:s0] =	ssyncset.done @!p2 $0x0  }
0x4a: {  	[sflag:s0] =	ssyncadd.s32 @!p2 $0xFFFFD800;
	s0 =	sor.u32 @!p3 $0x1C0D, s23;
	s23 =	sshrl.u32 @!p3 s31, $0x3  }
0x4b: {  	[spmem:s23], [sflag:s0] =	dma.local @!p3 [hbm:s1], $0x2700  }
0x4c: {  	s0 =	simm.s32 @!p3 $0xD  }
0x4d: {  	_ =	swait.ge @!p3 [sflag:s0], $0x2700  }
0x4e: {  	[sflag:s0] =	ssyncset.done @!p3 $0x0  }
0x4f: {  	[sflag:s0] =	ssyncadd.s32 @!p3 $0xFFFFD900  }
0x50: {  	[bflag:$0x0] =	sbarrier.arrive $0xFFFF  }
0x51: {  	s1 =	rddreg [dreg:$0xb]  }
0x52: {  	[tilespmem:s3], [sflag:$0x1] =	stream.linear.gather [hbm4b:s1+s3], $0x50, $0x38;
	[tilespmem:$0x1DC80] =	vst v63  }
0x53: {  	s23 =	rddreg [dreg:$0x19]  }
0x54: {  	[tilespmem:s4], [sflag:$0x1] =	stream.linear.gather [hbm4b:s23+s3], $0x50, $0x38;
	[tilespmem:$0x1DC80] =	vst v63  }
0x55: {  	s31 =	rddreg [dreg:$0xc]  }
0x56: {  	[tilespmem:s5], [sflag:$0x2] =	stream.linear.gather [hbm4b:s31+s3], $0x50, $0x38;
	[tilespmem:$0x1DC80] =	vst v63  }
0x57: {  	s1 =	rddreg [dreg:$0xd]  }
0x58: {  	[tilespmem:s6], [sflag:$0x2] =	stream.linear.gather [hbm4b:s1+s3], $0x50, $0x38;
	[tilespmem:$0x1DC80] =	vst v63  }
0x59: {  	s23 =	rddreg [dreg:$0xe]  }
0x5a: {  	[tilespmem:s7], [sflag:$0x3] =	stream.linear.gather [hbm4b:s23+s3], $0x50, $0x38;
	[tilespmem:$0x1DC80] =	vst v63  }
0x5b: {  	s31 =	rddreg [dreg:$0xf]  }
0x5c: {  	[tilespmem:s8], [sflag:$0x3] =	stream.linear.gather [hbm4b:s31+s3], $0x50, $0x38;
	[tilespmem:$0x1DC80] =	vst v63  }
0x5d: {  	_ =	swait.ge [sflag:s9], $0x50  }
0x5e: {  	[sflag:s9] =	ssyncset.done $0x0  }
0x5f: {  	[sflag:s9] =	ssyncadd.s32 $0xFFFFFFB0  }
0x60: {  	_ =	swait.ge [sflag:s9], $0x50  }
0x61: {  	[sflag:s9] =	ssyncset.done $0x0  }
0x62: {  	[sflag:s9] =	ssyncadd.s32 $0xFFFFFFB0  }
0x63: {  	[tilespmem:s11], [sflag:$0x5] =	stream.indirect.gather [hbm4b:s24+s10], $0x80, s3, s10, $0xb8;
	[tilespmem:$0x1DC80] =	vst v63  }
0x64: {  	_ =	swait.ge [sflag:s12], $0x50  }
0x65: {  	[sflag:s12] =	ssyncset.done $0x0  }
0x66: {  	[sflag:s12] =	ssyncadd.s32 $0xFFFFFFB0  }
0x67: {  	_ =	swait.ge [sflag:s12], $0x50  }
0x68: {  	[sflag:s12] =	ssyncset.done $0x0  }
0x69: {  	[sflag:s12] =	ssyncadd.s32 $0xFFFFFFB0  }
0x6a: {  	[tilespmem:s13], [sflag:$0x6] =	stream.indirect.gather [hbm4b:s24+s10], $0x80, s5, s10, $0xb8;
	[tilespmem:$0x1DC80] =	vst v63  }
0x6b: {  	_ =	swait.ge [sflag:s14], $0x50  }
0x6c: {  	[sflag:s14] =	ssyncset.done $0x0  }
0x6d: {  	[sflag:s14] =	ssyncadd.s32 $0xFFFFFFB0  }
0x6e: {  	_ =	swait.ge [sflag:s14], $0x50  }
0x6f: {  	[sflag:s14] =	ssyncset.done $0x0  }
0x70: {  	s1 =	rddreg [dreg:$0x10];
	[sflag:s14] =	ssyncadd.s32 $0xFFFFFFB0  }
0x71: {  	[tilespmem:s15], [sflag:$0x4] =	stream.linear.gather [hbm4b:s1+s3], $0x50, $0x38;
	[tilespmem:$0x1DC80] =	vst v63  }
0x72: {  	s23 =	rddreg [dreg:$0x11]  }
0x73: {  	[tilespmem:s16], [sflag:$0x4] =	stream.linear.gather [hbm4b:s23+s3], $0x50, $0x38;
	[tilespmem:$0x1DC80] =	vst v63  }
0x74: {  	_ = 	snop  }
0x75: {  	[tilespmem:s17], [sflag:$0x7] =	stream.indirect.gather [hbm4b:s24+s10], $0x80, s7, s10, $0xb8;
	[tilespmem:$0x1DC80] =	vst v63  }
0x76: {  	_ =	swait.ge [sflag:s18], $0x2800  }
0x77: {  	[sflag:s18] =	ssyncset.done $0x0  }
0x78: {  	[sflag:s18] =	ssyncadd.s32 $0xFFFFD800  }
0x79: {  	[spmem:s2] =	stream.indirect.scatter.add.f32 [tilespmem:s11], [sflag:$0x9], $0x80, s4, s10, $0xb8;
	[tilespmem:$0x1DC80] =	vst v63  }
0x7a: {  	_ =	swait.ge [sflag:s19], $0x50  }
0x7b: {  	[sflag:s19] =	ssyncset.done $0x0  }
0x7c: {  	[sflag:s19] =	ssyncadd.s32 $0xFFFFFFB0  }
0x7d: {  	_ =	swait.ge [sflag:s19], $0x50  }
0x7e: {  	[sflag:s19] =	ssyncset.done $0x0  }
0x7f: {  	[sflag:s19] =	ssyncadd.s32 $0xFFFFFFB0  }
0x80: {  	_ =	swait.ge [sflag:s20], $0x2800  }
0x81: {  	[sflag:s20] =	ssyncset.done $0x0  }
0x82: {  	s31 =	rddreg [dreg:$0x12];
	[sflag:s20] =	ssyncadd.s32 $0xFFFFD800  }
0x83: {  	[tilespmem:s3], [sflag:$0x1] =	stream.linear.gather [hbm4b:s31+s3], $0x50, $0x38;
	[tilespmem:$0x1DC80] =	vst v63  }
0x84: {  	s1 =	rddreg [dreg:$0x13]  }
0x85: {  	[tilespmem:s4], [sflag:$0x1] =	stream.linear.gather [hbm4b:s1+s3], $0x50, $0x38;
	[tilespmem:$0x1DC80] =	vst v63  }
0x86: {  	_ = 	snop  }
0x87: {  	[tilespmem:s21], [sflag:$0x8] =	stream.indirect.gather [hbm4b:s24+s10], $0x80, s15, s10, $0xb8;
	[tilespmem:$0x1DC80] =	vst v63  }
0x88: {  	_ =	swait.ge [sflag:s22], $0x2800  }
0x89: {  	[sflag:s22] =	ssyncset.done $0x0  }
0x8a: {  	[sflag:s22] =	ssyncadd.s32 $0xFFFFD800  }
0x8b: {  	[spmem:s2] =	stream.indirect.scatter.add.f32 [tilespmem:s13], [sflag:$0xA], $0x80, s6, s10, $0xb8;
	[tilespmem:$0x1DC80] =	vst v63  }
0x8c: {  	_ =	swait.ge [sflag:s9], $0x50  }
0x8d: {  	[sflag:s9] =	ssyncset.done $0x0  }
0x8e: {  	[sflag:s9] =	ssyncadd.s32 $0xFFFFFFB0  }
0x8f: {  	_ =	swait.ge [sflag:s9], $0x50  }
0x90: {  	[sflag:s9] =	ssyncset.done $0x0  }
0x91: {  	[sflag:s9] =	ssyncadd.s32 $0xFFFFFFB0  }
0x92: {  	_ =	swait.ge [sflag:s25], $0x2800  }
0x93: {  	[sflag:s25] =	ssyncset.done $0x0  }
0x94: {  	s23 =	rddreg [dreg:$0x14];
	[sflag:s25] =	ssyncadd.s32 $0xFFFFD800  }
0x95: {  	[tilespmem:s5], [sflag:$0x2] =	stream.linear.gather [hbm4b:s23+s3], $0x50, $0x38;
	[tilespmem:$0x1DC80] =	vst v63  }
0x96: {  	s31 =	rddreg [dreg:$0x15]  }
0x97: {  	[tilespmem:s6], [sflag:$0x2] =	stream.linear.gather [hbm4b:s31+s3], $0x50, $0x38;
	[tilespmem:$0x1DC80] =	vst v63  }
0x98: {  	_ = 	snop  }
0x99: {  	[tilespmem:s11], [sflag:$0x5] =	stream.indirect.gather [hbm4b:s24+s10], $0x80, s3, s10, $0xb8;
	[tilespmem:$0x1DC80] =	vst v63  }
0x9a: {  	_ =	swait.ge [sflag:s26], $0x2800  }
0x9b: {  	[sflag:s26] =	ssyncset.done $0x0  }
0x9c: {  	[sflag:s26] =	ssyncadd.s32 $0xFFFFD800  }
0x9d: {  	[spmem:s2] =	stream.indirect.scatter.add.f32 [tilespmem:s17], [sflag:$0xB], $0x80, s8, s10, $0xb8;
	[tilespmem:$0x1DC80] =	vst v63  }
0x9e: {  	_ =	swait.ge [sflag:s12], $0x50  }
0x9f: {  	[sflag:s12] =	ssyncset.done $0x0  }
0xa0: {  	[sflag:s12] =	ssyncadd.s32 $0xFFFFFFB0  }
0xa1: {  	_ =	swait.ge [sflag:s12], $0x50  }
0xa2: {  	[sflag:s12] =	ssyncset.done $0x0  }
0xa3: {  	[sflag:s12] =	ssyncadd.s32 $0xFFFFFFB0  }
0xa4: {  	_ =	swait.ge [sflag:s28], $0x2800  }
0xa5: {  	[sflag:s28] =	ssyncset.done $0x0  }
0xa6: {  	s1 =	rddreg [dreg:$0x17];
	[sflag:s28] =	ssyncadd.s32 $0xFFFFD800  }
0xa7: {  	[tilespmem:s7], [sflag:$0x3] =	stream.linear.gather [hbm4b:s1+s3], $0x50, $0x38;
	[tilespmem:$0x1DC80] =	vst v63  }
0xa8: {  	s23 =	rddreg [dreg:$0x18]  }
0xa9: {  	[tilespmem:s8], [sflag:$0x3] =	stream.linear.gather [hbm4b:s23+s3], $0x50, $0x38;
	[tilespmem:$0x1DC80] =	vst v63  }
0xaa: {  	_ = 	snop  }
0xab: {  	[tilespmem:s13], [sflag:$0x6] =	stream.indirect.gather [hbm4b:s24+s10], $0x80, s5, s10, $0xb8;
	[tilespmem:$0x1DC80] =	vst v63  }
0xac: {  	_ =	swait.ge [sflag:s29], $0x2800  }
0xad: {  	[sflag:s29] =	ssyncset.done $0x0  }
0xae: {  	[sflag:s29] =	ssyncadd.s32 $0xFFFFD800  }
0xaf: {  	[spmem:s2] =	stream.indirect.scatter.add.f32 [tilespmem:s21], [sflag:$0xC], $0x80, s16, s10, $0xb8;
	[tilespmem:$0x1DC80] =	vst v63  }
0xb0: {  	_ =	swait.ge [sflag:s14], $0x50  }
0xb1: {  	[sflag:s14] =	ssyncset.done $0x0  }
0xb2: {  	[sflag:s14] =	ssyncadd.s32 $0xFFFFFFB0  }
0xb3: {  	_ =	swait.ge [sflag:s14], $0x50  }
0xb4: {  	[sflag:s14] =	ssyncset.done $0x0  }
0xb5: {  	[sflag:s14] =	ssyncadd.s32 $0xFFFFFFB0  }
0xb6: {  	_ =	swait.ge [sflag:s30], $0x2800  }
0xb7: {  	s31 =	rddreg [dreg:$0xa];
	[sflag:s30] =	ssyncset.done $0x0  }
0xb8: {  	s1 =	rddreg [dreg:$0x9];
	[sflag:s30] =	ssyncadd.s32 $0xFFFFD800;
	s0 =	sadd.s32 $0x0, s31  }
0xb9: {  	[tilespmem:s15], [sflag:$0x4] =	stream.linear.gather [hbm4b:s0+s3], $0x50, $0x38;
	[tilespmem:$0x1DC80] =	vst v63  }
0xba: {  	s23 =	sadd.s32 $0x0, s1  }
0xbb: {  	[tilespmem:s16], [sflag:$0x4] =	stream.linear.gather [hbm4b:s23+s3], $0x50, $0x38;
	[tilespmem:$0x1DC80] =	vst v63  }
0xbc: {  	_ = 	snop  }
0xbd: {  	[tilespmem:s17], [sflag:$0x7] =	stream.indirect.gather [hbm4b:s24+s10], $0x80, s7, s10, $0xb8;
	[tilespmem:$0x1DC80] =	vst v63  }
0xbe: {  	_ =	swait.ge [sflag:s18], $0x2800  }
0xbf: {  	[sflag:s18] =	ssyncset.done $0x0  }
0xc0: {  	[sflag:s18] =	ssyncadd.s32 $0xFFFFD800  }
0xc1: {  	[spmem:s2] =	stream.indirect.scatter.add.f32 [tilespmem:s11], [sflag:$0x9], $0x80, s4, s10, $0xb8;
	[tilespmem:$0x1DC80] =	vst v63  }
0xc2: {  	_ =	swait.ge [sflag:s19], $0x50  }
0xc3: {  	[sflag:s19] =	ssyncset.done $0x0  }
0xc4: {  	[sflag:s19] =	ssyncadd.s32 $0xFFFFFFB0  }
0xc5: {  	_ =	swait.ge [sflag:s19], $0x50  }
0xc6: {  	[sflag:s19] =	ssyncset.done $0x0  }
0xc7: {  	[sflag:s19] =	ssyncadd.s32 $0xFFFFFFB0  }
0xc8: {  	_ =	swait.ge [sflag:s20], $0x2800  }
0xc9: {  	s31 =	rddreg [dreg:$0x8];
	[sflag:s20] =	ssyncset.done $0x0  }
0xca: {  	s1 =	rddreg [dreg:$0x7];
	[sflag:s20] =	ssyncadd.s32 $0xFFFFD800;
	s0 =	sadd.s32 $0x0, s31  }
0xcb: {  	[tilespmem:s3], [sflag:$0x1] =	stream.linear.gather [hbm4b:s0+s3], $0x50, $0x38;
	[tilespmem:$0x1DC80] =	vst v63  }
0xcc: {  	s23 =	sadd.s32 $0x0, s1  }
0xcd: {  	[tilespmem:s4], [sflag:$0x1] =	stream.linear.gather [hbm4b:s23+s3], $0x50, $0x38;
	[tilespmem:$0x1DC80] =	vst v63  }
0xce: {  	_ = 	snop  }
0xcf: {  	[tilespmem:s21], [sflag:$0x8] =	stream.indirect.gather [hbm4b:s24+s10], $0x80, s15, s10, $0xb8;
	[tilespmem:$0x1DC80] =	vst v63  }
0xd0: {  	_ =	swait.ge [sflag:s22], $0x2800  }
0xd1: {  	[sflag:s22] =	ssyncset.done $0x0  }
0xd2: {  	[sflag:s22] =	ssyncadd.s32 $0xFFFFD800  }
0xd3: {  	[spmem:s2] =	stream.indirect.scatter.add.f32 [tilespmem:s13], [sflag:$0xA], $0x80, s6, s10, $0xb8;
	[tilespmem:$0x1DC80] =	vst v63  }
0xd4: {  	_ =	swait.ge [sflag:s9], $0x50  }
0xd5: {  	[sflag:s9] =	ssyncset.done $0x0  }
0xd6: {  	[sflag:s9] =	ssyncadd.s32 $0xFFFFFFB0  }
0xd7: {  	_ =	swait.ge [sflag:s9], $0x50  }
0xd8: {  	[sflag:s9] =	ssyncset.done $0x0  }
0xd9: {  	[sflag:s9] =	ssyncadd.s32 $0xFFFFFFB0  }
0xda: {  	_ =	swait.ge [sflag:s25], $0x2800  }
0xdb: {  	s31 =	rddreg [dreg:$0x6];
	[sflag:s25] =	ssyncset.done $0x0  }
0xdc: {  	s1 =	rddreg [dreg:$0x5];
	[sflag:s25] =	ssyncadd.s32 $0xFFFFD800;
	s0 =	sadd.s32 $0x0, s31  }
0xdd: {  	[tilespmem:s5], [sflag:$0x2] =	stream.linear.gather [hbm4b:s0+s3], $0x50, $0x38;
	[tilespmem:$0x1DC80] =	vst v63  }
0xde: {  	s23 =	sadd.s32 $0x0, s1  }
0xdf: {  	[tilespmem:s6], [sflag:$0x2] =	stream.linear.gather [hbm4b:s23+s3], $0x50, $0x38;
	[tilespmem:$0x1DC80] =	vst v63  }
0xe0: {  	_ = 	snop  }
0xe1: {  	[tilespmem:s11], [sflag:$0x5] =	stream.indirect.gather [hbm4b:s24+s10], $0x80, s3, s10, $0xb8;
	[tilespmem:$0x1DC80] =	vst v63  }
0xe2: {  	_ =	swait.ge [sflag:s26], $0x2800  }
0xe3: {  	[sflag:s26] =	ssyncset.done $0x0  }
0xe4: {  	[sflag:s26] =	ssyncadd.s32 $0xFFFFD800  }
0xe5: {  	[spmem:s2] =	stream.indirect.scatter.add.f32 [tilespmem:s17], [sflag:$0xB], $0x80, s8, s10, $0xb8;
	[tilespmem:$0x1DC80] =	vst v63  }
0xe6: {  	_ =	swait.ge [sflag:s12], $0x50  }
0xe7: {  	[sflag:s12] =	ssyncset.done $0x0  }
0xe8: {  	[sflag:s12] =	ssyncadd.s32 $0xFFFFFFB0  }
0xe9: {  	_ =	swait.ge [sflag:s12], $0x50  }
0xea: {  	[sflag:s12] =	ssyncset.done $0x0  }
0xeb: {  	[sflag:s12] =	ssyncadd.s32 $0xFFFFFFB0  }
0xec: {  	_ =	swait.ge [sflag:s28], $0x2800  }
0xed: {  	s31 =	rddreg [dreg:$0x4];
	[sflag:s28] =	ssyncset.done $0x0  }
0xee: {  	s1 =	rddreg [dreg:$0x3];
	[sflag:s28] =	ssyncadd.s32 $0xFFFFD800;
	s0 =	sadd.s32 $0x0, s31  }
0xef: {  	[tilespmem:s7], [sflag:$0x3] =	stream.linear.gather [hbm4b:s0+s3], $0x50, $0x38;
	[tilespmem:$0x1DC80] =	vst v63  }
0xf0: {  	s31 =	sadd.s32 $0x0, s1  }
0xf1: {  	[tilespmem:s8], [sflag:$0x3] =	stream.linear.gather [hbm4b:s31+s3], $0x50, $0x38;
	[tilespmem:$0x1DC80] =	vst v63  }
0xf2: {  	_ = 	snop  }
0xf3: {  	[tilespmem:s13], [sflag:$0x6] =	stream.indirect.gather [hbm4b:s24+s10], $0x80, s5, s10, $0xb8;
	[tilespmem:$0x1DC80] =	vst v63  }
0xf4: {  	_ =	swait.ge [sflag:s29], $0x2800  }
0xf5: {  	[sflag:s29] =	ssyncset.done $0x0  }
0xf6: {  	s0 =	simm.s32 $0x28;
	[sflag:s29] =	ssyncadd.s32 $0xFFFFD800  }
.LBB2_2:
0xf7: {  	[spmem:s2] =	stream.indirect.scatter.add.f32 [tilespmem:s21], [sflag:$0xC], $0x80, s16, s10, $0xb8;
	[tilespmem:$0x1DC80] =	vst v63  }
0xf8: {  	_ =	swait.ge [sflag:s14], $0x50  }
0xf9: {  	[sflag:s14] =	ssyncset.done $0x0  }
0xfa: {  	[sflag:s14] =	ssyncadd.s32 $0xFFFFFFB0  }
0xfb: {  	_ =	swait.ge [sflag:s14], $0x50  }
0xfc: {  	[sflag:s14] =	ssyncset.done $0x0  }
0xfd: {  	[sflag:s14] =	ssyncadd.s32 $0xFFFFFFB0  }
0xfe: {  	_ =	swait.ge [sflag:s30], $0x2800  }
0xff: {  	s23 =	smov.u32 s0;
	s1 =	rddreg [dreg:$0xa];
	[sflag:s30] =	ssyncset.done $0x0  }
0x100: {  	s31 =	rddreg [dreg:$0x9];
	[sflag:s30] =	ssyncadd.s32 $0xFFFFD800;
	s1 =	sadd.s32 s23, s1  }
0x101: {  	[tilespmem:s15], [sflag:$0x4] =	stream.linear.gather [hbm4b:s1+s3], $0x50, $0x38;
	[tilespmem:$0x1DC80] =	vst v63  }
0x102: {  	s31 =	sadd.s32 s23, s31  }
0x103: {  	[tilespmem:s16], [sflag:$0x4] =	stream.linear.gather [hbm4b:s31+s3], $0x50, $0x38;
	[tilespmem:$0x1DC80] =	vst v63  }
0x104: {  	_ = 	snop  }
0x105: {  	[tilespmem:s17], [sflag:$0x7] =	stream.indirect.gather [hbm4b:s24+s10], $0x80, s7, s10, $0xb8;
	[tilespmem:$0x1DC80] =	vst v63  }
0x106: {  	_ =	swait.ge [sflag:s18], $0x2800  }
0x107: {  	[sflag:s18] =	ssyncset.done $0x0  }
0x108: {  	[sflag:s18] =	ssyncadd.s32 $0xFFFFD800  }
0x109: {  	[spmem:s2] =	stream.indirect.scatter.add.f32 [tilespmem:s11], [sflag:$0x9], $0x80, s4, s10, $0xb8;
	[tilespmem:$0x1DC80] =	vst v63  }
0x10a: {  	_ =	swait.ge [sflag:s19], $0x50  }
0x10b: {  	[sflag:s19] =	ssyncset.done $0x0  }
0x10c: {  	[sflag:s19] =	ssyncadd.s32 $0xFFFFFFB0  }
0x10d: {  	_ =	swait.ge [sflag:s19], $0x50  }
0x10e: {  	[sflag:s19] =	ssyncset.done $0x0  }
0x10f: {  	[sflag:s19] =	ssyncadd.s32 $0xFFFFFFB0  }
0x110: {  	_ =	swait.ge [sflag:s20], $0x2800  }
0x111: {  	s1 =	rddreg [dreg:$0x8];
	[sflag:s20] =	ssyncset.done $0x0  }
0x112: {  	s31 =	rddreg [dreg:$0x7];
	[sflag:s20] =	ssyncadd.s32 $0xFFFFD800;
	s1 =	sadd.s32 s23, s1  }
0x113: {  	[tilespmem:s3], [sflag:$0x1] =	stream.linear.gather [hbm4b:s1+s3], $0x50, $0x38;
	[tilespmem:$0x1DC80] =	vst v63  }
0x114: {  	s31 =	sadd.s32 s23, s31  }
0x115: {  	[tilespmem:s4], [sflag:$0x1] =	stream.linear.gather [hbm4b:s31+s3], $0x50, $0x38;
	[tilespmem:$0x1DC80] =	vst v63  }
0x116: {  	_ = 	snop  }
0x117: {  	[tilespmem:s21], [sflag:$0x8] =	stream.indirect.gather [hbm4b:s24+s10], $0x80, s15, s10, $0xb8;
	[tilespmem:$0x1DC80] =	vst v63  }
0x118: {  	_ =	swait.ge [sflag:s22], $0x2800  }
0x119: {  	[sflag:s22] =	ssyncset.done $0x0  }
0x11a: {  	[sflag:s22] =	ssyncadd.s32 $0xFFFFD800  }
0x11b: {  	[spmem:s2] =	stream.indirect.scatter.add.f32 [tilespmem:s13], [sflag:$0xA], $0x80, s6, s10, $0xb8;
	[tilespmem:$0x1DC80] =	vst v63  }
0x11c: {  	_ =	swait.ge [sflag:s9], $0x50  }
0x11d: {  	[sflag:s9] =	ssyncset.done $0x0  }
0x11e: {  	[sflag:s9] =	ssyncadd.s32 $0xFFFFFFB0  }
0x11f: {  	_ =	swait.ge [sflag:s9], $0x50  }
0x120: {  	[sflag:s9] =	ssyncset.done $0x0  }
0x121: {  	[sflag:s9] =	ssyncadd.s32 $0xFFFFFFB0  }
0x122: {  	_ =	swait.ge [sflag:s25], $0x2800  }
0x123: {  	s1 =	rddreg [dreg:$0x6];
	[sflag:s25] =	ssyncset.done $0x0  }
0x124: {  	s31 =	rddreg [dreg:$0x5];
	[sflag:s25] =	ssyncadd.s32 $0xFFFFD800;
	s1 =	sadd.s32 s23, s1  }
0x125: {  	[tilespmem:s5], [sflag:$0x2] =	stream.linear.gather [hbm4b:s1+s3], $0x50, $0x38;
	[tilespmem:$0x1DC80] =	vst v63  }
0x126: {  	s31 =	sadd.s32 s23, s31  }
0x127: {  	[tilespmem:s6], [sflag:$0x2] =	stream.linear.gather [hbm4b:s31+s3], $0x50, $0x38;
	[tilespmem:$0x1DC80] =	vst v63  }
0x128: {  	_ = 	snop  }
0x129: {  	[tilespmem:s11], [sflag:$0x5] =	stream.indirect.gather [hbm4b:s24+s10], $0x80, s3, s10, $0xb8;
	[tilespmem:$0x1DC80] =	vst v63  }
0x12a: {  	_ =	swait.ge [sflag:s26], $0x2800  }
0x12b: {  	[sflag:s26] =	ssyncset.done $0x0  }
0x12c: {  	[sflag:s26] =	ssyncadd.s32 $0xFFFFD800  }
0x12d: {  	[spmem:s2] =	stream.indirect.scatter.add.f32 [tilespmem:s17], [sflag:$0xB], $0x80, s8, s10, $0xb8;
	[tilespmem:$0x1DC80] =	vst v63  }
0x12e: {  	_ =	swait.ge [sflag:s12], $0x50  }
0x12f: {  	[sflag:s12] =	ssyncset.done $0x0  }
0x130: {  	[sflag:s12] =	ssyncadd.s32 $0xFFFFFFB0  }
0x131: {  	_ =	swait.ge [sflag:s12], $0x50  }
0x132: {  	[sflag:s12] =	ssyncset.done $0x0  }
0x133: {  	[sflag:s12] =	ssyncadd.s32 $0xFFFFFFB0  }
0x134: {  	_ =	swait.ge [sflag:s28], $0x2800  }
0x135: {  	s1 =	rddreg [dreg:$0x4];
	[sflag:s28] =	ssyncset.done $0x0  }
0x136: {  	s31 =	rddreg [dreg:$0x3];
	[sflag:s28] =	ssyncadd.s32 $0xFFFFD800;
	s1 =	sadd.s32 s23, s1  }
0x137: {  	[tilespmem:s7], [sflag:$0x3] =	stream.linear.gather [hbm4b:s1+s3], $0x50, $0x38;
	[tilespmem:$0x1DC80] =	vst v63  }
0x138: {  	p5 =	sne.s32 s0, $0x460;
	s31 =	sadd.s32 s23, s31  }
0x139: {  	[tilespmem:s8], [sflag:$0x3] =	stream.linear.gather [hbm4b:s31+s3], $0x50, $0x38;
	[tilespmem:$0x1DC80] =	vst v63  }
.Ltmp0:
0x13a: {  	_ = 	snop;
	(pc) =	sbr.rel @p5 .LBB2_2-.Ltmp0, $4  }
0x13b: {  	[tilespmem:s13], [sflag:$0x6] =	stream.indirect.gather [hbm4b:s24+s10], $0x80, s5, s10, $0xb8;
	[tilespmem:$0x1DC80] =	vst v63  }
0x13c: {  	_ =	swait.ge [sflag:s29], $0x2800  }
0x13d: {  	[sflag:s29] =	ssyncset.done $0x0  }
0x13e: {  	s0 =	sadd.s32 $0x28, s0;
	[sflag:s29] =	ssyncadd.s32 $0xFFFFD800  }
0x13f: {  	[spmem:s2] =	stream.indirect.scatter.add.f32 [tilespmem:s21], [sflag:$0xC], $0x80, s16, s10, $0xb8;
	[tilespmem:$0x1DC80] =	vst v63  }
0x140: {  	_ =	swait.ge [sflag:s14], $0x50  }
0x141: {  	[sflag:s14] =	ssyncset.done $0x0  }
0x142: {  	[sflag:s14] =	ssyncadd.s32 $0xFFFFFFB0  }
0x143: {  	_ =	swait.ge [sflag:s14], $0x50  }
0x144: {  	[sflag:s14] =	ssyncset.done $0x0  }
0x145: {  	[sflag:s14] =	ssyncadd.s32 $0xFFFFFFB0  }
0x146: {  	_ =	swait.ge [sflag:s30], $0x2800  }
0x147: {  	[sflag:s30] =	ssyncset.done $0x0  }
0x148: {  	s0 =	rddreg [dreg:$0x1a];
	[sflag:s30] =	ssyncadd.s32 $0xFFFFD800  }
0x149: {  	[tilespmem:s15], [sflag:$0x4] =	stream.linear.gather [hbm4b:s0+s3], $0x50, $0x38;
	[tilespmem:$0x1DC80] =	vst v63  }
0x14a: {  	s1 =	rddreg [dreg:$0x1b]  }
0x14b: {  	[tilespmem:s16], [sflag:$0x4] =	stream.linear.gather [hbm4b:s1+s3], $0x50, $0x38;
	[tilespmem:$0x1DC80] =	vst v63  }
0x14c: {  	_ = 	snop  }
0x14d: {  	[tilespmem:s17], [sflag:$0x7] =	stream.indirect.gather [hbm4b:s24+s10], $0x80, s7, s10, $0xb8;
	[tilespmem:$0x1DC80] =	vst v63  }
0x14e: {  	_ =	swait.ge [sflag:s18], $0x2800  }
0x14f: {  	[sflag:s18] =	ssyncset.done $0x0  }
0x150: {  	[sflag:s18] =	ssyncadd.s32 $0xFFFFD800  }
0x151: {  	[spmem:s2] =	stream.indirect.scatter.add.f32 [tilespmem:s11], [sflag:$0x9], $0x80, s4, s10, $0xb8;
	[tilespmem:$0x1DC80] =	vst v63  }
0x152: {  	_ =	swait.ge [sflag:s19], $0x50  }
0x153: {  	[sflag:s19] =	ssyncset.done $0x0  }
0x154: {  	[sflag:s19] =	ssyncadd.s32 $0xFFFFFFB0  }
0x155: {  	_ =	swait.ge [sflag:s19], $0x50  }
0x156: {  	[sflag:s19] =	ssyncset.done $0x0  }
0x157: {  	[sflag:s19] =	ssyncadd.s32 $0xFFFFFFB0  }
0x158: {  	_ =	swait.ge [sflag:s20], $0x2800  }
0x159: {  	[sflag:s20] =	ssyncset.done $0x0  }
0x15a: {  	s23 =	rddreg [dreg:$0x1d];
	[sflag:s20] =	ssyncadd.s32 $0xFFFFD800  }
0x15b: {  	[tilespmem:s3], [sflag:$0x1] =	stream.linear.gather [hbm4b:s23+s3], $0x50, $0x38;
	[tilespmem:$0x1DC80] =	vst v63  }
0x15c: {  	s31 =	rddreg [dreg:$0x1c]  }
0x15d: {  	[tilespmem:s4], [sflag:$0x1] =	stream.linear.gather [hbm4b:s31+s3], $0x50, $0x38;
	[tilespmem:$0x1DC80] =	vst v63  }
0x15e: {  	_ = 	snop  }
0x15f: {  	[tilespmem:s21], [sflag:$0x8] =	stream.indirect.gather [hbm4b:s24+s10], $0x80, s15, s10, $0xb8;
	[tilespmem:$0x1DC80] =	vst v63  }
0x160: {  	_ =	swait.ge [sflag:s22], $0x2800  }
0x161: {  	[sflag:s22] =	ssyncset.done $0x0  }
0x162: {  	[sflag:s22] =	ssyncadd.s32 $0xFFFFD800  }
0x163: {  	[spmem:s2] =	stream.indirect.scatter.add.f32 [tilespmem:s13], [sflag:$0xA], $0x80, s6, s10, $0xb8;
	[tilespmem:$0x1DC80] =	vst v63  }
0x164: {  	_ =	swait.ge [sflag:s9], $0x50  }
0x165: {  	[sflag:s9] =	ssyncset.done $0x0  }
0x166: {  	[sflag:s9] =	ssyncadd.s32 $0xFFFFFFB0  }
0x167: {  	_ =	swait.ge [sflag:s9], $0x50  }
0x168: {  	[sflag:s9] =	ssyncset.done $0x0  }
0x169: {  	[sflag:s9] =	ssyncadd.s32 $0xFFFFFFB0  }
0x16a: {  	_ =	swait.ge [sflag:s25], $0x2800  }
0x16b: {  	[sflag:s25] =	ssyncset.done $0x0  }
0x16c: {  	[sflag:s25] =	ssyncadd.s32 $0xFFFFD800  }
0x16d: {  	[tilespmem:s11], [sflag:$0x5] =	stream.indirect.gather [hbm4b:s24+s10], $0x80, s3, s10, $0xb8;
	[tilespmem:$0x1DC80] =	vst v63  }
0x16e: {  	_ =	swait.ge [sflag:s26], $0x2800  }
0x16f: {  	[sflag:s26] =	ssyncset.done $0x0  }
0x170: {  	[sflag:s26] =	ssyncadd.s32 $0xFFFFD800  }
0x171: {  	[spmem:s2] =	stream.indirect.scatter.add.f32 [tilespmem:s17], [sflag:$0xB], $0x80, s8, s10, $0xb8;
	[tilespmem:$0x1DC80] =	vst v63  }
0x172: {  	_ =	swait.ge [sflag:s28], $0x2800  }
0x173: {  	[sflag:s28] =	ssyncset.done $0x0  }
0x174: {  	[sflag:s28] =	ssyncadd.s32 $0xFFFFD800  }
0x175: {  	_ =	swait.ge [sflag:s29], $0x2800  }
0x176: {  	[sflag:s29] =	ssyncset.done $0x0  }
0x177: {  	[sflag:s29] =	ssyncadd.s32 $0xFFFFD800  }
0x178: {  	[spmem:s2] =	stream.indirect.scatter.add.f32 [tilespmem:s21], [sflag:$0xC], $0x80, s16, s10, $0xb8;
	[tilespmem:$0x1DC80] =	vst v63  }
0x179: {  	_ =	swait.ge [sflag:s30], $0x2800  }
0x17a: {  	[sflag:s30] =	ssyncset.done $0x0  }
0x17b: {  	[sflag:s30] =	ssyncadd.s32 $0xFFFFD800  }
0x17c: {  	_ =	swait.ge [sflag:s18], $0x2800  }
0x17d: {  	[sflag:s18] =	ssyncset.done $0x0  }
0x17e: {  	[sflag:s18] =	ssyncadd.s32 $0xFFFFD800  }
0x17f: {  	[spmem:s2] =	stream.indirect.scatter.add.f32 [tilespmem:s11], [sflag:$0x9], $0x80, s4, s10, $0xb8;
	[tilespmem:$0x1DC80] =	vst v63  }
0x180: {  	_ =	swait.ge [sflag:s20], $0x2800  }
0x181: {  	[sflag:s20] =	ssyncset.done $0x0  }
0x182: {  	[sflag:s20] =	ssyncadd.s32 $0xFFFFD800  }
0x183: {  	[bflag:$0x0] =	sbarrier.arrive $0xFFFF  }
0x184: {  	s31 =	sld [smem:$0x7FD]  }
0x185: {  	s23 =	sld [smem:$0x7FB];
	_ =	sdelay $0x1  }
0x186: {  	s1 =	simm.s32 @p4 $0x1FCD;
	s0 =	sshrl.u32 @p4 s31, $0x3  }
0x187: {  	[hbm:s23], [sflag:s1] =	dma.local @p4 [spmem:s0], $0x2800  }
0x188: {  	s0 =	simm.s32 @p4 $0xD  }
0x189: {  	s1 =	stileid.u32;
	_ =	swait.ge @p4 [sflag:s0], $0x2800  }
0x18a: {  	s1 =	sshll.u32 @!p4 s1, $0x6;
	[sflag:s0] =	ssyncset.done @p4 $0x0  }
0x18b: {  	[sflag:s0] =	ssyncadd.s32 @p4 $0xFFFFD800;
	s0 =	sor.u32 @!p4 $0x1C0D, s1;
	s1 =	rddreg [dreg:$0x1e]  }
0x18c: {  	s23 =	rddreg [dreg:$0x16];
	s1 =	sshrl.u32 @!p4 s1, $0x3  }
0x18d: {  	[hbm:s23], [sflag:s0] =	dma.local @!p4 [spmem:s1], $0x2700  }
0x18e: {  	s0 =	simm.s32 @!p4 $0xD  }
0x18f: {  	_ =	swait.ge @!p4 [sflag:s0], $0x2700  }
0x190: {  	s1 =	sld [smem:$0x7F6];
	_ =	sdelay $0x2  }
0x191: {  	s23 =	sadd.s32 $0x1, s1;
	s1 =	sld [smem:$0x7FC];
	_ =	sdelay $0x2  }
0x192: {  	p5 =	sne.s32 s23, s1  }
.Ltmp1:
0x193: {  	_ = 	snop;
	(pc) =	sbr.rel @p5 .LBB2_1-.Ltmp1, $3  }
0x194: {  	_ =	sdelay $0x1  }
0x195: {  	[sflag:s0] =	ssyncset.done @!p4 $0x0  }
0x196: {  	[sflag:s0] =	ssyncadd.s32 @!p4 $0xFFFFD900;
	s0 =	smov.u32 s31  }
0x197: {  	_ =	sfence.sel $0x180000  }
0x198: {  	[bflag:$0x0] =	sbarrier.arrive $0xFFFF  }
0x199: {  	_ =	strace $0x9000004D  }
0x19a: {  	s0 =	stileid.u32;
	[bflag:$0x2] =	sbarrier.arrive $0xFFFF  }
0x19b: {  	p0 =	sne.s32 s0, $0x0;
	s0 =	rddreg [dreg:$0x2]  }
0x19c: {  	s0 =	sadd.s32 @!p0 $0x100000, s0  }
0x19d: {  	[sflag:s0] =	ssyncadd.tile.s32 @!p0 $0x1;
	_ =	shalt  }
.Lfunc_end2:
_tile_overlayer_lowered:
.L_overlay_start_2:
0x19e: {  	(tag) =	ssettag $0x2  }
0x19f: {  	s0 =	rddreg [dreg:$0x0];
	s2 =	stileid.u32  }
0x1a0: {  	s1 =	rddreg [dreg:$0x1];
	p0 =	sne.s32 s2, $0x0  }
0x1a1: {  	s3 =	rddreg [dreg:$0x2];
	[bflag:$0x3] =	sbarrier.arrive $0xFFFF;
	s2 =	simm.s32 @!p0 $0x1C0D  }
0x1a2: {  	[timem:s3], [sflag:s2] =	dma.local @!p0 [hbm:s0], s1  }
0x1a3: {  	s0 =	simm.s32 @!p0 $0xD  }
0x1a4: {  	_ =	swait.ge @!p0 [sflag:s0], s1  }
0x1a5: {  	s1 =	ssub.s32 @!p0 $0x0, s1;
	[sflag:s0] =	ssyncset.done @!p0 $0x0  }
0x1a6: {  	[sflag:s0] =	ssyncadd.s32 @!p0 s1  }
0x1a7: {  	[bflag:$0x3] =	sbarrier.arrive $0xFFFF  }
0x1a8: {  	_ =	shalt  }

// kernel: kernel.8.cloned.1.call-start
scs
__scs_entry_jumppad:
0x0: {  	(pc) =	sbr.rel $0x88, $3  }
0x1: {  	(tag) =	ssettag $0x0;
	lr =	simm.s32 $0x1  }
0x2: {  	[smem:$0x3F99] =	sst lr;
	_ =	strace $0xD0000000  }
0x3: {  	_ = 	snop  }
0x4: {  	_ = 	snop  }
0x5: {  	_ = 	snop  }
0x6: {  	_ = 	snop  }
0x7: {  	_ = 	snop  }
__scs_overlays_trampoline_lowered:
0x8: {  	[smem:$0x3FA8] =	sst s0  }
0x9: {  	[smem:$0x3FA9] =	sst s1  }
0xa: {  	[smem:$0x3FAA] =	sst s2  }
0xb: {  	[smem:$0x3FAB] =	sst s3  }
0xc: {  	[smem:$0x3FAC] =	sst s4  }
0xd: {  	[smem:$0x3FAD] =	sst s5  }
0xe: {  	[smem:$0x3FAE] =	sst s6  }
0xf: {  	[smem:$0x3FAF] =	sst s7  }
0x10: {  	[smem:$0x3FB0] =	sst s8  }
0x11: {  	[smem:$0x3FB1] =	sst s9;
	s0 =	simm.s32 @!p0 $0x0  }
0x12: {  	s1 =	sld [smem:$0x3F97];
	s0 =	simm.s32 @p0 $0x1  }
0x13: {  	[smem:$0x3FB2] =	sst s0;
	s0 =	simm.s32 @!p1 $0x0  }
0x14: {  	s2 =	sld [smem:$0x3F96];
	s0 =	simm.s32 @p1 $0x1  }
0x15: {  	[smem:$0x3FB3] =	sst s0;
	s0 =	simm.s32 @!p2 $0x0  }
0x16: {  	s3 =	sld [smem:$0x3FDB];
	s0 =	simm.s32 @p2 $0x1  }
0x17: {  	s4 =	simm.s32 $0x1BF5;
	[smem:$0x3FB5] =	sst s0  }
0x18: {  	s0 =	sld [smem:$0x3F98];
	_ =	swait.ge [sflag:s4], $0x0  }
0x19: {  	s7 =	sld [smem:$0x3F99]  }
0x1a: {  	s8 =	sadd.s32 $0xFFFFE003, lr  }
0x1b: {  	s9 =	sadd.s32 $0xFFFFFEF7, lr;
	s5 =	simm.s32 $0xFFFFFFFF;
	p2 =	slt.u32 s8, $0xFFFFF086  }
0x1c: {  	p1 =	slt.u32 s9, $0xF7A;
	s5 =	simm.s32 @!p2 $0x0  }
0x1d: {  	s5 =	simm.s32 @p1 $0x1;
	p0 =	seq.s32 s7, s2  }
0x1e: {  	s7 =	smul.u32 @!p0 $0xF7A, s2;
	p2 =	seq.s32 @!p0 s5, $0x0  }
0x1f: {  	s9 =	smul.u32 $0xF7A, s1;
	s8 =	simm.s32 @!p0 $0x1BF5;
	p2 =	por !p2, p0  }
0x20: {  	[sflag:s8] =	ssyncset.s32 @!p0 $0xFFFFF086;
	s6 =	sadd.s32 @!p0 s3, s7;
	s7 =	simm.s32 @!p0 $0x108  }
0x21: {  	s3 =	sadd.s32 s3, s9;
	s6 =	sadd.s32 @!p0 $0x88, s6;
	s7 =	simm.s32 @p2 $0x1082  }
0x22: {  	[simem:s7], [sflag:s8] =	dma.local @!p0 [hbm:s6], $0xF7A  }
0x23: {  	s9 =	sor.u32 $0xD0000000, s2;
	s6 =	simm.s32 $0x108;
	_ =	swait.ge @!p0 [sflag:s8], $0x0  }
0x24: {  	s3 =	sadd.s32 $0x88, s3;
	s6 =	simm.s32 @!p1 $0x1082;
	[sflag:s4] =	ssyncset.s32 $0xFFFFF086  }
0x25: {  	[simem:s6], [sflag:s4] =	dma.local [hbm:s3], $0xF7A  }
0x26: {  	[smem:$0x3F99] =	sst s1;
	(tag) =	ssettag s2;
	_ =	strace s9  }
0x27: {  	s1 =	sld [smem:$0x3FA9]  }
0x28: {  	s2 =	sld [smem:$0x3FAA]  }
0x29: {  	s4 =	sld [smem:$0x3FAC]  }
0x2a: {  	p0 =	seq.s32 s5, $0x0;
	s5 =	sld [smem:$0x3FAD]  }
0x2b: {  	s6 =	sld [smem:$0x3FAE]  }
0x2c: {  	s7 =	sld [smem:$0x3FAF]  }
0x2d: {  	s3 =	simm.s32 $0x108;
	s8 =	sld [smem:$0x3FB0]  }
0x2e: {  	s3 =	simm.s32 @!p0 $0x1082;
	s9 =	sld [smem:$0x3FB1]  }
0x2f: {  	lr =	sadd.s32 s0, s3;
	s0 =	sld [smem:$0x3FA8]  }
0x30: {  	s3 =	sld [smem:$0x3FAB]  }
0x31: {  	[smem:$0x3FB4] =	sst s10  }
0x32: {  	s10 =	sld [smem:$0x3FB2];
	_ =	sdelay $0x3  }
0x33: {  	p0 =	seq.s32 s10, $0x1;
	s10 =	sld [smem:$0x3FB4];
	_ =	sdelay $0x3  }
0x34: {  	[smem:$0x3FB4] =	sst s10  }
0x35: {  	s10 =	sld [smem:$0x3FB3];
	_ =	sdelay $0x3  }
0x36: {  	p1 =	seq.s32 s10, $0x1;
	s10 =	sld [smem:$0x3FB4];
	_ =	sdelay $0x3  }
0x37: {  	[smem:$0x3FB4] =	sst s10  }
0x38: {  	s10 =	sld [smem:$0x3FB5]  }
0x39: {  	_ = 	snop;
	(pc) =	sbr.ind lr, $3  }
0x3a: {  	_ = 	snop  }
0x3b: {  	_ = 	snop  }
0x3c: {  	p2 =	seq.s32 s10, $0x1;
	s10 =	sld [smem:$0x3FB4]  }
0x3d: {  	_ =	shalt  }
0x3e: {  	_ =	shalt  }
0x3f: {  	_ =	shalt  }
0x40: {  	_ =	shalt  }
0x41: {  	_ =	shalt  }
0x42: {  	_ =	shalt  }
0x43: {  	_ =	shalt  }
0x44: {  	_ =	shalt  }
0x45: {  	_ =	shalt  }
0x46: {  	_ =	shalt  }
0x47: {  	_ =	shalt  }
0x48: {  	_ =	shalt  }
0x49: {  	_ =	shalt  }
0x4a: {  	_ =	shalt  }
0x4b: {  	_ =	shalt  }
0x4c: {  	_ =	shalt  }
0x4d: {  	_ =	shalt  }
0x4e: {  	_ =	shalt  }
0x4f: {  	_ =	shalt  }
0x50: {  	_ =	shalt  }
0x51: {  	_ =	shalt  }
0x52: {  	_ =	shalt  }
0x53: {  	_ =	shalt  }
0x54: {  	_ =	shalt  }
0x55: {  	_ =	shalt  }
0x56: {  	_ =	shalt  }
0x57: {  	_ =	shalt  }
0x58: {  	_ =	shalt  }
0x59: {  	_ =	shalt  }
0x5a: {  	_ =	shalt  }
0x5b: {  	_ =	shalt  }
0x5c: {  	_ =	shalt  }
0x5d: {  	_ =	shalt  }
0x5e: {  	_ =	shalt  }
0x5f: {  	_ =	shalt  }
0x60: {  	_ =	shalt  }
0x61: {  	_ =	shalt  }
0x62: {  	_ =	shalt  }
0x63: {  	_ =	shalt  }
0x64: {  	_ =	shalt  }
0x65: {  	_ =	shalt  }
0x66: {  	_ =	shalt  }
0x67: {  	_ =	shalt  }
0x68: {  	_ =	shalt  }
0x69: {  	_ =	shalt  }
0x6a: {  	_ =	shalt  }
0x6b: {  	_ =	shalt  }
0x6c: {  	_ =	shalt  }
0x6d: {  	_ =	shalt  }
0x6e: {  	_ =	shalt  }
0x6f: {  	_ =	shalt  }
0x70: {  	_ =	shalt  }
0x71: {  	_ =	shalt  }
0x72: {  	_ =	shalt  }
0x73: {  	_ =	shalt  }
0x74: {  	_ =	shalt  }
0x75: {  	_ =	shalt  }
0x76: {  	_ =	shalt  }
0x77: {  	_ =	shalt  }
0x78: {  	_ =	shalt  }
0x79: {  	_ =	shalt  }
0x7a: {  	_ =	shalt  }
0x7b: {  	_ =	shalt  }
0x7c: {  	_ =	shalt  }
0x7d: {  	_ =	shalt  }
0x7e: {  	_ =	shalt  }
0x7f: {  	_ =	shalt  }
0x80: {  	_ =	shalt  }
0x81: {  	_ =	shalt  }
0x82: {  	_ =	shalt  }
0x83: {  	_ =	shalt  }
0x84: {  	_ =	shalt  }
0x85: {  	_ =	shalt  }
0x86: {  	_ =	shalt  }
0x87: {  	_ =	shalt  }
.Lfunc_end0:
.L_simem_size_0:
called_computation_lowered:
.L_overlay_start_0:
0x88: {  	s2 =	sld [smem:$0x3FD9]  }
0x89: {  	s3 =	sld [smem:$0x3FFE];
	_ =	sdelay $0x1  }
0x8a: {  	s1 =	srdreg.scid  }
0x8b: {  	s0 =	sand.u32 $0x1, s1  }
0x8c: {  	s16 =	sshll.u32 s0, $0xA;
	s2 =	sadd.s32 s3, s2  }
0x8d: {  	s2 =	sadd.s32 s2, s16  }
0x8e: {  	[smem:$0x3FC0] =	sst s2  }
0x8f: {  	_ = 	snop  }
0x90: {  	(tm) =	ssettm $0x1  }
0x91: {  	s17 =	sld [smem:$0x3FFB];
	_ =	sdelay $0x3  }
0x92: {  	_ =	strace s17  }
0x93: {  	s2 =	sld [smem:$0x3FFC];
	_ =	sdelay $0x3  }
0x94: {  	_ =	strace s2  }
0x95: {  	s2 =	sld [smem:$0x3FFD];
	_ =	sdelay $0x3  }
0x96: {  	_ =	strace s2  }
0x97: {  	_ =	strace $0x8FFFFFFF  }
0x98: {  	s18 =	sld [smem:$0x3FDB];
	_ =	sdelay $0x1  }
0x99: {  	s19 =	simm.s32 $_scs_section_size  }
0x9a: {  	s4 =	simm.s32 $_size__tile_overlayer_lowered;
	s5 =	simm.s32 $_tile_overlayer_lowered  }
0x9b: {  	s22 =	simm.s32 $0x1BFF;
	s21 =	sshll.u32 s5, $0x1;
	s2 =	sadd.s32 s19, s18  }
0x9c: {  	s6 =	simm.s32 $0x0;
	s20 =	sshll.u32 s4, $0x1;
	s4 =	sadd.s32 s21, s2  }
0x9d: {  	[timem:s6], [sflag:s22] =	dma.local [hbm:s4], s20  }
0x9e: {  	_ =	swait.ge [sflag:s22], s20  }
0x9f: {  	s3 =	ssub.s32 $0x0, s20;
	[sflag:s22] =	ssyncset.done $0x0  }
0xa0: {  	[sflag:s22] =	ssyncadd.s32 s3;
	_ =	sdelay $0x1  }
0xa1: {  	s23 =	simm.s32 $0x1B8B  }
0xa2: {  	_ =	swait.ge [sflag:s23], $0x1  }
0xa3: {  	[sflag:s23] =	ssyncset.done $0x0  }
0xa4: {  	s25 =	simm.s32 $0x1B8E;
	s24 =	sld [smem:$0x3FFE];
	[sflag:s23] =	ssyncadd.s32 $0xFFFFFFFF  }
0xa5: {  	s26 =	simm.s32 $execute0_lowered;
	[smem:$0x3FD2] =	sst s25  }
0xa6: {  	s4 =	sshll.u32 s26, $0x1;
	_ =	strace $0x80000046;
	[dreg:$0x1] =	wrdreg $0xFFFFFFFF  }
0xa7: {  	s28 =	simm.s32 $_size_execute0_lowered;
	s2 =	sadd.s32 s2, s4;
	[dreg:$0x0] =	wrdreg $0x0  }
0xa8: {  	s4 =	sshll.u32 s28, $0x1;
	[dreg:$0x2] =	wrdreg s2  }
0xa9: {  	[dreg:$0x3] =	wrdreg s4  }
0xaa: {  	[dreg:$0x4] =	wrdreg $0xC0  }
0xab: {  	_ =	task [dreg:s6], $0x5FFFF  }
0xac: {  	[dreg:$0x1] =	wrdreg $0xFFFFFFFF  }
0xad: {  	[dreg:$0x0] =	wrdreg $0x60  }
0xae: {  	[dreg:$0x2] =	wrdreg s24  }
0xaf: {  	[dreg:$0x3] =	wrdreg $0x6000  }
0xb0: {  	[dreg:$0x4] =	wrdreg $0x9  }
0xb1: {  	_ =	task.clear_ibuf [dreg:s6], $0x5FFFF;
	_ =	strace $0x90000046  }
0xb2: {  	s29 =	simm.s32 $0x9;
	_ =	strace $0x80000048  }
0xb3: {  	_ =	swait.ge [sflag:s29], $0x1  }
0xb4: {  	[sflag:s29] =	ssyncadd.s32 $0xFFFFFFFF  }
0xb5: {  	_ =	strace $0x90000048  }
0xb6: {  	_ =	sfence  }
0xb7: {  	s30 =	sld [smem:$0x0];
	_ =	sdelay $0x2  }
0xb8: {  	s31 =	sshll.u32 s1, $0xD;
	s1 =	sshrl.u32 s1, $0x2  }
0xb9: {  	s3 =	sand.u32 $0x4000, s31;
	s1 =	sadd.s32 s1, s30  }
0xba: {  	s0 =	sor.u32 s3, s0;
	s1 =	sshll.u32 s1, $0x11  }
0xbb: {  	s0 =	sor.u32 s1, s0  }
0xbc: {  	s0 =	sadd.s32 $0x8F2B, s0  }
0xbd: {  	[sflag:s0] =	ssyncadd.remote.s32 $0x1  }
0xbe: {  	_ =	sfence.sel $0xFFFF  }
0xbf: {  	[dreg:$0x0] =	wrdreg $0xFFFFFFFF;
	(pc) =	sbr.abs _section_cstart, $3  }
0xc0: {  	[dreg:$0x1] =	wrdreg $0xFFFFFFFF  }
0xc1: {  	_ =	task.clear_ibuf [dreg:s6], $0x2FFFF;
	_ =	strace $0x9FFFFFFF  }
0xc2: {  	(tm) =	ssettm $0x7FFFFFFF  }
0xc3: {  	_ =	shalt  }
tec
execute0_lowered:
.L_overlay_start_1:
0x0: {  	(tag) =	ssettag $0x1  }
0x1: {  	s0 =	rddreg [dreg:$0x0]  }
0x2: {  	s1 =	rddreg [dreg:$0x1];
	s3 =	simm.s32 $0x0;
	s2 =	srdreg.scid  }
0x3: {  	s10 =	stileid.u32;
	s28 =	simm.s32 $0x100;
	s29 =	simm.s32 $0x180  }
0x4: {  	s30 =	simm.s32 $0x1;
	[smem:$0x7FF] =	sst s3;
	s4 =	smul.u32 $0x500, s10  }
0x5: {  	s2 =	sand.u32 $0x1, s2;
	s5 =	sadd.s32 $0xCC00, s0;
	s9 =	smul.u32 $0xA00, s10  }
0x6: {  	s7 =	sshll.u32 s10, $0x1;
	s8 =	sadd.s32 $0x16A00, s0;
	s23 =	smul.u32 $0x4E20, s10  }
0x7: {  	_ =	strace $0x80000047;
	s6 =	sshll.u32 s2, $0x7;
	s18 =	sor.u32 s2, s7  }
0x8: {  	[dreg:$0x6] =	wrdreg s8;
	s4 =	sor.u32 s6, s4;
	s6 =	smul.u32 $0x2710, s18  }
0x9: {  	s19 =	ssub.s32 $0x2, s2;
	s2 =	smul.u32 $0x2710, s2;
	s4 =	sshrl.u32 s4, $0x3  }
0xa: {  	s4 =	sadd.s32 s4, s0;
	s0 =	sadd.s32 $0x16A0A, s0;
	s21 =	sshrl.u32 s6, $0x3  }
0xb: {  	s20 =	sshrl.u32 s19, $0x1;
	[dreg:$0x7] =	wrdreg s0;
	s6 =	sadd.s32 s5, s21  }
0xc: {  	s8 =	ssub.s32 s19, s20;
	s4 =	sadd.s32 $0x16C00, s4;
	[dreg:$0x14] =	wrdreg s6  }
0xd: {  	s0 =	sadd.s32 s2, s23;
	s23 =	smax.u32 s8, $0x1;
	[dreg:$0x12] =	wrdreg s4  }
0xe: {  	s31 =	simm.s32 $0x50;
	s25 =	sadd.s32 $0xA, s6;
	[dreg:$0x13] =	wrdreg s23  }
0xf: {  	s22 =	sshrl.u32 s9, $0x2;
	s26 =	sadd.s32 $0x14, s6;
	[dreg:$0x8] =	wrdreg s25  }
0x10: {  	s24 =	sadd.s32 s22, s1;
	s7 =	sadd.s32 $0x1E, s6;
	[dreg:$0x9] =	wrdreg s26  }
0x11: {  	s8 =	simm.s32 $0x3;
	s10 =	sadd.s32 $0x28, s6;
	[dreg:$0xa] =	wrdreg s7  }
0x12: {  	s11 =	sadd.s32 $0x32, s6;
	s12 =	sadd.s32 $0x3C, s6;
	[dreg:$0xb] =	wrdreg s10  }
0x13: {  	s13 =	sadd.s32 $0x46, s6;
	s14 =	sadd.s32 $0x50, s6;
	[dreg:$0xc] =	wrdreg s11  }
0x14: {  	s15 =	sadd.s32 $0x4B0, s0;
	s16 =	sadd.s32 $0x5A, s6;
	[dreg:$0xd] =	wrdreg s12  }
0x15: {  	s17 =	sadd.s32 $0x460, s0;
	s18 =	sadd.s32 $0x410, s0;
	[dreg:$0xe] =	wrdreg s13  }
0x16: {  	s21 =	sadd.s32 $0x4D8, s6;
	s6 =	simm.s32 $0xD;
	[dreg:$0xf] =	wrdreg s14  }
0x17: {  	[dreg:$0x10] =	wrdreg s16;
	s2 =	sshrl.u32 s15, $0x3;
	s9 =	sshrl.u32 s17, $0x3  }
0x18: {  	s20 =	sshrl.u32 s18, $0x3;
	[dreg:$0x11] =	wrdreg s21;
	s25 =	sadd.s32 $0x3C0, s0  }
0x19: {  	s26 =	sadd.s32 $0x370, s0;
	s0 =	sadd.s32 $0x320, s0;
	s10 =	simm.s32 $0x4  }
0x1a: {  	s11 =	simm.s32 $0x9;
	s12 =	simm.s32 $0x5;
	s13 =	simm.s32 $0xA  }
0x1b: {  	s14 =	simm.s32 $0x6;
	s15 =	simm.s32 $0xB;
	s16 =	simm.s32 $0xC  }
0x1c: {  	s17 =	simm.s32 $0x0;
	s7 =	simm.s32 $0x10;
	s2 =	sadd.s32 s2, s5  }
0x1d: {  	s19 =	sadd.s32 s9, s5;
	s22 =	sadd.s32 s20, s5;
	[dreg:$0x3] =	wrdreg s2  }
0x1e: {  	s4 =	sshrl.u32 s26, $0x3;
	s0 =	sshrl.u32 s0, $0x3;
	[dreg:$0x4] =	wrdreg s19  }
0x1f: {  	s26 =	simm.s32 $0x80;
	s9 =	simm.s32 $0x8;
	[dreg:$0x5] =	wrdreg s22  }
0x20: {  	s2 =	sshrl.u32 s25, $0x3;
	s21 =	sadd.s32 s4, s5;
	s22 =	sadd.s32 s0, s5  }
0x21: {  	s25 =	simm.s32 $0x300;
	s0 =	simm.s32 $0x200;
	s4 =	simm.s32 $0x280  }
0x22: {  	s20 =	sadd.s32 s2, s5;
	s2 =	simm.s32 $0x2;
	s5 =	simm.s32 $0x7  }
.LBB2_1:
0x23: {  	s18 =	rddreg [dreg:$0x7];
	s19 =	simm.s32 $0x380  }
0x24: {  	[tilespmem:s19], [sflag:$0xD] =	stream.linear.gather [hbm4b:s18+s3], $0x280, $0x38;
	[tilespmem:$0x880] =	vst v63  }
0x25: {  	_ =	swait.ge [sflag:s6], $0x280  }
0x26: {  	[sflag:s6] =	ssyncset.done $0x0  }
0x27: {  	[sflag:s6] =	ssyncadd.s32 $0xFFFFFD80  }
0x28: {  	[spmem:s24] =	stream.linear.scatter [tilespmem:s19], [sflag:$0xD], $0x280, $0x38;
	[tilespmem:$0x880] =	vst v63  }
0x29: {  	_ =	swait.ge [sflag:s6], $0x280  }
0x2a: {  	[sflag:s6] =	ssyncset.done $0x0  }
0x2b: {  	s19 =	rddreg [dreg:$0x6];
	[sflag:s6] =	ssyncadd.s32 $0xFFFFFD80  }
0x2c: {  	[tilespmem:s25], [sflag:$0xD] =	stream.linear.gather [hbm4b:s19+s3], $0x50, $0x38;
	[tilespmem:$0x880] =	vst v63  }
0x2d: {  	_ =	swait.ge [sflag:s6], $0x50  }
0x2e: {  	[sflag:s6] =	ssyncset.done $0x0  }
0x2f: {  	[sflag:s6] =	ssyncadd.s32 $0xFFFFFFB0  }
0x30: {  	[bflag:$0x0] =	sbarrier.arrive $0xFFFF  }
0x31: {  	s23 =	rddreg [dreg:$0x14]  }
0x32: {  	[tilespmem:s3], [sflag:$0x1] =	stream.linear.gather [hbm4b:s23+s3], $0x50, $0x38;
	[tilespmem:$0x880] =	vst v63  }
0x33: {  	s6 =	rddreg [dreg:$0x8]  }
0x34: {  	[tilespmem:s26], [sflag:$0x2] =	stream.linear.gather [hbm4b:s6+s3], $0x50, $0x38;
	[tilespmem:$0x880] =	vst v63  }
0x35: {  	s19 =	rddreg [dreg:$0x9]  }
0x36: {  	[tilespmem:s28], [sflag:$0x3] =	stream.linear.gather [hbm4b:s19+s3], $0x50, $0x38;
	[tilespmem:$0x880] =	vst v63  }
0x37: {  	s23 =	rddreg [dreg:$0xa]  }
0x38: {  	[tilespmem:s29], [sflag:$0x4] =	stream.linear.gather [hbm4b:s23+s3], $0x50, $0x38;
	[tilespmem:$0x880] =	vst v63  }
0x39: {  	_ =	swait.ge [sflag:s30], $0x50  }
0x3a: {  	[sflag:s30] =	ssyncset.done $0x0  }
0x3b: {  	[sflag:s30] =	ssyncadd.s32 $0xFFFFFFB0  }
0x3c: {  	[spmem:s1] =	stream.indirect.scatter.add.f32 [tilespmem:s25], [sflag:$0x7], $0x1, s3, s31, $0xb8;
	[tilespmem:$0x880] =	vst v63  }
0x3d: {  	s6 =	rddreg [dreg:$0xb]  }
0x3e: {  	[tilespmem:s0], [sflag:$0x5] =	stream.linear.gather [hbm4b:s6+s3], $0x50, $0x38;
	[tilespmem:$0x880] =	vst v63  }
0x3f: {  	_ =	swait.ge [sflag:s2], $0x50  }
0x40: {  	[sflag:s2] =	ssyncset.done $0x0  }
0x41: {  	[sflag:s2] =	ssyncadd.s32 $0xFFFFFFB0  }
0x42: {  	[spmem:s1] =	stream.indirect.scatter.add.f32 [tilespmem:s25], [sflag:$0x8], $0x1, s26, s31, $0xb8;
	[tilespmem:$0x880] =	vst v63  }
0x43: {  	s19 =	rddreg [dreg:$0xc]  }
0x44: {  	[tilespmem:s4], [sflag:$0x6] =	stream.linear.gather [hbm4b:s19+s3], $0x50, $0x38;
	[tilespmem:$0x880] =	vst v63  }
0x45: {  	_ =	swait.ge [sflag:s5], $0x50  }
0x46: {  	[sflag:s5] =	ssyncset.done $0x0  }
0x47: {  	[sflag:s5] =	ssyncadd.s32 $0xFFFFFFB0  }
0x48: {  	_ =	swait.ge [sflag:s8], $0x50  }
0x49: {  	[sflag:s8] =	ssyncset.done $0x0  }
0x4a: {  	[sflag:s8] =	ssyncadd.s32 $0xFFFFFFB0  }
0x4b: {  	[spmem:s1] =	stream.indirect.scatter.add.f32 [tilespmem:s25], [sflag:$0x9], $0x1, s28, s31, $0xb8;
	[tilespmem:$0x880] =	vst v63  }
0x4c: {  	s23 =	rddreg [dreg:$0xd]  }
0x4d: {  	[tilespmem:s3], [sflag:$0x1] =	stream.linear.gather [hbm4b:s23+s3], $0x50, $0x38;
	[tilespmem:$0x880] =	vst v63  }
0x4e: {  	_ =	swait.ge [sflag:s9], $0x50  }
0x4f: {  	[sflag:s9] =	ssyncset.done $0x0  }
0x50: {  	[sflag:s9] =	ssyncadd.s32 $0xFFFFFFB0  }
0x51: {  	_ =	swait.ge [sflag:s10], $0x50  }
0x52: {  	[sflag:s10] =	ssyncset.done $0x0  }
0x53: {  	[sflag:s10] =	ssyncadd.s32 $0xFFFFFFB0  }
0x54: {  	[spmem:s1] =	stream.indirect.scatter.add.f32 [tilespmem:s25], [sflag:$0xA], $0x1, s29, s31, $0xb8;
	[tilespmem:$0x880] =	vst v63  }
0x55: {  	s6 =	rddreg [dreg:$0xe]  }
0x56: {  	[tilespmem:s26], [sflag:$0x2] =	stream.linear.gather [hbm4b:s6+s3], $0x50, $0x38;
	[tilespmem:$0x880] =	vst v63  }
0x57: {  	_ =	swait.ge [sflag:s11], $0x50  }
0x58: {  	[sflag:s11] =	ssyncset.done $0x0  }
0x59: {  	[sflag:s11] =	ssyncadd.s32 $0xFFFFFFB0  }
0x5a: {  	_ =	swait.ge [sflag:s12], $0x50  }
0x5b: {  	[sflag:s12] =	ssyncset.done $0x0  }
0x5c: {  	[sflag:s12] =	ssyncadd.s32 $0xFFFFFFB0  }
0x5d: {  	[spmem:s1] =	stream.indirect.scatter.add.f32 [tilespmem:s25], [sflag:$0xB], $0x1, s0, s31, $0xb8;
	[tilespmem:$0x880] =	vst v63  }
0x5e: {  	s19 =	rddreg [dreg:$0xf]  }
0x5f: {  	[tilespmem:s28], [sflag:$0x3] =	stream.linear.gather [hbm4b:s19+s3], $0x50, $0x38;
	[tilespmem:$0x880] =	vst v63  }
0x60: {  	_ =	swait.ge [sflag:s13], $0x50  }
0x61: {  	[sflag:s13] =	ssyncset.done $0x0  }
0x62: {  	[sflag:s13] =	ssyncadd.s32 $0xFFFFFFB0  }
0x63: {  	_ =	swait.ge [sflag:s14], $0x50  }
0x64: {  	[sflag:s14] =	ssyncset.done $0x0  }
0x65: {  	[sflag:s14] =	ssyncadd.s32 $0xFFFFFFB0  }
0x66: {  	[spmem:s1] =	stream.indirect.scatter.add.f32 [tilespmem:s25], [sflag:$0xC], $0x1, s4, s31, $0xb8;
	[tilespmem:$0x880] =	vst v63  }
0x67: {  	s23 =	rddreg [dreg:$0x10]  }
0x68: {  	[tilespmem:s29], [sflag:$0x4] =	stream.linear.gather [hbm4b:s23+s3], $0x50, $0x38;
	[tilespmem:$0x880] =	vst v63  }
0x69: {  	_ =	swait.ge [sflag:s15], $0x50  }
0x6a: {  	[sflag:s15] =	ssyncset.done $0x0  }
0x6b: {  	[sflag:s15] =	ssyncadd.s32 $0xFFFFFFB0  }
0x6c: {  	_ =	swait.ge [sflag:s30], $0x50  }
0x6d: {  	[sflag:s30] =	ssyncset.done $0x0  }
0x6e: {  	[sflag:s30] =	ssyncadd.s32 $0xFFFFFFB0  }
0x6f: {  	[spmem:s1] =	stream.indirect.scatter.add.f32 [tilespmem:s25], [sflag:$0x7], $0x1, s3, s31, $0xb8;
	[tilespmem:$0x880] =	vst v63  }
0x70: {  	s6 =	sadd.s32 $0x0, s22  }
0x71: {  	[tilespmem:s0], [sflag:$0x5] =	stream.linear.gather [hbm4b:s6+s3], $0x50, $0x38;
	[tilespmem:$0x880] =	vst v63  }
0x72: {  	_ =	swait.ge [sflag:s16], $0x50  }
0x73: {  	[sflag:s16] =	ssyncset.done $0x0  }
0x74: {  	[sflag:s16] =	ssyncadd.s32 $0xFFFFFFB0  }
0x75: {  	_ =	swait.ge [sflag:s2], $0x50  }
0x76: {  	[sflag:s2] =	ssyncset.done $0x0  }
0x77: {  	[sflag:s2] =	ssyncadd.s32 $0xFFFFFFB0  }
0x78: {  	[spmem:s1] =	stream.indirect.scatter.add.f32 [tilespmem:s25], [sflag:$0x8], $0x1, s26, s31, $0xb8;
	[tilespmem:$0x880] =	vst v63  }
0x79: {  	s19 =	sadd.s32 $0x0, s21  }
0x7a: {  	[tilespmem:s4], [sflag:$0x6] =	stream.linear.gather [hbm4b:s19+s3], $0x50, $0x38;
	[tilespmem:$0x880] =	vst v63  }
0x7b: {  	_ =	swait.ge [sflag:s5], $0x50  }
0x7c: {  	[sflag:s5] =	ssyncset.done $0x0  }
0x7d: {  	[sflag:s5] =	ssyncadd.s32 $0xFFFFFFB0  }
0x7e: {  	_ =	swait.ge [sflag:s8], $0x50  }
0x7f: {  	[sflag:s8] =	ssyncset.done $0x0  }
0x80: {  	[sflag:s8] =	ssyncadd.s32 $0xFFFFFFB0  }
0x81: {  	[spmem:s1] =	stream.indirect.scatter.add.f32 [tilespmem:s25], [sflag:$0x9], $0x1, s28, s31, $0xb8;
	[tilespmem:$0x880] =	vst v63  }
0x82: {  	s23 =	sadd.s32 $0x0, s20  }
0x83: {  	[tilespmem:s3], [sflag:$0x1] =	stream.linear.gather [hbm4b:s23+s3], $0x50, $0x38;
	[tilespmem:$0x880] =	vst v63  }
0x84: {  	_ =	swait.ge [sflag:s9], $0x50  }
0x85: {  	[sflag:s9] =	ssyncset.done $0x0  }
0x86: {  	[sflag:s9] =	ssyncadd.s32 $0xFFFFFFB0  }
0x87: {  	_ =	swait.ge [sflag:s10], $0x50  }
0x88: {  	[sflag:s10] =	ssyncset.done $0x0  }
0x89: {  	s6 =	rddreg [dreg:$0x5];
	[sflag:s10] =	ssyncadd.s32 $0xFFFFFFB0  }
0x8a: {  	[spmem:s1] =	stream.indirect.scatter.add.f32 [tilespmem:s25], [sflag:$0xA], $0x1, s29, s31, $0xb8;
	[tilespmem:$0x880] =	vst v63  }
0x8b: {  	s18 =	sadd.s32 $0x0, s6  }
0x8c: {  	[tilespmem:s26], [sflag:$0x2] =	stream.linear.gather [hbm4b:s18+s3], $0x50, $0x38;
	[tilespmem:$0x880] =	vst v63  }
0x8d: {  	_ =	swait.ge [sflag:s11], $0x50  }
0x8e: {  	[sflag:s11] =	ssyncset.done $0x0  }
0x8f: {  	[sflag:s11] =	ssyncadd.s32 $0xFFFFFFB0  }
0x90: {  	_ =	swait.ge [sflag:s12], $0x50  }
0x91: {  	[sflag:s12] =	ssyncset.done $0x0  }
0x92: {  	s19 =	rddreg [dreg:$0x4];
	[sflag:s12] =	ssyncadd.s32 $0xFFFFFFB0  }
0x93: {  	[spmem:s1] =	stream.indirect.scatter.add.f32 [tilespmem:s25], [sflag:$0xB], $0x1, s0, s31, $0xb8;
	[tilespmem:$0x880] =	vst v63  }
0x94: {  	s18 =	sadd.s32 $0x0, s19  }
0x95: {  	[tilespmem:s28], [sflag:$0x3] =	stream.linear.gather [hbm4b:s18+s3], $0x50, $0x38;
	[tilespmem:$0x880] =	vst v63  }
0x96: {  	_ =	swait.ge [sflag:s13], $0x50  }
0x97: {  	[sflag:s13] =	ssyncset.done $0x0  }
0x98: {  	[sflag:s13] =	ssyncadd.s32 $0xFFFFFFB0  }
0x99: {  	_ =	swait.ge [sflag:s14], $0x50  }
0x9a: {  	[sflag:s14] =	ssyncset.done $0x0;
	s23 =	rddreg [dreg:$0x3]  }
0x9b: {  	s18 =	simm.s32 $0x3C;
	[sflag:s14] =	ssyncadd.s32 $0xFFFFFFB0;
	s19 =	sadd.s32 $0x0, s23  }
0x9c: {  	[spmem:s1] =	stream.indirect.scatter.add.f32 [tilespmem:s25], [sflag:$0xC], $0x1, s4, s31, $0xb8;
	[tilespmem:$0x880] =	vst v63  }
.LBB2_2:
0x9d: {  	[tilespmem:s29], [sflag:$0x4] =	stream.linear.gather [hbm4b:s19+s3], $0x50, $0x38;
	[tilespmem:$0x880] =	vst v63  }
0x9e: {  	_ =	swait.ge [sflag:s15], $0x50  }
0x9f: {  	[sflag:s15] =	ssyncset.done $0x0  }
0xa0: {  	[sflag:s15] =	ssyncadd.s32 $0xFFFFFFB0  }
0xa1: {  	_ =	swait.ge [sflag:s30], $0x50  }
0xa2: {  	[sflag:s30] =	ssyncset.done $0x0  }
0xa3: {  	s19 =	smov.u32 s18;
	[sflag:s30] =	ssyncadd.s32 $0xFFFFFFB0  }
0xa4: {  	[spmem:s1] =	stream.indirect.scatter.add.f32 [tilespmem:s25], [sflag:$0x7], $0x1, s3, s31, $0xb8;
	[tilespmem:$0x880] =	vst v63  }
0xa5: {  	s23 =	sadd.s32 s19, s22  }
0xa6: {  	[tilespmem:s0], [sflag:$0x5] =	stream.linear.gather [hbm4b:s23+s3], $0x50, $0x38;
	[tilespmem:$0x880] =	vst v63  }
0xa7: {  	_ =	swait.ge [sflag:s16], $0x50  }
0xa8: {  	[sflag:s16] =	ssyncset.done $0x0  }
0xa9: {  	[sflag:s16] =	ssyncadd.s32 $0xFFFFFFB0  }
0xaa: {  	_ =	swait.ge [sflag:s2], $0x50  }
0xab: {  	[sflag:s2] =	ssyncset.done $0x0  }
0xac: {  	[sflag:s2] =	ssyncadd.s32 $0xFFFFFFB0  }
0xad: {  	[spmem:s1] =	stream.indirect.scatter.add.f32 [tilespmem:s25], [sflag:$0x8], $0x1, s26, s31, $0xb8;
	[tilespmem:$0x880] =	vst v63  }
0xae: {  	s6 =	sadd.s32 s19, s21  }
0xaf: {  	[tilespmem:s4], [sflag:$0x6] =	stream.linear.gather [hbm4b:s6+s3], $0x50, $0x38;
	[tilespmem:$0x880] =	vst v63  }
0xb0: {  	_ =	swait.ge [sflag:s5], $0x50  }
0xb1: {  	[sflag:s5] =	ssyncset.done $0x0  }
0xb2: {  	[sflag:s5] =	ssyncadd.s32 $0xFFFFFFB0  }
0xb3: {  	_ =	swait.ge [sflag:s8], $0x50  }
0xb4: {  	[sflag:s8] =	ssyncset.done $0x0  }
0xb5: {  	[sflag:s8] =	ssyncadd.s32 $0xFFFFFFB0  }
0xb6: {  	[spmem:s1] =	stream.indirect.scatter.add.f32 [tilespmem:s25], [sflag:$0x9], $0x1, s28, s31, $0xb8;
	[tilespmem:$0x880] =	vst v63  }
0xb7: {  	s6 =	sadd.s32 s19, s20  }
0xb8: {  	[tilespmem:s3], [sflag:$0x1] =	stream.linear.gather [hbm4b:s6+s3], $0x50, $0x38;
	[tilespmem:$0x880] =	vst v63  }
0xb9: {  	_ =	swait.ge [sflag:s9], $0x50  }
0xba: {  	[sflag:s9] =	ssyncset.done $0x0  }
0xbb: {  	[sflag:s9] =	ssyncadd.s32 $0xFFFFFFB0  }
0xbc: {  	_ =	swait.ge [sflag:s10], $0x50  }
0xbd: {  	[sflag:s10] =	ssyncset.done $0x0  }
0xbe: {  	s6 =	rddreg [dreg:$0x5];
	[sflag:s10] =	ssyncadd.s32 $0xFFFFFFB0  }
0xbf: {  	[spmem:s1] =	stream.indirect.scatter.add.f32 [tilespmem:s25], [sflag:$0xA], $0x1, s29, s31, $0xb8;
	[tilespmem:$0x880] =	vst v63  }
0xc0: {  	s23 =	sadd.s32 s19, s6  }
0xc1: {  	[tilespmem:s26], [sflag:$0x2] =	stream.linear.gather [hbm4b:s23+s3], $0x50, $0x38;
	[tilespmem:$0x880] =	vst v63  }
0xc2: {  	_ =	swait.ge [sflag:s11], $0x50  }
0xc3: {  	[sflag:s11] =	ssyncset.done $0x0  }
0xc4: {  	[sflag:s11] =	ssyncadd.s32 $0xFFFFFFB0  }
0xc5: {  	_ =	swait.ge [sflag:s12], $0x50  }
0xc6: {  	[sflag:s12] =	ssyncset.done $0x0  }
0xc7: {  	s6 =	rddreg [dreg:$0x4];
	[sflag:s12] =	ssyncadd.s32 $0xFFFFFFB0  }
0xc8: {  	[spmem:s1] =	stream.indirect.scatter.add.f32 [tilespmem:s25], [sflag:$0xB], $0x1, s0, s31, $0xb8;
	[tilespmem:$0x880] =	vst v63  }
0xc9: {  	s23 =	sadd.s32 s19, s6  }
0xca: {  	[tilespmem:s28], [sflag:$0x3] =	stream.linear.gather [hbm4b:s23+s3], $0x50, $0x38;
	[tilespmem:$0x880] =	vst v63  }
0xcb: {  	_ =	swait.ge [sflag:s13], $0x50  }
0xcc: {  	p0 =	sne.s32 s18, $0x438;
	[sflag:s13] =	ssyncset.done $0x0  }
.Ltmp0:
0xcd: {  	[sflag:s13] =	ssyncadd.s32 $0xFFFFFFB0;
	(pc) =	sbr.rel @p0 .LBB2_2-.Ltmp0, $4  }
0xce: {  	_ =	swait.ge [sflag:s14], $0x50  }
0xcf: {  	[sflag:s14] =	ssyncset.done $0x0;
	s6 =	rddreg [dreg:$0x3]  }
0xd0: {  	s18 =	sadd.s32 $0x3C, s18;
	[sflag:s14] =	ssyncadd.s32 $0xFFFFFFB0;
	s19 =	sadd.s32 s19, s6  }
0xd1: {  	[spmem:s1] =	stream.indirect.scatter.add.f32 [tilespmem:s25], [sflag:$0xC], $0x1, s4, s31, $0xb8;
	[tilespmem:$0x880] =	vst v63  }
0xd2: {  	[tilespmem:s29], [sflag:$0x4] =	stream.linear.gather [hbm4b:s19+s3], $0x50, $0x38;
	[tilespmem:$0x880] =	vst v63  }
0xd3: {  	_ =	swait.ge [sflag:s15], $0x50  }
0xd4: {  	[sflag:s15] =	ssyncset.done $0x0  }
0xd5: {  	[sflag:s15] =	ssyncadd.s32 $0xFFFFFFB0  }
0xd6: {  	_ =	swait.ge [sflag:s30], $0x50  }
0xd7: {  	[sflag:s30] =	ssyncset.done $0x0  }
0xd8: {  	[sflag:s30] =	ssyncadd.s32 $0xFFFFFFB0  }
0xd9: {  	[spmem:s1] =	stream.indirect.scatter.add.f32 [tilespmem:s25], [sflag:$0x7], $0x1, s3, s31, $0xb8;
	[tilespmem:$0x880] =	vst v63  }
0xda: {  	s18 =	rddreg [dreg:$0x11]  }
0xdb: {  	[tilespmem:s0], [sflag:$0x5] =	stream.linear.gather [hbm4b:s18+s3], $0x50, $0x38;
	[tilespmem:$0x880] =	vst v63  }
0xdc: {  	_ =	swait.ge [sflag:s16], $0x50  }
0xdd: {  	[sflag:s16] =	ssyncset.done $0x0  }
0xde: {  	[sflag:s16] =	ssyncadd.s32 $0xFFFFFFB0  }
0xdf: {  	_ =	swait.ge [sflag:s2], $0x50  }
0xe0: {  	[sflag:s2] =	ssyncset.done $0x0  }
0xe1: {  	[sflag:s2] =	ssyncadd.s32 $0xFFFFFFB0  }
0xe2: {  	[spmem:s1] =	stream.indirect.scatter.add.f32 [tilespmem:s25], [sflag:$0x8], $0x1, s26, s31, $0xb8;
	[tilespmem:$0x880] =	vst v63  }
0xe3: {  	_ =	swait.ge [sflag:s5], $0x50  }
0xe4: {  	[sflag:s5] =	ssyncset.done $0x0  }
0xe5: {  	[sflag:s5] =	ssyncadd.s32 $0xFFFFFFB0  }
0xe6: {  	_ =	swait.ge [sflag:s8], $0x50  }
0xe7: {  	[sflag:s8] =	ssyncset.done $0x0  }
0xe8: {  	[sflag:s8] =	ssyncadd.s32 $0xFFFFFFB0  }
0xe9: {  	[spmem:s1] =	stream.indirect.scatter.add.f32 [tilespmem:s25], [sflag:$0x9], $0x1, s28, s31, $0xb8;
	[tilespmem:$0x880] =	vst v63  }
0xea: {  	_ =	swait.ge [sflag:s9], $0x50  }
0xeb: {  	[sflag:s9] =	ssyncset.done $0x0  }
0xec: {  	[sflag:s9] =	ssyncadd.s32 $0xFFFFFFB0  }
0xed: {  	_ =	swait.ge [sflag:s10], $0x50  }
0xee: {  	[sflag:s10] =	ssyncset.done $0x0  }
0xef: {  	[sflag:s10] =	ssyncadd.s32 $0xFFFFFFB0  }
0xf0: {  	[spmem:s1] =	stream.indirect.scatter.add.f32 [tilespmem:s25], [sflag:$0xA], $0x1, s29, s31, $0xb8;
	[tilespmem:$0x880] =	vst v63  }
0xf1: {  	_ =	swait.ge [sflag:s11], $0x50  }
0xf2: {  	[sflag:s11] =	ssyncset.done $0x0  }
0xf3: {  	[sflag:s11] =	ssyncadd.s32 $0xFFFFFFB0  }
0xf4: {  	_ =	swait.ge [sflag:s12], $0x50  }
0xf5: {  	[sflag:s12] =	ssyncset.done $0x0  }
0xf6: {  	[sflag:s12] =	ssyncadd.s32 $0xFFFFFFB0  }
0xf7: {  	[spmem:s1] =	stream.indirect.scatter.add.f32 [tilespmem:s25], [sflag:$0xB], $0x1, s0, s31, $0xb8;
	[tilespmem:$0x880] =	vst v63  }
0xf8: {  	_ =	swait.ge [sflag:s13], $0x50  }
0xf9: {  	[sflag:s13] =	ssyncset.done $0x0  }
0xfa: {  	[sflag:s13] =	ssyncadd.s32 $0xFFFFFFB0  }
0xfb: {  	_ =	swait.ge [sflag:s15], $0x50  }
0xfc: {  	[sflag:s15] =	ssyncset.done $0x0  }
0xfd: {  	s19 =	stileid.u32;
	[sflag:s15] =	ssyncadd.s32 $0xFFFFFFB0  }
0xfe: {  	s6 =	simm.s32 $0x20;
	s18 =	sshll.u32 s19, $0x6;
	[bflag:$0x0] =	sbarrier.arrive $0xFFFF  }
0xff: {  	s19 =	sshrl.u32 s24, $0x3;
	s18 =	sor.u32 $0x1C0D, s18;
	s23 =	rddreg [dreg:$0x12]  }
0x100: {  	[hbm:s23@s6], [sflag:s18] =	dma.strided [spmem:s19@s7], $0x50, s30, $0x10   }
0x101: {  	s6 =	simm.s32 $0xD  }
0x102: {  	_ =	swait.ge [sflag:s6], $0x50  }
0x103: {  	s17 =	sadd.s32 $0x1, s17;
	s23 =	rddreg [dreg:$0x13]  }
0x104: {  	p0 =	sne.s32 s17, s23  }
.Ltmp1:
0x105: {  	_ = 	snop;
	(pc) =	sbr.rel @p0 .LBB2_1-.Ltmp1, $3  }
0x106: {  	_ =	sdelay $0x1  }
0x107: {  	[sflag:s6] =	ssyncset.done $0x0  }
0x108: {  	[sflag:s6] =	ssyncadd.s32 $0xFFFFFFB0  }
0x109: {  	_ =	sfence.sel $0x180000  }
0x10a: {  	[bflag:$0x0] =	sbarrier.arrive $0xFFFF  }
0x10b: {  	_ =	strace $0x90000047  }
0x10c: {  	s0 =	stileid.u32;
	[bflag:$0x2] =	sbarrier.arrive $0xFFFF  }
0x10d: {  	p0 =	sne.s32 s0, $0x0;
	s0 =	rddreg [dreg:$0x2]  }
0x10e: {  	s0 =	sadd.s32 @!p0 $0x100000, s0  }
0x10f: {  	[sflag:s0] =	ssyncadd.tile.s32 @!p0 $0x1;
	_ =	shalt  }
.Lfunc_end2:
_tile_overlayer_lowered:
.L_overlay_start_2:
0x110: {  	(tag) =	ssettag $0x2  }
0x111: {  	s0 =	rddreg [dreg:$0x0];
	s2 =	stileid.u32  }
0x112: {  	s1 =	rddreg [dreg:$0x1];
	p0 =	sne.s32 s2, $0x0  }
0x113: {  	s3 =	rddreg [dreg:$0x2];
	[bflag:$0x3] =	sbarrier.arrive $0xFFFF;
	s2 =	simm.s32 @!p0 $0x1C0D  }
0x114: {  	[timem:s3], [sflag:s2] =	dma.local @!p0 [hbm:s0], s1  }
0x115: {  	s0 =	simm.s32 @!p0 $0xD  }
0x116: {  	_ =	swait.ge @!p0 [sflag:s0], s1  }
0x117: {  	s1 =	ssub.s32 @!p0 $0x0, s1;
	[sflag:s0] =	ssyncset.done @!p0 $0x0  }
0x118: {  	[sflag:s0] =	ssyncadd.s32 @!p0 s1  }
0x119: {  	[bflag:$0x3] =	sbarrier.arrive $0xFFFF  }
0x11a: {  	_ =	shalt  }

</sc_bundles>
